<compile_context>
chip_gen: v7x
topology: tpu7x:2x2x1
jax: 0.10.2.dev20260603
libtpu: 0.0.44.dev20260713+nightly
codegen_flags: <defaults>
</compile_context>

<pallas_src>
import functools

import jax
import jax.numpy as jnp
from jax import lax
from jax.experimental import pallas as pl
from jax.experimental.pallas import tpu as pltpu
from jax.experimental.pallas import tpu_sc as plsc

B = 4096
HIST = 50
D = 64
L = 16
NC = 2
NS = 16
NW = NC * NS
RPW = B // NW
NBUF = 8
VPR = D // L
INV = 1.0 / HIST

_mesh = plsc.VectorSubcoreMesh(core_axis_name="c", subcore_axis_name="s")


@functools.partial(
    pl.kernel,
    out_type=jax.ShapeDtypeStruct((B * D,), jnp.float32),
    mesh=_mesh,
    compiler_params=pltpu.CompilerParams(use_tc_tiling_on_sc=False),
    scratch_types=[
        pltpu.VMEM((RPW, HIST), jnp.int32),
        *[pltpu.VMEM((HIST, D), jnp.float32) for _ in range(NBUF)],
        pltpu.VMEM((RPW * D,), jnp.float32),
        *[pltpu.SemaphoreType.DMA for _ in range(NBUF)],
    ],
)
def _emb_mean(tok_hbm, table_hbm, out_hbm, idx_v, *rest):
    bufs = rest[:NBUF]
    out_v = rest[NBUF]
    sems = rest[NBUF + 1:]
    wid = lax.axis_index("s") * NC + lax.axis_index("c")

    pltpu.sync_copy(tok_hbm.at[pl.ds(wid * RPW, RPW), :], idx_v)

    for b in range(NBUF):
        pltpu.make_async_copy(
            table_hbm.at[idx_v.at[b]], bufs[b], sems[b]).start()

    @pl.loop(0, RPW, step=NBUF)
    def _(g0):
        for b in range(NBUF):
            g = g0 + b
            buf, sem = bufs[b], sems[b]
            pltpu.make_async_copy(
                table_hbm.at[idx_v.at[g]], buf, sem).wait()

            def body(j, acc, _buf=buf):
                row = _buf.at[j]
                return tuple(acc[c] + row[pl.ds(c * L, L)]
                             for c in range(VPR))

            acc = lax.fori_loop(
                0, HIST, body,
                tuple(jnp.zeros((L,), jnp.float32) for _ in range(VPR)),
                unroll=10)
            obase = g * D
            for c in range(VPR):
                out_v[pl.ds(obase + c * L, L)] = acc[c] * INV
            nxt = g + NBUF

            @pl.when(nxt < RPW)
            def _():
                pltpu.make_async_copy(
                    table_hbm.at[idx_v.at[nxt]],
                    buf, sem).start()

    pltpu.sync_copy(out_v, out_hbm.at[pl.ds(wid * RPW * D, RPW * D)])


def kernel(token_ids, embedding_matrix):
    out = _emb_mean(token_ids, embedding_matrix)
    return out.reshape(B, D)

# --- scband reference (transcript-rebuilt; emitter-appended) ---
"""Pipeline reference for scband-baseline-58110907515247 (READ-ONLY COPY).

The authoritative reference and input builder live on the scoring server;
editing this copy changes nothing except your own understanding.
"""

import jax, jax.numpy as jnp
import numpy as np

VOCAB = 100000
EMBED_DIM = 64
BATCH = 4096
HIST = 50

def setup_inputs(seed: int = 0) -> dict:
    key = jax.random.key(seed)
    k1, k2 = jax.random.split(key)
    token_ids = jax.random.randint(k1, (BATCH, HIST), 0, VOCAB, dtype=jnp.int32)
    embedding_matrix = jax.random.normal(k2, (VOCAB, EMBED_DIM), dtype=jnp.float32)
    return {"token_ids": token_ids, "embedding_matrix": embedding_matrix}

def reference(token_ids, embedding_matrix):
    # torch.squeeze(token_ids): no size-1 dims here, shape unchanged
    tok = jnp.squeeze(token_ids)
    # nn.Embedding lookup: gather rows of the frozen table
    emb = jnp.take(embedding_matrix, tok, axis=0)  # [B, L, D]
    # mean over sequence dimension (dim=1)
    return emb.mean(axis=1)  # [B, D]

if __name__ == "__main__":
    import jax
    _d = setup_inputs()
    print(jax.jit(kernel)(*tuple(_d.values())))

</pallas_src>

<mosaic_0001>
#map = affine_map<(d0, d1) -> (0, 0)>
#map1 = affine_map<(d0, d1) -> (0)>
module attributes {stable_mosaic.version = 14 : i64} {
  func.func @_emb_mean(%arg0: i32, %arg1: i32, %arg2: memref<4096x50xi32, #tpu.memory_space<hbm>>, %arg3: memref<100000x64xf32, #tpu.memory_space<hbm>>, %arg4: memref<262144xf32, #tpu.memory_space<hbm>>, %arg5: memref<128x50xi32, #tpu.memory_space<vmem>>, %arg6: memref<50x64xf32, #tpu.memory_space<vmem>>, %arg7: memref<50x64xf32, #tpu.memory_space<vmem>>, %arg8: memref<50x64xf32, #tpu.memory_space<vmem>>, %arg9: memref<50x64xf32, #tpu.memory_space<vmem>>, %arg10: memref<50x64xf32, #tpu.memory_space<vmem>>, %arg11: memref<50x64xf32, #tpu.memory_space<vmem>>, %arg12: memref<50x64xf32, #tpu.memory_space<vmem>>, %arg13: memref<50x64xf32, #tpu.memory_space<vmem>>, %arg14: memref<8192xf32, #tpu.memory_space<vmem>>, %arg15: memref<!tpu.dma_semaphore, #tpu.memory_space<semaphore_mem>>, %arg16: memref<!tpu.dma_semaphore, #tpu.memory_space<semaphore_mem>>, %arg17: memref<!tpu.dma_semaphore, #tpu.memory_space<semaphore_mem>>, %arg18: memref<!tpu.dma_semaphore, #tpu.memory_space<semaphore_mem>>, %arg19: memref<!tpu.dma_semaphore, #tpu.memory_space<semaphore_mem>>, %arg20: memref<!tpu.dma_semaphore, #tpu.memory_space<semaphore_mem>>, %arg21: memref<!tpu.dma_semaphore, #tpu.memory_space<semaphore_mem>>, %arg22: memref<!tpu.dma_semaphore, #tpu.memory_space<semaphore_mem>>) attributes {dimension_semantics = [#tpu.dimension_semantics<core_parallel>, #tpu.dimension_semantics<subcore_parallel>], iteration_bounds = array<i64: 2, 16>, scalar_prefetch = 0 : i64, scratch_operands = 18 : i64, tpu.core_type = #tpu.core_type<sc_vector_subcore>, window_params = [{transform_indices = #map}, {transform_indices = #map}, {transform_indices = #map1}]} {
    %mul3A = arith.constant 2 : i32
    %mul3A_0 = arith.muli %arg1, %mul3A : i32
    %add3A = arith.addi %mul3A_0, %arg0 : i32
    %mul3A_1 = arith.constant 128 : i32
    %mul3A_2 = arith.muli %add3A, %mul3A_1 : i32
    "tpu.region"() ({
      %run_scoped3A = tpu.sem_alloc : memref<!tpu.dma_semaphore, #tpu.memory_space<semaphore_mem>>
      %dma_start3A_66 = arith.constant 0 : i32
      %dma_start3A_67 = tpu.memref_slice %arg2[%mul3A_2, %dma_start3A_66] : memref<4096x50xi32, #tpu.memory_space<hbm>> -> memref<128x50xi32, #tpu.memory_space<hbm>>
      %dma_start3A_68 = arith.constant 0 : i32
      %dma_start3A_69 = tpu.memref_slice %arg2[%mul3A_2, %dma_start3A_68] : memref<4096x50xi32, #tpu.memory_space<hbm>> -> memref<128x50xi32, #tpu.memory_space<hbm>>
      tpu.enqueue_dma source(%dma_start3A_69 : memref<128x50xi32, #tpu.memory_space<hbm>>) target(%arg5 : memref<128x50xi32, #tpu.memory_space<vmem>>) target_semaphore(%run_scoped3A : memref<!tpu.dma_semaphore, #tpu.memory_space<semaphore_mem>>)
      %dma_wait3A = arith.constant 0 : i32
      %dma_wait3A_70 = tpu.memref_slice %arg2[%mul3A_2, %dma_wait3A] : memref<4096x50xi32, #tpu.memory_space<hbm>> -> memref<128x50xi32, #tpu.memory_space<hbm>>
      %dma_wait3A_71 = arith.constant 0 : i32
      %dma_wait3A_72 = tpu.memref_slice %arg2[%mul3A_2, %dma_wait3A_71] : memref<4096x50xi32, #tpu.memory_space<hbm>> -> memref<128x50xi32, #tpu.memory_space<hbm>>
      tpu.wait_dma2 semaphore(%run_scoped3A : memref<!tpu.dma_semaphore, #tpu.memory_space<semaphore_mem>>) src(%dma_wait3A_72 : memref<128x50xi32, #tpu.memory_space<hbm>>) dst(%arg5 : memref<128x50xi32, #tpu.memory_space<vmem>>)
      tpu.yield
    }) : () -> ()
    %dma_start3A = arith.constant 0 : i32
    %dma_start3A_3 = arith.constant 0 : i32
    %dma_start3A_4 = tpu.memref_slice %arg5[%dma_start3A, %dma_start3A_3] : memref<128x50xi32, #tpu.memory_space<vmem>> -> memref<1x50xi32, #tpu.memory_space<vmem>>
    %dma_start3A_5 = tpu.memref_squeeze %dma_start3A_4 : memref<1x50xi32, #tpu.memory_space<vmem>> -> memref<50xi32, #tpu.memory_space<vmem>>
    %dma_start3A_6 = arith.constant 0 : i32
    %dma_start3A_7 = arith.constant 0 : i32
    %dma_start3A_8 = tpu.memref_slice %arg3[%dma_start3A_6, %dma_start3A_7] : memref<100000x64xf32, #tpu.memory_space<hbm>> -> memref<100000x64xf32, #tpu.memory_space<hbm>>
    tpu.enqueue_indirect_dma source(%dma_start3A_8 : memref<100000x64xf32, #tpu.memory_space<hbm>>) target(%arg6 : memref<50x64xf32, #tpu.memory_space<vmem>>) offsets(%dma_start3A_5 : memref<50xi32, #tpu.memory_space<vmem>>) semaphore(%arg15 : memref<!tpu.dma_semaphore, #tpu.memory_space<semaphore_mem>>)
    %dma_start3A_9 = arith.constant 1 : i32
    %dma_start3A_10 = arith.constant 0 : i32
    %dma_start3A_11 = tpu.memref_slice %arg5[%dma_start3A_9, %dma_start3A_10] : memref<128x50xi32, #tpu.memory_space<vmem>> -> memref<1x50xi32, #tpu.memory_space<vmem>>
    %dma_start3A_12 = tpu.memref_squeeze %dma_start3A_11 : memref<1x50xi32, #tpu.memory_space<vmem>> -> memref<50xi32, #tpu.memory_space<vmem>>
    %dma_start3A_13 = arith.constant 0 : i32
    %dma_start3A_14 = arith.constant 0 : i32
    %dma_start3A_15 = tpu.memref_slice %arg3[%dma_start3A_13, %dma_start3A_14] : memref<100000x64xf32, #tpu.memory_space<hbm>> -> memref<100000x64xf32, #tpu.memory_space<hbm>>
    tpu.enqueue_indirect_dma source(%dma_start3A_15 : memref<100000x64xf32, #tpu.memory_space<hbm>>) target(%arg7 : memref<50x64xf32, #tpu.memory_space<vmem>>) offsets(%dma_start3A_12 : memref<50xi32, #tpu.memory_space<vmem>>) semaphore(%arg16 : memref<!tpu.dma_semaphore, #tpu.memory_space<semaphore_mem>>)
    %dma_start3A_16 = arith.constant 2 : i32
    %dma_start3A_17 = arith.constant 0 : i32
    %dma_start3A_18 = tpu.memref_slice %arg5[%dma_start3A_16, %dma_start3A_17] : memref<128x50xi32, #tpu.memory_space<vmem>> -> memref<1x50xi32, #tpu.memory_space<vmem>>
    %dma_start3A_19 = tpu.memref_squeeze %dma_start3A_18 : memref<1x50xi32, #tpu.memory_space<vmem>> -> memref<50xi32, #tpu.memory_space<vmem>>
    %dma_start3A_20 = arith.constant 0 : i32
    %dma_start3A_21 = arith.constant 0 : i32
    %dma_start3A_22 = tpu.memref_slice %arg3[%dma_start3A_20, %dma_start3A_21] : memref<100000x64xf32, #tpu.memory_space<hbm>> -> memref<100000x64xf32, #tpu.memory_space<hbm>>
    tpu.enqueue_indirect_dma source(%dma_start3A_22 : memref<100000x64xf32, #tpu.memory_space<hbm>>) target(%arg8 : memref<50x64xf32, #tpu.memory_space<vmem>>) offsets(%dma_start3A_19 : memref<50xi32, #tpu.memory_space<vmem>>) semaphore(%arg17 : memref<!tpu.dma_semaphore, #tpu.memory_space<semaphore_mem>>)
    %dma_start3A_23 = arith.constant 3 : i32
    %dma_start3A_24 = arith.constant 0 : i32
    %dma_start3A_25 = tpu.memref_slice %arg5[%dma_start3A_23, %dma_start3A_24] : memref<128x50xi32, #tpu.memory_space<vmem>> -> memref<1x50xi32, #tpu.memory_space<vmem>>
    %dma_start3A_26 = tpu.memref_squeeze %dma_start3A_25 : memref<1x50xi32, #tpu.memory_space<vmem>> -> memref<50xi32, #tpu.memory_space<vmem>>
    %dma_start3A_27 = arith.constant 0 : i32
    %dma_start3A_28 = arith.constant 0 : i32
    %dma_start3A_29 = tpu.memref_slice %arg3[%dma_start3A_27, %dma_start3A_28] : memref<100000x64xf32, #tpu.memory_space<hbm>> -> memref<100000x64xf32, #tpu.memory_space<hbm>>
    tpu.enqueue_indirect_dma source(%dma_start3A_29 : memref<100000x64xf32, #tpu.memory_space<hbm>>) target(%arg9 : memref<50x64xf32, #tpu.memory_space<vmem>>) offsets(%dma_start3A_26 : memref<50xi32, #tpu.memory_space<vmem>>) semaphore(%arg18 : memref<!tpu.dma_semaphore, #tpu.memory_space<semaphore_mem>>)
    %dma_start3A_30 = arith.constant 4 : i32
    %dma_start3A_31 = arith.constant 0 : i32
    %dma_start3A_32 = tpu.memref_slice %arg5[%dma_start3A_30, %dma_start3A_31] : memref<128x50xi32, #tpu.memory_space<vmem>> -> memref<1x50xi32, #tpu.memory_space<vmem>>
    %dma_start3A_33 = tpu.memref_squeeze %dma_start3A_32 : memref<1x50xi32, #tpu.memory_space<vmem>> -> memref<50xi32, #tpu.memory_space<vmem>>
    %dma_start3A_34 = arith.constant 0 : i32
    %dma_start3A_35 = arith.constant 0 : i32
    %dma_start3A_36 = tpu.memref_slice %arg3[%dma_start3A_34, %dma_start3A_35] : memref<100000x64xf32, #tpu.memory_space<hbm>> -> memref<100000x64xf32, #tpu.memory_space<hbm>>
    tpu.enqueue_indirect_dma source(%dma_start3A_36 : memref<100000x64xf32, #tpu.memory_space<hbm>>) target(%arg10 : memref<50x64xf32, #tpu.memory_space<vmem>>) offsets(%dma_start3A_33 : memref<50xi32, #tpu.memory_space<vmem>>) semaphore(%arg19 : memref<!tpu.dma_semaphore, #tpu.memory_space<semaphore_mem>>)
    %dma_start3A_37 = arith.constant 5 : i32
    %dma_start3A_38 = arith.constant 0 : i32
    %dma_start3A_39 = tpu.memref_slice %arg5[%dma_start3A_37, %dma_start3A_38] : memref<128x50xi32, #tpu.memory_space<vmem>> -> memref<1x50xi32, #tpu.memory_space<vmem>>
    %dma_start3A_40 = tpu.memref_squeeze %dma_start3A_39 : memref<1x50xi32, #tpu.memory_space<vmem>> -> memref<50xi32, #tpu.memory_space<vmem>>
    %dma_start3A_41 = arith.constant 0 : i32
    %dma_start3A_42 = arith.constant 0 : i32
    %dma_start3A_43 = tpu.memref_slice %arg3[%dma_start3A_41, %dma_start3A_42] : memref<100000x64xf32, #tpu.memory_space<hbm>> -> memref<100000x64xf32, #tpu.memory_space<hbm>>
    tpu.enqueue_indirect_dma source(%dma_start3A_43 : memref<100000x64xf32, #tpu.memory_space<hbm>>) target(%arg11 : memref<50x64xf32, #tpu.memory_space<vmem>>) offsets(%dma_start3A_40 : memref<50xi32, #tpu.memory_space<vmem>>) semaphore(%arg20 : memref<!tpu.dma_semaphore, #tpu.memory_space<semaphore_mem>>)
    %dma_start3A_44 = arith.constant 6 : i32
    %dma_start3A_45 = arith.constant 0 : i32
    %dma_start3A_46 = tpu.memref_slice %arg5[%dma_start3A_44, %dma_start3A_45] : memref<128x50xi32, #tpu.memory_space<vmem>> -> memref<1x50xi32, #tpu.memory_space<vmem>>
    %dma_start3A_47 = tpu.memref_squeeze %dma_start3A_46 : memref<1x50xi32, #tpu.memory_space<vmem>> -> memref<50xi32, #tpu.memory_space<vmem>>
    %dma_start3A_48 = arith.constant 0 : i32
    %dma_start3A_49 = arith.constant 0 : i32
    %dma_start3A_50 = tpu.memref_slice %arg3[%dma_start3A_48, %dma_start3A_49] : memref<100000x64xf32, #tpu.memory_space<hbm>> -> memref<100000x64xf32, #tpu.memory_space<hbm>>
    tpu.enqueue_indirect_dma source(%dma_start3A_50 : memref<100000x64xf32, #tpu.memory_space<hbm>>) target(%arg12 : memref<50x64xf32, #tpu.memory_space<vmem>>) offsets(%dma_start3A_47 : memref<50xi32, #tpu.memory_space<vmem>>) semaphore(%arg21 : memref<!tpu.dma_semaphore, #tpu.memory_space<semaphore_mem>>)
    %dma_start3A_51 = arith.constant 7 : i32
    %dma_start3A_52 = arith.constant 0 : i32
    %dma_start3A_53 = tpu.memref_slice %arg5[%dma_start3A_51, %dma_start3A_52] : memref<128x50xi32, #tpu.memory_space<vmem>> -> memref<1x50xi32, #tpu.memory_space<vmem>>
    %dma_start3A_54 = tpu.memref_squeeze %dma_start3A_53 : memref<1x50xi32, #tpu.memory_space<vmem>> -> memref<50xi32, #tpu.memory_space<vmem>>
    %dma_start3A_55 = arith.constant 0 : i32
    %dma_start3A_56 = arith.constant 0 : i32
    %dma_start3A_57 = tpu.memref_slice %arg3[%dma_start3A_55, %dma_start3A_56] : memref<100000x64xf32, #tpu.memory_space<hbm>> -> memref<100000x64xf32, #tpu.memory_space<hbm>>
    tpu.enqueue_indirect_dma source(%dma_start3A_57 : memref<100000x64xf32, #tpu.memory_space<hbm>>) target(%arg13 : memref<50x64xf32, #tpu.memory_space<vmem>>) offsets(%dma_start3A_54 : memref<50xi32, #tpu.memory_space<vmem>>) semaphore(%arg22 : memref<!tpu.dma_semaphore, #tpu.memory_space<semaphore_mem>>)
    %scan3A = arith.constant 0 : i32
    %scan3A_58 = arith.constant 16 : i32
    %scan3A_59 = arith.addi %scan3A, %scan3A_58 : i32
    %scan3A_60 = arith.constant 1 : i32
    scf.for %scan3A_66 = %scan3A to %scan3A_59 step %scan3A_60  : i32 {
      %mul3A_67 = arith.constant 8 : i32
      %mul3A_68 = arith.muli %scan3A_66, %mul3A_67 : i32
      %add3A_69 = arith.constant 0 : i32
      %add3A_70 = arith.addi %add3A_69, %mul3A_68 : i32
      %add3A_71 = arith.constant 0 : i32
      %add3A_72 = arith.addi %add3A_70, %add3A_71 : i32
      %dma_wait3A = arith.constant 0 : i32
      %dma_wait3A_73 = tpu.memref_slice %arg5[%add3A_72, %dma_wait3A] : memref<128x50xi32, #tpu.memory_space<vmem>> -> memref<1x50xi32, #tpu.memory_space<vmem>>
      %dma_wait3A_74 = tpu.memref_squeeze %dma_wait3A_73 : memref<1x50xi32, #tpu.memory_space<vmem>> -> memref<50xi32, #tpu.memory_space<vmem>>
      %dma_wait3A_75 = arith.constant 0 : i32
      %dma_wait3A_76 = arith.constant 0 : i32
      %dma_wait3A_77 = tpu.memref_slice %arg3[%dma_wait3A_75, %dma_wait3A_76] : memref<100000x64xf32, #tpu.memory_space<hbm>> -> memref<100000x64xf32, #tpu.memory_space<hbm>>
      tpu.wait_indirect_dma semaphore(%arg15 : memref<!tpu.dma_semaphore, #tpu.memory_space<semaphore_mem>>) src(%dma_wait3A_77 : memref<100000x64xf32, #tpu.memory_space<hbm>>) dst(%arg6 : memref<50x64xf32, #tpu.memory_space<vmem>>)
      %broadcast_in_dim3A = arith.constant 0.000000e+00 : f32
      %broadcast_in_dim3A_78 = vector.broadcast %broadcast_in_dim3A : f32 to vector<16xf32>
      %broadcast_in_dim3A_79 = arith.constant 0.000000e+00 : f32
      %broadcast_in_dim3A_80 = vector.broadcast %broadcast_in_dim3A_79 : f32 to vector<16xf32>
      %broadcast_in_dim3A_81 = arith.constant 0.000000e+00 : f32
      %broadcast_in_dim3A_82 = vector.broadcast %broadcast_in_dim3A_81 : f32 to vector<16xf32>
      %broadcast_in_dim3A_83 = arith.constant 0.000000e+00 : f32
      %broadcast_in_dim3A_84 = vector.broadcast %broadcast_in_dim3A_83 : f32 to vector<16xf32>
      %scan3A_85 = arith.constant 0 : i32
      %scan3A_86 = arith.constant 50 : i32
      %scan3A_87 = arith.addi %scan3A_85, %scan3A_86 : i32
      %scan3A_88 = arith.constant 10 : i32
      %scan3A_89:4 = scf.for %scan3A_601 = %scan3A_85 to %scan3A_87 step %scan3A_88 iter_args(%scan3A_602 = %broadcast_in_dim3A_78, %scan3A_603 = %broadcast_in_dim3A_80, %scan3A_604 = %broadcast_in_dim3A_82, %scan3A_605 = %broadcast_in_dim3A_84) -> (vector<16xf32>, vector<16xf32>, vector<16xf32>, vector<16xf32>)  : i32 {
        %get3A = arith.constant 0 : i32
        %get3A_606 = tpu.memref_slice %arg6[%scan3A_601, %get3A] : memref<50x64xf32, #tpu.memory_space<vmem>> -> memref<1x64xf32, #tpu.memory_space<vmem>>
        %get3A_607 = tpu.memref_squeeze %get3A_606 : memref<1x64xf32, #tpu.memory_space<vmem>> -> memref<64xf32, #tpu.memory_space<vmem>>
        %get3A_608 = arith.constant 0 : index
        %get3A_609 = tpu.vector_load %get3A_607[%get3A_608] {strides = array<i32>} : memref<64xf32, #tpu.memory_space<vmem>>, vector<16xf32>,
        %get3A_610 = vector.shape_cast %get3A_609 : vector<16xf32> to vector<16xf32>
        %add3A_611 = arith.addf %scan3A_602, %get3A_610 : vector<16xf32>
        %get3A_612 = arith.constant 0 : i32
        %get3A_613 = tpu.memref_slice %arg6[%scan3A_601, %get3A_612] : memref<50x64xf32, #tpu.memory_space<vmem>> -> memref<1x64xf32, #tpu.memory_space<vmem>>
        %get3A_614 = tpu.memref_squeeze %get3A_613 : memref<1x64xf32, #tpu.memory_space<vmem>> -> memref<64xf32, #tpu.memory_space<vmem>>
        %get3A_615 = arith.constant 16 : index
        %get3A_616 = tpu.vector_load %get3A_614[%get3A_615] {strides = array<i32>} : memref<64xf32, #tpu.memory_space<vmem>>, vector<16xf32>,
        %get3A_617 = vector.shape_cast %get3A_616 : vector<16xf32> to vector<16xf32>
        %add3A_618 = arith.addf %scan3A_603, %get3A_617 : vector<16xf32>
        %get3A_619 = arith.constant 0 : i32
        %get3A_620 = tpu.memref_slice %arg6[%scan3A_601, %get3A_619] : memref<50x64xf32, #tpu.memory_space<vmem>> -> memref<1x64xf32, #tpu.memory_space<vmem>>
        %get3A_621 = tpu.memref_squeeze %get3A_620 : memref<1x64xf32, #tpu.memory_space<vmem>> -> memref<64xf32, #tpu.memory_space<vmem>>
        %get3A_622 = arith.constant 32 : index
        %get3A_623 = tpu.vector_load %get3A_621[%get3A_622] {strides = array<i32>} : memref<64xf32, #tpu.memory_space<vmem>>, vector<16xf32>,
        %get3A_624 = vector.shape_cast %get3A_623 : vector<16xf32> to vector<16xf32>
        %add3A_625 = arith.addf %scan3A_604, %get3A_624 : vector<16xf32>
        %get3A_626 = arith.constant 0 : i32
        %get3A_627 = tpu.memref_slice %arg6[%scan3A_601, %get3A_626] : memref<50x64xf32, #tpu.memory_space<vmem>> -> memref<1x64xf32, #tpu.memory_space<vmem>>
        %get3A_628 = tpu.memref_squeeze %get3A_627 : memref<1x64xf32, #tpu.memory_space<vmem>> -> memref<64xf32, #tpu.memory_space<vmem>>
        %get3A_629 = arith.constant 48 : index
        %get3A_630 = tpu.vector_load %get3A_628[%get3A_629] {strides = array<i32>} : memref<64xf32, #tpu.memory_space<vmem>>, vector<16xf32>,
        %get3A_631 = vector.shape_cast %get3A_630 : vector<16xf32> to vector<16xf32>
        %add3A_632 = arith.addf %scan3A_605, %get3A_631 : vector<16xf32>
        %scan3A_633 = arith.constant 1 : i32
        %scan3A_634 = arith.addi %scan3A_601, %scan3A_633 : i32
        %get3A_635 = arith.constant 0 : i32
        %get3A_636 = tpu.memref_slice %arg6[%scan3A_634, %get3A_635] : memref<50x64xf32, #tpu.memory_space<vmem>> -> memref<1x64xf32, #tpu.memory_space<vmem>>
        %get3A_637 = tpu.memref_squeeze %get3A_636 : memref<1x64xf32, #tpu.memory_space<vmem>> -> memref<64xf32, #tpu.memory_space<vmem>>
        %get3A_638 = arith.constant 0 : index
        %get3A_639 = tpu.vector_load %get3A_637[%get3A_638] {strides = array<i32>} : memref<64xf32, #tpu.memory_space<vmem>>, vector<16xf32>,
        %get3A_640 = vector.shape_cast %get3A_639 : vector<16xf32> to vector<16xf32>
        %add3A_641 = arith.addf %add3A_611, %get3A_640 : vector<16xf32>
        %get3A_642 = arith.constant 0 : i32
        %get3A_643 = tpu.memref_slice %arg6[%scan3A_634, %get3A_642] : memref<50x64xf32, #tpu.memory_space<vmem>> -> memref<1x64xf32, #tpu.memory_space<vmem>>
        %get3A_644 = tpu.memref_squeeze %get3A_643 : memref<1x64xf32, #tpu.memory_space<vmem>> -> memref<64xf32, #tpu.memory_space<vmem>>
        %get3A_645 = arith.constant 16 : index
        %get3A_646 = tpu.vector_load %get3A_644[%get3A_645] {strides = array<i32>} : memref<64xf32, #tpu.memory_space<vmem>>, vector<16xf32>,
        %get3A_647 = vector.shape_cast %get3A_646 : vector<16xf32> to vector<16xf32>
        %add3A_648 = arith.addf %add3A_618, %get3A_647 : vector<16xf32>
        %get3A_649 = arith.constant 0 : i32
        %get3A_650 = tpu.memref_slice %arg6[%scan3A_634, %get3A_649] : memref<50x64xf32, #tpu.memory_space<vmem>> -> memref<1x64xf32, #tpu.memory_space<vmem>>
        %get3A_651 = tpu.memref_squeeze %get3A_650 : memref<1x64xf32, #tpu.memory_space<vmem>> -> memref<64xf32, #tpu.memory_space<vmem>>
        %get3A_652 = arith.constant 32 : index
        %get3A_653 = tpu.vector_load %get3A_651[%get3A_652] {strides = array<i32>} : memref<64xf32, #tpu.memory_space<vmem>>, vector<16xf32>,
        %get3A_654 = vector.shape_cast %get3A_653 : vector<16xf32> to vector<16xf32>
        %add3A_655 = arith.addf %add3A_625, %get3A_654 : vector<16xf32>
        %get3A_656 = arith.constant 0 : i32
        %get3A_657 = tpu.memref_slice %arg6[%scan3A_634, %get3A_656] : memref<50x64xf32, #tpu.memory_space<vmem>> -> memref<1x64xf32, #tpu.memory_space<vmem>>
        %get3A_658 = tpu.memref_squeeze %get3A_657 : memref<1x64xf32, #tpu.memory_space<vmem>> -> memref<64xf32, #tpu.memory_space<vmem>>
        %get3A_659 = arith.constant 48 : index
        %get3A_660 = tpu.vector_load %get3A_658[%get3A_659] {strides = array<i32>} : memref<64xf32, #tpu.memory_space<vmem>>, vector<16xf32>,
        %get3A_661 = vector.shape_cast %get3A_660 : vector<16xf32> to vector<16xf32>
        %add3A_662 = arith.addf %add3A_632, %get3A_661 : vector<16xf32>
        %scan3A_663 = arith.constant 2 : i32
        %scan3A_664 = arith.addi %scan3A_601, %scan3A_663 : i32
        %get3A_665 = arith.constant 0 : i32
        %get3A_666 = tpu.memref_slice %arg6[%scan3A_664, %get3A_665] : memref<50x64xf32, #tpu.memory_space<vmem>> -> memref<1x64xf32, #tpu.memory_space<vmem>>
        %get3A_667 = tpu.memref_squeeze %get3A_666 : memref<1x64xf32, #tpu.memory_space<vmem>> -> memref<64xf32, #tpu.memory_space<vmem>>
        %get3A_668 = arith.constant 0 : index
        %get3A_669 = tpu.vector_load %get3A_667[%get3A_668] {strides = array<i32>} : memref<64xf32, #tpu.memory_space<vmem>>, vector<16xf32>,
        %get3A_670 = vector.shape_cast %get3A_669 : vector<16xf32> to vector<16xf32>
        %add3A_671 = arith.addf %add3A_641, %get3A_670 : vector<16xf32>
        %get3A_672 = arith.constant 0 : i32
        %get3A_673 = tpu.memref_slice %arg6[%scan3A_664, %get3A_672] : memref<50x64xf32, #tpu.memory_space<vmem>> -> memref<1x64xf32, #tpu.memory_space<vmem>>
        %get3A_674 = tpu.memref_squeeze %get3A_673 : memref<1x64xf32, #tpu.memory_space<vmem>> -> memref<64xf32, #tpu.memory_space<vmem>>
        %get3A_675 = arith.constant 16 : index
        %get3A_676 = tpu.vector_load %get3A_674[%get3A_675] {strides = array<i32>} : memref<64xf32, #tpu.memory_space<vmem>>, vector<16xf32>,
        %get3A_677 = vector.shape_cast %get3A_676 : vector<16xf32> to vector<16xf32>
        %add3A_678 = arith.addf %add3A_648, %get3A_677 : vector<16xf32>
        %get3A_679 = arith.constant 0 : i32
        %get3A_680 = tpu.memref_slice %arg6[%scan3A_664, %get3A_679] : memref<50x64xf32, #tpu.memory_space<vmem>> -> memref<1x64xf32, #tpu.memory_space<vmem>>
        %get3A_681 = tpu.memref_squeeze %get3A_680 : memref<1x64xf32, #tpu.memory_space<vmem>> -> memref<64xf32, #tpu.memory_space<vmem>>
        %get3A_682 = arith.constant 32 : index
        %get3A_683 = tpu.vector_load %get3A_681[%get3A_682] {strides = array<i32>} : memref<64xf32, #tpu.memory_space<vmem>>, vector<16xf32>,
        %get3A_684 = vector.shape_cast %get3A_683 : vector<16xf32> to vector<16xf32>
        %add3A_685 = arith.addf %add3A_655, %get3A_684 : vector<16xf32>
        %get3A_686 = arith.constant 0 : i32
        %get3A_687 = tpu.memref_slice %arg6[%scan3A_664, %get3A_686] : memref<50x64xf32, #tpu.memory_space<vmem>> -> memref<1x64xf32, #tpu.memory_space<vmem>>
        %get3A_688 = tpu.memref_squeeze %get3A_687 : memref<1x64xf32, #tpu.memory_space<vmem>> -> memref<64xf32, #tpu.memory_space<vmem>>
        %get3A_689 = arith.constant 48 : index
        %get3A_690 = tpu.vector_load %get3A_688[%get3A_689] {strides = array<i32>} : memref<64xf32, #tpu.memory_space<vmem>>, vector<16xf32>,
        %get3A_691 = vector.shape_cast %get3A_690 : vector<16xf32> to vector<16xf32>
        %add3A_692 = arith.addf %add3A_662, %get3A_691 : vector<16xf32>
        %scan3A_693 = arith.constant 3 : i32
        %scan3A_694 = arith.addi %scan3A_601, %scan3A_693 : i32
        %get3A_695 = arith.constant 0 : i32
        %get3A_696 = tpu.memref_slice %arg6[%scan3A_694, %get3A_695] : memref<50x64xf32, #tpu.memory_space<vmem>> -> memref<1x64xf32, #tpu.memory_space<vmem>>
        %get3A_697 = tpu.memref_squeeze %get3A_696 : memref<1x64xf32, #tpu.memory_space<vmem>> -> memref<64xf32, #tpu.memory_space<vmem>>
        %get3A_698 = arith.constant 0 : index
        %get3A_699 = tpu.vector_load %get3A_697[%get3A_698] {strides = array<i32>} : memref<64xf32, #tpu.memory_space<vmem>>, vector<16xf32>,
        %get3A_700 = vector.shape_cast %get3A_699 : vector<16xf32> to vector<16xf32>
        %add3A_701 = arith.addf %add3A_671, %get3A_700 : vector<16xf32>
        %get3A_702 = arith.constant 0 : i32
        %get3A_703 = tpu.memref_slice %arg6[%scan3A_694, %get3A_702] : memref<50x64xf32, #tpu.memory_space<vmem>> -> memref<1x64xf32, #tpu.memory_space<vmem>>
        %get3A_704 = tpu.memref_squeeze %get3A_703 : memref<1x64xf32, #tpu.memory_space<vmem>> -> memref<64xf32, #tpu.memory_space<vmem>>
        %get3A_705 = arith.constant 16 : index
        %get3A_706 = tpu.vector_load %get3A_704[%get3A_705] {strides = array<i32>} : memref<64xf32, #tpu.memory_space<vmem>>, vector<16xf32>,
        %get3A_707 = vector.shape_cast %get3A_706 : vector<16xf32> to vector<16xf32>
        %add3A_708 = arith.addf %add3A_678, %get3A_707 : vector<16xf32>
        %get3A_709 = arith.constant 0 : i32
        %get3A_710 = tpu.memref_slice %arg6[%scan3A_694, %get3A_709] : memref<50x64xf32, #tpu.memory_space<vmem>> -> memref<1x64xf32, #tpu.memory_space<vmem>>
        %get3A_711 = tpu.memref_squeeze %get3A_710 : memref<1x64xf32, #tpu.memory_space<vmem>> -> memref<64xf32, #tpu.memory_space<vmem>>
        %get3A_712 = arith.constant 32 : index
        %get3A_713 = tpu.vector_load %get3A_711[%get3A_712] {strides = array<i32>} : memref<64xf32, #tpu.memory_space<vmem>>, vector<16xf32>,
        %get3A_714 = vector.shape_cast %get3A_713 : vector<16xf32> to vector<16xf32>
        %add3A_715 = arith.addf %add3A_685, %get3A_714 : vector<16xf32>
        %get3A_716 = arith.constant 0 : i32
        %get3A_717 = tpu.memref_slice %arg6[%scan3A_694, %get3A_716] : memref<50x64xf32, #tpu.memory_space<vmem>> -> memref<1x64xf32, #tpu.memory_space<vmem>>
        %get3A_718 = tpu.memref_squeeze %get3A_717 : memref<1x64xf32, #tpu.memory_space<vmem>> -> memref<64xf32, #tpu.memory_space<vmem>>
        %get3A_719 = arith.constant 48 : index
        %get3A_720 = tpu.vector_load %get3A_718[%get3A_719] {strides = array<i32>} : memref<64xf32, #tpu.memory_space<vmem>>, vector<16xf32>,
        %get3A_721 = vector.shape_cast %get3A_720 : vector<16xf32> to vector<16xf32>
        %add3A_722 = arith.addf %add3A_692, %get3A_721 : vector<16xf32>
        %scan3A_723 = arith.constant 4 : i32
        %scan3A_724 = arith.addi %scan3A_601, %scan3A_723 : i32
        %get3A_725 = arith.constant 0 : i32
        %get3A_726 = tpu.memref_slice %arg6[%scan3A_724, %get3A_725] : memref<50x64xf32, #tpu.memory_space<vmem>> -> memref<1x64xf32, #tpu.memory_space<vmem>>
        %get3A_727 = tpu.memref_squeeze %get3A_726 : memref<1x64xf32, #tpu.memory_space<vmem>> -> memref<64xf32, #tpu.memory_space<vmem>>
        %get3A_728 = arith.constant 0 : index
        %get3A_729 = tpu.vector_load %get3A_727[%get3A_728] {strides = array<i32>} : memref<64xf32, #tpu.memory_space<vmem>>, vector<16xf32>,
        %get3A_730 = vector.shape_cast %get3A_729 : vector<16xf32> to vector<16xf32>
        %add3A_731 = arith.addf %add3A_701, %get3A_730 : vector<16xf32>
        %get3A_732 = arith.constant 0 : i32
        %get3A_733 = tpu.memref_slice %arg6[%scan3A_724, %get3A_732] : memref<50x64xf32, #tpu.memory_space<vmem>> -> memref<1x64xf32, #tpu.memory_space<vmem>>
        %get3A_734 = tpu.memref_squeeze %get3A_733 : memref<1x64xf32, #tpu.memory_space<vmem>> -> memref<64xf32, #tpu.memory_space<vmem>>
        %get3A_735 = arith.constant 16 : index
        %get3A_736 = tpu.vector_load %get3A_734[%get3A_735] {strides = array<i32>} : memref<64xf32, #tpu.memory_space<vmem>>, vector<16xf32>,
        %get3A_737 = vector.shape_cast %get3A_736 : vector<16xf32> to vector<16xf32>
        %add3A_738 = arith.addf %add3A_708, %get3A_737 : vector<16xf32>
        %get3A_739 = arith.constant 0 : i32
        %get3A_740 = tpu.memref_slice %arg6[%scan3A_724, %get3A_739] : memref<50x64xf32, #tpu.memory_space<vmem>> -> memref<1x64xf32, #tpu.memory_space<vmem>>
        %get3A_741 = tpu.memref_squeeze %get3A_740 : memref<1x64xf32, #tpu.memory_space<vmem>> -> memref<64xf32, #tpu.memory_space<vmem>>
        %get3A_742 = arith.constant 32 : index
        %get3A_743 = tpu.vector_load %get3A_741[%get3A_742] {strides = array<i32>} : memref<64xf32, #tpu.memory_space<vmem>>, vector<16xf32>,
        %get3A_744 = vector.shape_cast %get3A_743 : vector<16xf32> to vector<16xf32>
        %add3A_745 = arith.addf %add3A_715, %get3A_744 : vector<16xf32>
        %get3A_746 = arith.constant 0 : i32
        %get3A_747 = tpu.memref_slice %arg6[%scan3A_724, %get3A_746] : memref<50x64xf32, #tpu.memory_space<vmem>> -> memref<1x64xf32, #tpu.memory_space<vmem>>
        %get3A_748 = tpu.memref_squeeze %get3A_747 : memref<1x64xf32, #tpu.memory_space<vmem>> -> memref<64xf32, #tpu.memory_space<vmem>>
        %get3A_749 = arith.constant 48 : index
        %get3A_750 = tpu.vector_load %get3A_748[%get3A_749] {strides = array<i32>} : memref<64xf32, #tpu.memory_space<vmem>>, vector<16xf32>,
        %get3A_751 = vector.shape_cast %get3A_750 : vector<16xf32> to vector<16xf32>
        %add3A_752 = arith.addf %add3A_722, %get3A_751 : vector<16xf32>
        %scan3A_753 = arith.constant 5 : i32
        %scan3A_754 = arith.addi %scan3A_601, %scan3A_753 : i32
        %get3A_755 = arith.constant 0 : i32
        %get3A_756 = tpu.memref_slice %arg6[%scan3A_754, %get3A_755] : memref<50x64xf32, #tpu.memory_space<vmem>> -> memref<1x64xf32, #tpu.memory_space<vmem>>
        %get3A_757 = tpu.memref_squeeze %get3A_756 : memref<1x64xf32, #tpu.memory_space<vmem>> -> memref<64xf32, #tpu.memory_space<vmem>>
        %get3A_758 = arith.constant 0 : index
        %get3A_759 = tpu.vector_load %get3A_757[%get3A_758] {strides = array<i32>} : memref<64xf32, #tpu.memory_space<vmem>>, vector<16xf32>,
        %get3A_760 = vector.shape_cast %get3A_759 : vector<16xf32> to vector<16xf32>
        %add3A_761 = arith.addf %add3A_731, %get3A_760 : vector<16xf32>
        %get3A_762 = arith.constant 0 : i32
        %get3A_763 = tpu.memref_slice %arg6[%scan3A_754, %get3A_762] : memref<50x64xf32, #tpu.memory_space<vmem>> -> memref<1x64xf32, #tpu.memory_space<vmem>>
        %get3A_764 = tpu.memref_squeeze %get3A_763 : memref<1x64xf32, #tpu.memory_space<vmem>> -> memref<64xf32, #tpu.memory_space<vmem>>
        %get3A_765 = arith.constant 16 : index
        %get3A_766 = tpu.vector_load %get3A_764[%get3A_765] {strides = array<i32>} : memref<64xf32, #tpu.memory_space<vmem>>, vector<16xf32>,
        %get3A_767 = vector.shape_cast %get3A_766 : vector<16xf32> to vector<16xf32>
        %add3A_768 = arith.addf %add3A_738, %get3A_767 : vector<16xf32>
        %get3A_769 = arith.constant 0 : i32
        %get3A_770 = tpu.memref_slice %arg6[%scan3A_754, %get3A_769] : memref<50x64xf32, #tpu.memory_space<vmem>> -> memref<1x64xf32, #tpu.memory_space<vmem>>
        %get3A_771 = tpu.memref_squeeze %get3A_770 : memref<1x64xf32, #tpu.memory_space<vmem>> -> memref<64xf32, #tpu.memory_space<vmem>>
        %get3A_772 = arith.constant 32 : index
        %get3A_773 = tpu.vector_load %get3A_771[%get3A_772] {strides = array<i32>} : memref<64xf32, #tpu.memory_space<vmem>>, vector<16xf32>,
        %get3A_774 = vector.shape_cast %get3A_773 : vector<16xf32> to vector<16xf32>
        %add3A_775 = arith.addf %add3A_745, %get3A_774 : vector<16xf32>
        %get3A_776 = arith.constant 0 : i32
        %get3A_777 = tpu.memref_slice %arg6[%scan3A_754, %get3A_776] : memref<50x64xf32, #tpu.memory_space<vmem>> -> memref<1x64xf32, #tpu.memory_space<vmem>>
        %get3A_778 = tpu.memref_squeeze %get3A_777 : memref<1x64xf32, #tpu.memory_space<vmem>> -> memref<64xf32, #tpu.memory_space<vmem>>
        %get3A_779 = arith.constant 48 : index
        %get3A_780 = tpu.vector_load %get3A_778[%get3A_779] {strides = array<i32>} : memref<64xf32, #tpu.memory_space<vmem>>, vector<16xf32>,
        %get3A_781 = vector.shape_cast %get3A_780 : vector<16xf32> to vector<16xf32>
        %add3A_782 = arith.addf %add3A_752, %get3A_781 : vector<16xf32>
        %scan3A_783 = arith.constant 6 : i32
        %scan3A_784 = arith.addi %scan3A_601, %scan3A_783 : i32
        %get3A_785 = arith.constant 0 : i32
        %get3A_786 = tpu.memref_slice %arg6[%scan3A_784, %get3A_785] : memref<50x64xf32, #tpu.memory_space<vmem>> -> memref<1x64xf32, #tpu.memory_space<vmem>>
        %get3A_787 = tpu.memref_squeeze %get3A_786 : memref<1x64xf32, #tpu.memory_space<vmem>> -> memref<64xf32, #tpu.memory_space<vmem>>
        %get3A_788 = arith.constant 0 : index
        %get3A_789 = tpu.vector_load %get3A_787[%get3A_788] {strides = array<i32>} : memref<64xf32, #tpu.memory_space<vmem>>, vector<16xf32>,
        %get3A_790 = vector.shape_cast %get3A_789 : vector<16xf32> to vector<16xf32>
        %add3A_791 = arith.addf %add3A_761, %get3A_790 : vector<16xf32>
        %get3A_792 = arith.constant 0 : i32
        %get3A_793 = tpu.memref_slice %arg6[%scan3A_784, %get3A_792] : memref<50x64xf32, #tpu.memory_space<vmem>> -> memref<1x64xf32, #tpu.memory_space<vmem>>
        %get3A_794 = tpu.memref_squeeze %get3A_793 : memref<1x64xf32, #tpu.memory_space<vmem>> -> memref<64xf32, #tpu.memory_space<vmem>>
        %get3A_795 = arith.constant 16 : index
        %get3A_796 = tpu.vector_load %get3A_794[%get3A_795] {strides = array<i32>} : memref<64xf32, #tpu.memory_space<vmem>>, vector<16xf32>,
        %get3A_797 = vector.shape_cast %get3A_796 : vector<16xf32> to vector<16xf32>
        %add3A_798 = arith.addf %add3A_768, %get3A_797 : vector<16xf32>
        %get3A_799 = arith.constant 0 : i32
        %get3A_800 = tpu.memref_slice %arg6[%scan3A_784, %get3A_799] : memref<50x64xf32, #tpu.memory_space<vmem>> -> memref<1x64xf32, #tpu.memory_space<vmem>>
        %get3A_801 = tpu.memref_squeeze %get3A_800 : memref<1x64xf32, #tpu.memory_space<vmem>> -> memref<64xf32, #tpu.memory_space<vmem>>
        %get3A_802 = arith.constant 32 : index
        %get3A_803 = tpu.vector_load %get3A_801[%get3A_802] {strides = array<i32>} : memref<64xf32, #tpu.memory_space<vmem>>, vector<16xf32>,
        %get3A_804 = vector.shape_cast %get3A_803 : vector<16xf32> to vector<16xf32>
        %add3A_805 = arith.addf %add3A_775, %get3A_804 : vector<16xf32>
        %get3A_806 = arith.constant 0 : i32
        %get3A_807 = tpu.memref_slice %arg6[%scan3A_784, %get3A_806] : memref<50x64xf32, #tpu.memory_space<vmem>> -> memref<1x64xf32, #tpu.memory_space<vmem>>
        %get3A_808 = tpu.memref_squeeze %get3A_807 : memref<1x64xf32, #tpu.memory_space<vmem>> -> memref<64xf32, #tpu.memory_space<vmem>>
        %get3A_809 = arith.constant 48 : index
        %get3A_810 = tpu.vector_load %get3A_808[%get3A_809] {strides = array<i32>} : memref<64xf32, #tpu.memory_space<vmem>>, vector<16xf32>,
        %get3A_811 = vector.shape_cast %get3A_810 : vector<16xf32> to vector<16xf32>
        %add3A_812 = arith.addf %add3A_782, %get3A_811 : vector<16xf32>
        %scan3A_813 = arith.constant 7 : i32
        %scan3A_814 = arith.addi %scan3A_601, %scan3A_813 : i32
        %get3A_815 = arith.constant 0 : i32
        %get3A_816 = tpu.memref_slice %arg6[%scan3A_814, %get3A_815] : memref<50x64xf32, #tpu.memory_space<vmem>> -> memref<1x64xf32, #tpu.memory_space<vmem>>
        %get3A_817 = tpu.memref_squeeze %get3A_816 : memref<1x64xf32, #tpu.memory_space<vmem>> -> memref<64xf32, #tpu.memory_space<vmem>>
        %get3A_818 = arith.constant 0 : index
        %get3A_819 = tpu.vector_load %get3A_817[%get3A_818] {strides = array<i32>} : memref<64xf32, #tpu.memory_space<vmem>>, vector<16xf32>,
        %get3A_820 = vector.shape_cast %get3A_819 : vector<16xf32> to vector<16xf32>
        %add3A_821 = arith.addf %add3A_791, %get3A_820 : vector<16xf32>
        %get3A_822 = arith.constant 0 : i32
        %get3A_823 = tpu.memref_slice %arg6[%scan3A_814, %get3A_822] : memref<50x64xf32, #tpu.memory_space<vmem>> -> memref<1x64xf32, #tpu.memory_space<vmem>>
        %get3A_824 = tpu.memref_squeeze %get3A_823 : memref<1x64xf32, #tpu.memory_space<vmem>> -> memref<64xf32, #tpu.memory_space<vmem>>
        %get3A_825 = arith.constant 16 : index
        %get3A_826 = tpu.vector_load %get3A_824[%get3A_825] {strides = array<i32>} : memref<64xf32, #tpu.memory_space<vmem>>, vector<16xf32>,
        %get3A_827 = vector.shape_cast %get3A_826 : vector<16xf32> to vector<16xf32>
        %add3A_828 = arith.addf %add3A_798, %get3A_827 : vector<16xf32>
        %get3A_829 = arith.constant 0 : i32
        %get3A_830 = tpu.memref_slice %arg6[%scan3A_814, %get3A_829] : memref<50x64xf32, #tpu.memory_space<vmem>> -> memref<1x64xf32, #tpu.memory_space<vmem>>
        %get3A_831 = tpu.memref_squeeze %get3A_830 : memref<1x64xf32, #tpu.memory_space<vmem>> -> memref<64xf32, #tpu.memory_space<vmem>>
        %get3A_832 = arith.constant 32 : index
        %get3A_833 = tpu.vector_load %get3A_831[%get3A_832] {strides = array<i32>} : memref<64xf32, #tpu.memory_space<vmem>>, vector<16xf32>,
        %get3A_834 = vector.shape_cast %get3A_833 : vector<16xf32> to vector<16xf32>
        %add3A_835 = arith.addf %add3A_805, %get3A_834 : vector<16xf32>
        %get3A_836 = arith.constant 0 : i32
        %get3A_837 = tpu.memref_slice %arg6[%scan3A_814, %get3A_836] : memref<50x64xf32, #tpu.memory_space<vmem>> -> memref<1x64xf32, #tpu.memory_space<vmem>>
        %get3A_838 = tpu.memref_squeeze %get3A_837 : memref<1x64xf32, #tpu.memory_space<vmem>> -> memref<64xf32, #tpu.memory_space<vmem>>
        %get3A_839 = arith.constant 48 : index
        %get3A_840 = tpu.vector_load %get3A_838[%get3A_839] {strides = array<i32>} : memref<64xf32, #tpu.memory_space<vmem>>, vector<16xf32>,
        %get3A_841 = vector.shape_cast %get3A_840 : vector<16xf32> to vector<16xf32>
        %add3A_842 = arith.addf %add3A_812, %get3A_841 : vector<16xf32>
        %scan3A_843 = arith.constant 8 : i32
        %scan3A_844 = arith.addi %scan3A_601, %scan3A_843 : i32
        %get3A_845 = arith.constant 0 : i32
        %get3A_846 = tpu.memref_slice %arg6[%scan3A_844, %get3A_845] : memref<50x64xf32, #tpu.memory_space<vmem>> -> memref<1x64xf32, #tpu.memory_space<vmem>>
        %get3A_847 = tpu.memref_squeeze %get3A_846 : memref<1x64xf32, #tpu.memory_space<vmem>> -> memref<64xf32, #tpu.memory_space<vmem>>
        %get3A_848 = arith.constant 0 : index
        %get3A_849 = tpu.vector_load %get3A_847[%get3A_848] {strides = array<i32>} : memref<64xf32, #tpu.memory_space<vmem>>, vector<16xf32>,
        %get3A_850 = vector.shape_cast %get3A_849 : vector<16xf32> to vector<16xf32>
        %add3A_851 = arith.addf %add3A_821, %get3A_850 : vector<16xf32>
        %get3A_852 = arith.constant 0 : i32
        %get3A_853 = tpu.memref_slice %arg6[%scan3A_844, %get3A_852] : memref<50x64xf32, #tpu.memory_space<vmem>> -> memref<1x64xf32, #tpu.memory_space<vmem>>
        %get3A_854 = tpu.memref_squeeze %get3A_853 : memref<1x64xf32, #tpu.memory_space<vmem>> -> memref<64xf32, #tpu.memory_space<vmem>>
        %get3A_855 = arith.constant 16 : index
        %get3A_856 = tpu.vector_load %get3A_854[%get3A_855] {strides = array<i32>} : memref<64xf32, #tpu.memory_space<vmem>>, vector<16xf32>,
        %get3A_857 = vector.shape_cast %get3A_856 : vector<16xf32> to vector<16xf32>
        %add3A_858 = arith.addf %add3A_828, %get3A_857 : vector<16xf32>
        %get3A_859 = arith.constant 0 : i32
        %get3A_860 = tpu.memref_slice %arg6[%scan3A_844, %get3A_859] : memref<50x64xf32, #tpu.memory_space<vmem>> -> memref<1x64xf32, #tpu.memory_space<vmem>>
        %get3A_861 = tpu.memref_squeeze %get3A_860 : memref<1x64xf32, #tpu.memory_space<vmem>> -> memref<64xf32, #tpu.memory_space<vmem>>
        %get3A_862 = arith.constant 32 : index
        %get3A_863 = tpu.vector_load %get3A_861[%get3A_862] {strides = array<i32>} : memref<64xf32, #tpu.memory_space<vmem>>, vector<16xf32>,
        %get3A_864 = vector.shape_cast %get3A_863 : vector<16xf32> to vector<16xf32>
        %add3A_865 = arith.addf %add3A_835, %get3A_864 : vector<16xf32>
        %get3A_866 = arith.constant 0 : i32
        %get3A_867 = tpu.memref_slice %arg6[%scan3A_844, %get3A_866] : memref<50x64xf32, #tpu.memory_space<vmem>> -> memref<1x64xf32, #tpu.memory_space<vmem>>
        %get3A_868 = tpu.memref_squeeze %get3A_867 : memref<1x64xf32, #tpu.memory_space<vmem>> -> memref<64xf32, #tpu.memory_space<vmem>>
        %get3A_869 = arith.constant 48 : index
        %get3A_870 = tpu.vector_load %get3A_868[%get3A_869] {strides = array<i32>} : memref<64xf32, #tpu.memory_space<vmem>>, vector<16xf32>,
        %get3A_871 = vector.shape_cast %get3A_870 : vector<16xf32> to vector<16xf32>
        %add3A_872 = arith.addf %add3A_842, %get3A_871 : vector<16xf32>
        %scan3A_873 = arith.constant 9 : i32
        %scan3A_874 = arith.addi %scan3A_601, %scan3A_873 : i32
        %get3A_875 = arith.constant 0 : i32
        %get3A_876 = tpu.memref_slice %arg6[%scan3A_874, %get3A_875] : memref<50x64xf32, #tpu.memory_space<vmem>> -> memref<1x64xf32, #tpu.memory_space<vmem>>
        %get3A_877 = tpu.memref_squeeze %get3A_876 : memref<1x64xf32, #tpu.memory_space<vmem>> -> memref<64xf32, #tpu.memory_space<vmem>>
        %get3A_878 = arith.constant 0 : index
        %get3A_879 = tpu.vector_load %get3A_877[%get3A_878] {strides = array<i32>} : memref<64xf32, #tpu.memory_space<vmem>>, vector<16xf32>,
        %get3A_880 = vector.shape_cast %get3A_879 : vector<16xf32> to vector<16xf32>
        %add3A_881 = arith.addf %add3A_851, %get3A_880 : vector<16xf32>
        %get3A_882 = arith.constant 0 : i32
        %get3A_883 = tpu.memref_slice %arg6[%scan3A_874, %get3A_882] : memref<50x64xf32, #tpu.memory_space<vmem>> -> memref<1x64xf32, #tpu.memory_space<vmem>>
        %get3A_884 = tpu.memref_squeeze %get3A_883 : memref<1x64xf32, #tpu.memory_space<vmem>> -> memref<64xf32, #tpu.memory_space<vmem>>
        %get3A_885 = arith.constant 16 : index
        %get3A_886 = tpu.vector_load %get3A_884[%get3A_885] {strides = array<i32>} : memref<64xf32, #tpu.memory_space<vmem>>, vector<16xf32>,
        %get3A_887 = vector.shape_cast %get3A_886 : vector<16xf32> to vector<16xf32>
        %add3A_888 = arith.addf %add3A_858, %get3A_887 : vector<16xf32>
        %get3A_889 = arith.constant 0 : i32
        %get3A_890 = tpu.memref_slice %arg6[%scan3A_874, %get3A_889] : memref<50x64xf32, #tpu.memory_space<vmem>> -> memref<1x64xf32, #tpu.memory_space<vmem>>
        %get3A_891 = tpu.memref_squeeze %get3A_890 : memref<1x64xf32, #tpu.memory_space<vmem>> -> memref<64xf32, #tpu.memory_space<vmem>>
        %get3A_892 = arith.constant 32 : index
        %get3A_893 = tpu.vector_load %get3A_891[%get3A_892] {strides = array<i32>} : memref<64xf32, #tpu.memory_space<vmem>>, vector<16xf32>,
        %get3A_894 = vector.shape_cast %get3A_893 : vector<16xf32> to vector<16xf32>
        %add3A_895 = arith.addf %add3A_865, %get3A_894 : vector<16xf32>
        %get3A_896 = arith.constant 0 : i32
        %get3A_897 = tpu.memref_slice %arg6[%scan3A_874, %get3A_896] : memref<50x64xf32, #tpu.memory_space<vmem>> -> memref<1x64xf32, #tpu.memory_space<vmem>>
        %get3A_898 = tpu.memref_squeeze %get3A_897 : memref<1x64xf32, #tpu.memory_space<vmem>> -> memref<64xf32, #tpu.memory_space<vmem>>
        %get3A_899 = arith.constant 48 : index
        %get3A_900 = tpu.vector_load %get3A_898[%get3A_899] {strides = array<i32>} : memref<64xf32, #tpu.memory_space<vmem>>, vector<16xf32>,
        %get3A_901 = vector.shape_cast %get3A_900 : vector<16xf32> to vector<16xf32>
        %add3A_902 = arith.addf %add3A_872, %get3A_901 : vector<16xf32>
        scf.yield %add3A_881, %add3A_888, %add3A_895, %add3A_902 : vector<16xf32>, vector<16xf32>, vector<16xf32>, vector<16xf32>
      }
      %scan3A_90 = arith.constant 50 : i32
      %mul3A_91 = arith.constant 64 : i32
      %mul3A_92 = arith.muli %add3A_72, %mul3A_91 : i32
      %mul3A_93 = arith.constant 2.000000e-02 : f32
      %mul3A_94 = vector.broadcast %mul3A_93 : f32 to vector<16xf32>
      %mul3A_95 = arith.mulf %scan3A_89#0, %mul3A_94 : vector<16xf32>
      %add3A_96 = arith.constant 0 : i32
      %add3A_97 = arith.addi %mul3A_92, %add3A_96 : i32
      %swap3A = arith.index_cast %add3A_97 : i32 to index
      %swap3A_98 = tpu.vector_load %arg14[%swap3A] {strides = array<i32>} : memref<8192xf32, #tpu.memory_space<vmem>>, vector<16xf32>,
      %swap3A_99 = vector.shape_cast %swap3A_98 : vector<16xf32> to vector<16xf32>
      %swap3A_100 = vector.shape_cast %mul3A_95 : vector<16xf32> to vector<16xf32>
      tpu.vector_store %arg14[%swap3A], %swap3A_100 {strides = array<i32>} : memref<8192xf32, #tpu.memory_space<vmem>>, vector<16xf32>,
      %mul3A_101 = arith.constant 2.000000e-02 : f32
      %mul3A_102 = vector.broadcast %mul3A_101 : f32 to vector<16xf32>
      %mul3A_103 = arith.mulf %scan3A_89#1, %mul3A_102 : vector<16xf32>
      %add3A_104 = arith.constant 16 : i32
      %add3A_105 = arith.addi %mul3A_92, %add3A_104 : i32
      %swap3A_106 = arith.index_cast %add3A_105 : i32 to index
      %swap3A_107 = tpu.vector_load %arg14[%swap3A_106] {strides = array<i32>} : memref<8192xf32, #tpu.memory_space<vmem>>, vector<16xf32>,
      %swap3A_108 = vector.shape_cast %swap3A_107 : vector<16xf32> to vector<16xf32>
      %swap3A_109 = vector.shape_cast %mul3A_103 : vector<16xf32> to vector<16xf32>
      tpu.vector_store %arg14[%swap3A_106], %swap3A_109 {strides = array<i32>} : memref<8192xf32, #tpu.memory_space<vmem>>, vector<16xf32>,
      %mul3A_110 = arith.constant 2.000000e-02 : f32
      %mul3A_111 = vector.broadcast %mul3A_110 : f32 to vector<16xf32>
      %mul3A_112 = arith.mulf %scan3A_89#2, %mul3A_111 : vector<16xf32>
      %add3A_113 = arith.constant 32 : i32
      %add3A_114 = arith.addi %mul3A_92, %add3A_113 : i32
      %swap3A_115 = arith.index_cast %add3A_114 : i32 to index
      %swap3A_116 = tpu.vector_load %arg14[%swap3A_115] {strides = array<i32>} : memref<8192xf32, #tpu.memory_space<vmem>>, vector<16xf32>,
      %swap3A_117 = vector.shape_cast %swap3A_116 : vector<16xf32> to vector<16xf32>
      %swap3A_118 = vector.shape_cast %mul3A_112 : vector<16xf32> to vector<16xf32>
      tpu.vector_store %arg14[%swap3A_115], %swap3A_118 {strides = array<i32>} : memref<8192xf32, #tpu.memory_space<vmem>>, vector<16xf32>,
      %mul3A_119 = arith.constant 2.000000e-02 : f32
      %mul3A_120 = vector.broadcast %mul3A_119 : f32 to vector<16xf32>
      %mul3A_121 = arith.mulf %scan3A_89#3, %mul3A_120 : vector<16xf32>
      %add3A_122 = arith.constant 48 : i32
      %add3A_123 = arith.addi %mul3A_92, %add3A_122 : i32
      %swap3A_124 = arith.index_cast %add3A_123 : i32 to index
      %swap3A_125 = tpu.vector_load %arg14[%swap3A_124] {strides = array<i32>} : memref<8192xf32, #tpu.memory_space<vmem>>, vector<16xf32>,
      %swap3A_126 = vector.shape_cast %swap3A_125 : vector<16xf32> to vector<16xf32>
      %swap3A_127 = vector.shape_cast %mul3A_121 : vector<16xf32> to vector<16xf32>
      tpu.vector_store %arg14[%swap3A_124], %swap3A_127 {strides = array<i32>} : memref<8192xf32, #tpu.memory_space<vmem>>, vector<16xf32>,
      %add3A_128 = arith.constant 8 : i32
      %add3A_129 = arith.addi %add3A_72, %add3A_128 : i32
      %lt3A = arith.constant 128 : i32
      %lt3A_130 = arith.cmpi slt, %add3A_129, %lt3A : i32
      %convert_element_type3A = arith.extui %lt3A_130 : i1 to i32
      %cond3A = arith.constant 0 : i32
      %cond3A_131 = arith.cmpi ne, %convert_element_type3A, %cond3A : i32
      scf.if %cond3A_131 {
        %dma_start3A_601 = arith.constant 0 : i32
        %dma_start3A_602 = tpu.memref_slice %arg5[%add3A_129, %dma_start3A_601] : memref<128x50xi32, #tpu.memory_space<vmem>> -> memref<1x50xi32, #tpu.memory_space<vmem>>
        %dma_start3A_603 = tpu.memref_squeeze %dma_start3A_602 : memref<1x50xi32, #tpu.memory_space<vmem>> -> memref<50xi32, #tpu.memory_space<vmem>>
        %dma_start3A_604 = arith.constant 0 : i32
        %dma_start3A_605 = arith.constant 0 : i32
        %dma_start3A_606 = tpu.memref_slice %arg3[%dma_start3A_604, %dma_start3A_605] : memref<100000x64xf32, #tpu.memory_space<hbm>> -> memref<100000x64xf32, #tpu.memory_space<hbm>>
        tpu.enqueue_indirect_dma source(%dma_start3A_606 : memref<100000x64xf32, #tpu.memory_space<hbm>>) target(%arg6 : memref<50x64xf32, #tpu.memory_space<vmem>>) offsets(%dma_start3A_603 : memref<50xi32, #tpu.memory_space<vmem>>) semaphore(%arg15 : memref<!tpu.dma_semaphore, #tpu.memory_space<semaphore_mem>>)
      } else {
      }
      %add3A_132 = arith.constant 1 : i32
      %add3A_133 = arith.addi %add3A_70, %add3A_132 : i32
      %dma_wait3A_134 = arith.constant 0 : i32
      %dma_wait3A_135 = tpu.memref_slice %arg5[%add3A_133, %dma_wait3A_134] : memref<128x50xi32, #tpu.memory_space<vmem>> -> memref<1x50xi32, #tpu.memory_space<vmem>>
      %dma_wait3A_136 = tpu.memref_squeeze %dma_wait3A_135 : memref<1x50xi32, #tpu.memory_space<vmem>> -> memref<50xi32, #tpu.memory_space<vmem>>
      %dma_wait3A_137 = arith.constant 0 : i32
      %dma_wait3A_138 = arith.constant 0 : i32
      %dma_wait3A_139 = tpu.memref_slice %arg3[%dma_wait3A_137, %dma_wait3A_138] : memref<100000x64xf32, #tpu.memory_space<hbm>> -> memref<100000x64xf32, #tpu.memory_space<hbm>>
      tpu.wait_indirect_dma semaphore(%arg16 : memref<!tpu.dma_semaphore, #tpu.memory_space<semaphore_mem>>) src(%dma_wait3A_139 : memref<100000x64xf32, #tpu.memory_space<hbm>>) dst(%arg7 : memref<50x64xf32, #tpu.memory_space<vmem>>)
      %broadcast_in_dim3A_140 = arith.constant 0.000000e+00 : f32
      %broadcast_in_dim3A_141 = vector.broadcast %broadcast_in_dim3A_140 : f32 to vector<16xf32>
      %broadcast_in_dim3A_142 = arith.constant 0.000000e+00 : f32
      %broadcast_in_dim3A_143 = vector.broadcast %broadcast_in_dim3A_142 : f32 to vector<16xf32>
      %broadcast_in_dim3A_144 = arith.constant 0.000000e+00 : f32
      %broadcast_in_dim3A_145 = vector.broadcast %broadcast_in_dim3A_144 : f32 to vector<16xf32>
      %broadcast_in_dim3A_146 = arith.constant 0.000000e+00 : f32
      %broadcast_in_dim3A_147 = vector.broadcast %broadcast_in_dim3A_146 : f32 to vector<16xf32>
      %scan3A_148 = arith.constant 0 : i32
      %scan3A_149 = arith.constant 50 : i32
      %scan3A_150 = arith.addi %scan3A_148, %scan3A_149 : i32
      %scan3A_151 = arith.constant 10 : i32
      %scan3A_152:4 = scf.for %scan3A_601 = %scan3A_148 to %scan3A_150 step %scan3A_151 iter_args(%scan3A_602 = %broadcast_in_dim3A_141, %scan3A_603 = %broadcast_in_dim3A_143, %scan3A_604 = %broadcast_in_dim3A_145, %scan3A_605 = %broadcast_in_dim3A_147) -> (vector<16xf32>, vector<16xf32>, vector<16xf32>, vector<16xf32>)  : i32 {
        %get3A = arith.constant 0 : i32
        %get3A_606 = tpu.memref_slice %arg7[%scan3A_601, %get3A] : memref<50x64xf32, #tpu.memory_space<vmem>> -> memref<1x64xf32, #tpu.memory_space<vmem>>
        %get3A_607 = tpu.memref_squeeze %get3A_606 : memref<1x64xf32, #tpu.memory_space<vmem>> -> memref<64xf32, #tpu.memory_space<vmem>>
        %get3A_608 = arith.constant 0 : index
        %get3A_609 = tpu.vector_load %get3A_607[%get3A_608] {strides = array<i32>} : memref<64xf32, #tpu.memory_space<vmem>>, vector<16xf32>,
        %get3A_610 = vector.shape_cast %get3A_609 : vector<16xf32> to vector<16xf32>
        %add3A_611 = arith.addf %scan3A_602, %get3A_610 : vector<16xf32>
        %get3A_612 = arith.constant 0 : i32
        %get3A_613 = tpu.memref_slice %arg7[%scan3A_601, %get3A_612] : memref<50x64xf32, #tpu.memory_space<vmem>> -> memref<1x64xf32, #tpu.memory_space<vmem>>
        %get3A_614 = tpu.memref_squeeze %get3A_613 : memref<1x64xf32, #tpu.memory_space<vmem>> -> memref<64xf32, #tpu.memory_space<vmem>>
        %get3A_615 = arith.constant 16 : index
        %get3A_616 = tpu.vector_load %get3A_614[%get3A_615] {strides = array<i32>} : memref<64xf32, #tpu.memory_space<vmem>>, vector<16xf32>,
        %get3A_617 = vector.shape_cast %get3A_616 : vector<16xf32> to vector<16xf32>
        %add3A_618 = arith.addf %scan3A_603, %get3A_617 : vector<16xf32>
        %get3A_619 = arith.constant 0 : i32
        %get3A_620 = tpu.memref_slice %arg7[%scan3A_601, %get3A_619] : memref<50x64xf32, #tpu.memory_space<vmem>> -> memref<1x64xf32, #tpu.memory_space<vmem>>
        %get3A_621 = tpu.memref_squeeze %get3A_620 : memref<1x64xf32, #tpu.memory_space<vmem>> -> memref<64xf32, #tpu.memory_space<vmem>>
        %get3A_622 = arith.constant 32 : index
        %get3A_623 = tpu.vector_load %get3A_621[%get3A_622] {strides = array<i32>} : memref<64xf32, #tpu.memory_space<vmem>>, vector<16xf32>,
        %get3A_624 = vector.shape_cast %get3A_623 : vector<16xf32> to vector<16xf32>
        %add3A_625 = arith.addf %scan3A_604, %get3A_624 : vector<16xf32>
        %get3A_626 = arith.constant 0 : i32
        %get3A_627 = tpu.memref_slice %arg7[%scan3A_601, %get3A_626] : memref<50x64xf32, #tpu.memory_space<vmem>> -> memref<1x64xf32, #tpu.memory_space<vmem>>
        %get3A_628 = tpu.memref_squeeze %get3A_627 : memref<1x64xf32, #tpu.memory_space<vmem>> -> memref<64xf32, #tpu.memory_space<vmem>>
        %get3A_629 = arith.constant 48 : index
        %get3A_630 = tpu.vector_load %get3A_628[%get3A_629] {strides = array<i32>} : memref<64xf32, #tpu.memory_space<vmem>>, vector<16xf32>,
        %get3A_631 = vector.shape_cast %get3A_630 : vector<16xf32> to vector<16xf32>
        %add3A_632 = arith.addf %scan3A_605, %get3A_631 : vector<16xf32>
        %scan3A_633 = arith.constant 1 : i32
        %scan3A_634 = arith.addi %scan3A_601, %scan3A_633 : i32
        %get3A_635 = arith.constant 0 : i32
        %get3A_636 = tpu.memref_slice %arg7[%scan3A_634, %get3A_635] : memref<50x64xf32, #tpu.memory_space<vmem>> -> memref<1x64xf32, #tpu.memory_space<vmem>>
        %get3A_637 = tpu.memref_squeeze %get3A_636 : memref<1x64xf32, #tpu.memory_space<vmem>> -> memref<64xf32, #tpu.memory_space<vmem>>
        %get3A_638 = arith.constant 0 : index
        %get3A_639 = tpu.vector_load %get3A_637[%get3A_638] {strides = array<i32>} : memref<64xf32, #tpu.memory_space<vmem>>, vector<16xf32>,
        %get3A_640 = vector.shape_cast %get3A_639 : vector<16xf32> to vector<16xf32>
        %add3A_641 = arith.addf %add3A_611, %get3A_640 : vector<16xf32>
        %get3A_642 = arith.constant 0 : i32
        %get3A_643 = tpu.memref_slice %arg7[%scan3A_634, %get3A_642] : memref<50x64xf32, #tpu.memory_space<vmem>> -> memref<1x64xf32, #tpu.memory_space<vmem>>
        %get3A_644 = tpu.memref_squeeze %get3A_643 : memref<1x64xf32, #tpu.memory_space<vmem>> -> memref<64xf32, #tpu.memory_space<vmem>>
        %get3A_645 = arith.constant 16 : index
        %get3A_646 = tpu.vector_load %get3A_644[%get3A_645] {strides = array<i32>} : memref<64xf32, #tpu.memory_space<vmem>>, vector<16xf32>,
        %get3A_647 = vector.shape_cast %get3A_646 : vector<16xf32> to vector<16xf32>
        %add3A_648 = arith.addf %add3A_618, %get3A_647 : vector<16xf32>
        %get3A_649 = arith.constant 0 : i32
        %get3A_650 = tpu.memref_slice %arg7[%scan3A_634, %get3A_649] : memref<50x64xf32, #tpu.memory_space<vmem>> -> memref<1x64xf32, #tpu.memory_space<vmem>>
        %get3A_651 = tpu.memref_squeeze %get3A_650 : memref<1x64xf32, #tpu.memory_space<vmem>> -> memref<64xf32, #tpu.memory_space<vmem>>
        %get3A_652 = arith.constant 32 : index
        %get3A_653 = tpu.vector_load %get3A_651[%get3A_652] {strides = array<i32>} : memref<64xf32, #tpu.memory_space<vmem>>, vector<16xf32>,
        %get3A_654 = vector.shape_cast %get3A_653 : vector<16xf32> to vector<16xf32>
        %add3A_655 = arith.addf %add3A_625, %get3A_654 : vector<16xf32>
        %get3A_656 = arith.constant 0 : i32
        %get3A_657 = tpu.memref_slice %arg7[%scan3A_634, %get3A_656] : memref<50x64xf32, #tpu.memory_space<vmem>> -> memref<1x64xf32, #tpu.memory_space<vmem>>
        %get3A_658 = tpu.memref_squeeze %get3A_657 : memref<1x64xf32, #tpu.memory_space<vmem>> -> memref<64xf32, #tpu.memory_space<vmem>>
        %get3A_659 = arith.constant 48 : index
        %get3A_660 = tpu.vector_load %get3A_658[%get3A_659] {strides = array<i32>} : memref<64xf32, #tpu.memory_space<vmem>>, vector<16xf32>,
        %get3A_661 = vector.shape_cast %get3A_660 : vector<16xf32> to vector<16xf32>
        %add3A_662 = arith.addf %add3A_632, %get3A_661 : vector<16xf32>
        %scan3A_663 = arith.constant 2 : i32
        %scan3A_664 = arith.addi %scan3A_601, %scan3A_663 : i32
        %get3A_665 = arith.constant 0 : i32
        %get3A_666 = tpu.memref_slice %arg7[%scan3A_664, %get3A_665] : memref<50x64xf32, #tpu.memory_space<vmem>> -> memref<1x64xf32, #tpu.memory_space<vmem>>
        %get3A_667 = tpu.memref_squeeze %get3A_666 : memref<1x64xf32, #tpu.memory_space<vmem>> -> memref<64xf32, #tpu.memory_space<vmem>>
        %get3A_668 = arith.constant 0 : index
        %get3A_669 = tpu.vector_load %get3A_667[%get3A_668] {strides = array<i32>} : memref<64xf32, #tpu.memory_space<vmem>>, vector<16xf32>,
        %get3A_670 = vector.shape_cast %get3A_669 : vector<16xf32> to vector<16xf32>
        %add3A_671 = arith.addf %add3A_641, %get3A_670 : vector<16xf32>
        %get3A_672 = arith.constant 0 : i32
        %get3A_673 = tpu.memref_slice %arg7[%scan3A_664, %get3A_672] : memref<50x64xf32, #tpu.memory_space<vmem>> -> memref<1x64xf32, #tpu.memory_space<vmem>>
        %get3A_674 = tpu.memref_squeeze %get3A_673 : memref<1x64xf32, #tpu.memory_space<vmem>> -> memref<64xf32, #tpu.memory_space<vmem>>
        %get3A_675 = arith.constant 16 : index
        %get3A_676 = tpu.vector_load %get3A_674[%get3A_675] {strides = array<i32>} : memref<64xf32, #tpu.memory_space<vmem>>, vector<16xf32>,
        %get3A_677 = vector.shape_cast %get3A_676 : vector<16xf32> to vector<16xf32>
        %add3A_678 = arith.addf %add3A_648, %get3A_677 : vector<16xf32>
        %get3A_679 = arith.constant 0 : i32
        %get3A_680 = tpu.memref_slice %arg7[%scan3A_664, %get3A_679] : memref<50x64xf32, #tpu.memory_space<vmem>> -> memref<1x64xf32, #tpu.memory_space<vmem>>
        %get3A_681 = tpu.memref_squeeze %get3A_680 : memref<1x64xf32, #tpu.memory_space<vmem>> -> memref<64xf32, #tpu.memory_space<vmem>>
        %get3A_682 = arith.constant 32 : index
        %get3A_683 = tpu.vector_load %get3A_681[%get3A_682] {strides = array<i32>} : memref<64xf32, #tpu.memory_space<vmem>>, vector<16xf32>,
        %get3A_684 = vector.shape_cast %get3A_683 : vector<16xf32> to vector<16xf32>
        %add3A_685 = arith.addf %add3A_655, %get3A_684 : vector<16xf32>
        %get3A_686 = arith.constant 0 : i32
        %get3A_687 = tpu.memref_slice %arg7[%scan3A_664, %get3A_686] : memref<50x64xf32, #tpu.memory_space<vmem>> -> memref<1x64xf32, #tpu.memory_space<vmem>>
        %get3A_688 = tpu.memref_squeeze %get3A_687 : memref<1x64xf32, #tpu.memory_space<vmem>> -> memref<64xf32, #tpu.memory_space<vmem>>
        %get3A_689 = arith.constant 48 : index
        %get3A_690 = tpu.vector_load %get3A_688[%get3A_689] {strides = array<i32>} : memref<64xf32, #tpu.memory_space<vmem>>, vector<16xf32>,
        %get3A_691 = vector.shape_cast %get3A_690 : vector<16xf32> to vector<16xf32>
        %add3A_692 = arith.addf %add3A_662, %get3A_691 : vector<16xf32>
        %scan3A_693 = arith.constant 3 : i32
        %scan3A_694 = arith.addi %scan3A_601, %scan3A_693 : i32
        %get3A_695 = arith.constant 0 : i32
        %get3A_696 = tpu.memref_slice %arg7[%scan3A_694, %get3A_695] : memref<50x64xf32, #tpu.memory_space<vmem>> -> memref<1x64xf32, #tpu.memory_space<vmem>>
        %get3A_697 = tpu.memref_squeeze %get3A_696 : memref<1x64xf32, #tpu.memory_space<vmem>> -> memref<64xf32, #tpu.memory_space<vmem>>
        %get3A_698 = arith.constant 0 : index
        %get3A_699 = tpu.vector_load %get3A_697[%get3A_698] {strides = array<i32>} : memref<64xf32, #tpu.memory_space<vmem>>, vector<16xf32>,
        %get3A_700 = vector.shape_cast %get3A_699 : vector<16xf32> to vector<16xf32>
        %add3A_701 = arith.addf %add3A_671, %get3A_700 : vector<16xf32>
        %get3A_702 = arith.constant 0 : i32
        %get3A_703 = tpu.memref_slice %arg7[%scan3A_694, %get3A_702] : memref<50x64xf32, #tpu.memory_space<vmem>> -> memref<1x64xf32, #tpu.memory_space<vmem>>
        %get3A_704 = tpu.memref_squeeze %get3A_703 : memref<1x64xf32, #tpu.memory_space<vmem>> -> memref<64xf32, #tpu.memory_space<vmem>>
        %get3A_705 = arith.constant 16 : index
        %get3A_706 = tpu.vector_load %get3A_704[%get3A_705] {strides = array<i32>} : memref<64xf32, #tpu.memory_space<vmem>>, vector<16xf32>,
        %get3A_707 = vector.shape_cast %get3A_706 : vector<16xf32> to vector<16xf32>
        %add3A_708 = arith.addf %add3A_678, %get3A_707 : vector<16xf32>
        %get3A_709 = arith.constant 0 : i32
        %get3A_710 = tpu.memref_slice %arg7[%scan3A_694, %get3A_709] : memref<50x64xf32, #tpu.memory_space<vmem>> -> memref<1x64xf32, #tpu.memory_space<vmem>>
        %get3A_711 = tpu.memref_squeeze %get3A_710 : memref<1x64xf32, #tpu.memory_space<vmem>> -> memref<64xf32, #tpu.memory_space<vmem>>
        %get3A_712 = arith.constant 32 : index
        %get3A_713 = tpu.vector_load %get3A_711[%get3A_712] {strides = array<i32>} : memref<64xf32, #tpu.memory_space<vmem>>, vector<16xf32>,
        %get3A_714 = vector.shape_cast %get3A_713 : vector<16xf32> to vector<16xf32>
        %add3A_715 = arith.addf %add3A_685, %get3A_714 : vector<16xf32>
        %get3A_716 = arith.constant 0 : i32
        %get3A_717 = tpu.memref_slice %arg7[%scan3A_694, %get3A_716] : memref<50x64xf32, #tpu.memory_space<vmem>> -> memref<1x64xf32, #tpu.memory_space<vmem>>
        %get3A_718 = tpu.memref_squeeze %get3A_717 : memref<1x64xf32, #tpu.memory_space<vmem>> -> memref<64xf32, #tpu.memory_space<vmem>>
        %get3A_719 = arith.constant 48 : index
        %get3A_720 = tpu.vector_load %get3A_718[%get3A_719] {strides = array<i32>} : memref<64xf32, #tpu.memory_space<vmem>>, vector<16xf32>,
        %get3A_721 = vector.shape_cast %get3A_720 : vector<16xf32> to vector<16xf32>
        %add3A_722 = arith.addf %add3A_692, %get3A_721 : vector<16xf32>
        %scan3A_723 = arith.constant 4 : i32
        %scan3A_724 = arith.addi %scan3A_601, %scan3A_723 : i32
        %get3A_725 = arith.constant 0 : i32
        %get3A_726 = tpu.memref_slice %arg7[%scan3A_724, %get3A_725] : memref<50x64xf32, #tpu.memory_space<vmem>> -> memref<1x64xf32, #tpu.memory_space<vmem>>
        %get3A_727 = tpu.memref_squeeze %get3A_726 : memref<1x64xf32, #tpu.memory_space<vmem>> -> memref<64xf32, #tpu.memory_space<vmem>>
        %get3A_728 = arith.constant 0 : index
        %get3A_729 = tpu.vector_load %get3A_727[%get3A_728] {strides = array<i32>} : memref<64xf32, #tpu.memory_space<vmem>>, vector<16xf32>,
        %get3A_730 = vector.shape_cast %get3A_729 : vector<16xf32> to vector<16xf32>
        %add3A_731 = arith.addf %add3A_701, %get3A_730 : vector<16xf32>
        %get3A_732 = arith.constant 0 : i32
        %get3A_733 = tpu.memref_slice %arg7[%scan3A_724, %get3A_732] : memref<50x64xf32, #tpu.memory_space<vmem>> -> memref<1x64xf32, #tpu.memory_space<vmem>>
        %get3A_734 = tpu.memref_squeeze %get3A_733 : memref<1x64xf32, #tpu.memory_space<vmem>> -> memref<64xf32, #tpu.memory_space<vmem>>
        %get3A_735 = arith.constant 16 : index
        %get3A_736 = tpu.vector_load %get3A_734[%get3A_735] {strides = array<i32>} : memref<64xf32, #tpu.memory_space<vmem>>, vector<16xf32>,
        %get3A_737 = vector.shape_cast %get3A_736 : vector<16xf32> to vector<16xf32>
        %add3A_738 = arith.addf %add3A_708, %get3A_737 : vector<16xf32>
        %get3A_739 = arith.constant 0 : i32
        %get3A_740 = tpu.memref_slice %arg7[%scan3A_724, %get3A_739] : memref<50x64xf32, #tpu.memory_space<vmem>> -> memref<1x64xf32, #tpu.memory_space<vmem>>
        %get3A_741 = tpu.memref_squeeze %get3A_740 : memref<1x64xf32, #tpu.memory_space<vmem>> -> memref<64xf32, #tpu.memory_space<vmem>>
        %get3A_742 = arith.constant 32 : index
        %get3A_743 = tpu.vector_load %get3A_741[%get3A_742] {strides = array<i32>} : memref<64xf32, #tpu.memory_space<vmem>>, vector<16xf32>,
        %get3A_744 = vector.shape_cast %get3A_743 : vector<16xf32> to vector<16xf32>
        %add3A_745 = arith.addf %add3A_715, %get3A_744 : vector<16xf32>
        %get3A_746 = arith.constant 0 : i32
        %get3A_747 = tpu.memref_slice %arg7[%scan3A_724, %get3A_746] : memref<50x64xf32, #tpu.memory_space<vmem>> -> memref<1x64xf32, #tpu.memory_space<vmem>>
        %get3A_748 = tpu.memref_squeeze %get3A_747 : memref<1x64xf32, #tpu.memory_space<vmem>> -> memref<64xf32, #tpu.memory_space<vmem>>
        %get3A_749 = arith.constant 48 : index
        %get3A_750 = tpu.vector_load %get3A_748[%get3A_749] {strides = array<i32>} : memref<64xf32, #tpu.memory_space<vmem>>, vector<16xf32>,
        %get3A_751 = vector.shape_cast %get3A_750 : vector<16xf32> to vector<16xf32>
        %add3A_752 = arith.addf %add3A_722, %get3A_751 : vector<16xf32>
        %scan3A_753 = arith.constant 5 : i32
        %scan3A_754 = arith.addi %scan3A_601, %scan3A_753 : i32
        %get3A_755 = arith.constant 0 : i32
        %get3A_756 = tpu.memref_slice %arg7[%scan3A_754, %get3A_755] : memref<50x64xf32, #tpu.memory_space<vmem>> -> memref<1x64xf32, #tpu.memory_space<vmem>>
        %get3A_757 = tpu.memref_squeeze %get3A_756 : memref<1x64xf32, #tpu.memory_space<vmem>> -> memref<64xf32, #tpu.memory_space<vmem>>
        %get3A_758 = arith.constant 0 : index
        %get3A_759 = tpu.vector_load %get3A_757[%get3A_758] {strides = array<i32>} : memref<64xf32, #tpu.memory_space<vmem>>, vector<16xf32>,
        %get3A_760 = vector.shape_cast %get3A_759 : vector<16xf32> to vector<16xf32>
        %add3A_761 = arith.addf %add3A_731, %get3A_760 : vector<16xf32>
        %get3A_762 = arith.constant 0 : i32
        %get3A_763 = tpu.memref_slice %arg7[%scan3A_754, %get3A_762] : memref<50x64xf32, #tpu.memory_space<vmem>> -> memref<1x64xf32, #tpu.memory_space<vmem>>
        %get3A_764 = tpu.memref_squeeze %get3A_763 : memref<1x64xf32, #tpu.memory_space<vmem>> -> memref<64xf32, #tpu.memory_space<vmem>>
        %get3A_765 = arith.constant 16 : index
        %get3A_766 = tpu.vector_load %get3A_764[%get3A_765] {strides = array<i32>} : memref<64xf32, #tpu.memory_space<vmem>>, vector<16xf32>,
        %get3A_767 = vector.shape_cast %get3A_766 : vector<16xf32> to vector<16xf32>
        %add3A_768 = arith.addf %add3A_738, %get3A_767 : vector<16xf32>
        %get3A_769 = arith.constant 0 : i32
        %get3A_770 = tpu.memref_slice %arg7[%scan3A_754, %get3A_769] : memref<50x64xf32, #tpu.memory_space<vmem>> -> memref<1x64xf32, #tpu.memory_space<vmem>>
        %get3A_771 = tpu.memref_squeeze %get3A_770 : memref<1x64xf32, #tpu.memory_space<vmem>> -> memref<64xf32, #tpu.memory_space<vmem>>
        %get3A_772 = arith.constant 32 : index
        %get3A_773 = tpu.vector_load %get3A_771[%get3A_772] {strides = array<i32>} : memref<64xf32, #tpu.memory_space<vmem>>, vector<16xf32>,
        %get3A_774 = vector.shape_cast %get3A_773 : vector<16xf32> to vector<16xf32>
        %add3A_775 = arith.addf %add3A_745, %get3A_774 : vector<16xf32>
        %get3A_776 = arith.constant 0 : i32
        %get3A_777 = tpu.memref_slice %arg7[%scan3A_754, %get3A_776] : memref<50x64xf32, #tpu.memory_space<vmem>> -> memref<1x64xf32, #tpu.memory_space<vmem>>
        %get3A_778 = tpu.memref_squeeze %get3A_777 : memref<1x64xf32, #tpu.memory_space<vmem>> -> memref<64xf32, #tpu.memory_space<vmem>>
        %get3A_779 = arith.constant 48 : index
        %get3A_780 = tpu.vector_load %get3A_778[%get3A_779] {strides = array<i32>} : memref<64xf32, #tpu.memory_space<vmem>>, vector<16xf32>,
        %get3A_781 = vector.shape_cast %get3A_780 : vector<16xf32> to vector<16xf32>
        %add3A_782 = arith.addf %add3A_752, %get3A_781 : vector<16xf32>
        %scan3A_783 = arith.constant 6 : i32
        %scan3A_784 = arith.addi %scan3A_601, %scan3A_783 : i32
        %get3A_785 = arith.constant 0 : i32
        %get3A_786 = tpu.memref_slice %arg7[%scan3A_784, %get3A_785] : memref<50x64xf32, #tpu.memory_space<vmem>> -> memref<1x64xf32, #tpu.memory_space<vmem>>
        %get3A_787 = tpu.memref_squeeze %get3A_786 : memref<1x64xf32, #tpu.memory_space<vmem>> -> memref<64xf32, #tpu.memory_space<vmem>>
        %get3A_788 = arith.constant 0 : index
        %get3A_789 = tpu.vector_load %get3A_787[%get3A_788] {strides = array<i32>} : memref<64xf32, #tpu.memory_space<vmem>>, vector<16xf32>,
        %get3A_790 = vector.shape_cast %get3A_789 : vector<16xf32> to vector<16xf32>
        %add3A_791 = arith.addf %add3A_761, %get3A_790 : vector<16xf32>
        %get3A_792 = arith.constant 0 : i32
        %get3A_793 = tpu.memref_slice %arg7[%scan3A_784, %get3A_792] : memref<50x64xf32, #tpu.memory_space<vmem>> -> memref<1x64xf32, #tpu.memory_space<vmem>>
        %get3A_794 = tpu.memref_squeeze %get3A_793 : memref<1x64xf32, #tpu.memory_space<vmem>> -> memref<64xf32, #tpu.memory_space<vmem>>
        %get3A_795 = arith.constant 16 : index
        %get3A_796 = tpu.vector_load %get3A_794[%get3A_795] {strides = array<i32>} : memref<64xf32, #tpu.memory_space<vmem>>, vector<16xf32>,
        %get3A_797 = vector.shape_cast %get3A_796 : vector<16xf32> to vector<16xf32>
        %add3A_798 = arith.addf %add3A_768, %get3A_797 : vector<16xf32>
        %get3A_799 = arith.constant 0 : i32
        %get3A_800 = tpu.memref_slice %arg7[%scan3A_784, %get3A_799] : memref<50x64xf32, #tpu.memory_space<vmem>> -> memref<1x64xf32, #tpu.memory_space<vmem>>
        %get3A_801 = tpu.memref_squeeze %get3A_800 : memref<1x64xf32, #tpu.memory_space<vmem>> -> memref<64xf32, #tpu.memory_space<vmem>>
        %get3A_802 = arith.constant 32 : index
        %get3A_803 = tpu.vector_load %get3A_801[%get3A_802] {strides = array<i32>} : memref<64xf32, #tpu.memory_space<vmem>>, vector<16xf32>,
        %get3A_804 = vector.shape_cast %get3A_803 : vector<16xf32> to vector<16xf32>
        %add3A_805 = arith.addf %add3A_775, %get3A_804 : vector<16xf32>
        %get3A_806 = arith.constant 0 : i32
        %get3A_807 = tpu.memref_slice %arg7[%scan3A_784, %get3A_806] : memref<50x64xf32, #tpu.memory_space<vmem>> -> memref<1x64xf32, #tpu.memory_space<vmem>>
        %get3A_808 = tpu.memref_squeeze %get3A_807 : memref<1x64xf32, #tpu.memory_space<vmem>> -> memref<64xf32, #tpu.memory_space<vmem>>
        %get3A_809 = arith.constant 48 : index
        %get3A_810 = tpu.vector_load %get3A_808[%get3A_809] {strides = array<i32>} : memref<64xf32, #tpu.memory_space<vmem>>, vector<16xf32>,
        %get3A_811 = vector.shape_cast %get3A_810 : vector<16xf32> to vector<16xf32>
        %add3A_812 = arith.addf %add3A_782, %get3A_811 : vector<16xf32>
        %scan3A_813 = arith.constant 7 : i32
        %scan3A_814 = arith.addi %scan3A_601, %scan3A_813 : i32
        %get3A_815 = arith.constant 0 : i32
        %get3A_816 = tpu.memref_slice %arg7[%scan3A_814, %get3A_815] : memref<50x64xf32, #tpu.memory_space<vmem>> -> memref<1x64xf32, #tpu.memory_space<vmem>>
        %get3A_817 = tpu.memref_squeeze %get3A_816 : memref<1x64xf32, #tpu.memory_space<vmem>> -> memref<64xf32, #tpu.memory_space<vmem>>
        %get3A_818 = arith.constant 0 : index
        %get3A_819 = tpu.vector_load %get3A_817[%get3A_818] {strides = array<i32>} : memref<64xf32, #tpu.memory_space<vmem>>, vector<16xf32>,
        %get3A_820 = vector.shape_cast %get3A_819 : vector<16xf32> to vector<16xf32>
        %add3A_821 = arith.addf %add3A_791, %get3A_820 : vector<16xf32>
        %get3A_822 = arith.constant 0 : i32
        %get3A_823 = tpu.memref_slice %arg7[%scan3A_814, %get3A_822] : memref<50x64xf32, #tpu.memory_space<vmem>> -> memref<1x64xf32, #tpu.memory_space<vmem>>
        %get3A_824 = tpu.memref_squeeze %get3A_823 : memref<1x64xf32, #tpu.memory_space<vmem>> -> memref<64xf32, #tpu.memory_space<vmem>>
        %get3A_825 = arith.constant 16 : index
        %get3A_826 = tpu.vector_load %get3A_824[%get3A_825] {strides = array<i32>} : memref<64xf32, #tpu.memory_space<vmem>>, vector<16xf32>,
        %get3A_827 = vector.shape_cast %get3A_826 : vector<16xf32> to vector<16xf32>
        %add3A_828 = arith.addf %add3A_798, %get3A_827 : vector<16xf32>
        %get3A_829 = arith.constant 0 : i32
        %get3A_830 = tpu.memref_slice %arg7[%scan3A_814, %get3A_829] : memref<50x64xf32, #tpu.memory_space<vmem>> -> memref<1x64xf32, #tpu.memory_space<vmem>>
        %get3A_831 = tpu.memref_squeeze %get3A_830 : memref<1x64xf32, #tpu.memory_space<vmem>> -> memref<64xf32, #tpu.memory_space<vmem>>
        %get3A_832 = arith.constant 32 : index
        %get3A_833 = tpu.vector_load %get3A_831[%get3A_832] {strides = array<i32>} : memref<64xf32, #tpu.memory_space<vmem>>, vector<16xf32>,
        %get3A_834 = vector.shape_cast %get3A_833 : vector<16xf32> to vector<16xf32>
        %add3A_835 = arith.addf %add3A_805, %get3A_834 : vector<16xf32>
        %get3A_836 = arith.constant 0 : i32
        %get3A_837 = tpu.memref_slice %arg7[%scan3A_814, %get3A_836] : memref<50x64xf32, #tpu.memory_space<vmem>> -> memref<1x64xf32, #tpu.memory_space<vmem>>
        %get3A_838 = tpu.memref_squeeze %get3A_837 : memref<1x64xf32, #tpu.memory_space<vmem>> -> memref<64xf32, #tpu.memory_space<vmem>>
        %get3A_839 = arith.constant 48 : index
        %get3A_840 = tpu.vector_load %get3A_838[%get3A_839] {strides = array<i32>} : memref<64xf32, #tpu.memory_space<vmem>>, vector<16xf32>,
        %get3A_841 = vector.shape_cast %get3A_840 : vector<16xf32> to vector<16xf32>
        %add3A_842 = arith.addf %add3A_812, %get3A_841 : vector<16xf32>
        %scan3A_843 = arith.constant 8 : i32
        %scan3A_844 = arith.addi %scan3A_601, %scan3A_843 : i32
        %get3A_845 = arith.constant 0 : i32
        %get3A_846 = tpu.memref_slice %arg7[%scan3A_844, %get3A_845] : memref<50x64xf32, #tpu.memory_space<vmem>> -> memref<1x64xf32, #tpu.memory_space<vmem>>
        %get3A_847 = tpu.memref_squeeze %get3A_846 : memref<1x64xf32, #tpu.memory_space<vmem>> -> memref<64xf32, #tpu.memory_space<vmem>>
        %get3A_848 = arith.constant 0 : index
        %get3A_849 = tpu.vector_load %get3A_847[%get3A_848] {strides = array<i32>} : memref<64xf32, #tpu.memory_space<vmem>>, vector<16xf32>,
        %get3A_850 = vector.shape_cast %get3A_849 : vector<16xf32> to vector<16xf32>
        %add3A_851 = arith.addf %add3A_821, %get3A_850 : vector<16xf32>
        %get3A_852 = arith.constant 0 : i32
        %get3A_853 = tpu.memref_slice %arg7[%scan3A_844, %get3A_852] : memref<50x64xf32, #tpu.memory_space<vmem>> -> memref<1x64xf32, #tpu.memory_space<vmem>>
        %get3A_854 = tpu.memref_squeeze %get3A_853 : memref<1x64xf32, #tpu.memory_space<vmem>> -> memref<64xf32, #tpu.memory_space<vmem>>
        %get3A_855 = arith.constant 16 : index
        %get3A_856 = tpu.vector_load %get3A_854[%get3A_855] {strides = array<i32>} : memref<64xf32, #tpu.memory_space<vmem>>, vector<16xf32>,
        %get3A_857 = vector.shape_cast %get3A_856 : vector<16xf32> to vector<16xf32>
        %add3A_858 = arith.addf %add3A_828, %get3A_857 : vector<16xf32>
        %get3A_859 = arith.constant 0 : i32
        %get3A_860 = tpu.memref_slice %arg7[%scan3A_844, %get3A_859] : memref<50x64xf32, #tpu.memory_space<vmem>> -> memref<1x64xf32, #tpu.memory_space<vmem>>
        %get3A_861 = tpu.memref_squeeze %get3A_860 : memref<1x64xf32, #tpu.memory_space<vmem>> -> memref<64xf32, #tpu.memory_space<vmem>>
        %get3A_862 = arith.constant 32 : index
        %get3A_863 = tpu.vector_load %get3A_861[%get3A_862] {strides = array<i32>} : memref<64xf32, #tpu.memory_space<vmem>>, vector<16xf32>,
        %get3A_864 = vector.shape_cast %get3A_863 : vector<16xf32> to vector<16xf32>
        %add3A_865 = arith.addf %add3A_835, %get3A_864 : vector<16xf32>
        %get3A_866 = arith.constant 0 : i32
        %get3A_867 = tpu.memref_slice %arg7[%scan3A_844, %get3A_866] : memref<50x64xf32, #tpu.memory_space<vmem>> -> memref<1x64xf32, #tpu.memory_space<vmem>>
        %get3A_868 = tpu.memref_squeeze %get3A_867 : memref<1x64xf32, #tpu.memory_space<vmem>> -> memref<64xf32, #tpu.memory_space<vmem>>
        %get3A_869 = arith.constant 48 : index
        %get3A_870 = tpu.vector_load %get3A_868[%get3A_869] {strides = array<i32>} : memref<64xf32, #tpu.memory_space<vmem>>, vector<16xf32>,
        %get3A_871 = vector.shape_cast %get3A_870 : vector<16xf32> to vector<16xf32>
        %add3A_872 = arith.addf %add3A_842, %get3A_871 : vector<16xf32>
        %scan3A_873 = arith.constant 9 : i32
        %scan3A_874 = arith.addi %scan3A_601, %scan3A_873 : i32
        %get3A_875 = arith.constant 0 : i32
        %get3A_876 = tpu.memref_slice %arg7[%scan3A_874, %get3A_875] : memref<50x64xf32, #tpu.memory_space<vmem>> -> memref<1x64xf32, #tpu.memory_space<vmem>>
        %get3A_877 = tpu.memref_squeeze %get3A_876 : memref<1x64xf32, #tpu.memory_space<vmem>> -> memref<64xf32, #tpu.memory_space<vmem>>
        %get3A_878 = arith.constant 0 : index
        %get3A_879 = tpu.vector_load %get3A_877[%get3A_878] {strides = array<i32>} : memref<64xf32, #tpu.memory_space<vmem>>, vector<16xf32>,
        %get3A_880 = vector.shape_cast %get3A_879 : vector<16xf32> to vector<16xf32>
        %add3A_881 = arith.addf %add3A_851, %get3A_880 : vector<16xf32>
        %get3A_882 = arith.constant 0 : i32
        %get3A_883 = tpu.memref_slice %arg7[%scan3A_874, %get3A_882] : memref<50x64xf32, #tpu.memory_space<vmem>> -> memref<1x64xf32, #tpu.memory_space<vmem>>
        %get3A_884 = tpu.memref_squeeze %get3A_883 : memref<1x64xf32, #tpu.memory_space<vmem>> -> memref<64xf32, #tpu.memory_space<vmem>>
        %get3A_885 = arith.constant 16 : index
        %get3A_886 = tpu.vector_load %get3A_884[%get3A_885] {strides = array<i32>} : memref<64xf32, #tpu.memory_space<vmem>>, vector<16xf32>,
        %get3A_887 = vector.shape_cast %get3A_886 : vector<16xf32> to vector<16xf32>
        %add3A_888 = arith.addf %add3A_858, %get3A_887 : vector<16xf32>
        %get3A_889 = arith.constant 0 : i32
        %get3A_890 = tpu.memref_slice %arg7[%scan3A_874, %get3A_889] : memref<50x64xf32, #tpu.memory_space<vmem>> -> memref<1x64xf32, #tpu.memory_space<vmem>>
        %get3A_891 = tpu.memref_squeeze %get3A_890 : memref<1x64xf32, #tpu.memory_space<vmem>> -> memref<64xf32, #tpu.memory_space<vmem>>
        %get3A_892 = arith.constant 32 : index
        %get3A_893 = tpu.vector_load %get3A_891[%get3A_892] {strides = array<i32>} : memref<64xf32, #tpu.memory_space<vmem>>, vector<16xf32>,
        %get3A_894 = vector.shape_cast %get3A_893 : vector<16xf32> to vector<16xf32>
        %add3A_895 = arith.addf %add3A_865, %get3A_894 : vector<16xf32>
        %get3A_896 = arith.constant 0 : i32
        %get3A_897 = tpu.memref_slice %arg7[%scan3A_874, %get3A_896] : memref<50x64xf32, #tpu.memory_space<vmem>> -> memref<1x64xf32, #tpu.memory_space<vmem>>
        %get3A_898 = tpu.memref_squeeze %get3A_897 : memref<1x64xf32, #tpu.memory_space<vmem>> -> memref<64xf32, #tpu.memory_space<vmem>>
        %get3A_899 = arith.constant 48 : index
        %get3A_900 = tpu.vector_load %get3A_898[%get3A_899] {strides = array<i32>} : memref<64xf32, #tpu.memory_space<vmem>>, vector<16xf32>,
        %get3A_901 = vector.shape_cast %get3A_900 : vector<16xf32> to vector<16xf32>
        %add3A_902 = arith.addf %add3A_872, %get3A_901 : vector<16xf32>
        scf.yield %add3A_881, %add3A_888, %add3A_895, %add3A_902 : vector<16xf32>, vector<16xf32>, vector<16xf32>, vector<16xf32>
      }
      %scan3A_153 = arith.constant 50 : i32
      %mul3A_154 = arith.constant 64 : i32
      %mul3A_155 = arith.muli %add3A_133, %mul3A_154 : i32
      %mul3A_156 = arith.constant 2.000000e-02 : f32
      %mul3A_157 = vector.broadcast %mul3A_156 : f32 to vector<16xf32>
      %mul3A_158 = arith.mulf %scan3A_152#0, %mul3A_157 : vector<16xf32>
      %add3A_159 = arith.constant 0 : i32
      %add3A_160 = arith.addi %mul3A_155, %add3A_159 : i32
      %swap3A_161 = arith.index_cast %add3A_160 : i32 to index
      %swap3A_162 = tpu.vector_load %arg14[%swap3A_161] {strides = array<i32>} : memref<8192xf32, #tpu.memory_space<vmem>>, vector<16xf32>,
      %swap3A_163 = vector.shape_cast %swap3A_162 : vector<16xf32> to vector<16xf32>
      %swap3A_164 = vector.shape_cast %mul3A_158 : vector<16xf32> to vector<16xf32>
      tpu.vector_store %arg14[%swap3A_161], %swap3A_164 {strides = array<i32>} : memref<8192xf32, #tpu.memory_space<vmem>>, vector<16xf32>,
      %mul3A_165 = arith.constant 2.000000e-02 : f32
      %mul3A_166 = vector.broadcast %mul3A_165 : f32 to vector<16xf32>
      %mul3A_167 = arith.mulf %scan3A_152#1, %mul3A_166 : vector<16xf32>
      %add3A_168 = arith.constant 16 : i32
      %add3A_169 = arith.addi %mul3A_155, %add3A_168 : i32
      %swap3A_170 = arith.index_cast %add3A_169 : i32 to index
      %swap3A_171 = tpu.vector_load %arg14[%swap3A_170] {strides = array<i32>} : memref<8192xf32, #tpu.memory_space<vmem>>, vector<16xf32>,
      %swap3A_172 = vector.shape_cast %swap3A_171 : vector<16xf32> to vector<16xf32>
      %swap3A_173 = vector.shape_cast %mul3A_167 : vector<16xf32> to vector<16xf32>
      tpu.vector_store %arg14[%swap3A_170], %swap3A_173 {strides = array<i32>} : memref<8192xf32, #tpu.memory_space<vmem>>, vector<16xf32>,
      %mul3A_174 = arith.constant 2.000000e-02 : f32
      %mul3A_175 = vector.broadcast %mul3A_174 : f32 to vector<16xf32>
      %mul3A_176 = arith.mulf %scan3A_152#2, %mul3A_175 : vector<16xf32>
      %add3A_177 = arith.constant 32 : i32
      %add3A_178 = arith.addi %mul3A_155, %add3A_177 : i32
      %swap3A_179 = arith.index_cast %add3A_178 : i32 to index
      %swap3A_180 = tpu.vector_load %arg14[%swap3A_179] {strides = array<i32>} : memref<8192xf32, #tpu.memory_space<vmem>>, vector<16xf32>,
      %swap3A_181 = vector.shape_cast %swap3A_180 : vector<16xf32> to vector<16xf32>
      %swap3A_182 = vector.shape_cast %mul3A_176 : vector<16xf32> to vector<16xf32>
      tpu.vector_store %arg14[%swap3A_179], %swap3A_182 {strides = array<i32>} : memref<8192xf32, #tpu.memory_space<vmem>>, vector<16xf32>,
      %mul3A_183 = arith.constant 2.000000e-02 : f32
      %mul3A_184 = vector.broadcast %mul3A_183 : f32 to vector<16xf32>
      %mul3A_185 = arith.mulf %scan3A_152#3, %mul3A_184 : vector<16xf32>
      %add3A_186 = arith.constant 48 : i32
      %add3A_187 = arith.addi %mul3A_155, %add3A_186 : i32
      %swap3A_188 = arith.index_cast %add3A_187 : i32 to index
      %swap3A_189 = tpu.vector_load %arg14[%swap3A_188] {strides = array<i32>} : memref<8192xf32, #tpu.memory_space<vmem>>, vector<16xf32>,
      %swap3A_190 = vector.shape_cast %swap3A_189 : vector<16xf32> to vector<16xf32>
      %swap3A_191 = vector.shape_cast %mul3A_185 : vector<16xf32> to vector<16xf32>
      tpu.vector_store %arg14[%swap3A_188], %swap3A_191 {strides = array<i32>} : memref<8192xf32, #tpu.memory_space<vmem>>, vector<16xf32>,
      %add3A_192 = arith.constant 8 : i32
      %add3A_193 = arith.addi %add3A_133, %add3A_192 : i32
      %lt3A_194 = arith.constant 128 : i32
      %lt3A_195 = arith.cmpi slt, %add3A_193, %lt3A_194 : i32
      %convert_element_type3A_196 = arith.extui %lt3A_195 : i1 to i32
      %cond3A_197 = arith.constant 0 : i32
      %cond3A_198 = arith.cmpi ne, %convert_element_type3A_196, %cond3A_197 : i32
      scf.if %cond3A_198 {
        %dma_start3A_601 = arith.constant 0 : i32
        %dma_start3A_602 = tpu.memref_slice %arg5[%add3A_193, %dma_start3A_601] : memref<128x50xi32, #tpu.memory_space<vmem>> -> memref<1x50xi32, #tpu.memory_space<vmem>>
        %dma_start3A_603 = tpu.memref_squeeze %dma_start3A_602 : memref<1x50xi32, #tpu.memory_space<vmem>> -> memref<50xi32, #tpu.memory_space<vmem>>
        %dma_start3A_604 = arith.constant 0 : i32
        %dma_start3A_605 = arith.constant 0 : i32
        %dma_start3A_606 = tpu.memref_slice %arg3[%dma_start3A_604, %dma_start3A_605] : memref<100000x64xf32, #tpu.memory_space<hbm>> -> memref<100000x64xf32, #tpu.memory_space<hbm>>
        tpu.enqueue_indirect_dma source(%dma_start3A_606 : memref<100000x64xf32, #tpu.memory_space<hbm>>) target(%arg7 : memref<50x64xf32, #tpu.memory_space<vmem>>) offsets(%dma_start3A_603 : memref<50xi32, #tpu.memory_space<vmem>>) semaphore(%arg16 : memref<!tpu.dma_semaphore, #tpu.memory_space<semaphore_mem>>)
      } else {
      }
      %add3A_199 = arith.constant 2 : i32
      %add3A_200 = arith.addi %add3A_70, %add3A_199 : i32
      %dma_wait3A_201 = arith.constant 0 : i32
      %dma_wait3A_202 = tpu.memref_slice %arg5[%add3A_200, %dma_wait3A_201] : memref<128x50xi32, #tpu.memory_space<vmem>> -> memref<1x50xi32, #tpu.memory_space<vmem>>
      %dma_wait3A_203 = tpu.memref_squeeze %dma_wait3A_202 : memref<1x50xi32, #tpu.memory_space<vmem>> -> memref<50xi32, #tpu.memory_space<vmem>>
      %dma_wait3A_204 = arith.constant 0 : i32
      %dma_wait3A_205 = arith.constant 0 : i32
      %dma_wait3A_206 = tpu.memref_slice %arg3[%dma_wait3A_204, %dma_wait3A_205] : memref<100000x64xf32, #tpu.memory_space<hbm>> -> memref<100000x64xf32, #tpu.memory_space<hbm>>
      tpu.wait_indirect_dma semaphore(%arg17 : memref<!tpu.dma_semaphore, #tpu.memory_space<semaphore_mem>>) src(%dma_wait3A_206 : memref<100000x64xf32, #tpu.memory_space<hbm>>) dst(%arg8 : memref<50x64xf32, #tpu.memory_space<vmem>>)
      %broadcast_in_dim3A_207 = arith.constant 0.000000e+00 : f32
      %broadcast_in_dim3A_208 = vector.broadcast %broadcast_in_dim3A_207 : f32 to vector<16xf32>
      %broadcast_in_dim3A_209 = arith.constant 0.000000e+00 : f32
      %broadcast_in_dim3A_210 = vector.broadcast %broadcast_in_dim3A_209 : f32 to vector<16xf32>
      %broadcast_in_dim3A_211 = arith.constant 0.000000e+00 : f32
      %broadcast_in_dim3A_212 = vector.broadcast %broadcast_in_dim3A_211 : f32 to vector<16xf32>
      %broadcast_in_dim3A_213 = arith.constant 0.000000e+00 : f32
      %broadcast_in_dim3A_214 = vector.broadcast %broadcast_in_dim3A_213 : f32 to vector<16xf32>
      %scan3A_215 = arith.constant 0 : i32
      %scan3A_216 = arith.constant 50 : i32
      %scan3A_217 = arith.addi %scan3A_215, %scan3A_216 : i32
      %scan3A_218 = arith.constant 10 : i32
      %scan3A_219:4 = scf.for %scan3A_601 = %scan3A_215 to %scan3A_217 step %scan3A_218 iter_args(%scan3A_602 = %broadcast_in_dim3A_208, %scan3A_603 = %broadcast_in_dim3A_210, %scan3A_604 = %broadcast_in_dim3A_212, %scan3A_605 = %broadcast_in_dim3A_214) -> (vector<16xf32>, vector<16xf32>, vector<16xf32>, vector<16xf32>)  : i32 {
        %get3A = arith.constant 0 : i32
        %get3A_606 = tpu.memref_slice %arg8[%scan3A_601, %get3A] : memref<50x64xf32, #tpu.memory_space<vmem>> -> memref<1x64xf32, #tpu.memory_space<vmem>>
        %get3A_607 = tpu.memref_squeeze %get3A_606 : memref<1x64xf32, #tpu.memory_space<vmem>> -> memref<64xf32, #tpu.memory_space<vmem>>
        %get3A_608 = arith.constant 0 : index
        %get3A_609 = tpu.vector_load %get3A_607[%get3A_608] {strides = array<i32>} : memref<64xf32, #tpu.memory_space<vmem>>, vector<16xf32>,
        %get3A_610 = vector.shape_cast %get3A_609 : vector<16xf32> to vector<16xf32>
        %add3A_611 = arith.addf %scan3A_602, %get3A_610 : vector<16xf32>
        %get3A_612 = arith.constant 0 : i32
        %get3A_613 = tpu.memref_slice %arg8[%scan3A_601, %get3A_612] : memref<50x64xf32, #tpu.memory_space<vmem>> -> memref<1x64xf32, #tpu.memory_space<vmem>>
        %get3A_614 = tpu.memref_squeeze %get3A_613 : memref<1x64xf32, #tpu.memory_space<vmem>> -> memref<64xf32, #tpu.memory_space<vmem>>
        %get3A_615 = arith.constant 16 : index
        %get3A_616 = tpu.vector_load %get3A_614[%get3A_615] {strides = array<i32>} : memref<64xf32, #tpu.memory_space<vmem>>, vector<16xf32>,
        %get3A_617 = vector.shape_cast %get3A_616 : vector<16xf32> to vector<16xf32>
        %add3A_618 = arith.addf %scan3A_603, %get3A_617 : vector<16xf32>
        %get3A_619 = arith.constant 0 : i32
        %get3A_620 = tpu.memref_slice %arg8[%scan3A_601, %get3A_619] : memref<50x64xf32, #tpu.memory_space<vmem>> -> memref<1x64xf32, #tpu.memory_space<vmem>>
        %get3A_621 = tpu.memref_squeeze %get3A_620 : memref<1x64xf32, #tpu.memory_space<vmem>> -> memref<64xf32, #tpu.memory_space<vmem>>
        %get3A_622 = arith.constant 32 : index
        %get3A_623 = tpu.vector_load %get3A_621[%get3A_622] {strides = array<i32>} : memref<64xf32, #tpu.memory_space<vmem>>, vector<16xf32>,
        %get3A_624 = vector.shape_cast %get3A_623 : vector<16xf32> to vector<16xf32>
        %add3A_625 = arith.addf %scan3A_604, %get3A_624 : vector<16xf32>
        %get3A_626 = arith.constant 0 : i32
        %get3A_627 = tpu.memref_slice %arg8[%scan3A_601, %get3A_626] : memref<50x64xf32, #tpu.memory_space<vmem>> -> memref<1x64xf32, #tpu.memory_space<vmem>>
        %get3A_628 = tpu.memref_squeeze %get3A_627 : memref<1x64xf32, #tpu.memory_space<vmem>> -> memref<64xf32, #tpu.memory_space<vmem>>
        %get3A_629 = arith.constant 48 : index
        %get3A_630 = tpu.vector_load %get3A_628[%get3A_629] {strides = array<i32>} : memref<64xf32, #tpu.memory_space<vmem>>, vector<16xf32>,
        %get3A_631 = vector.shape_cast %get3A_630 : vector<16xf32> to vector<16xf32>
        %add3A_632 = arith.addf %scan3A_605, %get3A_631 : vector<16xf32>
        %scan3A_633 = arith.constant 1 : i32
        %scan3A_634 = arith.addi %scan3A_601, %scan3A_633 : i32
        %get3A_635 = arith.constant 0 : i32
        %get3A_636 = tpu.memref_slice %arg8[%scan3A_634, %get3A_635] : memref<50x64xf32, #tpu.memory_space<vmem>> -> memref<1x64xf32, #tpu.memory_space<vmem>>
        %get3A_637 = tpu.memref_squeeze %get3A_636 : memref<1x64xf32, #tpu.memory_space<vmem>> -> memref<64xf32, #tpu.memory_space<vmem>>
        %get3A_638 = arith.constant 0 : index
        %get3A_639 = tpu.vector_load %get3A_637[%get3A_638] {strides = array<i32>} : memref<64xf32, #tpu.memory_space<vmem>>, vector<16xf32>,
        %get3A_640 = vector.shape_cast %get3A_639 : vector<16xf32> to vector<16xf32>
        %add3A_641 = arith.addf %add3A_611, %get3A_640 : vector<16xf32>
        %get3A_642 = arith.constant 0 : i32
        %get3A_643 = tpu.memref_slice %arg8[%scan3A_634, %get3A_642] : memref<50x64xf32, #tpu.memory_space<vmem>> -> memref<1x64xf32, #tpu.memory_space<vmem>>
        %get3A_644 = tpu.memref_squeeze %get3A_643 : memref<1x64xf32, #tpu.memory_space<vmem>> -> memref<64xf32, #tpu.memory_space<vmem>>
        %get3A_645 = arith.constant 16 : index
        %get3A_646 = tpu.vector_load %get3A_644[%get3A_645] {strides = array<i32>} : memref<64xf32, #tpu.memory_space<vmem>>, vector<16xf32>,
        %get3A_647 = vector.shape_cast %get3A_646 : vector<16xf32> to vector<16xf32>
        %add3A_648 = arith.addf %add3A_618, %get3A_647 : vector<16xf32>
        %get3A_649 = arith.constant 0 : i32
        %get3A_650 = tpu.memref_slice %arg8[%scan3A_634, %get3A_649] : memref<50x64xf32, #tpu.memory_space<vmem>> -> memref<1x64xf32, #tpu.memory_space<vmem>>
        %get3A_651 = tpu.memref_squeeze %get3A_650 : memref<1x64xf32, #tpu.memory_space<vmem>> -> memref<64xf32, #tpu.memory_space<vmem>>
        %get3A_652 = arith.constant 32 : index
        %get3A_653 = tpu.vector_load %get3A_651[%get3A_652] {strides = array<i32>} : memref<64xf32, #tpu.memory_space<vmem>>, vector<16xf32>,
        %get3A_654 = vector.shape_cast %get3A_653 : vector<16xf32> to vector<16xf32>
        %add3A_655 = arith.addf %add3A_625, %get3A_654 : vector<16xf32>
        %get3A_656 = arith.constant 0 : i32
        %get3A_657 = tpu.memref_slice %arg8[%scan3A_634, %get3A_656] : memref<50x64xf32, #tpu.memory_space<vmem>> -> memref<1x64xf32, #tpu.memory_space<vmem>>
        %get3A_658 = tpu.memref_squeeze %get3A_657 : memref<1x64xf32, #tpu.memory_space<vmem>> -> memref<64xf32, #tpu.memory_space<vmem>>
        %get3A_659 = arith.constant 48 : index
        %get3A_660 = tpu.vector_load %get3A_658[%get3A_659] {strides = array<i32>} : memref<64xf32, #tpu.memory_space<vmem>>, vector<16xf32>,
        %get3A_661 = vector.shape_cast %get3A_660 : vector<16xf32> to vector<16xf32>
        %add3A_662 = arith.addf %add3A_632, %get3A_661 : vector<16xf32>
        %scan3A_663 = arith.constant 2 : i32
        %scan3A_664 = arith.addi %scan3A_601, %scan3A_663 : i32
        %get3A_665 = arith.constant 0 : i32
        %get3A_666 = tpu.memref_slice %arg8[%scan3A_664, %get3A_665] : memref<50x64xf32, #tpu.memory_space<vmem>> -> memref<1x64xf32, #tpu.memory_space<vmem>>
        %get3A_667 = tpu.memref_squeeze %get3A_666 : memref<1x64xf32, #tpu.memory_space<vmem>> -> memref<64xf32, #tpu.memory_space<vmem>>
        %get3A_668 = arith.constant 0 : index
        %get3A_669 = tpu.vector_load %get3A_667[%get3A_668] {strides = array<i32>} : memref<64xf32, #tpu.memory_space<vmem>>, vector<16xf32>,
        %get3A_670 = vector.shape_cast %get3A_669 : vector<16xf32> to vector<16xf32>
        %add3A_671 = arith.addf %add3A_641, %get3A_670 : vector<16xf32>
        %get3A_672 = arith.constant 0 : i32
        %get3A_673 = tpu.memref_slice %arg8[%scan3A_664, %get3A_672] : memref<50x64xf32, #tpu.memory_space<vmem>> -> memref<1x64xf32, #tpu.memory_space<vmem>>
        %get3A_674 = tpu.memref_squeeze %get3A_673 : memref<1x64xf32, #tpu.memory_space<vmem>> -> memref<64xf32, #tpu.memory_space<vmem>>
        %get3A_675 = arith.constant 16 : index
        %get3A_676 = tpu.vector_load %get3A_674[%get3A_675] {strides = array<i32>} : memref<64xf32, #tpu.memory_space<vmem>>, vector<16xf32>,
        %get3A_677 = vector.shape_cast %get3A_676 : vector<16xf32> to vector<16xf32>
        %add3A_678 = arith.addf %add3A_648, %get3A_677 : vector<16xf32>
        %get3A_679 = arith.constant 0 : i32
        %get3A_680 = tpu.memref_slice %arg8[%scan3A_664, %get3A_679] : memref<50x64xf32, #tpu.memory_space<vmem>> -> memref<1x64xf32, #tpu.memory_space<vmem>>
        %get3A_681 = tpu.memref_squeeze %get3A_680 : memref<1x64xf32, #tpu.memory_space<vmem>> -> memref<64xf32, #tpu.memory_space<vmem>>
        %get3A_682 = arith.constant 32 : index
        %get3A_683 = tpu.vector_load %get3A_681[%get3A_682] {strides = array<i32>} : memref<64xf32, #tpu.memory_space<vmem>>, vector<16xf32>,
        %get3A_684 = vector.shape_cast %get3A_683 : vector<16xf32> to vector<16xf32>
        %add3A_685 = arith.addf %add3A_655, %get3A_684 : vector<16xf32>
        %get3A_686 = arith.constant 0 : i32
        %get3A_687 = tpu.memref_slice %arg8[%scan3A_664, %get3A_686] : memref<50x64xf32, #tpu.memory_space<vmem>> -> memref<1x64xf32, #tpu.memory_space<vmem>>
        %get3A_688 = tpu.memref_squeeze %get3A_687 : memref<1x64xf32, #tpu.memory_space<vmem>> -> memref<64xf32, #tpu.memory_space<vmem>>
        %get3A_689 = arith.constant 48 : index
        %get3A_690 = tpu.vector_load %get3A_688[%get3A_689] {strides = array<i32>} : memref<64xf32, #tpu.memory_space<vmem>>, vector<16xf32>,
        %get3A_691 = vector.shape_cast %get3A_690 : vector<16xf32> to vector<16xf32>
        %add3A_692 = arith.addf %add3A_662, %get3A_691 : vector<16xf32>
        %scan3A_693 = arith.constant 3 : i32
        %scan3A_694 = arith.addi %scan3A_601, %scan3A_693 : i32
        %get3A_695 = arith.constant 0 : i32
        %get3A_696 = tpu.memref_slice %arg8[%scan3A_694, %get3A_695] : memref<50x64xf32, #tpu.memory_space<vmem>> -> memref<1x64xf32, #tpu.memory_space<vmem>>
        %get3A_697 = tpu.memref_squeeze %get3A_696 : memref<1x64xf32, #tpu.memory_space<vmem>> -> memref<64xf32, #tpu.memory_space<vmem>>
        %get3A_698 = arith.constant 0 : index
        %get3A_699 = tpu.vector_load %get3A_697[%get3A_698] {strides = array<i32>} : memref<64xf32, #tpu.memory_space<vmem>>, vector<16xf32>,
        %get3A_700 = vector.shape_cast %get3A_699 : vector<16xf32> to vector<16xf32>
        %add3A_701 = arith.addf %add3A_671, %get3A_700 : vector<16xf32>
        %get3A_702 = arith.constant 0 : i32
        %get3A_703 = tpu.memref_slice %arg8[%scan3A_694, %get3A_702] : memref<50x64xf32, #tpu.memory_space<vmem>> -> memref<1x64xf32, #tpu.memory_space<vmem>>
        %get3A_704 = tpu.memref_squeeze %get3A_703 : memref<1x64xf32, #tpu.memory_space<vmem>> -> memref<64xf32, #tpu.memory_space<vmem>>
        %get3A_705 = arith.constant 16 : index
        %get3A_706 = tpu.vector_load %get3A_704[%get3A_705] {strides = array<i32>} : memref<64xf32, #tpu.memory_space<vmem>>, vector<16xf32>,
        %get3A_707 = vector.shape_cast %get3A_706 : vector<16xf32> to vector<16xf32>
        %add3A_708 = arith.addf %add3A_678, %get3A_707 : vector<16xf32>
        %get3A_709 = arith.constant 0 : i32
        %get3A_710 = tpu.memref_slice %arg8[%scan3A_694, %get3A_709] : memref<50x64xf32, #tpu.memory_space<vmem>> -> memref<1x64xf32, #tpu.memory_space<vmem>>
        %get3A_711 = tpu.memref_squeeze %get3A_710 : memref<1x64xf32, #tpu.memory_space<vmem>> -> memref<64xf32, #tpu.memory_space<vmem>>
        %get3A_712 = arith.constant 32 : index
        %get3A_713 = tpu.vector_load %get3A_711[%get3A_712] {strides = array<i32>} : memref<64xf32, #tpu.memory_space<vmem>>, vector<16xf32>,
        %get3A_714 = vector.shape_cast %get3A_713 : vector<16xf32> to vector<16xf32>
        %add3A_715 = arith.addf %add3A_685, %get3A_714 : vector<16xf32>
        %get3A_716 = arith.constant 0 : i32
        %get3A_717 = tpu.memref_slice %arg8[%scan3A_694, %get3A_716] : memref<50x64xf32, #tpu.memory_space<vmem>> -> memref<1x64xf32, #tpu.memory_space<vmem>>
        %get3A_718 = tpu.memref_squeeze %get3A_717 : memref<1x64xf32, #tpu.memory_space<vmem>> -> memref<64xf32, #tpu.memory_space<vmem>>
        %get3A_719 = arith.constant 48 : index
        %get3A_720 = tpu.vector_load %get3A_718[%get3A_719] {strides = array<i32>} : memref<64xf32, #tpu.memory_space<vmem>>, vector<16xf32>,
        %get3A_721 = vector.shape_cast %get3A_720 : vector<16xf32> to vector<16xf32>
        %add3A_722 = arith.addf %add3A_692, %get3A_721 : vector<16xf32>
        %scan3A_723 = arith.constant 4 : i32
        %scan3A_724 = arith.addi %scan3A_601, %scan3A_723 : i32
        %get3A_725 = arith.constant 0 : i32
        %get3A_726 = tpu.memref_slice %arg8[%scan3A_724, %get3A_725] : memref<50x64xf32, #tpu.memory_space<vmem>> -> memref<1x64xf32, #tpu.memory_space<vmem>>
        %get3A_727 = tpu.memref_squeeze %get3A_726 : memref<1x64xf32, #tpu.memory_space<vmem>> -> memref<64xf32, #tpu.memory_space<vmem>>
        %get3A_728 = arith.constant 0 : index
        %get3A_729 = tpu.vector_load %get3A_727[%get3A_728] {strides = array<i32>} : memref<64xf32, #tpu.memory_space<vmem>>, vector<16xf32>,
        %get3A_730 = vector.shape_cast %get3A_729 : vector<16xf32> to vector<16xf32>
        %add3A_731 = arith.addf %add3A_701, %get3A_730 : vector<16xf32>
        %get3A_732 = arith.constant 0 : i32
        %get3A_733 = tpu.memref_slice %arg8[%scan3A_724, %get3A_732] : memref<50x64xf32, #tpu.memory_space<vmem>> -> memref<1x64xf32, #tpu.memory_space<vmem>>
        %get3A_734 = tpu.memref_squeeze %get3A_733 : memref<1x64xf32, #tpu.memory_space<vmem>> -> memref<64xf32, #tpu.memory_space<vmem>>
        %get3A_735 = arith.constant 16 : index
        %get3A_736 = tpu.vector_load %get3A_734[%get3A_735] {strides = array<i32>} : memref<64xf32, #tpu.memory_space<vmem>>, vector<16xf32>,
        %get3A_737 = vector.shape_cast %get3A_736 : vector<16xf32> to vector<16xf32>
        %add3A_738 = arith.addf %add3A_708, %get3A_737 : vector<16xf32>
        %get3A_739 = arith.constant 0 : i32
        %get3A_740 = tpu.memref_slice %arg8[%scan3A_724, %get3A_739] : memref<50x64xf32, #tpu.memory_space<vmem>> -> memref<1x64xf32, #tpu.memory_space<vmem>>
        %get3A_741 = tpu.memref_squeeze %get3A_740 : memref<1x64xf32, #tpu.memory_space<vmem>> -> memref<64xf32, #tpu.memory_space<vmem>>
        %get3A_742 = arith.constant 32 : index
        %get3A_743 = tpu.vector_load %get3A_741[%get3A_742] {strides = array<i32>} : memref<64xf32, #tpu.memory_space<vmem>>, vector<16xf32>,
        %get3A_744 = vector.shape_cast %get3A_743 : vector<16xf32> to vector<16xf32>
        %add3A_745 = arith.addf %add3A_715, %get3A_744 : vector<16xf32>
        %get3A_746 = arith.constant 0 : i32
        %get3A_747 = tpu.memref_slice %arg8[%scan3A_724, %get3A_746] : memref<50x64xf32, #tpu.memory_space<vmem>> -> memref<1x64xf32, #tpu.memory_space<vmem>>
        %get3A_748 = tpu.memref_squeeze %get3A_747 : memref<1x64xf32, #tpu.memory_space<vmem>> -> memref<64xf32, #tpu.memory_space<vmem>>
        %get3A_749 = arith.constant 48 : index
        %get3A_750 = tpu.vector_load %get3A_748[%get3A_749] {strides = array<i32>} : memref<64xf32, #tpu.memory_space<vmem>>, vector<16xf32>,
        %get3A_751 = vector.shape_cast %get3A_750 : vector<16xf32> to vector<16xf32>
        %add3A_752 = arith.addf %add3A_722, %get3A_751 : vector<16xf32>
        %scan3A_753 = arith.constant 5 : i32
        %scan3A_754 = arith.addi %scan3A_601, %scan3A_753 : i32
        %get3A_755 = arith.constant 0 : i32
        %get3A_756 = tpu.memref_slice %arg8[%scan3A_754, %get3A_755] : memref<50x64xf32, #tpu.memory_space<vmem>> -> memref<1x64xf32, #tpu.memory_space<vmem>>
        %get3A_757 = tpu.memref_squeeze %get3A_756 : memref<1x64xf32, #tpu.memory_space<vmem>> -> memref<64xf32, #tpu.memory_space<vmem>>
        %get3A_758 = arith.constant 0 : index
        %get3A_759 = tpu.vector_load %get3A_757[%get3A_758] {strides = array<i32>} : memref<64xf32, #tpu.memory_space<vmem>>, vector<16xf32>,
        %get3A_760 = vector.shape_cast %get3A_759 : vector<16xf32> to vector<16xf32>
        %add3A_761 = arith.addf %add3A_731, %get3A_760 : vector<16xf32>
        %get3A_762 = arith.constant 0 : i32
        %get3A_763 = tpu.memref_slice %arg8[%scan3A_754, %get3A_762] : memref<50x64xf32, #tpu.memory_space<vmem>> -> memref<1x64xf32, #tpu.memory_space<vmem>>
        %get3A_764 = tpu.memref_squeeze %get3A_763 : memref<1x64xf32, #tpu.memory_space<vmem>> -> memref<64xf32, #tpu.memory_space<vmem>>
        %get3A_765 = arith.constant 16 : index
        %get3A_766 = tpu.vector_load %get3A_764[%get3A_765] {strides = array<i32>} : memref<64xf32, #tpu.memory_space<vmem>>, vector<16xf32>,
        %get3A_767 = vector.shape_cast %get3A_766 : vector<16xf32> to vector<16xf32>
        %add3A_768 = arith.addf %add3A_738, %get3A_767 : vector<16xf32>
        %get3A_769 = arith.constant 0 : i32
        %get3A_770 = tpu.memref_slice %arg8[%scan3A_754, %get3A_769] : memref<50x64xf32, #tpu.memory_space<vmem>> -> memref<1x64xf32, #tpu.memory_space<vmem>>
        %get3A_771 = tpu.memref_squeeze %get3A_770 : memref<1x64xf32, #tpu.memory_space<vmem>> -> memref<64xf32, #tpu.memory_space<vmem>>
        %get3A_772 = arith.constant 32 : index
        %get3A_773 = tpu.vector_load %get3A_771[%get3A_772] {strides = array<i32>} : memref<64xf32, #tpu.memory_space<vmem>>, vector<16xf32>,
        %get3A_774 = vector.shape_cast %get3A_773 : vector<16xf32> to vector<16xf32>
        %add3A_775 = arith.addf %add3A_745, %get3A_774 : vector<16xf32>
        %get3A_776 = arith.constant 0 : i32
        %get3A_777 = tpu.memref_slice %arg8[%scan3A_754, %get3A_776] : memref<50x64xf32, #tpu.memory_space<vmem>> -> memref<1x64xf32, #tpu.memory_space<vmem>>
        %get3A_778 = tpu.memref_squeeze %get3A_777 : memref<1x64xf32, #tpu.memory_space<vmem>> -> memref<64xf32, #tpu.memory_space<vmem>>
        %get3A_779 = arith.constant 48 : index
        %get3A_780 = tpu.vector_load %get3A_778[%get3A_779] {strides = array<i32>} : memref<64xf32, #tpu.memory_space<vmem>>, vector<16xf32>,
        %get3A_781 = vector.shape_cast %get3A_780 : vector<16xf32> to vector<16xf32>
        %add3A_782 = arith.addf %add3A_752, %get3A_781 : vector<16xf32>
        %scan3A_783 = arith.constant 6 : i32
        %scan3A_784 = arith.addi %scan3A_601, %scan3A_783 : i32
        %get3A_785 = arith.constant 0 : i32
        %get3A_786 = tpu.memref_slice %arg8[%scan3A_784, %get3A_785] : memref<50x64xf32, #tpu.memory_space<vmem>> -> memref<1x64xf32, #tpu.memory_space<vmem>>
        %get3A_787 = tpu.memref_squeeze %get3A_786 : memref<1x64xf32, #tpu.memory_space<vmem>> -> memref<64xf32, #tpu.memory_space<vmem>>
        %get3A_788 = arith.constant 0 : index
        %get3A_789 = tpu.vector_load %get3A_787[%get3A_788] {strides = array<i32>} : memref<64xf32, #tpu.memory_space<vmem>>, vector<16xf32>,
        %get3A_790 = vector.shape_cast %get3A_789 : vector<16xf32> to vector<16xf32>
        %add3A_791 = arith.addf %add3A_761, %get3A_790 : vector<16xf32>
        %get3A_792 = arith.constant 0 : i32
        %get3A_793 = tpu.memref_slice %arg8[%scan3A_784, %get3A_792] : memref<50x64xf32, #tpu.memory_space<vmem>> -> memref<1x64xf32, #tpu.memory_space<vmem>>
        %get3A_794 = tpu.memref_squeeze %get3A_793 : memref<1x64xf32, #tpu.memory_space<vmem>> -> memref<64xf32, #tpu.memory_space<vmem>>
        %get3A_795 = arith.constant 16 : index
        %get3A_796 = tpu.vector_load %get3A_794[%get3A_795] {strides = array<i32>} : memref<64xf32, #tpu.memory_space<vmem>>, vector<16xf32>,
        %get3A_797 = vector.shape_cast %get3A_796 : vector<16xf32> to vector<16xf32>
        %add3A_798 = arith.addf %add3A_768, %get3A_797 : vector<16xf32>
        %get3A_799 = arith.constant 0 : i32
        %get3A_800 = tpu.memref_slice %arg8[%scan3A_784, %get3A_799] : memref<50x64xf32, #tpu.memory_space<vmem>> -> memref<1x64xf32, #tpu.memory_space<vmem>>
        %get3A_801 = tpu.memref_squeeze %get3A_800 : memref<1x64xf32, #tpu.memory_space<vmem>> -> memref<64xf32, #tpu.memory_space<vmem>>
        %get3A_802 = arith.constant 32 : index
        %get3A_803 = tpu.vector_load %get3A_801[%get3A_802] {strides = array<i32>} : memref<64xf32, #tpu.memory_space<vmem>>, vector<16xf32>,
        %get3A_804 = vector.shape_cast %get3A_803 : vector<16xf32> to vector<16xf32>
        %add3A_805 = arith.addf %add3A_775, %get3A_804 : vector<16xf32>
        %get3A_806 = arith.constant 0 : i32
        %get3A_807 = tpu.memref_slice %arg8[%scan3A_784, %get3A_806] : memref<50x64xf32, #tpu.memory_space<vmem>> -> memref<1x64xf32, #tpu.memory_space<vmem>>
        %get3A_808 = tpu.memref_squeeze %get3A_807 : memref<1x64xf32, #tpu.memory_space<vmem>> -> memref<64xf32, #tpu.memory_space<vmem>>
        %get3A_809 = arith.constant 48 : index
        %get3A_810 = tpu.vector_load %get3A_808[%get3A_809] {strides = array<i32>} : memref<64xf32, #tpu.memory_space<vmem>>, vector<16xf32>,
        %get3A_811 = vector.shape_cast %get3A_810 : vector<16xf32> to vector<16xf32>
        %add3A_812 = arith.addf %add3A_782, %get3A_811 : vector<16xf32>
        %scan3A_813 = arith.constant 7 : i32
        %scan3A_814 = arith.addi %scan3A_601, %scan3A_813 : i32
        %get3A_815 = arith.constant 0 : i32
        %get3A_816 = tpu.memref_slice %arg8[%scan3A_814, %get3A_815] : memref<50x64xf32, #tpu.memory_space<vmem>> -> memref<1x64xf32, #tpu.memory_space<vmem>>
        %get3A_817 = tpu.memref_squeeze %get3A_816 : memref<1x64xf32, #tpu.memory_space<vmem>> -> memref<64xf32, #tpu.memory_space<vmem>>
        %get3A_818 = arith.constant 0 : index
        %get3A_819 = tpu.vector_load %get3A_817[%get3A_818] {strides = array<i32>} : memref<64xf32, #tpu.memory_space<vmem>>, vector<16xf32>,
        %get3A_820 = vector.shape_cast %get3A_819 : vector<16xf32> to vector<16xf32>
        %add3A_821 = arith.addf %add3A_791, %get3A_820 : vector<16xf32>
        %get3A_822 = arith.constant 0 : i32
        %get3A_823 = tpu.memref_slice %arg8[%scan3A_814, %get3A_822] : memref<50x64xf32, #tpu.memory_space<vmem>> -> memref<1x64xf32, #tpu.memory_space<vmem>>
        %get3A_824 = tpu.memref_squeeze %get3A_823 : memref<1x64xf32, #tpu.memory_space<vmem>> -> memref<64xf32, #tpu.memory_space<vmem>>
        %get3A_825 = arith.constant 16 : index
        %get3A_826 = tpu.vector_load %get3A_824[%get3A_825] {strides = array<i32>} : memref<64xf32, #tpu.memory_space<vmem>>, vector<16xf32>,
        %get3A_827 = vector.shape_cast %get3A_826 : vector<16xf32> to vector<16xf32>
        %add3A_828 = arith.addf %add3A_798, %get3A_827 : vector<16xf32>
        %get3A_829 = arith.constant 0 : i32
        %get3A_830 = tpu.memref_slice %arg8[%scan3A_814, %get3A_829] : memref<50x64xf32, #tpu.memory_space<vmem>> -> memref<1x64xf32, #tpu.memory_space<vmem>>
        %get3A_831 = tpu.memref_squeeze %get3A_830 : memref<1x64xf32, #tpu.memory_space<vmem>> -> memref<64xf32, #tpu.memory_space<vmem>>
        %get3A_832 = arith.constant 32 : index
        %get3A_833 = tpu.vector_load %get3A_831[%get3A_832] {strides = array<i32>} : memref<64xf32, #tpu.memory_space<vmem>>, vector<16xf32>,
        %get3A_834 = vector.shape_cast %get3A_833 : vector<16xf32> to vector<16xf32>
        %add3A_835 = arith.addf %add3A_805, %get3A_834 : vector<16xf32>
        %get3A_836 = arith.constant 0 : i32
        %get3A_837 = tpu.memref_slice %arg8[%scan3A_814, %get3A_836] : memref<50x64xf32, #tpu.memory_space<vmem>> -> memref<1x64xf32, #tpu.memory_space<vmem>>
        %get3A_838 = tpu.memref_squeeze %get3A_837 : memref<1x64xf32, #tpu.memory_space<vmem>> -> memref<64xf32, #tpu.memory_space<vmem>>
        %get3A_839 = arith.constant 48 : index
        %get3A_840 = tpu.vector_load %get3A_838[%get3A_839] {strides = array<i32>} : memref<64xf32, #tpu.memory_space<vmem>>, vector<16xf32>,
        %get3A_841 = vector.shape_cast %get3A_840 : vector<16xf32> to vector<16xf32>
        %add3A_842 = arith.addf %add3A_812, %get3A_841 : vector<16xf32>
        %scan3A_843 = arith.constant 8 : i32
        %scan3A_844 = arith.addi %scan3A_601, %scan3A_843 : i32
        %get3A_845 = arith.constant 0 : i32
        %get3A_846 = tpu.memref_slice %arg8[%scan3A_844, %get3A_845] : memref<50x64xf32, #tpu.memory_space<vmem>> -> memref<1x64xf32, #tpu.memory_space<vmem>>
        %get3A_847 = tpu.memref_squeeze %get3A_846 : memref<1x64xf32, #tpu.memory_space<vmem>> -> memref<64xf32, #tpu.memory_space<vmem>>
        %get3A_848 = arith.constant 0 : index
        %get3A_849 = tpu.vector_load %get3A_847[%get3A_848] {strides = array<i32>} : memref<64xf32, #tpu.memory_space<vmem>>, vector<16xf32>,
        %get3A_850 = vector.shape_cast %get3A_849 : vector<16xf32> to vector<16xf32>
        %add3A_851 = arith.addf %add3A_821, %get3A_850 : vector<16xf32>
        %get3A_852 = arith.constant 0 : i32
        %get3A_853 = tpu.memref_slice %arg8[%scan3A_844, %get3A_852] : memref<50x64xf32, #tpu.memory_space<vmem>> -> memref<1x64xf32, #tpu.memory_space<vmem>>
        %get3A_854 = tpu.memref_squeeze %get3A_853 : memref<1x64xf32, #tpu.memory_space<vmem>> -> memref<64xf32, #tpu.memory_space<vmem>>
        %get3A_855 = arith.constant 16 : index
        %get3A_856 = tpu.vector_load %get3A_854[%get3A_855] {strides = array<i32>} : memref<64xf32, #tpu.memory_space<vmem>>, vector<16xf32>,
        %get3A_857 = vector.shape_cast %get3A_856 : vector<16xf32> to vector<16xf32>
        %add3A_858 = arith.addf %add3A_828, %get3A_857 : vector<16xf32>
        %get3A_859 = arith.constant 0 : i32
        %get3A_860 = tpu.memref_slice %arg8[%scan3A_844, %get3A_859] : memref<50x64xf32, #tpu.memory_space<vmem>> -> memref<1x64xf32, #tpu.memory_space<vmem>>
        %get3A_861 = tpu.memref_squeeze %get3A_860 : memref<1x64xf32, #tpu.memory_space<vmem>> -> memref<64xf32, #tpu.memory_space<vmem>>
        %get3A_862 = arith.constant 32 : index
        %get3A_863 = tpu.vector_load %get3A_861[%get3A_862] {strides = array<i32>} : memref<64xf32, #tpu.memory_space<vmem>>, vector<16xf32>,
        %get3A_864 = vector.shape_cast %get3A_863 : vector<16xf32> to vector<16xf32>
        %add3A_865 = arith.addf %add3A_835, %get3A_864 : vector<16xf32>
        %get3A_866 = arith.constant 0 : i32
        %get3A_867 = tpu.memref_slice %arg8[%scan3A_844, %get3A_866] : memref<50x64xf32, #tpu.memory_space<vmem>> -> memref<1x64xf32, #tpu.memory_space<vmem>>
        %get3A_868 = tpu.memref_squeeze %get3A_867 : memref<1x64xf32, #tpu.memory_space<vmem>> -> memref<64xf32, #tpu.memory_space<vmem>>
        %get3A_869 = arith.constant 48 : index
        %get3A_870 = tpu.vector_load %get3A_868[%get3A_869] {strides = array<i32>} : memref<64xf32, #tpu.memory_space<vmem>>, vector<16xf32>,
        %get3A_871 = vector.shape_cast %get3A_870 : vector<16xf32> to vector<16xf32>
        %add3A_872 = arith.addf %add3A_842, %get3A_871 : vector<16xf32>
        %scan3A_873 = arith.constant 9 : i32
        %scan3A_874 = arith.addi %scan3A_601, %scan3A_873 : i32
        %get3A_875 = arith.constant 0 : i32
        %get3A_876 = tpu.memref_slice %arg8[%scan3A_874, %get3A_875] : memref<50x64xf32, #tpu.memory_space<vmem>> -> memref<1x64xf32, #tpu.memory_space<vmem>>
        %get3A_877 = tpu.memref_squeeze %get3A_876 : memref<1x64xf32, #tpu.memory_space<vmem>> -> memref<64xf32, #tpu.memory_space<vmem>>
        %get3A_878 = arith.constant 0 : index
        %get3A_879 = tpu.vector_load %get3A_877[%get3A_878] {strides = array<i32>} : memref<64xf32, #tpu.memory_space<vmem>>, vector<16xf32>,
        %get3A_880 = vector.shape_cast %get3A_879 : vector<16xf32> to vector<16xf32>
        %add3A_881 = arith.addf %add3A_851, %get3A_880 : vector<16xf32>
        %get3A_882 = arith.constant 0 : i32
        %get3A_883 = tpu.memref_slice %arg8[%scan3A_874, %get3A_882] : memref<50x64xf32, #tpu.memory_space<vmem>> -> memref<1x64xf32, #tpu.memory_space<vmem>>
        %get3A_884 = tpu.memref_squeeze %get3A_883 : memref<1x64xf32, #tpu.memory_space<vmem>> -> memref<64xf32, #tpu.memory_space<vmem>>
        %get3A_885 = arith.constant 16 : index
        %get3A_886 = tpu.vector_load %get3A_884[%get3A_885] {strides = array<i32>} : memref<64xf32, #tpu.memory_space<vmem>>, vector<16xf32>,
        %get3A_887 = vector.shape_cast %get3A_886 : vector<16xf32> to vector<16xf32>
        %add3A_888 = arith.addf %add3A_858, %get3A_887 : vector<16xf32>
        %get3A_889 = arith.constant 0 : i32
        %get3A_890 = tpu.memref_slice %arg8[%scan3A_874, %get3A_889] : memref<50x64xf32, #tpu.memory_space<vmem>> -> memref<1x64xf32, #tpu.memory_space<vmem>>
        %get3A_891 = tpu.memref_squeeze %get3A_890 : memref<1x64xf32, #tpu.memory_space<vmem>> -> memref<64xf32, #tpu.memory_space<vmem>>
        %get3A_892 = arith.constant 32 : index
        %get3A_893 = tpu.vector_load %get3A_891[%get3A_892] {strides = array<i32>} : memref<64xf32, #tpu.memory_space<vmem>>, vector<16xf32>,
        %get3A_894 = vector.shape_cast %get3A_893 : vector<16xf32> to vector<16xf32>
        %add3A_895 = arith.addf %add3A_865, %get3A_894 : vector<16xf32>
        %get3A_896 = arith.constant 0 : i32
        %get3A_897 = tpu.memref_slice %arg8[%scan3A_874, %get3A_896] : memref<50x64xf32, #tpu.memory_space<vmem>> -> memref<1x64xf32, #tpu.memory_space<vmem>>
        %get3A_898 = tpu.memref_squeeze %get3A_897 : memref<1x64xf32, #tpu.memory_space<vmem>> -> memref<64xf32, #tpu.memory_space<vmem>>
        %get3A_899 = arith.constant 48 : index
        %get3A_900 = tpu.vector_load %get3A_898[%get3A_899] {strides = array<i32>} : memref<64xf32, #tpu.memory_space<vmem>>, vector<16xf32>,
        %get3A_901 = vector.shape_cast %get3A_900 : vector<16xf32> to vector<16xf32>
        %add3A_902 = arith.addf %add3A_872, %get3A_901 : vector<16xf32>
        scf.yield %add3A_881, %add3A_888, %add3A_895, %add3A_902 : vector<16xf32>, vector<16xf32>, vector<16xf32>, vector<16xf32>
      }
      %scan3A_220 = arith.constant 50 : i32
      %mul3A_221 = arith.constant 64 : i32
      %mul3A_222 = arith.muli %add3A_200, %mul3A_221 : i32
      %mul3A_223 = arith.constant 2.000000e-02 : f32
      %mul3A_224 = vector.broadcast %mul3A_223 : f32 to vector<16xf32>
      %mul3A_225 = arith.mulf %scan3A_219#0, %mul3A_224 : vector<16xf32>
      %add3A_226 = arith.constant 0 : i32
      %add3A_227 = arith.addi %mul3A_222, %add3A_226 : i32
      %swap3A_228 = arith.index_cast %add3A_227 : i32 to index
      %swap3A_229 = tpu.vector_load %arg14[%swap3A_228] {strides = array<i32>} : memref<8192xf32, #tpu.memory_space<vmem>>, vector<16xf32>,
      %swap3A_230 = vector.shape_cast %swap3A_229 : vector<16xf32> to vector<16xf32>
      %swap3A_231 = vector.shape_cast %mul3A_225 : vector<16xf32> to vector<16xf32>
      tpu.vector_store %arg14[%swap3A_228], %swap3A_231 {strides = array<i32>} : memref<8192xf32, #tpu.memory_space<vmem>>, vector<16xf32>,
      %mul3A_232 = arith.constant 2.000000e-02 : f32
      %mul3A_233 = vector.broadcast %mul3A_232 : f32 to vector<16xf32>
      %mul3A_234 = arith.mulf %scan3A_219#1, %mul3A_233 : vector<16xf32>
      %add3A_235 = arith.constant 16 : i32
      %add3A_236 = arith.addi %mul3A_222, %add3A_235 : i32
      %swap3A_237 = arith.index_cast %add3A_236 : i32 to index
      %swap3A_238 = tpu.vector_load %arg14[%swap3A_237] {strides = array<i32>} : memref<8192xf32, #tpu.memory_space<vmem>>, vector<16xf32>,
      %swap3A_239 = vector.shape_cast %swap3A_238 : vector<16xf32> to vector<16xf32>
      %swap3A_240 = vector.shape_cast %mul3A_234 : vector<16xf32> to vector<16xf32>
      tpu.vector_store %arg14[%swap3A_237], %swap3A_240 {strides = array<i32>} : memref<8192xf32, #tpu.memory_space<vmem>>, vector<16xf32>,
      %mul3A_241 = arith.constant 2.000000e-02 : f32
      %mul3A_242 = vector.broadcast %mul3A_241 : f32 to vector<16xf32>
      %mul3A_243 = arith.mulf %scan3A_219#2, %mul3A_242 : vector<16xf32>
      %add3A_244 = arith.constant 32 : i32
      %add3A_245 = arith.addi %mul3A_222, %add3A_244 : i32
      %swap3A_246 = arith.index_cast %add3A_245 : i32 to index
      %swap3A_247 = tpu.vector_load %arg14[%swap3A_246] {strides = array<i32>} : memref<8192xf32, #tpu.memory_space<vmem>>, vector<16xf32>,
      %swap3A_248 = vector.shape_cast %swap3A_247 : vector<16xf32> to vector<16xf32>
      %swap3A_249 = vector.shape_cast %mul3A_243 : vector<16xf32> to vector<16xf32>
      tpu.vector_store %arg14[%swap3A_246], %swap3A_249 {strides = array<i32>} : memref<8192xf32, #tpu.memory_space<vmem>>, vector<16xf32>,
      %mul3A_250 = arith.constant 2.000000e-02 : f32
      %mul3A_251 = vector.broadcast %mul3A_250 : f32 to vector<16xf32>
      %mul3A_252 = arith.mulf %scan3A_219#3, %mul3A_251 : vector<16xf32>
      %add3A_253 = arith.constant 48 : i32
      %add3A_254 = arith.addi %mul3A_222, %add3A_253 : i32
      %swap3A_255 = arith.index_cast %add3A_254 : i32 to index
      %swap3A_256 = tpu.vector_load %arg14[%swap3A_255] {strides = array<i32>} : memref<8192xf32, #tpu.memory_space<vmem>>, vector<16xf32>,
      %swap3A_257 = vector.shape_cast %swap3A_256 : vector<16xf32> to vector<16xf32>
      %swap3A_258 = vector.shape_cast %mul3A_252 : vector<16xf32> to vector<16xf32>
      tpu.vector_store %arg14[%swap3A_255], %swap3A_258 {strides = array<i32>} : memref<8192xf32, #tpu.memory_space<vmem>>, vector<16xf32>,
      %add3A_259 = arith.constant 8 : i32
      %add3A_260 = arith.addi %add3A_200, %add3A_259 : i32
      %lt3A_261 = arith.constant 128 : i32
      %lt3A_262 = arith.cmpi slt, %add3A_260, %lt3A_261 : i32
      %convert_element_type3A_263 = arith.extui %lt3A_262 : i1 to i32
      %cond3A_264 = arith.constant 0 : i32
      %cond3A_265 = arith.cmpi ne, %convert_element_type3A_263, %cond3A_264 : i32
      scf.if %cond3A_265 {
        %dma_start3A_601 = arith.constant 0 : i32
        %dma_start3A_602 = tpu.memref_slice %arg5[%add3A_260, %dma_start3A_601] : memref<128x50xi32, #tpu.memory_space<vmem>> -> memref<1x50xi32, #tpu.memory_space<vmem>>
        %dma_start3A_603 = tpu.memref_squeeze %dma_start3A_602 : memref<1x50xi32, #tpu.memory_space<vmem>> -> memref<50xi32, #tpu.memory_space<vmem>>
        %dma_start3A_604 = arith.constant 0 : i32
        %dma_start3A_605 = arith.constant 0 : i32
        %dma_start3A_606 = tpu.memref_slice %arg3[%dma_start3A_604, %dma_start3A_605] : memref<100000x64xf32, #tpu.memory_space<hbm>> -> memref<100000x64xf32, #tpu.memory_space<hbm>>
        tpu.enqueue_indirect_dma source(%dma_start3A_606 : memref<100000x64xf32, #tpu.memory_space<hbm>>) target(%arg8 : memref<50x64xf32, #tpu.memory_space<vmem>>) offsets(%dma_start3A_603 : memref<50xi32, #tpu.memory_space<vmem>>) semaphore(%arg17 : memref<!tpu.dma_semaphore, #tpu.memory_space<semaphore_mem>>)
      } else {
      }
      %add3A_266 = arith.constant 3 : i32
      %add3A_267 = arith.addi %add3A_70, %add3A_266 : i32
      %dma_wait3A_268 = arith.constant 0 : i32
      %dma_wait3A_269 = tpu.memref_slice %arg5[%add3A_267, %dma_wait3A_268] : memref<128x50xi32, #tpu.memory_space<vmem>> -> memref<1x50xi32, #tpu.memory_space<vmem>>
      %dma_wait3A_270 = tpu.memref_squeeze %dma_wait3A_269 : memref<1x50xi32, #tpu.memory_space<vmem>> -> memref<50xi32, #tpu.memory_space<vmem>>
      %dma_wait3A_271 = arith.constant 0 : i32
      %dma_wait3A_272 = arith.constant 0 : i32
      %dma_wait3A_273 = tpu.memref_slice %arg3[%dma_wait3A_271, %dma_wait3A_272] : memref<100000x64xf32, #tpu.memory_space<hbm>> -> memref<100000x64xf32, #tpu.memory_space<hbm>>
      tpu.wait_indirect_dma semaphore(%arg18 : memref<!tpu.dma_semaphore, #tpu.memory_space<semaphore_mem>>) src(%dma_wait3A_273 : memref<100000x64xf32, #tpu.memory_space<hbm>>) dst(%arg9 : memref<50x64xf32, #tpu.memory_space<vmem>>)
      %broadcast_in_dim3A_274 = arith.constant 0.000000e+00 : f32
      %broadcast_in_dim3A_275 = vector.broadcast %broadcast_in_dim3A_274 : f32 to vector<16xf32>
      %broadcast_in_dim3A_276 = arith.constant 0.000000e+00 : f32
      %broadcast_in_dim3A_277 = vector.broadcast %broadcast_in_dim3A_276 : f32 to vector<16xf32>
      %broadcast_in_dim3A_278 = arith.constant 0.000000e+00 : f32
      %broadcast_in_dim3A_279 = vector.broadcast %broadcast_in_dim3A_278 : f32 to vector<16xf32>
      %broadcast_in_dim3A_280 = arith.constant 0.000000e+00 : f32
      %broadcast_in_dim3A_281 = vector.broadcast %broadcast_in_dim3A_280 : f32 to vector<16xf32>
      %scan3A_282 = arith.constant 0 : i32
      %scan3A_283 = arith.constant 50 : i32
      %scan3A_284 = arith.addi %scan3A_282, %scan3A_283 : i32
      %scan3A_285 = arith.constant 10 : i32
      %scan3A_286:4 = scf.for %scan3A_601 = %scan3A_282 to %scan3A_284 step %scan3A_285 iter_args(%scan3A_602 = %broadcast_in_dim3A_275, %scan3A_603 = %broadcast_in_dim3A_277, %scan3A_604 = %broadcast_in_dim3A_279, %scan3A_605 = %broadcast_in_dim3A_281) -> (vector<16xf32>, vector<16xf32>, vector<16xf32>, vector<16xf32>)  : i32 {
        %get3A = arith.constant 0 : i32
        %get3A_606 = tpu.memref_slice %arg9[%scan3A_601, %get3A] : memref<50x64xf32, #tpu.memory_space<vmem>> -> memref<1x64xf32, #tpu.memory_space<vmem>>
        %get3A_607 = tpu.memref_squeeze %get3A_606 : memref<1x64xf32, #tpu.memory_space<vmem>> -> memref<64xf32, #tpu.memory_space<vmem>>
        %get3A_608 = arith.constant 0 : index
        %get3A_609 = tpu.vector_load %get3A_607[%get3A_608] {strides = array<i32>} : memref<64xf32, #tpu.memory_space<vmem>>, vector<16xf32>,
        %get3A_610 = vector.shape_cast %get3A_609 : vector<16xf32> to vector<16xf32>
        %add3A_611 = arith.addf %scan3A_602, %get3A_610 : vector<16xf32>
        %get3A_612 = arith.constant 0 : i32
        %get3A_613 = tpu.memref_slice %arg9[%scan3A_601, %get3A_612] : memref<50x64xf32, #tpu.memory_space<vmem>> -> memref<1x64xf32, #tpu.memory_space<vmem>>
        %get3A_614 = tpu.memref_squeeze %get3A_613 : memref<1x64xf32, #tpu.memory_space<vmem>> -> memref<64xf32, #tpu.memory_space<vmem>>
        %get3A_615 = arith.constant 16 : index
        %get3A_616 = tpu.vector_load %get3A_614[%get3A_615] {strides = array<i32>} : memref<64xf32, #tpu.memory_space<vmem>>, vector<16xf32>,
        %get3A_617 = vector.shape_cast %get3A_616 : vector<16xf32> to vector<16xf32>
        %add3A_618 = arith.addf %scan3A_603, %get3A_617 : vector<16xf32>
        %get3A_619 = arith.constant 0 : i32
        %get3A_620 = tpu.memref_slice %arg9[%scan3A_601, %get3A_619] : memref<50x64xf32, #tpu.memory_space<vmem>> -> memref<1x64xf32, #tpu.memory_space<vmem>>
        %get3A_621 = tpu.memref_squeeze %get3A_620 : memref<1x64xf32, #tpu.memory_space<vmem>> -> memref<64xf32, #tpu.memory_space<vmem>>
        %get3A_622 = arith.constant 32 : index
        %get3A_623 = tpu.vector_load %get3A_621[%get3A_622] {strides = array<i32>} : memref<64xf32, #tpu.memory_space<vmem>>, vector<16xf32>,
        %get3A_624 = vector.shape_cast %get3A_623 : vector<16xf32> to vector<16xf32>
        %add3A_625 = arith.addf %scan3A_604, %get3A_624 : vector<16xf32>
        %get3A_626 = arith.constant 0 : i32
        %get3A_627 = tpu.memref_slice %arg9[%scan3A_601, %get3A_626] : memref<50x64xf32, #tpu.memory_space<vmem>> -> memref<1x64xf32, #tpu.memory_space<vmem>>
        %get3A_628 = tpu.memref_squeeze %get3A_627 : memref<1x64xf32, #tpu.memory_space<vmem>> -> memref<64xf32, #tpu.memory_space<vmem>>
        %get3A_629 = arith.constant 48 : index
        %get3A_630 = tpu.vector_load %get3A_628[%get3A_629] {strides = array<i32>} : memref<64xf32, #tpu.memory_space<vmem>>, vector<16xf32>,
        %get3A_631 = vector.shape_cast %get3A_630 : vector<16xf32> to vector<16xf32>
        %add3A_632 = arith.addf %scan3A_605, %get3A_631 : vector<16xf32>
        %scan3A_633 = arith.constant 1 : i32
        %scan3A_634 = arith.addi %scan3A_601, %scan3A_633 : i32
        %get3A_635 = arith.constant 0 : i32
        %get3A_636 = tpu.memref_slice %arg9[%scan3A_634, %get3A_635] : memref<50x64xf32, #tpu.memory_space<vmem>> -> memref<1x64xf32, #tpu.memory_space<vmem>>
        %get3A_637 = tpu.memref_squeeze %get3A_636 : memref<1x64xf32, #tpu.memory_space<vmem>> -> memref<64xf32, #tpu.memory_space<vmem>>
        %get3A_638 = arith.constant 0 : index
        %get3A_639 = tpu.vector_load %get3A_637[%get3A_638] {strides = array<i32>} : memref<64xf32, #tpu.memory_space<vmem>>, vector<16xf32>,
        %get3A_640 = vector.shape_cast %get3A_639 : vector<16xf32> to vector<16xf32>
        %add3A_641 = arith.addf %add3A_611, %get3A_640 : vector<16xf32>
        %get3A_642 = arith.constant 0 : i32
        %get3A_643 = tpu.memref_slice %arg9[%scan3A_634, %get3A_642] : memref<50x64xf32, #tpu.memory_space<vmem>> -> memref<1x64xf32, #tpu.memory_space<vmem>>
        %get3A_644 = tpu.memref_squeeze %get3A_643 : memref<1x64xf32, #tpu.memory_space<vmem>> -> memref<64xf32, #tpu.memory_space<vmem>>
        %get3A_645 = arith.constant 16 : index
        %get3A_646 = tpu.vector_load %get3A_644[%get3A_645] {strides = array<i32>} : memref<64xf32, #tpu.memory_space<vmem>>, vector<16xf32>,
        %get3A_647 = vector.shape_cast %get3A_646 : vector<16xf32> to vector<16xf32>
        %add3A_648 = arith.addf %add3A_618, %get3A_647 : vector<16xf32>
        %get3A_649 = arith.constant 0 : i32
        %get3A_650 = tpu.memref_slice %arg9[%scan3A_634, %get3A_649] : memref<50x64xf32, #tpu.memory_space<vmem>> -> memref<1x64xf32, #tpu.memory_space<vmem>>
        %get3A_651 = tpu.memref_squeeze %get3A_650 : memref<1x64xf32, #tpu.memory_space<vmem>> -> memref<64xf32, #tpu.memory_space<vmem>>
        %get3A_652 = arith.constant 32 : index
        %get3A_653 = tpu.vector_load %get3A_651[%get3A_652] {strides = array<i32>} : memref<64xf32, #tpu.memory_space<vmem>>, vector<16xf32>,
        %get3A_654 = vector.shape_cast %get3A_653 : vector<16xf32> to vector<16xf32>
        %add3A_655 = arith.addf %add3A_625, %get3A_654 : vector<16xf32>
        %get3A_656 = arith.constant 0 : i32
        %get3A_657 = tpu.memref_slice %arg9[%scan3A_634, %get3A_656] : memref<50x64xf32, #tpu.memory_space<vmem>> -> memref<1x64xf32, #tpu.memory_space<vmem>>
        %get3A_658 = tpu.memref_squeeze %get3A_657 : memref<1x64xf32, #tpu.memory_space<vmem>> -> memref<64xf32, #tpu.memory_space<vmem>>
        %get3A_659 = arith.constant 48 : index
        %get3A_660 = tpu.vector_load %get3A_658[%get3A_659] {strides = array<i32>} : memref<64xf32, #tpu.memory_space<vmem>>, vector<16xf32>,
        %get3A_661 = vector.shape_cast %get3A_660 : vector<16xf32> to vector<16xf32>
        %add3A_662 = arith.addf %add3A_632, %get3A_661 : vector<16xf32>
        %scan3A_663 = arith.constant 2 : i32
        %scan3A_664 = arith.addi %scan3A_601, %scan3A_663 : i32
        %get3A_665 = arith.constant 0 : i32
        %get3A_666 = tpu.memref_slice %arg9[%scan3A_664, %get3A_665] : memref<50x64xf32, #tpu.memory_space<vmem>> -> memref<1x64xf32, #tpu.memory_space<vmem>>
        %get3A_667 = tpu.memref_squeeze %get3A_666 : memref<1x64xf32, #tpu.memory_space<vmem>> -> memref<64xf32, #tpu.memory_space<vmem>>
        %get3A_668 = arith.constant 0 : index
        %get3A_669 = tpu.vector_load %get3A_667[%get3A_668] {strides = array<i32>} : memref<64xf32, #tpu.memory_space<vmem>>, vector<16xf32>,
        %get3A_670 = vector.shape_cast %get3A_669 : vector<16xf32> to vector<16xf32>
        %add3A_671 = arith.addf %add3A_641, %get3A_670 : vector<16xf32>
        %get3A_672 = arith.constant 0 : i32
        %get3A_673 = tpu.memref_slice %arg9[%scan3A_664, %get3A_672] : memref<50x64xf32, #tpu.memory_space<vmem>> -> memref<1x64xf32, #tpu.memory_space<vmem>>
        %get3A_674 = tpu.memref_squeeze %get3A_673 : memref<1x64xf32, #tpu.memory_space<vmem>> -> memref<64xf32, #tpu.memory_space<vmem>>
        %get3A_675 = arith.constant 16 : index
        %get3A_676 = tpu.vector_load %get3A_674[%get3A_675] {strides = array<i32>} : memref<64xf32, #tpu.memory_space<vmem>>, vector<16xf32>,
        %get3A_677 = vector.shape_cast %get3A_676 : vector<16xf32> to vector<16xf32>
        %add3A_678 = arith.addf %add3A_648, %get3A_677 : vector<16xf32>
        %get3A_679 = arith.constant 0 : i32
        %get3A_680 = tpu.memref_slice %arg9[%scan3A_664, %get3A_679] : memref<50x64xf32, #tpu.memory_space<vmem>> -> memref<1x64xf32, #tpu.memory_space<vmem>>
        %get3A_681 = tpu.memref_squeeze %get3A_680 : memref<1x64xf32, #tpu.memory_space<vmem>> -> memref<64xf32, #tpu.memory_space<vmem>>
        %get3A_682 = arith.constant 32 : index
        %get3A_683 = tpu.vector_load %get3A_681[%get3A_682] {strides = array<i32>} : memref<64xf32, #tpu.memory_space<vmem>>, vector<16xf32>,
        %get3A_684 = vector.shape_cast %get3A_683 : vector<16xf32> to vector<16xf32>
        %add3A_685 = arith.addf %add3A_655, %get3A_684 : vector<16xf32>
        %get3A_686 = arith.constant 0 : i32
        %get3A_687 = tpu.memref_slice %arg9[%scan3A_664, %get3A_686] : memref<50x64xf32, #tpu.memory_space<vmem>> -> memref<1x64xf32, #tpu.memory_space<vmem>>
        %get3A_688 = tpu.memref_squeeze %get3A_687 : memref<1x64xf32, #tpu.memory_space<vmem>> -> memref<64xf32, #tpu.memory_space<vmem>>
        %get3A_689 = arith.constant 48 : index
        %get3A_690 = tpu.vector_load %get3A_688[%get3A_689] {strides = array<i32>} : memref<64xf32, #tpu.memory_space<vmem>>, vector<16xf32>,
        %get3A_691 = vector.shape_cast %get3A_690 : vector<16xf32> to vector<16xf32>
        %add3A_692 = arith.addf %add3A_662, %get3A_691 : vector<16xf32>
        %scan3A_693 = arith.constant 3 : i32
        %scan3A_694 = arith.addi %scan3A_601, %scan3A_693 : i32
        %get3A_695 = arith.constant 0 : i32
        %get3A_696 = tpu.memref_slice %arg9[%scan3A_694, %get3A_695] : memref<50x64xf32, #tpu.memory_space<vmem>> -> memref<1x64xf32, #tpu.memory_space<vmem>>
        %get3A_697 = tpu.memref_squeeze %get3A_696 : memref<1x64xf32, #tpu.memory_space<vmem>> -> memref<64xf32, #tpu.memory_space<vmem>>
        %get3A_698 = arith.constant 0 : index
        %get3A_699 = tpu.vector_load %get3A_697[%get3A_698] {strides = array<i32>} : memref<64xf32, #tpu.memory_space<vmem>>, vector<16xf32>,
        %get3A_700 = vector.shape_cast %get3A_699 : vector<16xf32> to vector<16xf32>
        %add3A_701 = arith.addf %add3A_671, %get3A_700 : vector<16xf32>
        %get3A_702 = arith.constant 0 : i32
        %get3A_703 = tpu.memref_slice %arg9[%scan3A_694, %get3A_702] : memref<50x64xf32, #tpu.memory_space<vmem>> -> memref<1x64xf32, #tpu.memory_space<vmem>>
        %get3A_704 = tpu.memref_squeeze %get3A_703 : memref<1x64xf32, #tpu.memory_space<vmem>> -> memref<64xf32, #tpu.memory_space<vmem>>
        %get3A_705 = arith.constant 16 : index
        %get3A_706 = tpu.vector_load %get3A_704[%get3A_705] {strides = array<i32>} : memref<64xf32, #tpu.memory_space<vmem>>, vector<16xf32>,
        %get3A_707 = vector.shape_cast %get3A_706 : vector<16xf32> to vector<16xf32>
        %add3A_708 = arith.addf %add3A_678, %get3A_707 : vector<16xf32>
        %get3A_709 = arith.constant 0 : i32
        %get3A_710 = tpu.memref_slice %arg9[%scan3A_694, %get3A_709] : memref<50x64xf32, #tpu.memory_space<vmem>> -> memref<1x64xf32, #tpu.memory_space<vmem>>
        %get3A_711 = tpu.memref_squeeze %get3A_710 : memref<1x64xf32, #tpu.memory_space<vmem>> -> memref<64xf32, #tpu.memory_space<vmem>>
        %get3A_712 = arith.constant 32 : index
        %get3A_713 = tpu.vector_load %get3A_711[%get3A_712] {strides = array<i32>} : memref<64xf32, #tpu.memory_space<vmem>>, vector<16xf32>,
        %get3A_714 = vector.shape_cast %get3A_713 : vector<16xf32> to vector<16xf32>
        %add3A_715 = arith.addf %add3A_685, %get3A_714 : vector<16xf32>
        %get3A_716 = arith.constant 0 : i32
        %get3A_717 = tpu.memref_slice %arg9[%scan3A_694, %get3A_716] : memref<50x64xf32, #tpu.memory_space<vmem>> -> memref<1x64xf32, #tpu.memory_space<vmem>>
        %get3A_718 = tpu.memref_squeeze %get3A_717 : memref<1x64xf32, #tpu.memory_space<vmem>> -> memref<64xf32, #tpu.memory_space<vmem>>
        %get3A_719 = arith.constant 48 : index
        %get3A_720 = tpu.vector_load %get3A_718[%get3A_719] {strides = array<i32>} : memref<64xf32, #tpu.memory_space<vmem>>, vector<16xf32>,
        %get3A_721 = vector.shape_cast %get3A_720 : vector<16xf32> to vector<16xf32>
        %add3A_722 = arith.addf %add3A_692, %get3A_721 : vector<16xf32>
        %scan3A_723 = arith.constant 4 : i32
        %scan3A_724 = arith.addi %scan3A_601, %scan3A_723 : i32
        %get3A_725 = arith.constant 0 : i32
        %get3A_726 = tpu.memref_slice %arg9[%scan3A_724, %get3A_725] : memref<50x64xf32, #tpu.memory_space<vmem>> -> memref<1x64xf32, #tpu.memory_space<vmem>>
        %get3A_727 = tpu.memref_squeeze %get3A_726 : memref<1x64xf32, #tpu.memory_space<vmem>> -> memref<64xf32, #tpu.memory_space<vmem>>
        %get3A_728 = arith.constant 0 : index
        %get3A_729 = tpu.vector_load %get3A_727[%get3A_728] {strides = array<i32>} : memref<64xf32, #tpu.memory_space<vmem>>, vector<16xf32>,
        %get3A_730 = vector.shape_cast %get3A_729 : vector<16xf32> to vector<16xf32>
        %add3A_731 = arith.addf %add3A_701, %get3A_730 : vector<16xf32>
        %get3A_732 = arith.constant 0 : i32
        %get3A_733 = tpu.memref_slice %arg9[%scan3A_724, %get3A_732] : memref<50x64xf32, #tpu.memory_space<vmem>> -> memref<1x64xf32, #tpu.memory_space<vmem>>
        %get3A_734 = tpu.memref_squeeze %get3A_733 : memref<1x64xf32, #tpu.memory_space<vmem>> -> memref<64xf32, #tpu.memory_space<vmem>>
        %get3A_735 = arith.constant 16 : index
        %get3A_736 = tpu.vector_load %get3A_734[%get3A_735] {strides = array<i32>} : memref<64xf32, #tpu.memory_space<vmem>>, vector<16xf32>,
        %get3A_737 = vector.shape_cast %get3A_736 : vector<16xf32> to vector<16xf32>
        %add3A_738 = arith.addf %add3A_708, %get3A_737 : vector<16xf32>
        %get3A_739 = arith.constant 0 : i32
        %get3A_740 = tpu.memref_slice %arg9[%scan3A_724, %get3A_739] : memref<50x64xf32, #tpu.memory_space<vmem>> -> memref<1x64xf32, #tpu.memory_space<vmem>>
        %get3A_741 = tpu.memref_squeeze %get3A_740 : memref<1x64xf32, #tpu.memory_space<vmem>> -> memref<64xf32, #tpu.memory_space<vmem>>
        %get3A_742 = arith.constant 32 : index
        %get3A_743 = tpu.vector_load %get3A_741[%get3A_742] {strides = array<i32>} : memref<64xf32, #tpu.memory_space<vmem>>, vector<16xf32>,
        %get3A_744 = vector.shape_cast %get3A_743 : vector<16xf32> to vector<16xf32>
        %add3A_745 = arith.addf %add3A_715, %get3A_744 : vector<16xf32>
        %get3A_746 = arith.constant 0 : i32
        %get3A_747 = tpu.memref_slice %arg9[%scan3A_724, %get3A_746] : memref<50x64xf32, #tpu.memory_space<vmem>> -> memref<1x64xf32, #tpu.memory_space<vmem>>
        %get3A_748 = tpu.memref_squeeze %get3A_747 : memref<1x64xf32, #tpu.memory_space<vmem>> -> memref<64xf32, #tpu.memory_space<vmem>>
        %get3A_749 = arith.constant 48 : index
        %get3A_750 = tpu.vector_load %get3A_748[%get3A_749] {strides = array<i32>} : memref<64xf32, #tpu.memory_space<vmem>>, vector<16xf32>,
        %get3A_751 = vector.shape_cast %get3A_750 : vector<16xf32> to vector<16xf32>
        %add3A_752 = arith.addf %add3A_722, %get3A_751 : vector<16xf32>
        %scan3A_753 = arith.constant 5 : i32
        %scan3A_754 = arith.addi %scan3A_601, %scan3A_753 : i32
        %get3A_755 = arith.constant 0 : i32
        %get3A_756 = tpu.memref_slice %arg9[%scan3A_754, %get3A_755] : memref<50x64xf32, #tpu.memory_space<vmem>> -> memref<1x64xf32, #tpu.memory_space<vmem>>
        %get3A_757 = tpu.memref_squeeze %get3A_756 : memref<1x64xf32, #tpu.memory_space<vmem>> -> memref<64xf32, #tpu.memory_space<vmem>>
        %get3A_758 = arith.constant 0 : index
        %get3A_759 = tpu.vector_load %get3A_757[%get3A_758] {strides = array<i32>} : memref<64xf32, #tpu.memory_space<vmem>>, vector<16xf32>,
        %get3A_760 = vector.shape_cast %get3A_759 : vector<16xf32> to vector<16xf32>
        %add3A_761 = arith.addf %add3A_731, %get3A_760 : vector<16xf32>
        %get3A_762 = arith.constant 0 : i32
        %get3A_763 = tpu.memref_slice %arg9[%scan3A_754, %get3A_762] : memref<50x64xf32, #tpu.memory_space<vmem>> -> memref<1x64xf32, #tpu.memory_space<vmem>>
        %get3A_764 = tpu.memref_squeeze %get3A_763 : memref<1x64xf32, #tpu.memory_space<vmem>> -> memref<64xf32, #tpu.memory_space<vmem>>
        %get3A_765 = arith.constant 16 : index
        %get3A_766 = tpu.vector_load %get3A_764[%get3A_765] {strides = array<i32>} : memref<64xf32, #tpu.memory_space<vmem>>, vector<16xf32>,
        %get3A_767 = vector.shape_cast %get3A_766 : vector<16xf32> to vector<16xf32>
        %add3A_768 = arith.addf %add3A_738, %get3A_767 : vector<16xf32>
        %get3A_769 = arith.constant 0 : i32
        %get3A_770 = tpu.memref_slice %arg9[%scan3A_754, %get3A_769] : memref<50x64xf32, #tpu.memory_space<vmem>> -> memref<1x64xf32, #tpu.memory_space<vmem>>
        %get3A_771 = tpu.memref_squeeze %get3A_770 : memref<1x64xf32, #tpu.memory_space<vmem>> -> memref<64xf32, #tpu.memory_space<vmem>>
        %get3A_772 = arith.constant 32 : index
        %get3A_773 = tpu.vector_load %get3A_771[%get3A_772] {strides = array<i32>} : memref<64xf32, #tpu.memory_space<vmem>>, vector<16xf32>,
        %get3A_774 = vector.shape_cast %get3A_773 : vector<16xf32> to vector<16xf32>
        %add3A_775 = arith.addf %add3A_745, %get3A_774 : vector<16xf32>
        %get3A_776 = arith.constant 0 : i32
        %get3A_777 = tpu.memref_slice %arg9[%scan3A_754, %get3A_776] : memref<50x64xf32, #tpu.memory_space<vmem>> -> memref<1x64xf32, #tpu.memory_space<vmem>>
        %get3A_778 = tpu.memref_squeeze %get3A_777 : memref<1x64xf32, #tpu.memory_space<vmem>> -> memref<64xf32, #tpu.memory_space<vmem>>
        %get3A_779 = arith.constant 48 : index
        %get3A_780 = tpu.vector_load %get3A_778[%get3A_779] {strides = array<i32>} : memref<64xf32, #tpu.memory_space<vmem>>, vector<16xf32>,
        %get3A_781 = vector.shape_cast %get3A_780 : vector<16xf32> to vector<16xf32>
        %add3A_782 = arith.addf %add3A_752, %get3A_781 : vector<16xf32>
        %scan3A_783 = arith.constant 6 : i32
        %scan3A_784 = arith.addi %scan3A_601, %scan3A_783 : i32
        %get3A_785 = arith.constant 0 : i32
        %get3A_786 = tpu.memref_slice %arg9[%scan3A_784, %get3A_785] : memref<50x64xf32, #tpu.memory_space<vmem>> -> memref<1x64xf32, #tpu.memory_space<vmem>>
        %get3A_787 = tpu.memref_squeeze %get3A_786 : memref<1x64xf32, #tpu.memory_space<vmem>> -> memref<64xf32, #tpu.memory_space<vmem>>
        %get3A_788 = arith.constant 0 : index
        %get3A_789 = tpu.vector_load %get3A_787[%get3A_788] {strides = array<i32>} : memref<64xf32, #tpu.memory_space<vmem>>, vector<16xf32>,
        %get3A_790 = vector.shape_cast %get3A_789 : vector<16xf32> to vector<16xf32>
        %add3A_791 = arith.addf %add3A_761, %get3A_790 : vector<16xf32>
        %get3A_792 = arith.constant 0 : i32
        %get3A_793 = tpu.memref_slice %arg9[%scan3A_784, %get3A_792] : memref<50x64xf32, #tpu.memory_space<vmem>> -> memref<1x64xf32, #tpu.memory_space<vmem>>
        %get3A_794 = tpu.memref_squeeze %get3A_793 : memref<1x64xf32, #tpu.memory_space<vmem>> -> memref<64xf32, #tpu.memory_space<vmem>>
        %get3A_795 = arith.constant 16 : index
        %get3A_796 = tpu.vector_load %get3A_794[%get3A_795] {strides = array<i32>} : memref<64xf32, #tpu.memory_space<vmem>>, vector<16xf32>,
        %get3A_797 = vector.shape_cast %get3A_796 : vector<16xf32> to vector<16xf32>
        %add3A_798 = arith.addf %add3A_768, %get3A_797 : vector<16xf32>
        %get3A_799 = arith.constant 0 : i32
        %get3A_800 = tpu.memref_slice %arg9[%scan3A_784, %get3A_799] : memref<50x64xf32, #tpu.memory_space<vmem>> -> memref<1x64xf32, #tpu.memory_space<vmem>>
        %get3A_801 = tpu.memref_squeeze %get3A_800 : memref<1x64xf32, #tpu.memory_space<vmem>> -> memref<64xf32, #tpu.memory_space<vmem>>
        %get3A_802 = arith.constant 32 : index
        %get3A_803 = tpu.vector_load %get3A_801[%get3A_802] {strides = array<i32>} : memref<64xf32, #tpu.memory_space<vmem>>, vector<16xf32>,
        %get3A_804 = vector.shape_cast %get3A_803 : vector<16xf32> to vector<16xf32>
        %add3A_805 = arith.addf %add3A_775, %get3A_804 : vector<16xf32>
        %get3A_806 = arith.constant 0 : i32
        %get3A_807 = tpu.memref_slice %arg9[%scan3A_784, %get3A_806] : memref<50x64xf32, #tpu.memory_space<vmem>> -> memref<1x64xf32, #tpu.memory_space<vmem>>
        %get3A_808 = tpu.memref_squeeze %get3A_807 : memref<1x64xf32, #tpu.memory_space<vmem>> -> memref<64xf32, #tpu.memory_space<vmem>>
        %get3A_809 = arith.constant 48 : index
        %get3A_810 = tpu.vector_load %get3A_808[%get3A_809] {strides = array<i32>} : memref<64xf32, #tpu.memory_space<vmem>>, vector<16xf32>,
        %get3A_811 = vector.shape_cast %get3A_810 : vector<16xf32> to vector<16xf32>
        %add3A_812 = arith.addf %add3A_782, %get3A_811 : vector<16xf32>
        %scan3A_813 = arith.constant 7 : i32
        %scan3A_814 = arith.addi %scan3A_601, %scan3A_813 : i32
        %get3A_815 = arith.constant 0 : i32
        %get3A_816 = tpu.memref_slice %arg9[%scan3A_814, %get3A_815] : memref<50x64xf32, #tpu.memory_space<vmem>> -> memref<1x64xf32, #tpu.memory_space<vmem>>
        %get3A_817 = tpu.memref_squeeze %get3A_816 : memref<1x64xf32, #tpu.memory_space<vmem>> -> memref<64xf32, #tpu.memory_space<vmem>>
        %get3A_818 = arith.constant 0 : index
        %get3A_819 = tpu.vector_load %get3A_817[%get3A_818] {strides = array<i32>} : memref<64xf32, #tpu.memory_space<vmem>>, vector<16xf32>,
        %get3A_820 = vector.shape_cast %get3A_819 : vector<16xf32> to vector<16xf32>
        %add3A_821 = arith.addf %add3A_791, %get3A_820 : vector<16xf32>
        %get3A_822 = arith.constant 0 : i32
        %get3A_823 = tpu.memref_slice %arg9[%scan3A_814, %get3A_822] : memref<50x64xf32, #tpu.memory_space<vmem>> -> memref<1x64xf32, #tpu.memory_space<vmem>>
        %get3A_824 = tpu.memref_squeeze %get3A_823 : memref<1x64xf32, #tpu.memory_space<vmem>> -> memref<64xf32, #tpu.memory_space<vmem>>
        %get3A_825 = arith.constant 16 : index
        %get3A_826 = tpu.vector_load %get3A_824[%get3A_825] {strides = array<i32>} : memref<64xf32, #tpu.memory_space<vmem>>, vector<16xf32>,
        %get3A_827 = vector.shape_cast %get3A_826 : vector<16xf32> to vector<16xf32>
        %add3A_828 = arith.addf %add3A_798, %get3A_827 : vector<16xf32>
        %get3A_829 = arith.constant 0 : i32
        %get3A_830 = tpu.memref_slice %arg9[%scan3A_814, %get3A_829] : memref<50x64xf32, #tpu.memory_space<vmem>> -> memref<1x64xf32, #tpu.memory_space<vmem>>
        %get3A_831 = tpu.memref_squeeze %get3A_830 : memref<1x64xf32, #tpu.memory_space<vmem>> -> memref<64xf32, #tpu.memory_space<vmem>>
        %get3A_832 = arith.constant 32 : index
        %get3A_833 = tpu.vector_load %get3A_831[%get3A_832] {strides = array<i32>} : memref<64xf32, #tpu.memory_space<vmem>>, vector<16xf32>,
        %get3A_834 = vector.shape_cast %get3A_833 : vector<16xf32> to vector<16xf32>
        %add3A_835 = arith.addf %add3A_805, %get3A_834 : vector<16xf32>
        %get3A_836 = arith.constant 0 : i32
        %get3A_837 = tpu.memref_slice %arg9[%scan3A_814, %get3A_836] : memref<50x64xf32, #tpu.memory_space<vmem>> -> memref<1x64xf32, #tpu.memory_space<vmem>>
        %get3A_838 = tpu.memref_squeeze %get3A_837 : memref<1x64xf32, #tpu.memory_space<vmem>> -> memref<64xf32, #tpu.memory_space<vmem>>
        %get3A_839 = arith.constant 48 : index
        %get3A_840 = tpu.vector_load %get3A_838[%get3A_839] {strides = array<i32>} : memref<64xf32, #tpu.memory_space<vmem>>, vector<16xf32>,
        %get3A_841 = vector.shape_cast %get3A_840 : vector<16xf32> to vector<16xf32>
        %add3A_842 = arith.addf %add3A_812, %get3A_841 : vector<16xf32>
        %scan3A_843 = arith.constant 8 : i32
        %scan3A_844 = arith.addi %scan3A_601, %scan3A_843 : i32
        %get3A_845 = arith.constant 0 : i32
        %get3A_846 = tpu.memref_slice %arg9[%scan3A_844, %get3A_845] : memref<50x64xf32, #tpu.memory_space<vmem>> -> memref<1x64xf32, #tpu.memory_space<vmem>>
        %get3A_847 = tpu.memref_squeeze %get3A_846 : memref<1x64xf32, #tpu.memory_space<vmem>> -> memref<64xf32, #tpu.memory_space<vmem>>
        %get3A_848 = arith.constant 0 : index
        %get3A_849 = tpu.vector_load %get3A_847[%get3A_848] {strides = array<i32>} : memref<64xf32, #tpu.memory_space<vmem>>, vector<16xf32>,
        %get3A_850 = vector.shape_cast %get3A_849 : vector<16xf32> to vector<16xf32>
        %add3A_851 = arith.addf %add3A_821, %get3A_850 : vector<16xf32>
        %get3A_852 = arith.constant 0 : i32
        %get3A_853 = tpu.memref_slice %arg9[%scan3A_844, %get3A_852] : memref<50x64xf32, #tpu.memory_space<vmem>> -> memref<1x64xf32, #tpu.memory_space<vmem>>
        %get3A_854 = tpu.memref_squeeze %get3A_853 : memref<1x64xf32, #tpu.memory_space<vmem>> -> memref<64xf32, #tpu.memory_space<vmem>>
        %get3A_855 = arith.constant 16 : index
        %get3A_856 = tpu.vector_load %get3A_854[%get3A_855] {strides = array<i32>} : memref<64xf32, #tpu.memory_space<vmem>>, vector<16xf32>,
        %get3A_857 = vector.shape_cast %get3A_856 : vector<16xf32> to vector<16xf32>
        %add3A_858 = arith.addf %add3A_828, %get3A_857 : vector<16xf32>
        %get3A_859 = arith.constant 0 : i32
        %get3A_860 = tpu.memref_slice %arg9[%scan3A_844, %get3A_859] : memref<50x64xf32, #tpu.memory_space<vmem>> -> memref<1x64xf32, #tpu.memory_space<vmem>>
        %get3A_861 = tpu.memref_squeeze %get3A_860 : memref<1x64xf32, #tpu.memory_space<vmem>> -> memref<64xf32, #tpu.memory_space<vmem>>
        %get3A_862 = arith.constant 32 : index
        %get3A_863 = tpu.vector_load %get3A_861[%get3A_862] {strides = array<i32>} : memref<64xf32, #tpu.memory_space<vmem>>, vector<16xf32>,
        %get3A_864 = vector.shape_cast %get3A_863 : vector<16xf32> to vector<16xf32>
        %add3A_865 = arith.addf %add3A_835, %get3A_864 : vector<16xf32>
        %get3A_866 = arith.constant 0 : i32
        %get3A_867 = tpu.memref_slice %arg9[%scan3A_844, %get3A_866] : memref<50x64xf32, #tpu.memory_space<vmem>> -> memref<1x64xf32, #tpu.memory_space<vmem>>
        %get3A_868 = tpu.memref_squeeze %get3A_867 : memref<1x64xf32, #tpu.memory_space<vmem>> -> memref<64xf32, #tpu.memory_space<vmem>>
        %get3A_869 = arith.constant 48 : index
        %get3A_870 = tpu.vector_load %get3A_868[%get3A_869] {strides = array<i32>} : memref<64xf32, #tpu.memory_space<vmem>>, vector<16xf32>,
        %get3A_871 = vector.shape_cast %get3A_870 : vector<16xf32> to vector<16xf32>
        %add3A_872 = arith.addf %add3A_842, %get3A_871 : vector<16xf32>
        %scan3A_873 = arith.constant 9 : i32
        %scan3A_874 = arith.addi %scan3A_601, %scan3A_873 : i32
        %get3A_875 = arith.constant 0 : i32
        %get3A_876 = tpu.memref_slice %arg9[%scan3A_874, %get3A_875] : memref<50x64xf32, #tpu.memory_space<vmem>> -> memref<1x64xf32, #tpu.memory_space<vmem>>
        %get3A_877 = tpu.memref_squeeze %get3A_876 : memref<1x64xf32, #tpu.memory_space<vmem>> -> memref<64xf32, #tpu.memory_space<vmem>>
        %get3A_878 = arith.constant 0 : index
        %get3A_879 = tpu.vector_load %get3A_877[%get3A_878] {strides = array<i32>} : memref<64xf32, #tpu.memory_space<vmem>>, vector<16xf32>,
        %get3A_880 = vector.shape_cast %get3A_879 : vector<16xf32> to vector<16xf32>
        %add3A_881 = arith.addf %add3A_851, %get3A_880 : vector<16xf32>
        %get3A_882 = arith.constant 0 : i32
        %get3A_883 = tpu.memref_slice %arg9[%scan3A_874, %get3A_882] : memref<50x64xf32, #tpu.memory_space<vmem>> -> memref<1x64xf32, #tpu.memory_space<vmem>>
        %get3A_884 = tpu.memref_squeeze %get3A_883 : memref<1x64xf32, #tpu.memory_space<vmem>> -> memref<64xf32, #tpu.memory_space<vmem>>
        %get3A_885 = arith.constant 16 : index
        %get3A_886 = tpu.vector_load %get3A_884[%get3A_885] {strides = array<i32>} : memref<64xf32, #tpu.memory_space<vmem>>, vector<16xf32>,
        %get3A_887 = vector.shape_cast %get3A_886 : vector<16xf32> to vector<16xf32>
        %add3A_888 = arith.addf %add3A_858, %get3A_887 : vector<16xf32>
        %get3A_889 = arith.constant 0 : i32
        %get3A_890 = tpu.memref_slice %arg9[%scan3A_874, %get3A_889] : memref<50x64xf32, #tpu.memory_space<vmem>> -> memref<1x64xf32, #tpu.memory_space<vmem>>
        %get3A_891 = tpu.memref_squeeze %get3A_890 : memref<1x64xf32, #tpu.memory_space<vmem>> -> memref<64xf32, #tpu.memory_space<vmem>>
        %get3A_892 = arith.constant 32 : index
        %get3A_893 = tpu.vector_load %get3A_891[%get3A_892] {strides = array<i32>} : memref<64xf32, #tpu.memory_space<vmem>>, vector<16xf32>,
        %get3A_894 = vector.shape_cast %get3A_893 : vector<16xf32> to vector<16xf32>
        %add3A_895 = arith.addf %add3A_865, %get3A_894 : vector<16xf32>
        %get3A_896 = arith.constant 0 : i32
        %get3A_897 = tpu.memref_slice %arg9[%scan3A_874, %get3A_896] : memref<50x64xf32, #tpu.memory_space<vmem>> -> memref<1x64xf32, #tpu.memory_space<vmem>>
        %get3A_898 = tpu.memref_squeeze %get3A_897 : memref<1x64xf32, #tpu.memory_space<vmem>> -> memref<64xf32, #tpu.memory_space<vmem>>
        %get3A_899 = arith.constant 48 : index
        %get3A_900 = tpu.vector_load %get3A_898[%get3A_899] {strides = array<i32>} : memref<64xf32, #tpu.memory_space<vmem>>, vector<16xf32>,
        %get3A_901 = vector.shape_cast %get3A_900 : vector<16xf32> to vector<16xf32>
        %add3A_902 = arith.addf %add3A_872, %get3A_901 : vector<16xf32>
        scf.yield %add3A_881, %add3A_888, %add3A_895, %add3A_902 : vector<16xf32>, vector<16xf32>, vector<16xf32>, vector<16xf32>
      }
      %scan3A_287 = arith.constant 50 : i32
      %mul3A_288 = arith.constant 64 : i32
      %mul3A_289 = arith.muli %add3A_267, %mul3A_288 : i32
      %mul3A_290 = arith.constant 2.000000e-02 : f32
      %mul3A_291 = vector.broadcast %mul3A_290 : f32 to vector<16xf32>
      %mul3A_292 = arith.mulf %scan3A_286#0, %mul3A_291 : vector<16xf32>
      %add3A_293 = arith.constant 0 : i32
      %add3A_294 = arith.addi %mul3A_289, %add3A_293 : i32
      %swap3A_295 = arith.index_cast %add3A_294 : i32 to index
      %swap3A_296 = tpu.vector_load %arg14[%swap3A_295] {strides = array<i32>} : memref<8192xf32, #tpu.memory_space<vmem>>, vector<16xf32>,
      %swap3A_297 = vector.shape_cast %swap3A_296 : vector<16xf32> to vector<16xf32>
      %swap3A_298 = vector.shape_cast %mul3A_292 : vector<16xf32> to vector<16xf32>
      tpu.vector_store %arg14[%swap3A_295], %swap3A_298 {strides = array<i32>} : memref<8192xf32, #tpu.memory_space<vmem>>, vector<16xf32>,
      %mul3A_299 = arith.constant 2.000000e-02 : f32
      %mul3A_300 = vector.broadcast %mul3A_299 : f32 to vector<16xf32>
      %mul3A_301 = arith.mulf %scan3A_286#1, %mul3A_300 : vector<16xf32>
      %add3A_302 = arith.constant 16 : i32
      %add3A_303 = arith.addi %mul3A_289, %add3A_302 : i32
      %swap3A_304 = arith.index_cast %add3A_303 : i32 to index
      %swap3A_305 = tpu.vector_load %arg14[%swap3A_304] {strides = array<i32>} : memref<8192xf32, #tpu.memory_space<vmem>>, vector<16xf32>,
      %swap3A_306 = vector.shape_cast %swap3A_305 : vector<16xf32> to vector<16xf32>
      %swap3A_307 = vector.shape_cast %mul3A_301 : vector<16xf32> to vector<16xf32>
      tpu.vector_store %arg14[%swap3A_304], %swap3A_307 {strides = array<i32>} : memref<8192xf32, #tpu.memory_space<vmem>>, vector<16xf32>,
      %mul3A_308 = arith.constant 2.000000e-02 : f32
      %mul3A_309 = vector.broadcast %mul3A_308 : f32 to vector<16xf32>
      %mul3A_310 = arith.mulf %scan3A_286#2, %mul3A_309 : vector<16xf32>
      %add3A_311 = arith.constant 32 : i32
      %add3A_312 = arith.addi %mul3A_289, %add3A_311 : i32
      %swap3A_313 = arith.index_cast %add3A_312 : i32 to index
      %swap3A_314 = tpu.vector_load %arg14[%swap3A_313] {strides = array<i32>} : memref<8192xf32, #tpu.memory_space<vmem>>, vector<16xf32>,
      %swap3A_315 = vector.shape_cast %swap3A_314 : vector<16xf32> to vector<16xf32>
      %swap3A_316 = vector.shape_cast %mul3A_310 : vector<16xf32> to vector<16xf32>
      tpu.vector_store %arg14[%swap3A_313], %swap3A_316 {strides = array<i32>} : memref<8192xf32, #tpu.memory_space<vmem>>, vector<16xf32>,
      %mul3A_317 = arith.constant 2.000000e-02 : f32
      %mul3A_318 = vector.broadcast %mul3A_317 : f32 to vector<16xf32>
      %mul3A_319 = arith.mulf %scan3A_286#3, %mul3A_318 : vector<16xf32>
      %add3A_320 = arith.constant 48 : i32
      %add3A_321 = arith.addi %mul3A_289, %add3A_320 : i32
      %swap3A_322 = arith.index_cast %add3A_321 : i32 to index
      %swap3A_323 = tpu.vector_load %arg14[%swap3A_322] {strides = array<i32>} : memref<8192xf32, #tpu.memory_space<vmem>>, vector<16xf32>,
      %swap3A_324 = vector.shape_cast %swap3A_323 : vector<16xf32> to vector<16xf32>
      %swap3A_325 = vector.shape_cast %mul3A_319 : vector<16xf32> to vector<16xf32>
      tpu.vector_store %arg14[%swap3A_322], %swap3A_325 {strides = array<i32>} : memref<8192xf32, #tpu.memory_space<vmem>>, vector<16xf32>,
      %add3A_326 = arith.constant 8 : i32
      %add3A_327 = arith.addi %add3A_267, %add3A_326 : i32
      %lt3A_328 = arith.constant 128 : i32
      %lt3A_329 = arith.cmpi slt, %add3A_327, %lt3A_328 : i32
      %convert_element_type3A_330 = arith.extui %lt3A_329 : i1 to i32
      %cond3A_331 = arith.constant 0 : i32
      %cond3A_332 = arith.cmpi ne, %convert_element_type3A_330, %cond3A_331 : i32
      scf.if %cond3A_332 {
        %dma_start3A_601 = arith.constant 0 : i32
        %dma_start3A_602 = tpu.memref_slice %arg5[%add3A_327, %dma_start3A_601] : memref<128x50xi32, #tpu.memory_space<vmem>> -> memref<1x50xi32, #tpu.memory_space<vmem>>
        %dma_start3A_603 = tpu.memref_squeeze %dma_start3A_602 : memref<1x50xi32, #tpu.memory_space<vmem>> -> memref<50xi32, #tpu.memory_space<vmem>>
        %dma_start3A_604 = arith.constant 0 : i32
        %dma_start3A_605 = arith.constant 0 : i32
        %dma_start3A_606 = tpu.memref_slice %arg3[%dma_start3A_604, %dma_start3A_605] : memref<100000x64xf32, #tpu.memory_space<hbm>> -> memref<100000x64xf32, #tpu.memory_space<hbm>>
        tpu.enqueue_indirect_dma source(%dma_start3A_606 : memref<100000x64xf32, #tpu.memory_space<hbm>>) target(%arg9 : memref<50x64xf32, #tpu.memory_space<vmem>>) offsets(%dma_start3A_603 : memref<50xi32, #tpu.memory_space<vmem>>) semaphore(%arg18 : memref<!tpu.dma_semaphore, #tpu.memory_space<semaphore_mem>>)
      } else {
      }
      %add3A_333 = arith.constant 4 : i32
      %add3A_334 = arith.addi %add3A_70, %add3A_333 : i32
      %dma_wait3A_335 = arith.constant 0 : i32
      %dma_wait3A_336 = tpu.memref_slice %arg5[%add3A_334, %dma_wait3A_335] : memref<128x50xi32, #tpu.memory_space<vmem>> -> memref<1x50xi32, #tpu.memory_space<vmem>>
      %dma_wait3A_337 = tpu.memref_squeeze %dma_wait3A_336 : memref<1x50xi32, #tpu.memory_space<vmem>> -> memref<50xi32, #tpu.memory_space<vmem>>
      %dma_wait3A_338 = arith.constant 0 : i32
      %dma_wait3A_339 = arith.constant 0 : i32
      %dma_wait3A_340 = tpu.memref_slice %arg3[%dma_wait3A_338, %dma_wait3A_339] : memref<100000x64xf32, #tpu.memory_space<hbm>> -> memref<100000x64xf32, #tpu.memory_space<hbm>>
      tpu.wait_indirect_dma semaphore(%arg19 : memref<!tpu.dma_semaphore, #tpu.memory_space<semaphore_mem>>) src(%dma_wait3A_340 : memref<100000x64xf32, #tpu.memory_space<hbm>>) dst(%arg10 : memref<50x64xf32, #tpu.memory_space<vmem>>)
      %broadcast_in_dim3A_341 = arith.constant 0.000000e+00 : f32
      %broadcast_in_dim3A_342 = vector.broadcast %broadcast_in_dim3A_341 : f32 to vector<16xf32>
      %broadcast_in_dim3A_343 = arith.constant 0.000000e+00 : f32
      %broadcast_in_dim3A_344 = vector.broadcast %broadcast_in_dim3A_343 : f32 to vector<16xf32>
      %broadcast_in_dim3A_345 = arith.constant 0.000000e+00 : f32
      %broadcast_in_dim3A_346 = vector.broadcast %broadcast_in_dim3A_345 : f32 to vector<16xf32>
      %broadcast_in_dim3A_347 = arith.constant 0.000000e+00 : f32
      %broadcast_in_dim3A_348 = vector.broadcast %broadcast_in_dim3A_347 : f32 to vector<16xf32>
      %scan3A_349 = arith.constant 0 : i32
      %scan3A_350 = arith.constant 50 : i32
      %scan3A_351 = arith.addi %scan3A_349, %scan3A_350 : i32
      %scan3A_352 = arith.constant 10 : i32
      %scan3A_353:4 = scf.for %scan3A_601 = %scan3A_349 to %scan3A_351 step %scan3A_352 iter_args(%scan3A_602 = %broadcast_in_dim3A_342, %scan3A_603 = %broadcast_in_dim3A_344, %scan3A_604 = %broadcast_in_dim3A_346, %scan3A_605 = %broadcast_in_dim3A_348) -> (vector<16xf32>, vector<16xf32>, vector<16xf32>, vector<16xf32>)  : i32 {
        %get3A = arith.constant 0 : i32
        %get3A_606 = tpu.memref_slice %arg10[%scan3A_601, %get3A] : memref<50x64xf32, #tpu.memory_space<vmem>> -> memref<1x64xf32, #tpu.memory_space<vmem>>
        %get3A_607 = tpu.memref_squeeze %get3A_606 : memref<1x64xf32, #tpu.memory_space<vmem>> -> memref<64xf32, #tpu.memory_space<vmem>>
        %get3A_608 = arith.constant 0 : index
        %get3A_609 = tpu.vector_load %get3A_607[%get3A_608] {strides = array<i32>} : memref<64xf32, #tpu.memory_space<vmem>>, vector<16xf32>,
        %get3A_610 = vector.shape_cast %get3A_609 : vector<16xf32> to vector<16xf32>
        %add3A_611 = arith.addf %scan3A_602, %get3A_610 : vector<16xf32>
        %get3A_612 = arith.constant 0 : i32
        %get3A_613 = tpu.memref_slice %arg10[%scan3A_601, %get3A_612] : memref<50x64xf32, #tpu.memory_space<vmem>> -> memref<1x64xf32, #tpu.memory_space<vmem>>
        %get3A_614 = tpu.memref_squeeze %get3A_613 : memref<1x64xf32, #tpu.memory_space<vmem>> -> memref<64xf32, #tpu.memory_space<vmem>>
        %get3A_615 = arith.constant 16 : index
        %get3A_616 = tpu.vector_load %get3A_614[%get3A_615] {strides = array<i32>} : memref<64xf32, #tpu.memory_space<vmem>>, vector<16xf32>,
        %get3A_617 = vector.shape_cast %get3A_616 : vector<16xf32> to vector<16xf32>
        %add3A_618 = arith.addf %scan3A_603, %get3A_617 : vector<16xf32>
        %get3A_619 = arith.constant 0 : i32
        %get3A_620 = tpu.memref_slice %arg10[%scan3A_601, %get3A_619] : memref<50x64xf32, #tpu.memory_space<vmem>> -> memref<1x64xf32, #tpu.memory_space<vmem>>
        %get3A_621 = tpu.memref_squeeze %get3A_620 : memref<1x64xf32, #tpu.memory_space<vmem>> -> memref<64xf32, #tpu.memory_space<vmem>>
        %get3A_622 = arith.constant 32 : index
        %get3A_623 = tpu.vector_load %get3A_621[%get3A_622] {strides = array<i32>} : memref<64xf32, #tpu.memory_space<vmem>>, vector<16xf32>,
        %get3A_624 = vector.shape_cast %get3A_623 : vector<16xf32> to vector<16xf32>
        %add3A_625 = arith.addf %scan3A_604, %get3A_624 : vector<16xf32>
        %get3A_626 = arith.constant 0 : i32
        %get3A_627 = tpu.memref_slice %arg10[%scan3A_601, %get3A_626] : memref<50x64xf32, #tpu.memory_space<vmem>> -> memref<1x64xf32, #tpu.memory_space<vmem>>
        %get3A_628 = tpu.memref_squeeze %get3A_627 : memref<1x64xf32, #tpu.memory_space<vmem>> -> memref<64xf32, #tpu.memory_space<vmem>>
        %get3A_629 = arith.constant 48 : index
        %get3A_630 = tpu.vector_load %get3A_628[%get3A_629] {strides = array<i32>} : memref<64xf32, #tpu.memory_space<vmem>>, vector<16xf32>,
        %get3A_631 = vector.shape_cast %get3A_630 : vector<16xf32> to vector<16xf32>
        %add3A_632 = arith.addf %scan3A_605, %get3A_631 : vector<16xf32>
        %scan3A_633 = arith.constant 1 : i32
        %scan3A_634 = arith.addi %scan3A_601, %scan3A_633 : i32
        %get3A_635 = arith.constant 0 : i32
        %get3A_636 = tpu.memref_slice %arg10[%scan3A_634, %get3A_635] : memref<50x64xf32, #tpu.memory_space<vmem>> -> memref<1x64xf32, #tpu.memory_space<vmem>>
        %get3A_637 = tpu.memref_squeeze %get3A_636 : memref<1x64xf32, #tpu.memory_space<vmem>> -> memref<64xf32, #tpu.memory_space<vmem>>
        %get3A_638 = arith.constant 0 : index
        %get3A_639 = tpu.vector_load %get3A_637[%get3A_638] {strides = array<i32>} : memref<64xf32, #tpu.memory_space<vmem>>, vector<16xf32>,
        %get3A_640 = vector.shape_cast %get3A_639 : vector<16xf32> to vector<16xf32>
        %add3A_641 = arith.addf %add3A_611, %get3A_640 : vector<16xf32>
        %get3A_642 = arith.constant 0 : i32
        %get3A_643 = tpu.memref_slice %arg10[%scan3A_634, %get3A_642] : memref<50x64xf32, #tpu.memory_space<vmem>> -> memref<1x64xf32, #tpu.memory_space<vmem>>
        %get3A_644 = tpu.memref_squeeze %get3A_643 : memref<1x64xf32, #tpu.memory_space<vmem>> -> memref<64xf32, #tpu.memory_space<vmem>>
        %get3A_645 = arith.constant 16 : index
        %get3A_646 = tpu.vector_load %get3A_644[%get3A_645] {strides = array<i32>} : memref<64xf32, #tpu.memory_space<vmem>>, vector<16xf32>,
        %get3A_647 = vector.shape_cast %get3A_646 : vector<16xf32> to vector<16xf32>
        %add3A_648 = arith.addf %add3A_618, %get3A_647 : vector<16xf32>
        %get3A_649 = arith.constant 0 : i32
        %get3A_650 = tpu.memref_slice %arg10[%scan3A_634, %get3A_649] : memref<50x64xf32, #tpu.memory_space<vmem>> -> memref<1x64xf32, #tpu.memory_space<vmem>>
        %get3A_651 = tpu.memref_squeeze %get3A_650 : memref<1x64xf32, #tpu.memory_space<vmem>> -> memref<64xf32, #tpu.memory_space<vmem>>
        %get3A_652 = arith.constant 32 : index
        %get3A_653 = tpu.vector_load %get3A_651[%get3A_652] {strides = array<i32>} : memref<64xf32, #tpu.memory_space<vmem>>, vector<16xf32>,
        %get3A_654 = vector.shape_cast %get3A_653 : vector<16xf32> to vector<16xf32>
        %add3A_655 = arith.addf %add3A_625, %get3A_654 : vector<16xf32>
        %get3A_656 = arith.constant 0 : i32
        %get3A_657 = tpu.memref_slice %arg10[%scan3A_634, %get3A_656] : memref<50x64xf32, #tpu.memory_space<vmem>> -> memref<1x64xf32, #tpu.memory_space<vmem>>
        %get3A_658 = tpu.memref_squeeze %get3A_657 : memref<1x64xf32, #tpu.memory_space<vmem>> -> memref<64xf32, #tpu.memory_space<vmem>>
        %get3A_659 = arith.constant 48 : index
        %get3A_660 = tpu.vector_load %get3A_658[%get3A_659] {strides = array<i32>} : memref<64xf32, #tpu.memory_space<vmem>>, vector<16xf32>,
        %get3A_661 = vector.shape_cast %get3A_660 : vector<16xf32> to vector<16xf32>
        %add3A_662 = arith.addf %add3A_632, %get3A_661 : vector<16xf32>
        %scan3A_663 = arith.constant 2 : i32
        %scan3A_664 = arith.addi %scan3A_601, %scan3A_663 : i32
        %get3A_665 = arith.constant 0 : i32
        %get3A_666 = tpu.memref_slice %arg10[%scan3A_664, %get3A_665] : memref<50x64xf32, #tpu.memory_space<vmem>> -> memref<1x64xf32, #tpu.memory_space<vmem>>
        %get3A_667 = tpu.memref_squeeze %get3A_666 : memref<1x64xf32, #tpu.memory_space<vmem>> -> memref<64xf32, #tpu.memory_space<vmem>>
        %get3A_668 = arith.constant 0 : index
        %get3A_669 = tpu.vector_load %get3A_667[%get3A_668] {strides = array<i32>} : memref<64xf32, #tpu.memory_space<vmem>>, vector<16xf32>,
        %get3A_670 = vector.shape_cast %get3A_669 : vector<16xf32> to vector<16xf32>
        %add3A_671 = arith.addf %add3A_641, %get3A_670 : vector<16xf32>
        %get3A_672 = arith.constant 0 : i32
        %get3A_673 = tpu.memref_slice %arg10[%scan3A_664, %get3A_672] : memref<50x64xf32, #tpu.memory_space<vmem>> -> memref<1x64xf32, #tpu.memory_space<vmem>>
        %get3A_674 = tpu.memref_squeeze %get3A_673 : memref<1x64xf32, #tpu.memory_space<vmem>> -> memref<64xf32, #tpu.memory_space<vmem>>
        %get3A_675 = arith.constant 16 : index
        %get3A_676 = tpu.vector_load %get3A_674[%get3A_675] {strides = array<i32>} : memref<64xf32, #tpu.memory_space<vmem>>, vector<16xf32>,
        %get3A_677 = vector.shape_cast %get3A_676 : vector<16xf32> to vector<16xf32>
        %add3A_678 = arith.addf %add3A_648, %get3A_677 : vector<16xf32>
        %get3A_679 = arith.constant 0 : i32
        %get3A_680 = tpu.memref_slice %arg10[%scan3A_664, %get3A_679] : memref<50x64xf32, #tpu.memory_space<vmem>> -> memref<1x64xf32, #tpu.memory_space<vmem>>
        %get3A_681 = tpu.memref_squeeze %get3A_680 : memref<1x64xf32, #tpu.memory_space<vmem>> -> memref<64xf32, #tpu.memory_space<vmem>>
        %get3A_682 = arith.constant 32 : index
        %get3A_683 = tpu.vector_load %get3A_681[%get3A_682] {strides = array<i32>} : memref<64xf32, #tpu.memory_space<vmem>>, vector<16xf32>,
        %get3A_684 = vector.shape_cast %get3A_683 : vector<16xf32> to vector<16xf32>
        %add3A_685 = arith.addf %add3A_655, %get3A_684 : vector<16xf32>
        %get3A_686 = arith.constant 0 : i32
        %get3A_687 = tpu.memref_slice %arg10[%scan3A_664, %get3A_686] : memref<50x64xf32, #tpu.memory_space<vmem>> -> memref<1x64xf32, #tpu.memory_space<vmem>>
        %get3A_688 = tpu.memref_squeeze %get3A_687 : memref<1x64xf32, #tpu.memory_space<vmem>> -> memref<64xf32, #tpu.memory_space<vmem>>
        %get3A_689 = arith.constant 48 : index
        %get3A_690 = tpu.vector_load %get3A_688[%get3A_689] {strides = array<i32>} : memref<64xf32, #tpu.memory_space<vmem>>, vector<16xf32>,
        %get3A_691 = vector.shape_cast %get3A_690 : vector<16xf32> to vector<16xf32>
        %add3A_692 = arith.addf %add3A_662, %get3A_691 : vector<16xf32>
        %scan3A_693 = arith.constant 3 : i32
        %scan3A_694 = arith.addi %scan3A_601, %scan3A_693 : i32
        %get3A_695 = arith.constant 0 : i32
        %get3A_696 = tpu.memref_slice %arg10[%scan3A_694, %get3A_695] : memref<50x64xf32, #tpu.memory_space<vmem>> -> memref<1x64xf32, #tpu.memory_space<vmem>>
        %get3A_697 = tpu.memref_squeeze %get3A_696 : memref<1x64xf32, #tpu.memory_space<vmem>> -> memref<64xf32, #tpu.memory_space<vmem>>
        %get3A_698 = arith.constant 0 : index
        %get3A_699 = tpu.vector_load %get3A_697[%get3A_698] {strides = array<i32>} : memref<64xf32, #tpu.memory_space<vmem>>, vector<16xf32>,
        %get3A_700 = vector.shape_cast %get3A_699 : vector<16xf32> to vector<16xf32>
        %add3A_701 = arith.addf %add3A_671, %get3A_700 : vector<16xf32>
        %get3A_702 = arith.constant 0 : i32
        %get3A_703 = tpu.memref_slice %arg10[%scan3A_694, %get3A_702] : memref<50x64xf32, #tpu.memory_space<vmem>> -> memref<1x64xf32, #tpu.memory_space<vmem>>
        %get3A_704 = tpu.memref_squeeze %get3A_703 : memref<1x64xf32, #tpu.memory_space<vmem>> -> memref<64xf32, #tpu.memory_space<vmem>>
        %get3A_705 = arith.constant 16 : index
        %get3A_706 = tpu.vector_load %get3A_704[%get3A_705] {strides = array<i32>} : memref<64xf32, #tpu.memory_space<vmem>>, vector<16xf32>,
        %get3A_707 = vector.shape_cast %get3A_706 : vector<16xf32> to vector<16xf32>
        %add3A_708 = arith.addf %add3A_678, %get3A_707 : vector<16xf32>
        %get3A_709 = arith.constant 0 : i32
        %get3A_710 = tpu.memref_slice %arg10[%scan3A_694, %get3A_709] : memref<50x64xf32, #tpu.memory_space<vmem>> -> memref<1x64xf32, #tpu.memory_space<vmem>>
        %get3A_711 = tpu.memref_squeeze %get3A_710 : memref<1x64xf32, #tpu.memory_space<vmem>> -> memref<64xf32, #tpu.memory_space<vmem>>
        %get3A_712 = arith.constant 32 : index
        %get3A_713 = tpu.vector_load %get3A_711[%get3A_712] {strides = array<i32>} : memref<64xf32, #tpu.memory_space<vmem>>, vector<16xf32>,
        %get3A_714 = vector.shape_cast %get3A_713 : vector<16xf32> to vector<16xf32>
        %add3A_715 = arith.addf %add3A_685, %get3A_714 : vector<16xf32>
        %get3A_716 = arith.constant 0 : i32
        %get3A_717 = tpu.memref_slice %arg10[%scan3A_694, %get3A_716] : memref<50x64xf32, #tpu.memory_space<vmem>> -> memref<1x64xf32, #tpu.memory_space<vmem>>
        %get3A_718 = tpu.memref_squeeze %get3A_717 : memref<1x64xf32, #tpu.memory_space<vmem>> -> memref<64xf32, #tpu.memory_space<vmem>>
        %get3A_719 = arith.constant 48 : index
        %get3A_720 = tpu.vector_load %get3A_718[%get3A_719] {strides = array<i32>} : memref<64xf32, #tpu.memory_space<vmem>>, vector<16xf32>,
        %get3A_721 = vector.shape_cast %get3A_720 : vector<16xf32> to vector<16xf32>
        %add3A_722 = arith.addf %add3A_692, %get3A_721 : vector<16xf32>
        %scan3A_723 = arith.constant 4 : i32
        %scan3A_724 = arith.addi %scan3A_601, %scan3A_723 : i32
        %get3A_725 = arith.constant 0 : i32
        %get3A_726 = tpu.memref_slice %arg10[%scan3A_724, %get3A_725] : memref<50x64xf32, #tpu.memory_space<vmem>> -> memref<1x64xf32, #tpu.memory_space<vmem>>
        %get3A_727 = tpu.memref_squeeze %get3A_726 : memref<1x64xf32, #tpu.memory_space<vmem>> -> memref<64xf32, #tpu.memory_space<vmem>>
        %get3A_728 = arith.constant 0 : index
        %get3A_729 = tpu.vector_load %get3A_727[%get3A_728] {strides = array<i32>} : memref<64xf32, #tpu.memory_space<vmem>>, vector<16xf32>,
        %get3A_730 = vector.shape_cast %get3A_729 : vector<16xf32> to vector<16xf32>
        %add3A_731 = arith.addf %add3A_701, %get3A_730 : vector<16xf32>
        %get3A_732 = arith.constant 0 : i32
        %get3A_733 = tpu.memref_slice %arg10[%scan3A_724, %get3A_732] : memref<50x64xf32, #tpu.memory_space<vmem>> -> memref<1x64xf32, #tpu.memory_space<vmem>>
        %get3A_734 = tpu.memref_squeeze %get3A_733 : memref<1x64xf32, #tpu.memory_space<vmem>> -> memref<64xf32, #tpu.memory_space<vmem>>
        %get3A_735 = arith.constant 16 : index
        %get3A_736 = tpu.vector_load %get3A_734[%get3A_735] {strides = array<i32>} : memref<64xf32, #tpu.memory_space<vmem>>, vector<16xf32>,
        %get3A_737 = vector.shape_cast %get3A_736 : vector<16xf32> to vector<16xf32>
        %add3A_738 = arith.addf %add3A_708, %get3A_737 : vector<16xf32>
        %get3A_739 = arith.constant 0 : i32
        %get3A_740 = tpu.memref_slice %arg10[%scan3A_724, %get3A_739] : memref<50x64xf32, #tpu.memory_space<vmem>> -> memref<1x64xf32, #tpu.memory_space<vmem>>
        %get3A_741 = tpu.memref_squeeze %get3A_740 : memref<1x64xf32, #tpu.memory_space<vmem>> -> memref<64xf32, #tpu.memory_space<vmem>>
        %get3A_742 = arith.constant 32 : index
        %get3A_743 = tpu.vector_load %get3A_741[%get3A_742] {strides = array<i32>} : memref<64xf32, #tpu.memory_space<vmem>>, vector<16xf32>,
        %get3A_744 = vector.shape_cast %get3A_743 : vector<16xf32> to vector<16xf32>
        %add3A_745 = arith.addf %add3A_715, %get3A_744 : vector<16xf32>
        %get3A_746 = arith.constant 0 : i32
        %get3A_747 = tpu.memref_slice %arg10[%scan3A_724, %get3A_746] : memref<50x64xf32, #tpu.memory_space<vmem>> -> memref<1x64xf32, #tpu.memory_space<vmem>>
        %get3A_748 = tpu.memref_squeeze %get3A_747 : memref<1x64xf32, #tpu.memory_space<vmem>> -> memref<64xf32, #tpu.memory_space<vmem>>
        %get3A_749 = arith.constant 48 : index
        %get3A_750 = tpu.vector_load %get3A_748[%get3A_749] {strides = array<i32>} : memref<64xf32, #tpu.memory_space<vmem>>, vector<16xf32>,
        %get3A_751 = vector.shape_cast %get3A_750 : vector<16xf32> to vector<16xf32>
        %add3A_752 = arith.addf %add3A_722, %get3A_751 : vector<16xf32>
        %scan3A_753 = arith.constant 5 : i32
        %scan3A_754 = arith.addi %scan3A_601, %scan3A_753 : i32
        %get3A_755 = arith.constant 0 : i32
        %get3A_756 = tpu.memref_slice %arg10[%scan3A_754, %get3A_755] : memref<50x64xf32, #tpu.memory_space<vmem>> -> memref<1x64xf32, #tpu.memory_space<vmem>>
        %get3A_757 = tpu.memref_squeeze %get3A_756 : memref<1x64xf32, #tpu.memory_space<vmem>> -> memref<64xf32, #tpu.memory_space<vmem>>
        %get3A_758 = arith.constant 0 : index
        %get3A_759 = tpu.vector_load %get3A_757[%get3A_758] {strides = array<i32>} : memref<64xf32, #tpu.memory_space<vmem>>, vector<16xf32>,
        %get3A_760 = vector.shape_cast %get3A_759 : vector<16xf32> to vector<16xf32>
        %add3A_761 = arith.addf %add3A_731, %get3A_760 : vector<16xf32>
        %get3A_762 = arith.constant 0 : i32
        %get3A_763 = tpu.memref_slice %arg10[%scan3A_754, %get3A_762] : memref<50x64xf32, #tpu.memory_space<vmem>> -> memref<1x64xf32, #tpu.memory_space<vmem>>
        %get3A_764 = tpu.memref_squeeze %get3A_763 : memref<1x64xf32, #tpu.memory_space<vmem>> -> memref<64xf32, #tpu.memory_space<vmem>>
        %get3A_765 = arith.constant 16 : index
        %get3A_766 = tpu.vector_load %get3A_764[%get3A_765] {strides = array<i32>} : memref<64xf32, #tpu.memory_space<vmem>>, vector<16xf32>,
        %get3A_767 = vector.shape_cast %get3A_766 : vector<16xf32> to vector<16xf32>
        %add3A_768 = arith.addf %add3A_738, %get3A_767 : vector<16xf32>
        %get3A_769 = arith.constant 0 : i32
        %get3A_770 = tpu.memref_slice %arg10[%scan3A_754, %get3A_769] : memref<50x64xf32, #tpu.memory_space<vmem>> -> memref<1x64xf32, #tpu.memory_space<vmem>>
        %get3A_771 = tpu.memref_squeeze %get3A_770 : memref<1x64xf32, #tpu.memory_space<vmem>> -> memref<64xf32, #tpu.memory_space<vmem>>
        %get3A_772 = arith.constant 32 : index
        %get3A_773 = tpu.vector_load %get3A_771[%get3A_772] {strides = array<i32>} : memref<64xf32, #tpu.memory_space<vmem>>, vector<16xf32>,
        %get3A_774 = vector.shape_cast %get3A_773 : vector<16xf32> to vector<16xf32>
        %add3A_775 = arith.addf %add3A_745, %get3A_774 : vector<16xf32>
        %get3A_776 = arith.constant 0 : i32
        %get3A_777 = tpu.memref_slice %arg10[%scan3A_754, %get3A_776] : memref<50x64xf32, #tpu.memory_space<vmem>> -> memref<1x64xf32, #tpu.memory_space<vmem>>
        %get3A_778 = tpu.memref_squeeze %get3A_777 : memref<1x64xf32, #tpu.memory_space<vmem>> -> memref<64xf32, #tpu.memory_space<vmem>>
        %get3A_779 = arith.constant 48 : index
        %get3A_780 = tpu.vector_load %get3A_778[%get3A_779] {strides = array<i32>} : memref<64xf32, #tpu.memory_space<vmem>>, vector<16xf32>,
        %get3A_781 = vector.shape_cast %get3A_780 : vector<16xf32> to vector<16xf32>
        %add3A_782 = arith.addf %add3A_752, %get3A_781 : vector<16xf32>
        %scan3A_783 = arith.constant 6 : i32
        %scan3A_784 = arith.addi %scan3A_601, %scan3A_783 : i32
        %get3A_785 = arith.constant 0 : i32
        %get3A_786 = tpu.memref_slice %arg10[%scan3A_784, %get3A_785] : memref<50x64xf32, #tpu.memory_space<vmem>> -> memref<1x64xf32, #tpu.memory_space<vmem>>
        %get3A_787 = tpu.memref_squeeze %get3A_786 : memref<1x64xf32, #tpu.memory_space<vmem>> -> memref<64xf32, #tpu.memory_space<vmem>>
        %get3A_788 = arith.constant 0 : index
        %get3A_789 = tpu.vector_load %get3A_787[%get3A_788] {strides = array<i32>} : memref<64xf32, #tpu.memory_space<vmem>>, vector<16xf32>,
        %get3A_790 = vector.shape_cast %get3A_789 : vector<16xf32> to vector<16xf32>
        %add3A_791 = arith.addf %add3A_761, %get3A_790 : vector<16xf32>
        %get3A_792 = arith.constant 0 : i32
        %get3A_793 = tpu.memref_slice %arg10[%scan3A_784, %get3A_792] : memref<50x64xf32, #tpu.memory_space<vmem>> -> memref<1x64xf32, #tpu.memory_space<vmem>>
        %get3A_794 = tpu.memref_squeeze %get3A_793 : memref<1x64xf32, #tpu.memory_space<vmem>> -> memref<64xf32, #tpu.memory_space<vmem>>
        %get3A_795 = arith.constant 16 : index
        %get3A_796 = tpu.vector_load %get3A_794[%get3A_795] {strides = array<i32>} : memref<64xf32, #tpu.memory_space<vmem>>, vector<16xf32>,
        %get3A_797 = vector.shape_cast %get3A_796 : vector<16xf32> to vector<16xf32>
        %add3A_798 = arith.addf %add3A_768, %get3A_797 : vector<16xf32>
        %get3A_799 = arith.constant 0 : i32
        %get3A_800 = tpu.memref_slice %arg10[%scan3A_784, %get3A_799] : memref<50x64xf32, #tpu.memory_space<vmem>> -> memref<1x64xf32, #tpu.memory_space<vmem>>
        %get3A_801 = tpu.memref_squeeze %get3A_800 : memref<1x64xf32, #tpu.memory_space<vmem>> -> memref<64xf32, #tpu.memory_space<vmem>>
        %get3A_802 = arith.constant 32 : index
        %get3A_803 = tpu.vector_load %get3A_801[%get3A_802] {strides = array<i32>} : memref<64xf32, #tpu.memory_space<vmem>>, vector<16xf32>,
        %get3A_804 = vector.shape_cast %get3A_803 : vector<16xf32> to vector<16xf32>
        %add3A_805 = arith.addf %add3A_775, %get3A_804 : vector<16xf32>
        %get3A_806 = arith.constant 0 : i32
        %get3A_807 = tpu.memref_slice %arg10[%scan3A_784, %get3A_806] : memref<50x64xf32, #tpu.memory_space<vmem>> -> memref<1x64xf32, #tpu.memory_space<vmem>>
        %get3A_808 = tpu.memref_squeeze %get3A_807 : memref<1x64xf32, #tpu.memory_space<vmem>> -> memref<64xf32, #tpu.memory_space<vmem>>
        %get3A_809 = arith.constant 48 : index
        %get3A_810 = tpu.vector_load %get3A_808[%get3A_809] {strides = array<i32>} : memref<64xf32, #tpu.memory_space<vmem>>, vector<16xf32>,
        %get3A_811 = vector.shape_cast %get3A_810 : vector<16xf32> to vector<16xf32>
        %add3A_812 = arith.addf %add3A_782, %get3A_811 : vector<16xf32>
        %scan3A_813 = arith.constant 7 : i32
        %scan3A_814 = arith.addi %scan3A_601, %scan3A_813 : i32
        %get3A_815 = arith.constant 0 : i32
        %get3A_816 = tpu.memref_slice %arg10[%scan3A_814, %get3A_815] : memref<50x64xf32, #tpu.memory_space<vmem>> -> memref<1x64xf32, #tpu.memory_space<vmem>>
        %get3A_817 = tpu.memref_squeeze %get3A_816 : memref<1x64xf32, #tpu.memory_space<vmem>> -> memref<64xf32, #tpu.memory_space<vmem>>
        %get3A_818 = arith.constant 0 : index
        %get3A_819 = tpu.vector_load %get3A_817[%get3A_818] {strides = array<i32>} : memref<64xf32, #tpu.memory_space<vmem>>, vector<16xf32>,
        %get3A_820 = vector.shape_cast %get3A_819 : vector<16xf32> to vector<16xf32>
        %add3A_821 = arith.addf %add3A_791, %get3A_820 : vector<16xf32>
        %get3A_822 = arith.constant 0 : i32
        %get3A_823 = tpu.memref_slice %arg10[%scan3A_814, %get3A_822] : memref<50x64xf32, #tpu.memory_space<vmem>> -> memref<1x64xf32, #tpu.memory_space<vmem>>
        %get3A_824 = tpu.memref_squeeze %get3A_823 : memref<1x64xf32, #tpu.memory_space<vmem>> -> memref<64xf32, #tpu.memory_space<vmem>>
        %get3A_825 = arith.constant 16 : index
        %get3A_826 = tpu.vector_load %get3A_824[%get3A_825] {strides = array<i32>} : memref<64xf32, #tpu.memory_space<vmem>>, vector<16xf32>,
        %get3A_827 = vector.shape_cast %get3A_826 : vector<16xf32> to vector<16xf32>
        %add3A_828 = arith.addf %add3A_798, %get3A_827 : vector<16xf32>
        %get3A_829 = arith.constant 0 : i32
        %get3A_830 = tpu.memref_slice %arg10[%scan3A_814, %get3A_829] : memref<50x64xf32, #tpu.memory_space<vmem>> -> memref<1x64xf32, #tpu.memory_space<vmem>>
        %get3A_831 = tpu.memref_squeeze %get3A_830 : memref<1x64xf32, #tpu.memory_space<vmem>> -> memref<64xf32, #tpu.memory_space<vmem>>
        %get3A_832 = arith.constant 32 : index
        %get3A_833 = tpu.vector_load %get3A_831[%get3A_832] {strides = array<i32>} : memref<64xf32, #tpu.memory_space<vmem>>, vector<16xf32>,
        %get3A_834 = vector.shape_cast %get3A_833 : vector<16xf32> to vector<16xf32>
        %add3A_835 = arith.addf %add3A_805, %get3A_834 : vector<16xf32>
        %get3A_836 = arith.constant 0 : i32
        %get3A_837 = tpu.memref_slice %arg10[%scan3A_814, %get3A_836] : memref<50x64xf32, #tpu.memory_space<vmem>> -> memref<1x64xf32, #tpu.memory_space<vmem>>
        %get3A_838 = tpu.memref_squeeze %get3A_837 : memref<1x64xf32, #tpu.memory_space<vmem>> -> memref<64xf32, #tpu.memory_space<vmem>>
        %get3A_839 = arith.constant 48 : index
        %get3A_840 = tpu.vector_load %get3A_838[%get3A_839] {strides = array<i32>} : memref<64xf32, #tpu.memory_space<vmem>>, vector<16xf32>,
        %get3A_841 = vector.shape_cast %get3A_840 : vector<16xf32> to vector<16xf32>
        %add3A_842 = arith.addf %add3A_812, %get3A_841 : vector<16xf32>
        %scan3A_843 = arith.constant 8 : i32
        %scan3A_844 = arith.addi %scan3A_601, %scan3A_843 : i32
        %get3A_845 = arith.constant 0 : i32
        %get3A_846 = tpu.memref_slice %arg10[%scan3A_844, %get3A_845] : memref<50x64xf32, #tpu.memory_space<vmem>> -> memref<1x64xf32, #tpu.memory_space<vmem>>
        %get3A_847 = tpu.memref_squeeze %get3A_846 : memref<1x64xf32, #tpu.memory_space<vmem>> -> memref<64xf32, #tpu.memory_space<vmem>>
        %get3A_848 = arith.constant 0 : index
        %get3A_849 = tpu.vector_load %get3A_847[%get3A_848] {strides = array<i32>} : memref<64xf32, #tpu.memory_space<vmem>>, vector<16xf32>,
        %get3A_850 = vector.shape_cast %get3A_849 : vector<16xf32> to vector<16xf32>
        %add3A_851 = arith.addf %add3A_821, %get3A_850 : vector<16xf32>
        %get3A_852 = arith.constant 0 : i32
        %get3A_853 = tpu.memref_slice %arg10[%scan3A_844, %get3A_852] : memref<50x64xf32, #tpu.memory_space<vmem>> -> memref<1x64xf32, #tpu.memory_space<vmem>>
        %get3A_854 = tpu.memref_squeeze %get3A_853 : memref<1x64xf32, #tpu.memory_space<vmem>> -> memref<64xf32, #tpu.memory_space<vmem>>
        %get3A_855 = arith.constant 16 : index
        %get3A_856 = tpu.vector_load %get3A_854[%get3A_855] {strides = array<i32>} : memref<64xf32, #tpu.memory_space<vmem>>, vector<16xf32>,
        %get3A_857 = vector.shape_cast %get3A_856 : vector<16xf32> to vector<16xf32>
        %add3A_858 = arith.addf %add3A_828, %get3A_857 : vector<16xf32>
        %get3A_859 = arith.constant 0 : i32
        %get3A_860 = tpu.memref_slice %arg10[%scan3A_844, %get3A_859] : memref<50x64xf32, #tpu.memory_space<vmem>> -> memref<1x64xf32, #tpu.memory_space<vmem>>
        %get3A_861 = tpu.memref_squeeze %get3A_860 : memref<1x64xf32, #tpu.memory_space<vmem>> -> memref<64xf32, #tpu.memory_space<vmem>>
        %get3A_862 = arith.constant 32 : index
        %get3A_863 = tpu.vector_load %get3A_861[%get3A_862] {strides = array<i32>} : memref<64xf32, #tpu.memory_space<vmem>>, vector<16xf32>,
        %get3A_864 = vector.shape_cast %get3A_863 : vector<16xf32> to vector<16xf32>
        %add3A_865 = arith.addf %add3A_835, %get3A_864 : vector<16xf32>
        %get3A_866 = arith.constant 0 : i32
        %get3A_867 = tpu.memref_slice %arg10[%scan3A_844, %get3A_866] : memref<50x64xf32, #tpu.memory_space<vmem>> -> memref<1x64xf32, #tpu.memory_space<vmem>>
        %get3A_868 = tpu.memref_squeeze %get3A_867 : memref<1x64xf32, #tpu.memory_space<vmem>> -> memref<64xf32, #tpu.memory_space<vmem>>
        %get3A_869 = arith.constant 48 : index
        %get3A_870 = tpu.vector_load %get3A_868[%get3A_869] {strides = array<i32>} : memref<64xf32, #tpu.memory_space<vmem>>, vector<16xf32>,
        %get3A_871 = vector.shape_cast %get3A_870 : vector<16xf32> to vector<16xf32>
        %add3A_872 = arith.addf %add3A_842, %get3A_871 : vector<16xf32>
        %scan3A_873 = arith.constant 9 : i32
        %scan3A_874 = arith.addi %scan3A_601, %scan3A_873 : i32
        %get3A_875 = arith.constant 0 : i32
        %get3A_876 = tpu.memref_slice %arg10[%scan3A_874, %get3A_875] : memref<50x64xf32, #tpu.memory_space<vmem>> -> memref<1x64xf32, #tpu.memory_space<vmem>>
        %get3A_877 = tpu.memref_squeeze %get3A_876 : memref<1x64xf32, #tpu.memory_space<vmem>> -> memref<64xf32, #tpu.memory_space<vmem>>
        %get3A_878 = arith.constant 0 : index
        %get3A_879 = tpu.vector_load %get3A_877[%get3A_878] {strides = array<i32>} : memref<64xf32, #tpu.memory_space<vmem>>, vector<16xf32>,
        %get3A_880 = vector.shape_cast %get3A_879 : vector<16xf32> to vector<16xf32>
        %add3A_881 = arith.addf %add3A_851, %get3A_880 : vector<16xf32>
        %get3A_882 = arith.constant 0 : i32
        %get3A_883 = tpu.memref_slice %arg10[%scan3A_874, %get3A_882] : memref<50x64xf32, #tpu.memory_space<vmem>> -> memref<1x64xf32, #tpu.memory_space<vmem>>
        %get3A_884 = tpu.memref_squeeze %get3A_883 : memref<1x64xf32, #tpu.memory_space<vmem>> -> memref<64xf32, #tpu.memory_space<vmem>>
        %get3A_885 = arith.constant 16 : index
        %get3A_886 = tpu.vector_load %get3A_884[%get3A_885] {strides = array<i32>} : memref<64xf32, #tpu.memory_space<vmem>>, vector<16xf32>,
        %get3A_887 = vector.shape_cast %get3A_886 : vector<16xf32> to vector<16xf32>
        %add3A_888 = arith.addf %add3A_858, %get3A_887 : vector<16xf32>
        %get3A_889 = arith.constant 0 : i32
        %get3A_890 = tpu.memref_slice %arg10[%scan3A_874, %get3A_889] : memref<50x64xf32, #tpu.memory_space<vmem>> -> memref<1x64xf32, #tpu.memory_space<vmem>>
        %get3A_891 = tpu.memref_squeeze %get3A_890 : memref<1x64xf32, #tpu.memory_space<vmem>> -> memref<64xf32, #tpu.memory_space<vmem>>
        %get3A_892 = arith.constant 32 : index
        %get3A_893 = tpu.vector_load %get3A_891[%get3A_892] {strides = array<i32>} : memref<64xf32, #tpu.memory_space<vmem>>, vector<16xf32>,
        %get3A_894 = vector.shape_cast %get3A_893 : vector<16xf32> to vector<16xf32>
        %add3A_895 = arith.addf %add3A_865, %get3A_894 : vector<16xf32>
        %get3A_896 = arith.constant 0 : i32
        %get3A_897 = tpu.memref_slice %arg10[%scan3A_874, %get3A_896] : memref<50x64xf32, #tpu.memory_space<vmem>> -> memref<1x64xf32, #tpu.memory_space<vmem>>
        %get3A_898 = tpu.memref_squeeze %get3A_897 : memref<1x64xf32, #tpu.memory_space<vmem>> -> memref<64xf32, #tpu.memory_space<vmem>>
        %get3A_899 = arith.constant 48 : index
        %get3A_900 = tpu.vector_load %get3A_898[%get3A_899] {strides = array<i32>} : memref<64xf32, #tpu.memory_space<vmem>>, vector<16xf32>,
        %get3A_901 = vector.shape_cast %get3A_900 : vector<16xf32> to vector<16xf32>
        %add3A_902 = arith.addf %add3A_872, %get3A_901 : vector<16xf32>
        scf.yield %add3A_881, %add3A_888, %add3A_895, %add3A_902 : vector<16xf32>, vector<16xf32>, vector<16xf32>, vector<16xf32>
      }
      %scan3A_354 = arith.constant 50 : i32
      %mul3A_355 = arith.constant 64 : i32
      %mul3A_356 = arith.muli %add3A_334, %mul3A_355 : i32
      %mul3A_357 = arith.constant 2.000000e-02 : f32
      %mul3A_358 = vector.broadcast %mul3A_357 : f32 to vector<16xf32>
      %mul3A_359 = arith.mulf %scan3A_353#0, %mul3A_358 : vector<16xf32>
      %add3A_360 = arith.constant 0 : i32
      %add3A_361 = arith.addi %mul3A_356, %add3A_360 : i32
      %swap3A_362 = arith.index_cast %add3A_361 : i32 to index
      %swap3A_363 = tpu.vector_load %arg14[%swap3A_362] {strides = array<i32>} : memref<8192xf32, #tpu.memory_space<vmem>>, vector<16xf32>,
      %swap3A_364 = vector.shape_cast %swap3A_363 : vector<16xf32> to vector<16xf32>
      %swap3A_365 = vector.shape_cast %mul3A_359 : vector<16xf32> to vector<16xf32>
      tpu.vector_store %arg14[%swap3A_362], %swap3A_365 {strides = array<i32>} : memref<8192xf32, #tpu.memory_space<vmem>>, vector<16xf32>,
      %mul3A_366 = arith.constant 2.000000e-02 : f32
      %mul3A_367 = vector.broadcast %mul3A_366 : f32 to vector<16xf32>
      %mul3A_368 = arith.mulf %scan3A_353#1, %mul3A_367 : vector<16xf32>
      %add3A_369 = arith.constant 16 : i32
      %add3A_370 = arith.addi %mul3A_356, %add3A_369 : i32
      %swap3A_371 = arith.index_cast %add3A_370 : i32 to index
      %swap3A_372 = tpu.vector_load %arg14[%swap3A_371] {strides = array<i32>} : memref<8192xf32, #tpu.memory_space<vmem>>, vector<16xf32>,
      %swap3A_373 = vector.shape_cast %swap3A_372 : vector<16xf32> to vector<16xf32>
      %swap3A_374 = vector.shape_cast %mul3A_368 : vector<16xf32> to vector<16xf32>
      tpu.vector_store %arg14[%swap3A_371], %swap3A_374 {strides = array<i32>} : memref<8192xf32, #tpu.memory_space<vmem>>, vector<16xf32>,
      %mul3A_375 = arith.constant 2.000000e-02 : f32
      %mul3A_376 = vector.broadcast %mul3A_375 : f32 to vector<16xf32>
      %mul3A_377 = arith.mulf %scan3A_353#2, %mul3A_376 : vector<16xf32>
      %add3A_378 = arith.constant 32 : i32
      %add3A_379 = arith.addi %mul3A_356, %add3A_378 : i32
      %swap3A_380 = arith.index_cast %add3A_379 : i32 to index
      %swap3A_381 = tpu.vector_load %arg14[%swap3A_380] {strides = array<i32>} : memref<8192xf32, #tpu.memory_space<vmem>>, vector<16xf32>,
      %swap3A_382 = vector.shape_cast %swap3A_381 : vector<16xf32> to vector<16xf32>
      %swap3A_383 = vector.shape_cast %mul3A_377 : vector<16xf32> to vector<16xf32>
      tpu.vector_store %arg14[%swap3A_380], %swap3A_383 {strides = array<i32>} : memref<8192xf32, #tpu.memory_space<vmem>>, vector<16xf32>,
      %mul3A_384 = arith.constant 2.000000e-02 : f32
      %mul3A_385 = vector.broadcast %mul3A_384 : f32 to vector<16xf32>
      %mul3A_386 = arith.mulf %scan3A_353#3, %mul3A_385 : vector<16xf32>
      %add3A_387 = arith.constant 48 : i32
      %add3A_388 = arith.addi %mul3A_356, %add3A_387 : i32
      %swap3A_389 = arith.index_cast %add3A_388 : i32 to index
      %swap3A_390 = tpu.vector_load %arg14[%swap3A_389] {strides = array<i32>} : memref<8192xf32, #tpu.memory_space<vmem>>, vector<16xf32>,
      %swap3A_391 = vector.shape_cast %swap3A_390 : vector<16xf32> to vector<16xf32>
      %swap3A_392 = vector.shape_cast %mul3A_386 : vector<16xf32> to vector<16xf32>
      tpu.vector_store %arg14[%swap3A_389], %swap3A_392 {strides = array<i32>} : memref<8192xf32, #tpu.memory_space<vmem>>, vector<16xf32>,
      %add3A_393 = arith.constant 8 : i32
      %add3A_394 = arith.addi %add3A_334, %add3A_393 : i32
      %lt3A_395 = arith.constant 128 : i32
      %lt3A_396 = arith.cmpi slt, %add3A_394, %lt3A_395 : i32
      %convert_element_type3A_397 = arith.extui %lt3A_396 : i1 to i32
      %cond3A_398 = arith.constant 0 : i32
      %cond3A_399 = arith.cmpi ne, %convert_element_type3A_397, %cond3A_398 : i32
      scf.if %cond3A_399 {
        %dma_start3A_601 = arith.constant 0 : i32
        %dma_start3A_602 = tpu.memref_slice %arg5[%add3A_394, %dma_start3A_601] : memref<128x50xi32, #tpu.memory_space<vmem>> -> memref<1x50xi32, #tpu.memory_space<vmem>>
        %dma_start3A_603 = tpu.memref_squeeze %dma_start3A_602 : memref<1x50xi32, #tpu.memory_space<vmem>> -> memref<50xi32, #tpu.memory_space<vmem>>
        %dma_start3A_604 = arith.constant 0 : i32
        %dma_start3A_605 = arith.constant 0 : i32
        %dma_start3A_606 = tpu.memref_slice %arg3[%dma_start3A_604, %dma_start3A_605] : memref<100000x64xf32, #tpu.memory_space<hbm>> -> memref<100000x64xf32, #tpu.memory_space<hbm>>
        tpu.enqueue_indirect_dma source(%dma_start3A_606 : memref<100000x64xf32, #tpu.memory_space<hbm>>) target(%arg10 : memref<50x64xf32, #tpu.memory_space<vmem>>) offsets(%dma_start3A_603 : memref<50xi32, #tpu.memory_space<vmem>>) semaphore(%arg19 : memref<!tpu.dma_semaphore, #tpu.memory_space<semaphore_mem>>)
      } else {
      }
      %add3A_400 = arith.constant 5 : i32
      %add3A_401 = arith.addi %add3A_70, %add3A_400 : i32
      %dma_wait3A_402 = arith.constant 0 : i32
      %dma_wait3A_403 = tpu.memref_slice %arg5[%add3A_401, %dma_wait3A_402] : memref<128x50xi32, #tpu.memory_space<vmem>> -> memref<1x50xi32, #tpu.memory_space<vmem>>
      %dma_wait3A_404 = tpu.memref_squeeze %dma_wait3A_403 : memref<1x50xi32, #tpu.memory_space<vmem>> -> memref<50xi32, #tpu.memory_space<vmem>>
      %dma_wait3A_405 = arith.constant 0 : i32
      %dma_wait3A_406 = arith.constant 0 : i32
      %dma_wait3A_407 = tpu.memref_slice %arg3[%dma_wait3A_405, %dma_wait3A_406] : memref<100000x64xf32, #tpu.memory_space<hbm>> -> memref<100000x64xf32, #tpu.memory_space<hbm>>
      tpu.wait_indirect_dma semaphore(%arg20 : memref<!tpu.dma_semaphore, #tpu.memory_space<semaphore_mem>>) src(%dma_wait3A_407 : memref<100000x64xf32, #tpu.memory_space<hbm>>) dst(%arg11 : memref<50x64xf32, #tpu.memory_space<vmem>>)
      %broadcast_in_dim3A_408 = arith.constant 0.000000e+00 : f32
      %broadcast_in_dim3A_409 = vector.broadcast %broadcast_in_dim3A_408 : f32 to vector<16xf32>
      %broadcast_in_dim3A_410 = arith.constant 0.000000e+00 : f32
      %broadcast_in_dim3A_411 = vector.broadcast %broadcast_in_dim3A_410 : f32 to vector<16xf32>
      %broadcast_in_dim3A_412 = arith.constant 0.000000e+00 : f32
      %broadcast_in_dim3A_413 = vector.broadcast %broadcast_in_dim3A_412 : f32 to vector<16xf32>
      %broadcast_in_dim3A_414 = arith.constant 0.000000e+00 : f32
      %broadcast_in_dim3A_415 = vector.broadcast %broadcast_in_dim3A_414 : f32 to vector<16xf32>
      %scan3A_416 = arith.constant 0 : i32
      %scan3A_417 = arith.constant 50 : i32
      %scan3A_418 = arith.addi %scan3A_416, %scan3A_417 : i32
      %scan3A_419 = arith.constant 10 : i32
      %scan3A_420:4 = scf.for %scan3A_601 = %scan3A_416 to %scan3A_418 step %scan3A_419 iter_args(%scan3A_602 = %broadcast_in_dim3A_409, %scan3A_603 = %broadcast_in_dim3A_411, %scan3A_604 = %broadcast_in_dim3A_413, %scan3A_605 = %broadcast_in_dim3A_415) -> (vector<16xf32>, vector<16xf32>, vector<16xf32>, vector<16xf32>)  : i32 {
        %get3A = arith.constant 0 : i32
        %get3A_606 = tpu.memref_slice %arg11[%scan3A_601, %get3A] : memref<50x64xf32, #tpu.memory_space<vmem>> -> memref<1x64xf32, #tpu.memory_space<vmem>>
        %get3A_607 = tpu.memref_squeeze %get3A_606 : memref<1x64xf32, #tpu.memory_space<vmem>> -> memref<64xf32, #tpu.memory_space<vmem>>
        %get3A_608 = arith.constant 0 : index
        %get3A_609 = tpu.vector_load %get3A_607[%get3A_608] {strides = array<i32>} : memref<64xf32, #tpu.memory_space<vmem>>, vector<16xf32>,
        %get3A_610 = vector.shape_cast %get3A_609 : vector<16xf32> to vector<16xf32>
        %add3A_611 = arith.addf %scan3A_602, %get3A_610 : vector<16xf32>
        %get3A_612 = arith.constant 0 : i32
        %get3A_613 = tpu.memref_slice %arg11[%scan3A_601, %get3A_612] : memref<50x64xf32, #tpu.memory_space<vmem>> -> memref<1x64xf32, #tpu.memory_space<vmem>>
        %get3A_614 = tpu.memref_squeeze %get3A_613 : memref<1x64xf32, #tpu.memory_space<vmem>> -> memref<64xf32, #tpu.memory_space<vmem>>
        %get3A_615 = arith.constant 16 : index
        %get3A_616 = tpu.vector_load %get3A_614[%get3A_615] {strides = array<i32>} : memref<64xf32, #tpu.memory_space<vmem>>, vector<16xf32>,
        %get3A_617 = vector.shape_cast %get3A_616 : vector<16xf32> to vector<16xf32>
        %add3A_618 = arith.addf %scan3A_603, %get3A_617 : vector<16xf32>
        %get3A_619 = arith.constant 0 : i32
        %get3A_620 = tpu.memref_slice %arg11[%scan3A_601, %get3A_619] : memref<50x64xf32, #tpu.memory_space<vmem>> -> memref<1x64xf32, #tpu.memory_space<vmem>>
        %get3A_621 = tpu.memref_squeeze %get3A_620 : memref<1x64xf32, #tpu.memory_space<vmem>> -> memref<64xf32, #tpu.memory_space<vmem>>
        %get3A_622 = arith.constant 32 : index
        %get3A_623 = tpu.vector_load %get3A_621[%get3A_622] {strides = array<i32>} : memref<64xf32, #tpu.memory_space<vmem>>, vector<16xf32>,
        %get3A_624 = vector.shape_cast %get3A_623 : vector<16xf32> to vector<16xf32>
        %add3A_625 = arith.addf %scan3A_604, %get3A_624 : vector<16xf32>
        %get3A_626 = arith.constant 0 : i32
        %get3A_627 = tpu.memref_slice %arg11[%scan3A_601, %get3A_626] : memref<50x64xf32, #tpu.memory_space<vmem>> -> memref<1x64xf32, #tpu.memory_space<vmem>>
        %get3A_628 = tpu.memref_squeeze %get3A_627 : memref<1x64xf32, #tpu.memory_space<vmem>> -> memref<64xf32, #tpu.memory_space<vmem>>
        %get3A_629 = arith.constant 48 : index
        %get3A_630 = tpu.vector_load %get3A_628[%get3A_629] {strides = array<i32>} : memref<64xf32, #tpu.memory_space<vmem>>, vector<16xf32>,
        %get3A_631 = vector.shape_cast %get3A_630 : vector<16xf32> to vector<16xf32>
        %add3A_632 = arith.addf %scan3A_605, %get3A_631 : vector<16xf32>
        %scan3A_633 = arith.constant 1 : i32
        %scan3A_634 = arith.addi %scan3A_601, %scan3A_633 : i32
        %get3A_635 = arith.constant 0 : i32
        %get3A_636 = tpu.memref_slice %arg11[%scan3A_634, %get3A_635] : memref<50x64xf32, #tpu.memory_space<vmem>> -> memref<1x64xf32, #tpu.memory_space<vmem>>
        %get3A_637 = tpu.memref_squeeze %get3A_636 : memref<1x64xf32, #tpu.memory_space<vmem>> -> memref<64xf32, #tpu.memory_space<vmem>>
        %get3A_638 = arith.constant 0 : index
        %get3A_639 = tpu.vector_load %get3A_637[%get3A_638] {strides = array<i32>} : memref<64xf32, #tpu.memory_space<vmem>>, vector<16xf32>,
        %get3A_640 = vector.shape_cast %get3A_639 : vector<16xf32> to vector<16xf32>
        %add3A_641 = arith.addf %add3A_611, %get3A_640 : vector<16xf32>
        %get3A_642 = arith.constant 0 : i32
        %get3A_643 = tpu.memref_slice %arg11[%scan3A_634, %get3A_642] : memref<50x64xf32, #tpu.memory_space<vmem>> -> memref<1x64xf32, #tpu.memory_space<vmem>>
        %get3A_644 = tpu.memref_squeeze %get3A_643 : memref<1x64xf32, #tpu.memory_space<vmem>> -> memref<64xf32, #tpu.memory_space<vmem>>
        %get3A_645 = arith.constant 16 : index
        %get3A_646 = tpu.vector_load %get3A_644[%get3A_645] {strides = array<i32>} : memref<64xf32, #tpu.memory_space<vmem>>, vector<16xf32>,
        %get3A_647 = vector.shape_cast %get3A_646 : vector<16xf32> to vector<16xf32>
        %add3A_648 = arith.addf %add3A_618, %get3A_647 : vector<16xf32>
        %get3A_649 = arith.constant 0 : i32
        %get3A_650 = tpu.memref_slice %arg11[%scan3A_634, %get3A_649] : memref<50x64xf32, #tpu.memory_space<vmem>> -> memref<1x64xf32, #tpu.memory_space<vmem>>
        %get3A_651 = tpu.memref_squeeze %get3A_650 : memref<1x64xf32, #tpu.memory_space<vmem>> -> memref<64xf32, #tpu.memory_space<vmem>>
        %get3A_652 = arith.constant 32 : index
        %get3A_653 = tpu.vector_load %get3A_651[%get3A_652] {strides = array<i32>} : memref<64xf32, #tpu.memory_space<vmem>>, vector<16xf32>,
        %get3A_654 = vector.shape_cast %get3A_653 : vector<16xf32> to vector<16xf32>
        %add3A_655 = arith.addf %add3A_625, %get3A_654 : vector<16xf32>
        %get3A_656 = arith.constant 0 : i32
        %get3A_657 = tpu.memref_slice %arg11[%scan3A_634, %get3A_656] : memref<50x64xf32, #tpu.memory_space<vmem>> -> memref<1x64xf32, #tpu.memory_space<vmem>>
        %get3A_658 = tpu.memref_squeeze %get3A_657 : memref<1x64xf32, #tpu.memory_space<vmem>> -> memref<64xf32, #tpu.memory_space<vmem>>
        %get3A_659 = arith.constant 48 : index
        %get3A_660 = tpu.vector_load %get3A_658[%get3A_659] {strides = array<i32>} : memref<64xf32, #tpu.memory_space<vmem>>, vector<16xf32>,
        %get3A_661 = vector.shape_cast %get3A_660 : vector<16xf32> to vector<16xf32>
        %add3A_662 = arith.addf %add3A_632, %get3A_661 : vector<16xf32>
        %scan3A_663 = arith.constant 2 : i32
        %scan3A_664 = arith.addi %scan3A_601, %scan3A_663 : i32
        %get3A_665 = arith.constant 0 : i32
        %get3A_666 = tpu.memref_slice %arg11[%scan3A_664, %get3A_665] : memref<50x64xf32, #tpu.memory_space<vmem>> -> memref<1x64xf32, #tpu.memory_space<vmem>>
        %get3A_667 = tpu.memref_squeeze %get3A_666 : memref<1x64xf32, #tpu.memory_space<vmem>> -> memref<64xf32, #tpu.memory_space<vmem>>
        %get3A_668 = arith.constant 0 : index
        %get3A_669 = tpu.vector_load %get3A_667[%get3A_668] {strides = array<i32>} : memref<64xf32, #tpu.memory_space<vmem>>, vector<16xf32>,
        %get3A_670 = vector.shape_cast %get3A_669 : vector<16xf32> to vector<16xf32>
        %add3A_671 = arith.addf %add3A_641, %get3A_670 : vector<16xf32>
        %get3A_672 = arith.constant 0 : i32
        %get3A_673 = tpu.memref_slice %arg11[%scan3A_664, %get3A_672] : memref<50x64xf32, #tpu.memory_space<vmem>> -> memref<1x64xf32, #tpu.memory_space<vmem>>
        %get3A_674 = tpu.memref_squeeze %get3A_673 : memref<1x64xf32, #tpu.memory_space<vmem>> -> memref<64xf32, #tpu.memory_space<vmem>>
        %get3A_675 = arith.constant 16 : index
        %get3A_676 = tpu.vector_load %get3A_674[%get3A_675] {strides = array<i32>} : memref<64xf32, #tpu.memory_space<vmem>>, vector<16xf32>,
        %get3A_677 = vector.shape_cast %get3A_676 : vector<16xf32> to vector<16xf32>
        %add3A_678 = arith.addf %add3A_648, %get3A_677 : vector<16xf32>
        %get3A_679 = arith.constant 0 : i32
        %get3A_680 = tpu.memref_slice %arg11[%scan3A_664, %get3A_679] : memref<50x64xf32, #tpu.memory_space<vmem>> -> memref<1x64xf32, #tpu.memory_space<vmem>>
        %get3A_681 = tpu.memref_squeeze %get3A_680 : memref<1x64xf32, #tpu.memory_space<vmem>> -> memref<64xf32, #tpu.memory_space<vmem>>
        %get3A_682 = arith.constant 32 : index
        %get3A_683 = tpu.vector_load %get3A_681[%get3A_682] {strides = array<i32>} : memref<64xf32, #tpu.memory_space<vmem>>, vector<16xf32>,
        %get3A_684 = vector.shape_cast %get3A_683 : vector<16xf32> to vector<16xf32>
        %add3A_685 = arith.addf %add3A_655, %get3A_684 : vector<16xf32>
        %get3A_686 = arith.constant 0 : i32
        %get3A_687 = tpu.memref_slice %arg11[%scan3A_664, %get3A_686] : memref<50x64xf32, #tpu.memory_space<vmem>> -> memref<1x64xf32, #tpu.memory_space<vmem>>
        %get3A_688 = tpu.memref_squeeze %get3A_687 : memref<1x64xf32, #tpu.memory_space<vmem>> -> memref<64xf32, #tpu.memory_space<vmem>>
        %get3A_689 = arith.constant 48 : index
        %get3A_690 = tpu.vector_load %get3A_688[%get3A_689] {strides = array<i32>} : memref<64xf32, #tpu.memory_space<vmem>>, vector<16xf32>,
        %get3A_691 = vector.shape_cast %get3A_690 : vector<16xf32> to vector<16xf32>
        %add3A_692 = arith.addf %add3A_662, %get3A_691 : vector<16xf32>
        %scan3A_693 = arith.constant 3 : i32
        %scan3A_694 = arith.addi %scan3A_601, %scan3A_693 : i32
        %get3A_695 = arith.constant 0 : i32
        %get3A_696 = tpu.memref_slice %arg11[%scan3A_694, %get3A_695] : memref<50x64xf32, #tpu.memory_space<vmem>> -> memref<1x64xf32, #tpu.memory_space<vmem>>
        %get3A_697 = tpu.memref_squeeze %get3A_696 : memref<1x64xf32, #tpu.memory_space<vmem>> -> memref<64xf32, #tpu.memory_space<vmem>>
        %get3A_698 = arith.constant 0 : index
        %get3A_699 = tpu.vector_load %get3A_697[%get3A_698] {strides = array<i32>} : memref<64xf32, #tpu.memory_space<vmem>>, vector<16xf32>,
        %get3A_700 = vector.shape_cast %get3A_699 : vector<16xf32> to vector<16xf32>
        %add3A_701 = arith.addf %add3A_671, %get3A_700 : vector<16xf32>
        %get3A_702 = arith.constant 0 : i32
        %get3A_703 = tpu.memref_slice %arg11[%scan3A_694, %get3A_702] : memref<50x64xf32, #tpu.memory_space<vmem>> -> memref<1x64xf32, #tpu.memory_space<vmem>>
        %get3A_704 = tpu.memref_squeeze %get3A_703 : memref<1x64xf32, #tpu.memory_space<vmem>> -> memref<64xf32, #tpu.memory_space<vmem>>
        %get3A_705 = arith.constant 16 : index
        %get3A_706 = tpu.vector_load %get3A_704[%get3A_705] {strides = array<i32>} : memref<64xf32, #tpu.memory_space<vmem>>, vector<16xf32>,
        %get3A_707 = vector.shape_cast %get3A_706 : vector<16xf32> to vector<16xf32>
        %add3A_708 = arith.addf %add3A_678, %get3A_707 : vector<16xf32>
        %get3A_709 = arith.constant 0 : i32
        %get3A_710 = tpu.memref_slice %arg11[%scan3A_694, %get3A_709] : memref<50x64xf32, #tpu.memory_space<vmem>> -> memref<1x64xf32, #tpu.memory_space<vmem>>
        %get3A_711 = tpu.memref_squeeze %get3A_710 : memref<1x64xf32, #tpu.memory_space<vmem>> -> memref<64xf32, #tpu.memory_space<vmem>>
        %get3A_712 = arith.constant 32 : index
        %get3A_713 = tpu.vector_load %get3A_711[%get3A_712] {strides = array<i32>} : memref<64xf32, #tpu.memory_space<vmem>>, vector<16xf32>,
        %get3A_714 = vector.shape_cast %get3A_713 : vector<16xf32> to vector<16xf32>
        %add3A_715 = arith.addf %add3A_685, %get3A_714 : vector<16xf32>
        %get3A_716 = arith.constant 0 : i32
        %get3A_717 = tpu.memref_slice %arg11[%scan3A_694, %get3A_716] : memref<50x64xf32, #tpu.memory_space<vmem>> -> memref<1x64xf32, #tpu.memory_space<vmem>>
        %get3A_718 = tpu.memref_squeeze %get3A_717 : memref<1x64xf32, #tpu.memory_space<vmem>> -> memref<64xf32, #tpu.memory_space<vmem>>
        %get3A_719 = arith.constant 48 : index
        %get3A_720 = tpu.vector_load %get3A_718[%get3A_719] {strides = array<i32>} : memref<64xf32, #tpu.memory_space<vmem>>, vector<16xf32>,
        %get3A_721 = vector.shape_cast %get3A_720 : vector<16xf32> to vector<16xf32>
        %add3A_722 = arith.addf %add3A_692, %get3A_721 : vector<16xf32>
        %scan3A_723 = arith.constant 4 : i32
        %scan3A_724 = arith.addi %scan3A_601, %scan3A_723 : i32
        %get3A_725 = arith.constant 0 : i32
        %get3A_726 = tpu.memref_slice %arg11[%scan3A_724, %get3A_725] : memref<50x64xf32, #tpu.memory_space<vmem>> -> memref<1x64xf32, #tpu.memory_space<vmem>>
        %get3A_727 = tpu.memref_squeeze %get3A_726 : memref<1x64xf32, #tpu.memory_space<vmem>> -> memref<64xf32, #tpu.memory_space<vmem>>
        %get3A_728 = arith.constant 0 : index
        %get3A_729 = tpu.vector_load %get3A_727[%get3A_728] {strides = array<i32>} : memref<64xf32, #tpu.memory_space<vmem>>, vector<16xf32>,
        %get3A_730 = vector.shape_cast %get3A_729 : vector<16xf32> to vector<16xf32>
        %add3A_731 = arith.addf %add3A_701, %get3A_730 : vector<16xf32>
        %get3A_732 = arith.constant 0 : i32
        %get3A_733 = tpu.memref_slice %arg11[%scan3A_724, %get3A_732] : memref<50x64xf32, #tpu.memory_space<vmem>> -> memref<1x64xf32, #tpu.memory_space<vmem>>
        %get3A_734 = tpu.memref_squeeze %get3A_733 : memref<1x64xf32, #tpu.memory_space<vmem>> -> memref<64xf32, #tpu.memory_space<vmem>>
        %get3A_735 = arith.constant 16 : index
        %get3A_736 = tpu.vector_load %get3A_734[%get3A_735] {strides = array<i32>} : memref<64xf32, #tpu.memory_space<vmem>>, vector<16xf32>,
        %get3A_737 = vector.shape_cast %get3A_736 : vector<16xf32> to vector<16xf32>
        %add3A_738 = arith.addf %add3A_708, %get3A_737 : vector<16xf32>
        %get3A_739 = arith.constant 0 : i32
        %get3A_740 = tpu.memref_slice %arg11[%scan3A_724, %get3A_739] : memref<50x64xf32, #tpu.memory_space<vmem>> -> memref<1x64xf32, #tpu.memory_space<vmem>>
        %get3A_741 = tpu.memref_squeeze %get3A_740 : memref<1x64xf32, #tpu.memory_space<vmem>> -> memref<64xf32, #tpu.memory_space<vmem>>
        %get3A_742 = arith.constant 32 : index
        %get3A_743 = tpu.vector_load %get3A_741[%get3A_742] {strides = array<i32>} : memref<64xf32, #tpu.memory_space<vmem>>, vector<16xf32>,
        %get3A_744 = vector.shape_cast %get3A_743 : vector<16xf32> to vector<16xf32>
        %add3A_745 = arith.addf %add3A_715, %get3A_744 : vector<16xf32>
        %get3A_746 = arith.constant 0 : i32
        %get3A_747 = tpu.memref_slice %arg11[%scan3A_724, %get3A_746] : memref<50x64xf32, #tpu.memory_space<vmem>> -> memref<1x64xf32, #tpu.memory_space<vmem>>
        %get3A_748 = tpu.memref_squeeze %get3A_747 : memref<1x64xf32, #tpu.memory_space<vmem>> -> memref<64xf32, #tpu.memory_space<vmem>>
        %get3A_749 = arith.constant 48 : index
        %get3A_750 = tpu.vector_load %get3A_748[%get3A_749] {strides = array<i32>} : memref<64xf32, #tpu.memory_space<vmem>>, vector<16xf32>,
        %get3A_751 = vector.shape_cast %get3A_750 : vector<16xf32> to vector<16xf32>
        %add3A_752 = arith.addf %add3A_722, %get3A_751 : vector<16xf32>
        %scan3A_753 = arith.constant 5 : i32
        %scan3A_754 = arith.addi %scan3A_601, %scan3A_753 : i32
        %get3A_755 = arith.constant 0 : i32
        %get3A_756 = tpu.memref_slice %arg11[%scan3A_754, %get3A_755] : memref<50x64xf32, #tpu.memory_space<vmem>> -> memref<1x64xf32, #tpu.memory_space<vmem>>
        %get3A_757 = tpu.memref_squeeze %get3A_756 : memref<1x64xf32, #tpu.memory_space<vmem>> -> memref<64xf32, #tpu.memory_space<vmem>>
        %get3A_758 = arith.constant 0 : index
        %get3A_759 = tpu.vector_load %get3A_757[%get3A_758] {strides = array<i32>} : memref<64xf32, #tpu.memory_space<vmem>>, vector<16xf32>,
        %get3A_760 = vector.shape_cast %get3A_759 : vector<16xf32> to vector<16xf32>
        %add3A_761 = arith.addf %add3A_731, %get3A_760 : vector<16xf32>
        %get3A_762 = arith.constant 0 : i32
        %get3A_763 = tpu.memref_slice %arg11[%scan3A_754, %get3A_762] : memref<50x64xf32, #tpu.memory_space<vmem>> -> memref<1x64xf32, #tpu.memory_space<vmem>>
        %get3A_764 = tpu.memref_squeeze %get3A_763 : memref<1x64xf32, #tpu.memory_space<vmem>> -> memref<64xf32, #tpu.memory_space<vmem>>
        %get3A_765 = arith.constant 16 : index
        %get3A_766 = tpu.vector_load %get3A_764[%get3A_765] {strides = array<i32>} : memref<64xf32, #tpu.memory_space<vmem>>, vector<16xf32>,
        %get3A_767 = vector.shape_cast %get3A_766 : vector<16xf32> to vector<16xf32>
        %add3A_768 = arith.addf %add3A_738, %get3A_767 : vector<16xf32>
        %get3A_769 = arith.constant 0 : i32
        %get3A_770 = tpu.memref_slice %arg11[%scan3A_754, %get3A_769] : memref<50x64xf32, #tpu.memory_space<vmem>> -> memref<1x64xf32, #tpu.memory_space<vmem>>
        %get3A_771 = tpu.memref_squeeze %get3A_770 : memref<1x64xf32, #tpu.memory_space<vmem>> -> memref<64xf32, #tpu.memory_space<vmem>>
        %get3A_772 = arith.constant 32 : index
        %get3A_773 = tpu.vector_load %get3A_771[%get3A_772] {strides = array<i32>} : memref<64xf32, #tpu.memory_space<vmem>>, vector<16xf32>,
        %get3A_774 = vector.shape_cast %get3A_773 : vector<16xf32> to vector<16xf32>
        %add3A_775 = arith.addf %add3A_745, %get3A_774 : vector<16xf32>
        %get3A_776 = arith.constant 0 : i32
        %get3A_777 = tpu.memref_slice %arg11[%scan3A_754, %get3A_776] : memref<50x64xf32, #tpu.memory_space<vmem>> -> memref<1x64xf32, #tpu.memory_space<vmem>>
        %get3A_778 = tpu.memref_squeeze %get3A_777 : memref<1x64xf32, #tpu.memory_space<vmem>> -> memref<64xf32, #tpu.memory_space<vmem>>
        %get3A_779 = arith.constant 48 : index
        %get3A_780 = tpu.vector_load %get3A_778[%get3A_779] {strides = array<i32>} : memref<64xf32, #tpu.memory_space<vmem>>, vector<16xf32>,
        %get3A_781 = vector.shape_cast %get3A_780 : vector<16xf32> to vector<16xf32>
        %add3A_782 = arith.addf %add3A_752, %get3A_781 : vector<16xf32>
        %scan3A_783 = arith.constant 6 : i32
        %scan3A_784 = arith.addi %scan3A_601, %scan3A_783 : i32
        %get3A_785 = arith.constant 0 : i32
        %get3A_786 = tpu.memref_slice %arg11[%scan3A_784, %get3A_785] : memref<50x64xf32, #tpu.memory_space<vmem>> -> memref<1x64xf32, #tpu.memory_space<vmem>>
        %get3A_787 = tpu.memref_squeeze %get3A_786 : memref<1x64xf32, #tpu.memory_space<vmem>> -> memref<64xf32, #tpu.memory_space<vmem>>
        %get3A_788 = arith.constant 0 : index
        %get3A_789 = tpu.vector_load %get3A_787[%get3A_788] {strides = array<i32>} : memref<64xf32, #tpu.memory_space<vmem>>, vector<16xf32>,
        %get3A_790 = vector.shape_cast %get3A_789 : vector<16xf32> to vector<16xf32>
        %add3A_791 = arith.addf %add3A_761, %get3A_790 : vector<16xf32>
        %get3A_792 = arith.constant 0 : i32
        %get3A_793 = tpu.memref_slice %arg11[%scan3A_784, %get3A_792] : memref<50x64xf32, #tpu.memory_space<vmem>> -> memref<1x64xf32, #tpu.memory_space<vmem>>
        %get3A_794 = tpu.memref_squeeze %get3A_793 : memref<1x64xf32, #tpu.memory_space<vmem>> -> memref<64xf32, #tpu.memory_space<vmem>>
        %get3A_795 = arith.constant 16 : index
        %get3A_796 = tpu.vector_load %get3A_794[%get3A_795] {strides = array<i32>} : memref<64xf32, #tpu.memory_space<vmem>>, vector<16xf32>,
        %get3A_797 = vector.shape_cast %get3A_796 : vector<16xf32> to vector<16xf32>
        %add3A_798 = arith.addf %add3A_768, %get3A_797 : vector<16xf32>
        %get3A_799 = arith.constant 0 : i32
        %get3A_800 = tpu.memref_slice %arg11[%scan3A_784, %get3A_799] : memref<50x64xf32, #tpu.memory_space<vmem>> -> memref<1x64xf32, #tpu.memory_space<vmem>>
        %get3A_801 = tpu.memref_squeeze %get3A_800 : memref<1x64xf32, #tpu.memory_space<vmem>> -> memref<64xf32, #tpu.memory_space<vmem>>
        %get3A_802 = arith.constant 32 : index
        %get3A_803 = tpu.vector_load %get3A_801[%get3A_802] {strides = array<i32>} : memref<64xf32, #tpu.memory_space<vmem>>, vector<16xf32>,
        %get3A_804 = vector.shape_cast %get3A_803 : vector<16xf32> to vector<16xf32>
        %add3A_805 = arith.addf %add3A_775, %get3A_804 : vector<16xf32>
        %get3A_806 = arith.constant 0 : i32
        %get3A_807 = tpu.memref_slice %arg11[%scan3A_784, %get3A_806] : memref<50x64xf32, #tpu.memory_space<vmem>> -> memref<1x64xf32, #tpu.memory_space<vmem>>
        %get3A_808 = tpu.memref_squeeze %get3A_807 : memref<1x64xf32, #tpu.memory_space<vmem>> -> memref<64xf32, #tpu.memory_space<vmem>>
        %get3A_809 = arith.constant 48 : index
        %get3A_810 = tpu.vector_load %get3A_808[%get3A_809] {strides = array<i32>} : memref<64xf32, #tpu.memory_space<vmem>>, vector<16xf32>,
        %get3A_811 = vector.shape_cast %get3A_810 : vector<16xf32> to vector<16xf32>
        %add3A_812 = arith.addf %add3A_782, %get3A_811 : vector<16xf32>
        %scan3A_813 = arith.constant 7 : i32
        %scan3A_814 = arith.addi %scan3A_601, %scan3A_813 : i32
        %get3A_815 = arith.constant 0 : i32
        %get3A_816 = tpu.memref_slice %arg11[%scan3A_814, %get3A_815] : memref<50x64xf32, #tpu.memory_space<vmem>> -> memref<1x64xf32, #tpu.memory_space<vmem>>
        %get3A_817 = tpu.memref_squeeze %get3A_816 : memref<1x64xf32, #tpu.memory_space<vmem>> -> memref<64xf32, #tpu.memory_space<vmem>>
        %get3A_818 = arith.constant 0 : index
        %get3A_819 = tpu.vector_load %get3A_817[%get3A_818] {strides = array<i32>} : memref<64xf32, #tpu.memory_space<vmem>>, vector<16xf32>,
        %get3A_820 = vector.shape_cast %get3A_819 : vector<16xf32> to vector<16xf32>
        %add3A_821 = arith.addf %add3A_791, %get3A_820 : vector<16xf32>
        %get3A_822 = arith.constant 0 : i32
        %get3A_823 = tpu.memref_slice %arg11[%scan3A_814, %get3A_822] : memref<50x64xf32, #tpu.memory_space<vmem>> -> memref<1x64xf32, #tpu.memory_space<vmem>>
        %get3A_824 = tpu.memref_squeeze %get3A_823 : memref<1x64xf32, #tpu.memory_space<vmem>> -> memref<64xf32, #tpu.memory_space<vmem>>
        %get3A_825 = arith.constant 16 : index
        %get3A_826 = tpu.vector_load %get3A_824[%get3A_825] {strides = array<i32>} : memref<64xf32, #tpu.memory_space<vmem>>, vector<16xf32>,
        %get3A_827 = vector.shape_cast %get3A_826 : vector<16xf32> to vector<16xf32>
        %add3A_828 = arith.addf %add3A_798, %get3A_827 : vector<16xf32>
        %get3A_829 = arith.constant 0 : i32
        %get3A_830 = tpu.memref_slice %arg11[%scan3A_814, %get3A_829] : memref<50x64xf32, #tpu.memory_space<vmem>> -> memref<1x64xf32, #tpu.memory_space<vmem>>
        %get3A_831 = tpu.memref_squeeze %get3A_830 : memref<1x64xf32, #tpu.memory_space<vmem>> -> memref<64xf32, #tpu.memory_space<vmem>>
        %get3A_832 = arith.constant 32 : index
        %get3A_833 = tpu.vector_load %get3A_831[%get3A_832] {strides = array<i32>} : memref<64xf32, #tpu.memory_space<vmem>>, vector<16xf32>,
        %get3A_834 = vector.shape_cast %get3A_833 : vector<16xf32> to vector<16xf32>
        %add3A_835 = arith.addf %add3A_805, %get3A_834 : vector<16xf32>
        %get3A_836 = arith.constant 0 : i32
        %get3A_837 = tpu.memref_slice %arg11[%scan3A_814, %get3A_836] : memref<50x64xf32, #tpu.memory_space<vmem>> -> memref<1x64xf32, #tpu.memory_space<vmem>>
        %get3A_838 = tpu.memref_squeeze %get3A_837 : memref<1x64xf32, #tpu.memory_space<vmem>> -> memref<64xf32, #tpu.memory_space<vmem>>
        %get3A_839 = arith.constant 48 : index
        %get3A_840 = tpu.vector_load %get3A_838[%get3A_839] {strides = array<i32>} : memref<64xf32, #tpu.memory_space<vmem>>, vector<16xf32>,
        %get3A_841 = vector.shape_cast %get3A_840 : vector<16xf32> to vector<16xf32>
        %add3A_842 = arith.addf %add3A_812, %get3A_841 : vector<16xf32>
        %scan3A_843 = arith.constant 8 : i32
        %scan3A_844 = arith.addi %scan3A_601, %scan3A_843 : i32
        %get3A_845 = arith.constant 0 : i32
        %get3A_846 = tpu.memref_slice %arg11[%scan3A_844, %get3A_845] : memref<50x64xf32, #tpu.memory_space<vmem>> -> memref<1x64xf32, #tpu.memory_space<vmem>>
        %get3A_847 = tpu.memref_squeeze %get3A_846 : memref<1x64xf32, #tpu.memory_space<vmem>> -> memref<64xf32, #tpu.memory_space<vmem>>
        %get3A_848 = arith.constant 0 : index
        %get3A_849 = tpu.vector_load %get3A_847[%get3A_848] {strides = array<i32>} : memref<64xf32, #tpu.memory_space<vmem>>, vector<16xf32>,
        %get3A_850 = vector.shape_cast %get3A_849 : vector<16xf32> to vector<16xf32>
        %add3A_851 = arith.addf %add3A_821, %get3A_850 : vector<16xf32>
        %get3A_852 = arith.constant 0 : i32
        %get3A_853 = tpu.memref_slice %arg11[%scan3A_844, %get3A_852] : memref<50x64xf32, #tpu.memory_space<vmem>> -> memref<1x64xf32, #tpu.memory_space<vmem>>
        %get3A_854 = tpu.memref_squeeze %get3A_853 : memref<1x64xf32, #tpu.memory_space<vmem>> -> memref<64xf32, #tpu.memory_space<vmem>>
        %get3A_855 = arith.constant 16 : index
        %get3A_856 = tpu.vector_load %get3A_854[%get3A_855] {strides = array<i32>} : memref<64xf32, #tpu.memory_space<vmem>>, vector<16xf32>,
        %get3A_857 = vector.shape_cast %get3A_856 : vector<16xf32> to vector<16xf32>
        %add3A_858 = arith.addf %add3A_828, %get3A_857 : vector<16xf32>
        %get3A_859 = arith.constant 0 : i32
        %get3A_860 = tpu.memref_slice %arg11[%scan3A_844, %get3A_859] : memref<50x64xf32, #tpu.memory_space<vmem>> -> memref<1x64xf32, #tpu.memory_space<vmem>>
        %get3A_861 = tpu.memref_squeeze %get3A_860 : memref<1x64xf32, #tpu.memory_space<vmem>> -> memref<64xf32, #tpu.memory_space<vmem>>
        %get3A_862 = arith.constant 32 : index
        %get3A_863 = tpu.vector_load %get3A_861[%get3A_862] {strides = array<i32>} : memref<64xf32, #tpu.memory_space<vmem>>, vector<16xf32>,
        %get3A_864 = vector.shape_cast %get3A_863 : vector<16xf32> to vector<16xf32>
        %add3A_865 = arith.addf %add3A_835, %get3A_864 : vector<16xf32>
        %get3A_866 = arith.constant 0 : i32
        %get3A_867 = tpu.memref_slice %arg11[%scan3A_844, %get3A_866] : memref<50x64xf32, #tpu.memory_space<vmem>> -> memref<1x64xf32, #tpu.memory_space<vmem>>
        %get3A_868 = tpu.memref_squeeze %get3A_867 : memref<1x64xf32, #tpu.memory_space<vmem>> -> memref<64xf32, #tpu.memory_space<vmem>>
        %get3A_869 = arith.constant 48 : index
        %get3A_870 = tpu.vector_load %get3A_868[%get3A_869] {strides = array<i32>} : memref<64xf32, #tpu.memory_space<vmem>>, vector<16xf32>,
        %get3A_871 = vector.shape_cast %get3A_870 : vector<16xf32> to vector<16xf32>
        %add3A_872 = arith.addf %add3A_842, %get3A_871 : vector<16xf32>
        %scan3A_873 = arith.constant 9 : i32
        %scan3A_874 = arith.addi %scan3A_601, %scan3A_873 : i32
        %get3A_875 = arith.constant 0 : i32
        %get3A_876 = tpu.memref_slice %arg11[%scan3A_874, %get3A_875] : memref<50x64xf32, #tpu.memory_space<vmem>> -> memref<1x64xf32, #tpu.memory_space<vmem>>
        %get3A_877 = tpu.memref_squeeze %get3A_876 : memref<1x64xf32, #tpu.memory_space<vmem>> -> memref<64xf32, #tpu.memory_space<vmem>>
        %get3A_878 = arith.constant 0 : index
        %get3A_879 = tpu.vector_load %get3A_877[%get3A_878] {strides = array<i32>} : memref<64xf32, #tpu.memory_space<vmem>>, vector<16xf32>,
        %get3A_880 = vector.shape_cast %get3A_879 : vector<16xf32> to vector<16xf32>
        %add3A_881 = arith.addf %add3A_851, %get3A_880 : vector<16xf32>
        %get3A_882 = arith.constant 0 : i32
        %get3A_883 = tpu.memref_slice %arg11[%scan3A_874, %get3A_882] : memref<50x64xf32, #tpu.memory_space<vmem>> -> memref<1x64xf32, #tpu.memory_space<vmem>>
        %get3A_884 = tpu.memref_squeeze %get3A_883 : memref<1x64xf32, #tpu.memory_space<vmem>> -> memref<64xf32, #tpu.memory_space<vmem>>
        %get3A_885 = arith.constant 16 : index
        %get3A_886 = tpu.vector_load %get3A_884[%get3A_885] {strides = array<i32>} : memref<64xf32, #tpu.memory_space<vmem>>, vector<16xf32>,
        %get3A_887 = vector.shape_cast %get3A_886 : vector<16xf32> to vector<16xf32>
        %add3A_888 = arith.addf %add3A_858, %get3A_887 : vector<16xf32>
        %get3A_889 = arith.constant 0 : i32
        %get3A_890 = tpu.memref_slice %arg11[%scan3A_874, %get3A_889] : memref<50x64xf32, #tpu.memory_space<vmem>> -> memref<1x64xf32, #tpu.memory_space<vmem>>
        %get3A_891 = tpu.memref_squeeze %get3A_890 : memref<1x64xf32, #tpu.memory_space<vmem>> -> memref<64xf32, #tpu.memory_space<vmem>>
        %get3A_892 = arith.constant 32 : index
        %get3A_893 = tpu.vector_load %get3A_891[%get3A_892] {strides = array<i32>} : memref<64xf32, #tpu.memory_space<vmem>>, vector<16xf32>,
        %get3A_894 = vector.shape_cast %get3A_893 : vector<16xf32> to vector<16xf32>
        %add3A_895 = arith.addf %add3A_865, %get3A_894 : vector<16xf32>
        %get3A_896 = arith.constant 0 : i32
        %get3A_897 = tpu.memref_slice %arg11[%scan3A_874, %get3A_896] : memref<50x64xf32, #tpu.memory_space<vmem>> -> memref<1x64xf32, #tpu.memory_space<vmem>>
        %get3A_898 = tpu.memref_squeeze %get3A_897 : memref<1x64xf32, #tpu.memory_space<vmem>> -> memref<64xf32, #tpu.memory_space<vmem>>
        %get3A_899 = arith.constant 48 : index
        %get3A_900 = tpu.vector_load %get3A_898[%get3A_899] {strides = array<i32>} : memref<64xf32, #tpu.memory_space<vmem>>, vector<16xf32>,
        %get3A_901 = vector.shape_cast %get3A_900 : vector<16xf32> to vector<16xf32>
        %add3A_902 = arith.addf %add3A_872, %get3A_901 : vector<16xf32>
        scf.yield %add3A_881, %add3A_888, %add3A_895, %add3A_902 : vector<16xf32>, vector<16xf32>, vector<16xf32>, vector<16xf32>
      }
      %scan3A_421 = arith.constant 50 : i32
      %mul3A_422 = arith.constant 64 : i32
      %mul3A_423 = arith.muli %add3A_401, %mul3A_422 : i32
      %mul3A_424 = arith.constant 2.000000e-02 : f32
      %mul3A_425 = vector.broadcast %mul3A_424 : f32 to vector<16xf32>
      %mul3A_426 = arith.mulf %scan3A_420#0, %mul3A_425 : vector<16xf32>
      %add3A_427 = arith.constant 0 : i32
      %add3A_428 = arith.addi %mul3A_423, %add3A_427 : i32
      %swap3A_429 = arith.index_cast %add3A_428 : i32 to index
      %swap3A_430 = tpu.vector_load %arg14[%swap3A_429] {strides = array<i32>} : memref<8192xf32, #tpu.memory_space<vmem>>, vector<16xf32>,
      %swap3A_431 = vector.shape_cast %swap3A_430 : vector<16xf32> to vector<16xf32>
      %swap3A_432 = vector.shape_cast %mul3A_426 : vector<16xf32> to vector<16xf32>
      tpu.vector_store %arg14[%swap3A_429], %swap3A_432 {strides = array<i32>} : memref<8192xf32, #tpu.memory_space<vmem>>, vector<16xf32>,
      %mul3A_433 = arith.constant 2.000000e-02 : f32
      %mul3A_434 = vector.broadcast %mul3A_433 : f32 to vector<16xf32>
      %mul3A_435 = arith.mulf %scan3A_420#1, %mul3A_434 : vector<16xf32>
      %add3A_436 = arith.constant 16 : i32
      %add3A_437 = arith.addi %mul3A_423, %add3A_436 : i32
      %swap3A_438 = arith.index_cast %add3A_437 : i32 to index
      %swap3A_439 = tpu.vector_load %arg14[%swap3A_438] {strides = array<i32>} : memref<8192xf32, #tpu.memory_space<vmem>>, vector<16xf32>,
      %swap3A_440 = vector.shape_cast %swap3A_439 : vector<16xf32> to vector<16xf32>
      %swap3A_441 = vector.shape_cast %mul3A_435 : vector<16xf32> to vector<16xf32>
      tpu.vector_store %arg14[%swap3A_438], %swap3A_441 {strides = array<i32>} : memref<8192xf32, #tpu.memory_space<vmem>>, vector<16xf32>,
      %mul3A_442 = arith.constant 2.000000e-02 : f32
      %mul3A_443 = vector.broadcast %mul3A_442 : f32 to vector<16xf32>
      %mul3A_444 = arith.mulf %scan3A_420#2, %mul3A_443 : vector<16xf32>
      %add3A_445 = arith.constant 32 : i32
      %add3A_446 = arith.addi %mul3A_423, %add3A_445 : i32
      %swap3A_447 = arith.index_cast %add3A_446 : i32 to index
      %swap3A_448 = tpu.vector_load %arg14[%swap3A_447] {strides = array<i32>} : memref<8192xf32, #tpu.memory_space<vmem>>, vector<16xf32>,
      %swap3A_449 = vector.shape_cast %swap3A_448 : vector<16xf32> to vector<16xf32>
      %swap3A_450 = vector.shape_cast %mul3A_444 : vector<16xf32> to vector<16xf32>
      tpu.vector_store %arg14[%swap3A_447], %swap3A_450 {strides = array<i32>} : memref<8192xf32, #tpu.memory_space<vmem>>, vector<16xf32>,
      %mul3A_451 = arith.constant 2.000000e-02 : f32
      %mul3A_452 = vector.broadcast %mul3A_451 : f32 to vector<16xf32>
      %mul3A_453 = arith.mulf %scan3A_420#3, %mul3A_452 : vector<16xf32>
      %add3A_454 = arith.constant 48 : i32
      %add3A_455 = arith.addi %mul3A_423, %add3A_454 : i32
      %swap3A_456 = arith.index_cast %add3A_455 : i32 to index
      %swap3A_457 = tpu.vector_load %arg14[%swap3A_456] {strides = array<i32>} : memref<8192xf32, #tpu.memory_space<vmem>>, vector<16xf32>,
      %swap3A_458 = vector.shape_cast %swap3A_457 : vector<16xf32> to vector<16xf32>
      %swap3A_459 = vector.shape_cast %mul3A_453 : vector<16xf32> to vector<16xf32>
      tpu.vector_store %arg14[%swap3A_456], %swap3A_459 {strides = array<i32>} : memref<8192xf32, #tpu.memory_space<vmem>>, vector<16xf32>,
      %add3A_460 = arith.constant 8 : i32
      %add3A_461 = arith.addi %add3A_401, %add3A_460 : i32
      %lt3A_462 = arith.constant 128 : i32
      %lt3A_463 = arith.cmpi slt, %add3A_461, %lt3A_462 : i32
      %convert_element_type3A_464 = arith.extui %lt3A_463 : i1 to i32
      %cond3A_465 = arith.constant 0 : i32
      %cond3A_466 = arith.cmpi ne, %convert_element_type3A_464, %cond3A_465 : i32
      scf.if %cond3A_466 {
        %dma_start3A_601 = arith.constant 0 : i32
        %dma_start3A_602 = tpu.memref_slice %arg5[%add3A_461, %dma_start3A_601] : memref<128x50xi32, #tpu.memory_space<vmem>> -> memref<1x50xi32, #tpu.memory_space<vmem>>
        %dma_start3A_603 = tpu.memref_squeeze %dma_start3A_602 : memref<1x50xi32, #tpu.memory_space<vmem>> -> memref<50xi32, #tpu.memory_space<vmem>>
        %dma_start3A_604 = arith.constant 0 : i32
        %dma_start3A_605 = arith.constant 0 : i32
        %dma_start3A_606 = tpu.memref_slice %arg3[%dma_start3A_604, %dma_start3A_605] : memref<100000x64xf32, #tpu.memory_space<hbm>> -> memref<100000x64xf32, #tpu.memory_space<hbm>>
        tpu.enqueue_indirect_dma source(%dma_start3A_606 : memref<100000x64xf32, #tpu.memory_space<hbm>>) target(%arg11 : memref<50x64xf32, #tpu.memory_space<vmem>>) offsets(%dma_start3A_603 : memref<50xi32, #tpu.memory_space<vmem>>) semaphore(%arg20 : memref<!tpu.dma_semaphore, #tpu.memory_space<semaphore_mem>>)
      } else {
      }
      %add3A_467 = arith.constant 6 : i32
      %add3A_468 = arith.addi %add3A_70, %add3A_467 : i32
      %dma_wait3A_469 = arith.constant 0 : i32
      %dma_wait3A_470 = tpu.memref_slice %arg5[%add3A_468, %dma_wait3A_469] : memref<128x50xi32, #tpu.memory_space<vmem>> -> memref<1x50xi32, #tpu.memory_space<vmem>>
      %dma_wait3A_471 = tpu.memref_squeeze %dma_wait3A_470 : memref<1x50xi32, #tpu.memory_space<vmem>> -> memref<50xi32, #tpu.memory_space<vmem>>
      %dma_wait3A_472 = arith.constant 0 : i32
      %dma_wait3A_473 = arith.constant 0 : i32
      %dma_wait3A_474 = tpu.memref_slice %arg3[%dma_wait3A_472, %dma_wait3A_473] : memref<100000x64xf32, #tpu.memory_space<hbm>> -> memref<100000x64xf32, #tpu.memory_space<hbm>>
      tpu.wait_indirect_dma semaphore(%arg21 : memref<!tpu.dma_semaphore, #tpu.memory_space<semaphore_mem>>) src(%dma_wait3A_474 : memref<100000x64xf32, #tpu.memory_space<hbm>>) dst(%arg12 : memref<50x64xf32, #tpu.memory_space<vmem>>)
      %broadcast_in_dim3A_475 = arith.constant 0.000000e+00 : f32
      %broadcast_in_dim3A_476 = vector.broadcast %broadcast_in_dim3A_475 : f32 to vector<16xf32>
      %broadcast_in_dim3A_477 = arith.constant 0.000000e+00 : f32
      %broadcast_in_dim3A_478 = vector.broadcast %broadcast_in_dim3A_477 : f32 to vector<16xf32>
      %broadcast_in_dim3A_479 = arith.constant 0.000000e+00 : f32
      %broadcast_in_dim3A_480 = vector.broadcast %broadcast_in_dim3A_479 : f32 to vector<16xf32>
      %broadcast_in_dim3A_481 = arith.constant 0.000000e+00 : f32
      %broadcast_in_dim3A_482 = vector.broadcast %broadcast_in_dim3A_481 : f32 to vector<16xf32>
      %scan3A_483 = arith.constant 0 : i32
      %scan3A_484 = arith.constant 50 : i32
      %scan3A_485 = arith.addi %scan3A_483, %scan3A_484 : i32
      %scan3A_486 = arith.constant 10 : i32
      %scan3A_487:4 = scf.for %scan3A_601 = %scan3A_483 to %scan3A_485 step %scan3A_486 iter_args(%scan3A_602 = %broadcast_in_dim3A_476, %scan3A_603 = %broadcast_in_dim3A_478, %scan3A_604 = %broadcast_in_dim3A_480, %scan3A_605 = %broadcast_in_dim3A_482) -> (vector<16xf32>, vector<16xf32>, vector<16xf32>, vector<16xf32>)  : i32 {
        %get3A = arith.constant 0 : i32
        %get3A_606 = tpu.memref_slice %arg12[%scan3A_601, %get3A] : memref<50x64xf32, #tpu.memory_space<vmem>> -> memref<1x64xf32, #tpu.memory_space<vmem>>
        %get3A_607 = tpu.memref_squeeze %get3A_606 : memref<1x64xf32, #tpu.memory_space<vmem>> -> memref<64xf32, #tpu.memory_space<vmem>>
        %get3A_608 = arith.constant 0 : index
        %get3A_609 = tpu.vector_load %get3A_607[%get3A_608] {strides = array<i32>} : memref<64xf32, #tpu.memory_space<vmem>>, vector<16xf32>,
        %get3A_610 = vector.shape_cast %get3A_609 : vector<16xf32> to vector<16xf32>
        %add3A_611 = arith.addf %scan3A_602, %get3A_610 : vector<16xf32>
        %get3A_612 = arith.constant 0 : i32
        %get3A_613 = tpu.memref_slice %arg12[%scan3A_601, %get3A_612] : memref<50x64xf32, #tpu.memory_space<vmem>> -> memref<1x64xf32, #tpu.memory_space<vmem>>
        %get3A_614 = tpu.memref_squeeze %get3A_613 : memref<1x64xf32, #tpu.memory_space<vmem>> -> memref<64xf32, #tpu.memory_space<vmem>>
        %get3A_615 = arith.constant 16 : index
        %get3A_616 = tpu.vector_load %get3A_614[%get3A_615] {strides = array<i32>} : memref<64xf32, #tpu.memory_space<vmem>>, vector<16xf32>,
        %get3A_617 = vector.shape_cast %get3A_616 : vector<16xf32> to vector<16xf32>
        %add3A_618 = arith.addf %scan3A_603, %get3A_617 : vector<16xf32>
        %get3A_619 = arith.constant 0 : i32
        %get3A_620 = tpu.memref_slice %arg12[%scan3A_601, %get3A_619] : memref<50x64xf32, #tpu.memory_space<vmem>> -> memref<1x64xf32, #tpu.memory_space<vmem>>
        %get3A_621 = tpu.memref_squeeze %get3A_620 : memref<1x64xf32, #tpu.memory_space<vmem>> -> memref<64xf32, #tpu.memory_space<vmem>>
        %get3A_622 = arith.constant 32 : index
        %get3A_623 = tpu.vector_load %get3A_621[%get3A_622] {strides = array<i32>} : memref<64xf32, #tpu.memory_space<vmem>>, vector<16xf32>,
        %get3A_624 = vector.shape_cast %get3A_623 : vector<16xf32> to vector<16xf32>
        %add3A_625 = arith.addf %scan3A_604, %get3A_624 : vector<16xf32>
        %get3A_626 = arith.constant 0 : i32
        %get3A_627 = tpu.memref_slice %arg12[%scan3A_601, %get3A_626] : memref<50x64xf32, #tpu.memory_space<vmem>> -> memref<1x64xf32, #tpu.memory_space<vmem>>
        %get3A_628 = tpu.memref_squeeze %get3A_627 : memref<1x64xf32, #tpu.memory_space<vmem>> -> memref<64xf32, #tpu.memory_space<vmem>>
        %get3A_629 = arith.constant 48 : index
        %get3A_630 = tpu.vector_load %get3A_628[%get3A_629] {strides = array<i32>} : memref<64xf32, #tpu.memory_space<vmem>>, vector<16xf32>,
        %get3A_631 = vector.shape_cast %get3A_630 : vector<16xf32> to vector<16xf32>
        %add3A_632 = arith.addf %scan3A_605, %get3A_631 : vector<16xf32>
        %scan3A_633 = arith.constant 1 : i32
        %scan3A_634 = arith.addi %scan3A_601, %scan3A_633 : i32
        %get3A_635 = arith.constant 0 : i32
        %get3A_636 = tpu.memref_slice %arg12[%scan3A_634, %get3A_635] : memref<50x64xf32, #tpu.memory_space<vmem>> -> memref<1x64xf32, #tpu.memory_space<vmem>>
        %get3A_637 = tpu.memref_squeeze %get3A_636 : memref<1x64xf32, #tpu.memory_space<vmem>> -> memref<64xf32, #tpu.memory_space<vmem>>
        %get3A_638 = arith.constant 0 : index
        %get3A_639 = tpu.vector_load %get3A_637[%get3A_638] {strides = array<i32>} : memref<64xf32, #tpu.memory_space<vmem>>, vector<16xf32>,
        %get3A_640 = vector.shape_cast %get3A_639 : vector<16xf32> to vector<16xf32>
        %add3A_641 = arith.addf %add3A_611, %get3A_640 : vector<16xf32>
        %get3A_642 = arith.constant 0 : i32
        %get3A_643 = tpu.memref_slice %arg12[%scan3A_634, %get3A_642] : memref<50x64xf32, #tpu.memory_space<vmem>> -> memref<1x64xf32, #tpu.memory_space<vmem>>
        %get3A_644 = tpu.memref_squeeze %get3A_643 : memref<1x64xf32, #tpu.memory_space<vmem>> -> memref<64xf32, #tpu.memory_space<vmem>>
        %get3A_645 = arith.constant 16 : index
        %get3A_646 = tpu.vector_load %get3A_644[%get3A_645] {strides = array<i32>} : memref<64xf32, #tpu.memory_space<vmem>>, vector<16xf32>,
        %get3A_647 = vector.shape_cast %get3A_646 : vector<16xf32> to vector<16xf32>
        %add3A_648 = arith.addf %add3A_618, %get3A_647 : vector<16xf32>
        %get3A_649 = arith.constant 0 : i32
        %get3A_650 = tpu.memref_slice %arg12[%scan3A_634, %get3A_649] : memref<50x64xf32, #tpu.memory_space<vmem>> -> memref<1x64xf32, #tpu.memory_space<vmem>>
        %get3A_651 = tpu.memref_squeeze %get3A_650 : memref<1x64xf32, #tpu.memory_space<vmem>> -> memref<64xf32, #tpu.memory_space<vmem>>
        %get3A_652 = arith.constant 32 : index
        %get3A_653 = tpu.vector_load %get3A_651[%get3A_652] {strides = array<i32>} : memref<64xf32, #tpu.memory_space<vmem>>, vector<16xf32>,
        %get3A_654 = vector.shape_cast %get3A_653 : vector<16xf32> to vector<16xf32>
        %add3A_655 = arith.addf %add3A_625, %get3A_654 : vector<16xf32>
        %get3A_656 = arith.constant 0 : i32
        %get3A_657 = tpu.memref_slice %arg12[%scan3A_634, %get3A_656] : memref<50x64xf32, #tpu.memory_space<vmem>> -> memref<1x64xf32, #tpu.memory_space<vmem>>
        %get3A_658 = tpu.memref_squeeze %get3A_657 : memref<1x64xf32, #tpu.memory_space<vmem>> -> memref<64xf32, #tpu.memory_space<vmem>>
        %get3A_659 = arith.constant 48 : index
        %get3A_660 = tpu.vector_load %get3A_658[%get3A_659] {strides = array<i32>} : memref<64xf32, #tpu.memory_space<vmem>>, vector<16xf32>,
        %get3A_661 = vector.shape_cast %get3A_660 : vector<16xf32> to vector<16xf32>
        %add3A_662 = arith.addf %add3A_632, %get3A_661 : vector<16xf32>
        %scan3A_663 = arith.constant 2 : i32
        %scan3A_664 = arith.addi %scan3A_601, %scan3A_663 : i32
        %get3A_665 = arith.constant 0 : i32
        %get3A_666 = tpu.memref_slice %arg12[%scan3A_664, %get3A_665] : memref<50x64xf32, #tpu.memory_space<vmem>> -> memref<1x64xf32, #tpu.memory_space<vmem>>
        %get3A_667 = tpu.memref_squeeze %get3A_666 : memref<1x64xf32, #tpu.memory_space<vmem>> -> memref<64xf32, #tpu.memory_space<vmem>>
        %get3A_668 = arith.constant 0 : index
        %get3A_669 = tpu.vector_load %get3A_667[%get3A_668] {strides = array<i32>} : memref<64xf32, #tpu.memory_space<vmem>>, vector<16xf32>,
        %get3A_670 = vector.shape_cast %get3A_669 : vector<16xf32> to vector<16xf32>
        %add3A_671 = arith.addf %add3A_641, %get3A_670 : vector<16xf32>
        %get3A_672 = arith.constant 0 : i32
        %get3A_673 = tpu.memref_slice %arg12[%scan3A_664, %get3A_672] : memref<50x64xf32, #tpu.memory_space<vmem>> -> memref<1x64xf32, #tpu.memory_space<vmem>>
        %get3A_674 = tpu.memref_squeeze %get3A_673 : memref<1x64xf32, #tpu.memory_space<vmem>> -> memref<64xf32, #tpu.memory_space<vmem>>
        %get3A_675 = arith.constant 16 : index
        %get3A_676 = tpu.vector_load %get3A_674[%get3A_675] {strides = array<i32>} : memref<64xf32, #tpu.memory_space<vmem>>, vector<16xf32>,
        %get3A_677 = vector.shape_cast %get3A_676 : vector<16xf32> to vector<16xf32>
        %add3A_678 = arith.addf %add3A_648, %get3A_677 : vector<16xf32>
        %get3A_679 = arith.constant 0 : i32
        %get3A_680 = tpu.memref_slice %arg12[%scan3A_664, %get3A_679] : memref<50x64xf32, #tpu.memory_space<vmem>> -> memref<1x64xf32, #tpu.memory_space<vmem>>
        %get3A_681 = tpu.memref_squeeze %get3A_680 : memref<1x64xf32, #tpu.memory_space<vmem>> -> memref<64xf32, #tpu.memory_space<vmem>>
        %get3A_682 = arith.constant 32 : index
        %get3A_683 = tpu.vector_load %get3A_681[%get3A_682] {strides = array<i32>} : memref<64xf32, #tpu.memory_space<vmem>>, vector<16xf32>,
        %get3A_684 = vector.shape_cast %get3A_683 : vector<16xf32> to vector<16xf32>
        %add3A_685 = arith.addf %add3A_655, %get3A_684 : vector<16xf32>
        %get3A_686 = arith.constant 0 : i32
        %get3A_687 = tpu.memref_slice %arg12[%scan3A_664, %get3A_686] : memref<50x64xf32, #tpu.memory_space<vmem>> -> memref<1x64xf32, #tpu.memory_space<vmem>>
        %get3A_688 = tpu.memref_squeeze %get3A_687 : memref<1x64xf32, #tpu.memory_space<vmem>> -> memref<64xf32, #tpu.memory_space<vmem>>
        %get3A_689 = arith.constant 48 : index
        %get3A_690 = tpu.vector_load %get3A_688[%get3A_689] {strides = array<i32>} : memref<64xf32, #tpu.memory_space<vmem>>, vector<16xf32>,
        %get3A_691 = vector.shape_cast %get3A_690 : vector<16xf32> to vector<16xf32>
        %add3A_692 = arith.addf %add3A_662, %get3A_691 : vector<16xf32>
        %scan3A_693 = arith.constant 3 : i32
        %scan3A_694 = arith.addi %scan3A_601, %scan3A_693 : i32
        %get3A_695 = arith.constant 0 : i32
        %get3A_696 = tpu.memref_slice %arg12[%scan3A_694, %get3A_695] : memref<50x64xf32, #tpu.memory_space<vmem>> -> memref<1x64xf32, #tpu.memory_space<vmem>>
        %get3A_697 = tpu.memref_squeeze %get3A_696 : memref<1x64xf32, #tpu.memory_space<vmem>> -> memref<64xf32, #tpu.memory_space<vmem>>
        %get3A_698 = arith.constant 0 : index
        %get3A_699 = tpu.vector_load %get3A_697[%get3A_698] {strides = array<i32>} : memref<64xf32, #tpu.memory_space<vmem>>, vector<16xf32>,
        %get3A_700 = vector.shape_cast %get3A_699 : vector<16xf32> to vector<16xf32>
        %add3A_701 = arith.addf %add3A_671, %get3A_700 : vector<16xf32>
        %get3A_702 = arith.constant 0 : i32
        %get3A_703 = tpu.memref_slice %arg12[%scan3A_694, %get3A_702] : memref<50x64xf32, #tpu.memory_space<vmem>> -> memref<1x64xf32, #tpu.memory_space<vmem>>
        %get3A_704 = tpu.memref_squeeze %get3A_703 : memref<1x64xf32, #tpu.memory_space<vmem>> -> memref<64xf32, #tpu.memory_space<vmem>>
        %get3A_705 = arith.constant 16 : index
        %get3A_706 = tpu.vector_load %get3A_704[%get3A_705] {strides = array<i32>} : memref<64xf32, #tpu.memory_space<vmem>>, vector<16xf32>,
        %get3A_707 = vector.shape_cast %get3A_706 : vector<16xf32> to vector<16xf32>
        %add3A_708 = arith.addf %add3A_678, %get3A_707 : vector<16xf32>
        %get3A_709 = arith.constant 0 : i32
        %get3A_710 = tpu.memref_slice %arg12[%scan3A_694, %get3A_709] : memref<50x64xf32, #tpu.memory_space<vmem>> -> memref<1x64xf32, #tpu.memory_space<vmem>>
        %get3A_711 = tpu.memref_squeeze %get3A_710 : memref<1x64xf32, #tpu.memory_space<vmem>> -> memref<64xf32, #tpu.memory_space<vmem>>
        %get3A_712 = arith.constant 32 : index
        %get3A_713 = tpu.vector_load %get3A_711[%get3A_712] {strides = array<i32>} : memref<64xf32, #tpu.memory_space<vmem>>, vector<16xf32>,
        %get3A_714 = vector.shape_cast %get3A_713 : vector<16xf32> to vector<16xf32>
        %add3A_715 = arith.addf %add3A_685, %get3A_714 : vector<16xf32>
        %get3A_716 = arith.constant 0 : i32
        %get3A_717 = tpu.memref_slice %arg12[%scan3A_694, %get3A_716] : memref<50x64xf32, #tpu.memory_space<vmem>> -> memref<1x64xf32, #tpu.memory_space<vmem>>
        %get3A_718 = tpu.memref_squeeze %get3A_717 : memref<1x64xf32, #tpu.memory_space<vmem>> -> memref<64xf32, #tpu.memory_space<vmem>>
        %get3A_719 = arith.constant 48 : index
        %get3A_720 = tpu.vector_load %get3A_718[%get3A_719] {strides = array<i32>} : memref<64xf32, #tpu.memory_space<vmem>>, vector<16xf32>,
        %get3A_721 = vector.shape_cast %get3A_720 : vector<16xf32> to vector<16xf32>
        %add3A_722 = arith.addf %add3A_692, %get3A_721 : vector<16xf32>
        %scan3A_723 = arith.constant 4 : i32
        %scan3A_724 = arith.addi %scan3A_601, %scan3A_723 : i32
        %get3A_725 = arith.constant 0 : i32
        %get3A_726 = tpu.memref_slice %arg12[%scan3A_724, %get3A_725] : memref<50x64xf32, #tpu.memory_space<vmem>> -> memref<1x64xf32, #tpu.memory_space<vmem>>
        %get3A_727 = tpu.memref_squeeze %get3A_726 : memref<1x64xf32, #tpu.memory_space<vmem>> -> memref<64xf32, #tpu.memory_space<vmem>>
        %get3A_728 = arith.constant 0 : index
        %get3A_729 = tpu.vector_load %get3A_727[%get3A_728] {strides = array<i32>} : memref<64xf32, #tpu.memory_space<vmem>>, vector<16xf32>,
        %get3A_730 = vector.shape_cast %get3A_729 : vector<16xf32> to vector<16xf32>
        %add3A_731 = arith.addf %add3A_701, %get3A_730 : vector<16xf32>
        %get3A_732 = arith.constant 0 : i32
        %get3A_733 = tpu.memref_slice %arg12[%scan3A_724, %get3A_732] : memref<50x64xf32, #tpu.memory_space<vmem>> -> memref<1x64xf32, #tpu.memory_space<vmem>>
        %get3A_734 = tpu.memref_squeeze %get3A_733 : memref<1x64xf32, #tpu.memory_space<vmem>> -> memref<64xf32, #tpu.memory_space<vmem>>
        %get3A_735 = arith.constant 16 : index
        %get3A_736 = tpu.vector_load %get3A_734[%get3A_735] {strides = array<i32>} : memref<64xf32, #tpu.memory_space<vmem>>, vector<16xf32>,
        %get3A_737 = vector.shape_cast %get3A_736 : vector<16xf32> to vector<16xf32>
        %add3A_738 = arith.addf %add3A_708, %get3A_737 : vector<16xf32>
        %get3A_739 = arith.constant 0 : i32
        %get3A_740 = tpu.memref_slice %arg12[%scan3A_724, %get3A_739] : memref<50x64xf32, #tpu.memory_space<vmem>> -> memref<1x64xf32, #tpu.memory_space<vmem>>
        %get3A_741 = tpu.memref_squeeze %get3A_740 : memref<1x64xf32, #tpu.memory_space<vmem>> -> memref<64xf32, #tpu.memory_space<vmem>>
        %get3A_742 = arith.constant 32 : index
        %get3A_743 = tpu.vector_load %get3A_741[%get3A_742] {strides = array<i32>} : memref<64xf32, #tpu.memory_space<vmem>>, vector<16xf32>,
        %get3A_744 = vector.shape_cast %get3A_743 : vector<16xf32> to vector<16xf32>
        %add3A_745 = arith.addf %add3A_715, %get3A_744 : vector<16xf32>
        %get3A_746 = arith.constant 0 : i32
        %get3A_747 = tpu.memref_slice %arg12[%scan3A_724, %get3A_746] : memref<50x64xf32, #tpu.memory_space<vmem>> -> memref<1x64xf32, #tpu.memory_space<vmem>>
        %get3A_748 = tpu.memref_squeeze %get3A_747 : memref<1x64xf32, #tpu.memory_space<vmem>> -> memref<64xf32, #tpu.memory_space<vmem>>
        %get3A_749 = arith.constant 48 : index
        %get3A_750 = tpu.vector_load %get3A_748[%get3A_749] {strides = array<i32>} : memref<64xf32, #tpu.memory_space<vmem>>, vector<16xf32>,
        %get3A_751 = vector.shape_cast %get3A_750 : vector<16xf32> to vector<16xf32>
        %add3A_752 = arith.addf %add3A_722, %get3A_751 : vector<16xf32>
        %scan3A_753 = arith.constant 5 : i32
        %scan3A_754 = arith.addi %scan3A_601, %scan3A_753 : i32
        %get3A_755 = arith.constant 0 : i32
        %get3A_756 = tpu.memref_slice %arg12[%scan3A_754, %get3A_755] : memref<50x64xf32, #tpu.memory_space<vmem>> -> memref<1x64xf32, #tpu.memory_space<vmem>>
        %get3A_757 = tpu.memref_squeeze %get3A_756 : memref<1x64xf32, #tpu.memory_space<vmem>> -> memref<64xf32, #tpu.memory_space<vmem>>
        %get3A_758 = arith.constant 0 : index
        %get3A_759 = tpu.vector_load %get3A_757[%get3A_758] {strides = array<i32>} : memref<64xf32, #tpu.memory_space<vmem>>, vector<16xf32>,
        %get3A_760 = vector.shape_cast %get3A_759 : vector<16xf32> to vector<16xf32>
        %add3A_761 = arith.addf %add3A_731, %get3A_760 : vector<16xf32>
        %get3A_762 = arith.constant 0 : i32
        %get3A_763 = tpu.memref_slice %arg12[%scan3A_754, %get3A_762] : memref<50x64xf32, #tpu.memory_space<vmem>> -> memref<1x64xf32, #tpu.memory_space<vmem>>
        %get3A_764 = tpu.memref_squeeze %get3A_763 : memref<1x64xf32, #tpu.memory_space<vmem>> -> memref<64xf32, #tpu.memory_space<vmem>>
        %get3A_765 = arith.constant 16 : index
        %get3A_766 = tpu.vector_load %get3A_764[%get3A_765] {strides = array<i32>} : memref<64xf32, #tpu.memory_space<vmem>>, vector<16xf32>,
        %get3A_767 = vector.shape_cast %get3A_766 : vector<16xf32> to vector<16xf32>
        %add3A_768 = arith.addf %add3A_738, %get3A_767 : vector<16xf32>
        %get3A_769 = arith.constant 0 : i32
        %get3A_770 = tpu.memref_slice %arg12[%scan3A_754, %get3A_769] : memref<50x64xf32, #tpu.memory_space<vmem>> -> memref<1x64xf32, #tpu.memory_space<vmem>>
        %get3A_771 = tpu.memref_squeeze %get3A_770 : memref<1x64xf32, #tpu.memory_space<vmem>> -> memref<64xf32, #tpu.memory_space<vmem>>
        %get3A_772 = arith.constant 32 : index
        %get3A_773 = tpu.vector_load %get3A_771[%get3A_772] {strides = array<i32>} : memref<64xf32, #tpu.memory_space<vmem>>, vector<16xf32>,
        %get3A_774 = vector.shape_cast %get3A_773 : vector<16xf32> to vector<16xf32>
        %add3A_775 = arith.addf %add3A_745, %get3A_774 : vector<16xf32>
        %get3A_776 = arith.constant 0 : i32
        %get3A_777 = tpu.memref_slice %arg12[%scan3A_754, %get3A_776] : memref<50x64xf32, #tpu.memory_space<vmem>> -> memref<1x64xf32, #tpu.memory_space<vmem>>
        %get3A_778 = tpu.memref_squeeze %get3A_777 : memref<1x64xf32, #tpu.memory_space<vmem>> -> memref<64xf32, #tpu.memory_space<vmem>>
        %get3A_779 = arith.constant 48 : index
        %get3A_780 = tpu.vector_load %get3A_778[%get3A_779] {strides = array<i32>} : memref<64xf32, #tpu.memory_space<vmem>>, vector<16xf32>,
        %get3A_781 = vector.shape_cast %get3A_780 : vector<16xf32> to vector<16xf32>
        %add3A_782 = arith.addf %add3A_752, %get3A_781 : vector<16xf32>
        %scan3A_783 = arith.constant 6 : i32
        %scan3A_784 = arith.addi %scan3A_601, %scan3A_783 : i32
        %get3A_785 = arith.constant 0 : i32
        %get3A_786 = tpu.memref_slice %arg12[%scan3A_784, %get3A_785] : memref<50x64xf32, #tpu.memory_space<vmem>> -> memref<1x64xf32, #tpu.memory_space<vmem>>
        %get3A_787 = tpu.memref_squeeze %get3A_786 : memref<1x64xf32, #tpu.memory_space<vmem>> -> memref<64xf32, #tpu.memory_space<vmem>>
        %get3A_788 = arith.constant 0 : index
        %get3A_789 = tpu.vector_load %get3A_787[%get3A_788] {strides = array<i32>} : memref<64xf32, #tpu.memory_space<vmem>>, vector<16xf32>,
        %get3A_790 = vector.shape_cast %get3A_789 : vector<16xf32> to vector<16xf32>
        %add3A_791 = arith.addf %add3A_761, %get3A_790 : vector<16xf32>
        %get3A_792 = arith.constant 0 : i32
        %get3A_793 = tpu.memref_slice %arg12[%scan3A_784, %get3A_792] : memref<50x64xf32, #tpu.memory_space<vmem>> -> memref<1x64xf32, #tpu.memory_space<vmem>>
        %get3A_794 = tpu.memref_squeeze %get3A_793 : memref<1x64xf32, #tpu.memory_space<vmem>> -> memref<64xf32, #tpu.memory_space<vmem>>
        %get3A_795 = arith.constant 16 : index
        %get3A_796 = tpu.vector_load %get3A_794[%get3A_795] {strides = array<i32>} : memref<64xf32, #tpu.memory_space<vmem>>, vector<16xf32>,
        %get3A_797 = vector.shape_cast %get3A_796 : vector<16xf32> to vector<16xf32>
        %add3A_798 = arith.addf %add3A_768, %get3A_797 : vector<16xf32>
        %get3A_799 = arith.constant 0 : i32
        %get3A_800 = tpu.memref_slice %arg12[%scan3A_784, %get3A_799] : memref<50x64xf32, #tpu.memory_space<vmem>> -> memref<1x64xf32, #tpu.memory_space<vmem>>
        %get3A_801 = tpu.memref_squeeze %get3A_800 : memref<1x64xf32, #tpu.memory_space<vmem>> -> memref<64xf32, #tpu.memory_space<vmem>>
        %get3A_802 = arith.constant 32 : index
        %get3A_803 = tpu.vector_load %get3A_801[%get3A_802] {strides = array<i32>} : memref<64xf32, #tpu.memory_space<vmem>>, vector<16xf32>,
        %get3A_804 = vector.shape_cast %get3A_803 : vector<16xf32> to vector<16xf32>
        %add3A_805 = arith.addf %add3A_775, %get3A_804 : vector<16xf32>
        %get3A_806 = arith.constant 0 : i32
        %get3A_807 = tpu.memref_slice %arg12[%scan3A_784, %get3A_806] : memref<50x64xf32, #tpu.memory_space<vmem>> -> memref<1x64xf32, #tpu.memory_space<vmem>>
        %get3A_808 = tpu.memref_squeeze %get3A_807 : memref<1x64xf32, #tpu.memory_space<vmem>> -> memref<64xf32, #tpu.memory_space<vmem>>
        %get3A_809 = arith.constant 48 : index
        %get3A_810 = tpu.vector_load %get3A_808[%get3A_809] {strides = array<i32>} : memref<64xf32, #tpu.memory_space<vmem>>, vector<16xf32>,
        %get3A_811 = vector.shape_cast %get3A_810 : vector<16xf32> to vector<16xf32>
        %add3A_812 = arith.addf %add3A_782, %get3A_811 : vector<16xf32>
        %scan3A_813 = arith.constant 7 : i32
        %scan3A_814 = arith.addi %scan3A_601, %scan3A_813 : i32
        %get3A_815 = arith.constant 0 : i32
        %get3A_816 = tpu.memref_slice %arg12[%scan3A_814, %get3A_815] : memref<50x64xf32, #tpu.memory_space<vmem>> -> memref<1x64xf32, #tpu.memory_space<vmem>>
        %get3A_817 = tpu.memref_squeeze %get3A_816 : memref<1x64xf32, #tpu.memory_space<vmem>> -> memref<64xf32, #tpu.memory_space<vmem>>
        %get3A_818 = arith.constant 0 : index
        %get3A_819 = tpu.vector_load %get3A_817[%get3A_818] {strides = array<i32>} : memref<64xf32, #tpu.memory_space<vmem>>, vector<16xf32>,
        %get3A_820 = vector.shape_cast %get3A_819 : vector<16xf32> to vector<16xf32>
        %add3A_821 = arith.addf %add3A_791, %get3A_820 : vector<16xf32>
        %get3A_822 = arith.constant 0 : i32
        %get3A_823 = tpu.memref_slice %arg12[%scan3A_814, %get3A_822] : memref<50x64xf32, #tpu.memory_space<vmem>> -> memref<1x64xf32, #tpu.memory_space<vmem>>
        %get3A_824 = tpu.memref_squeeze %get3A_823 : memref<1x64xf32, #tpu.memory_space<vmem>> -> memref<64xf32, #tpu.memory_space<vmem>>
        %get3A_825 = arith.constant 16 : index
        %get3A_826 = tpu.vector_load %get3A_824[%get3A_825] {strides = array<i32>} : memref<64xf32, #tpu.memory_space<vmem>>, vector<16xf32>,
        %get3A_827 = vector.shape_cast %get3A_826 : vector<16xf32> to vector<16xf32>
        %add3A_828 = arith.addf %add3A_798, %get3A_827 : vector<16xf32>
        %get3A_829 = arith.constant 0 : i32
        %get3A_830 = tpu.memref_slice %arg12[%scan3A_814, %get3A_829] : memref<50x64xf32, #tpu.memory_space<vmem>> -> memref<1x64xf32, #tpu.memory_space<vmem>>
        %get3A_831 = tpu.memref_squeeze %get3A_830 : memref<1x64xf32, #tpu.memory_space<vmem>> -> memref<64xf32, #tpu.memory_space<vmem>>
        %get3A_832 = arith.constant 32 : index
        %get3A_833 = tpu.vector_load %get3A_831[%get3A_832] {strides = array<i32>} : memref<64xf32, #tpu.memory_space<vmem>>, vector<16xf32>,
        %get3A_834 = vector.shape_cast %get3A_833 : vector<16xf32> to vector<16xf32>
        %add3A_835 = arith.addf %add3A_805, %get3A_834 : vector<16xf32>
        %get3A_836 = arith.constant 0 : i32
        %get3A_837 = tpu.memref_slice %arg12[%scan3A_814, %get3A_836] : memref<50x64xf32, #tpu.memory_space<vmem>> -> memref<1x64xf32, #tpu.memory_space<vmem>>
        %get3A_838 = tpu.memref_squeeze %get3A_837 : memref<1x64xf32, #tpu.memory_space<vmem>> -> memref<64xf32, #tpu.memory_space<vmem>>
        %get3A_839 = arith.constant 48 : index
        %get3A_840 = tpu.vector_load %get3A_838[%get3A_839] {strides = array<i32>} : memref<64xf32, #tpu.memory_space<vmem>>, vector<16xf32>,
        %get3A_841 = vector.shape_cast %get3A_840 : vector<16xf32> to vector<16xf32>
        %add3A_842 = arith.addf %add3A_812, %get3A_841 : vector<16xf32>
        %scan3A_843 = arith.constant 8 : i32
        %scan3A_844 = arith.addi %scan3A_601, %scan3A_843 : i32
        %get3A_845 = arith.constant 0 : i32
        %get3A_846 = tpu.memref_slice %arg12[%scan3A_844, %get3A_845] : memref<50x64xf32, #tpu.memory_space<vmem>> -> memref<1x64xf32, #tpu.memory_space<vmem>>
        %get3A_847 = tpu.memref_squeeze %get3A_846 : memref<1x64xf32, #tpu.memory_space<vmem>> -> memref<64xf32, #tpu.memory_space<vmem>>
        %get3A_848 = arith.constant 0 : index
        %get3A_849 = tpu.vector_load %get3A_847[%get3A_848] {strides = array<i32>} : memref<64xf32, #tpu.memory_space<vmem>>, vector<16xf32>,
        %get3A_850 = vector.shape_cast %get3A_849 : vector<16xf32> to vector<16xf32>
        %add3A_851 = arith.addf %add3A_821, %get3A_850 : vector<16xf32>
        %get3A_852 = arith.constant 0 : i32
        %get3A_853 = tpu.memref_slice %arg12[%scan3A_844, %get3A_852] : memref<50x64xf32, #tpu.memory_space<vmem>> -> memref<1x64xf32, #tpu.memory_space<vmem>>
        %get3A_854 = tpu.memref_squeeze %get3A_853 : memref<1x64xf32, #tpu.memory_space<vmem>> -> memref<64xf32, #tpu.memory_space<vmem>>
        %get3A_855 = arith.constant 16 : index
        %get3A_856 = tpu.vector_load %get3A_854[%get3A_855] {strides = array<i32>} : memref<64xf32, #tpu.memory_space<vmem>>, vector<16xf32>,
        %get3A_857 = vector.shape_cast %get3A_856 : vector<16xf32> to vector<16xf32>
        %add3A_858 = arith.addf %add3A_828, %get3A_857 : vector<16xf32>
        %get3A_859 = arith.constant 0 : i32
        %get3A_860 = tpu.memref_slice %arg12[%scan3A_844, %get3A_859] : memref<50x64xf32, #tpu.memory_space<vmem>> -> memref<1x64xf32, #tpu.memory_space<vmem>>
        %get3A_861 = tpu.memref_squeeze %get3A_860 : memref<1x64xf32, #tpu.memory_space<vmem>> -> memref<64xf32, #tpu.memory_space<vmem>>
        %get3A_862 = arith.constant 32 : index
        %get3A_863 = tpu.vector_load %get3A_861[%get3A_862] {strides = array<i32>} : memref<64xf32, #tpu.memory_space<vmem>>, vector<16xf32>,
        %get3A_864 = vector.shape_cast %get3A_863 : vector<16xf32> to vector<16xf32>
        %add3A_865 = arith.addf %add3A_835, %get3A_864 : vector<16xf32>
        %get3A_866 = arith.constant 0 : i32
        %get3A_867 = tpu.memref_slice %arg12[%scan3A_844, %get3A_866] : memref<50x64xf32, #tpu.memory_space<vmem>> -> memref<1x64xf32, #tpu.memory_space<vmem>>
        %get3A_868 = tpu.memref_squeeze %get3A_867 : memref<1x64xf32, #tpu.memory_space<vmem>> -> memref<64xf32, #tpu.memory_space<vmem>>
        %get3A_869 = arith.constant 48 : index
        %get3A_870 = tpu.vector_load %get3A_868[%get3A_869] {strides = array<i32>} : memref<64xf32, #tpu.memory_space<vmem>>, vector<16xf32>,
        %get3A_871 = vector.shape_cast %get3A_870 : vector<16xf32> to vector<16xf32>
        %add3A_872 = arith.addf %add3A_842, %get3A_871 : vector<16xf32>
        %scan3A_873 = arith.constant 9 : i32
        %scan3A_874 = arith.addi %scan3A_601, %scan3A_873 : i32
        %get3A_875 = arith.constant 0 : i32
        %get3A_876 = tpu.memref_slice %arg12[%scan3A_874, %get3A_875] : memref<50x64xf32, #tpu.memory_space<vmem>> -> memref<1x64xf32, #tpu.memory_space<vmem>>
        %get3A_877 = tpu.memref_squeeze %get3A_876 : memref<1x64xf32, #tpu.memory_space<vmem>> -> memref<64xf32, #tpu.memory_space<vmem>>
        %get3A_878 = arith.constant 0 : index
        %get3A_879 = tpu.vector_load %get3A_877[%get3A_878] {strides = array<i32>} : memref<64xf32, #tpu.memory_space<vmem>>, vector<16xf32>,
        %get3A_880 = vector.shape_cast %get3A_879 : vector<16xf32> to vector<16xf32>
        %add3A_881 = arith.addf %add3A_851, %get3A_880 : vector<16xf32>
        %get3A_882 = arith.constant 0 : i32
        %get3A_883 = tpu.memref_slice %arg12[%scan3A_874, %get3A_882] : memref<50x64xf32, #tpu.memory_space<vmem>> -> memref<1x64xf32, #tpu.memory_space<vmem>>
        %get3A_884 = tpu.memref_squeeze %get3A_883 : memref<1x64xf32, #tpu.memory_space<vmem>> -> memref<64xf32, #tpu.memory_space<vmem>>
        %get3A_885 = arith.constant 16 : index
        %get3A_886 = tpu.vector_load %get3A_884[%get3A_885] {strides = array<i32>} : memref<64xf32, #tpu.memory_space<vmem>>, vector<16xf32>,
        %get3A_887 = vector.shape_cast %get3A_886 : vector<16xf32> to vector<16xf32>
        %add3A_888 = arith.addf %add3A_858, %get3A_887 : vector<16xf32>
        %get3A_889 = arith.constant 0 : i32
        %get3A_890 = tpu.memref_slice %arg12[%scan3A_874, %get3A_889] : memref<50x64xf32, #tpu.memory_space<vmem>> -> memref<1x64xf32, #tpu.memory_space<vmem>>
        %get3A_891 = tpu.memref_squeeze %get3A_890 : memref<1x64xf32, #tpu.memory_space<vmem>> -> memref<64xf32, #tpu.memory_space<vmem>>
        %get3A_892 = arith.constant 32 : index
        %get3A_893 = tpu.vector_load %get3A_891[%get3A_892] {strides = array<i32>} : memref<64xf32, #tpu.memory_space<vmem>>, vector<16xf32>,
        %get3A_894 = vector.shape_cast %get3A_893 : vector<16xf32> to vector<16xf32>
        %add3A_895 = arith.addf %add3A_865, %get3A_894 : vector<16xf32>
        %get3A_896 = arith.constant 0 : i32
        %get3A_897 = tpu.memref_slice %arg12[%scan3A_874, %get3A_896] : memref<50x64xf32, #tpu.memory_space<vmem>> -> memref<1x64xf32, #tpu.memory_space<vmem>>
        %get3A_898 = tpu.memref_squeeze %get3A_897 : memref<1x64xf32, #tpu.memory_space<vmem>> -> memref<64xf32, #tpu.memory_space<vmem>>
        %get3A_899 = arith.constant 48 : index
        %get3A_900 = tpu.vector_load %get3A_898[%get3A_899] {strides = array<i32>} : memref<64xf32, #tpu.memory_space<vmem>>, vector<16xf32>,
        %get3A_901 = vector.shape_cast %get3A_900 : vector<16xf32> to vector<16xf32>
        %add3A_902 = arith.addf %add3A_872, %get3A_901 : vector<16xf32>
        scf.yield %add3A_881, %add3A_888, %add3A_895, %add3A_902 : vector<16xf32>, vector<16xf32>, vector<16xf32>, vector<16xf32>
      }
      %scan3A_488 = arith.constant 50 : i32
      %mul3A_489 = arith.constant 64 : i32
      %mul3A_490 = arith.muli %add3A_468, %mul3A_489 : i32
      %mul3A_491 = arith.constant 2.000000e-02 : f32
      %mul3A_492 = vector.broadcast %mul3A_491 : f32 to vector<16xf32>
      %mul3A_493 = arith.mulf %scan3A_487#0, %mul3A_492 : vector<16xf32>
      %add3A_494 = arith.constant 0 : i32
      %add3A_495 = arith.addi %mul3A_490, %add3A_494 : i32
      %swap3A_496 = arith.index_cast %add3A_495 : i32 to index
      %swap3A_497 = tpu.vector_load %arg14[%swap3A_496] {strides = array<i32>} : memref<8192xf32, #tpu.memory_space<vmem>>, vector<16xf32>,
      %swap3A_498 = vector.shape_cast %swap3A_497 : vector<16xf32> to vector<16xf32>
      %swap3A_499 = vector.shape_cast %mul3A_493 : vector<16xf32> to vector<16xf32>
      tpu.vector_store %arg14[%swap3A_496], %swap3A_499 {strides = array<i32>} : memref<8192xf32, #tpu.memory_space<vmem>>, vector<16xf32>,
      %mul3A_500 = arith.constant 2.000000e-02 : f32
      %mul3A_501 = vector.broadcast %mul3A_500 : f32 to vector<16xf32>
      %mul3A_502 = arith.mulf %scan3A_487#1, %mul3A_501 : vector<16xf32>
      %add3A_503 = arith.constant 16 : i32
      %add3A_504 = arith.addi %mul3A_490, %add3A_503 : i32
      %swap3A_505 = arith.index_cast %add3A_504 : i32 to index
      %swap3A_506 = tpu.vector_load %arg14[%swap3A_505] {strides = array<i32>} : memref<8192xf32, #tpu.memory_space<vmem>>, vector<16xf32>,
      %swap3A_507 = vector.shape_cast %swap3A_506 : vector<16xf32> to vector<16xf32>
      %swap3A_508 = vector.shape_cast %mul3A_502 : vector<16xf32> to vector<16xf32>
      tpu.vector_store %arg14[%swap3A_505], %swap3A_508 {strides = array<i32>} : memref<8192xf32, #tpu.memory_space<vmem>>, vector<16xf32>,
      %mul3A_509 = arith.constant 2.000000e-02 : f32
      %mul3A_510 = vector.broadcast %mul3A_509 : f32 to vector<16xf32>
      %mul3A_511 = arith.mulf %scan3A_487#2, %mul3A_510 : vector<16xf32>
      %add3A_512 = arith.constant 32 : i32
      %add3A_513 = arith.addi %mul3A_490, %add3A_512 : i32
      %swap3A_514 = arith.index_cast %add3A_513 : i32 to index
      %swap3A_515 = tpu.vector_load %arg14[%swap3A_514] {strides = array<i32>} : memref<8192xf32, #tpu.memory_space<vmem>>, vector<16xf32>,
      %swap3A_516 = vector.shape_cast %swap3A_515 : vector<16xf32> to vector<16xf32>
      %swap3A_517 = vector.shape_cast %mul3A_511 : vector<16xf32> to vector<16xf32>
      tpu.vector_store %arg14[%swap3A_514], %swap3A_517 {strides = array<i32>} : memref<8192xf32, #tpu.memory_space<vmem>>, vector<16xf32>,
      %mul3A_518 = arith.constant 2.000000e-02 : f32
      %mul3A_519 = vector.broadcast %mul3A_518 : f32 to vector<16xf32>
      %mul3A_520 = arith.mulf %scan3A_487#3, %mul3A_519 : vector<16xf32>
      %add3A_521 = arith.constant 48 : i32
      %add3A_522 = arith.addi %mul3A_490, %add3A_521 : i32
      %swap3A_523 = arith.index_cast %add3A_522 : i32 to index
      %swap3A_524 = tpu.vector_load %arg14[%swap3A_523] {strides = array<i32>} : memref<8192xf32, #tpu.memory_space<vmem>>, vector<16xf32>,
      %swap3A_525 = vector.shape_cast %swap3A_524 : vector<16xf32> to vector<16xf32>
      %swap3A_526 = vector.shape_cast %mul3A_520 : vector<16xf32> to vector<16xf32>
      tpu.vector_store %arg14[%swap3A_523], %swap3A_526 {strides = array<i32>} : memref<8192xf32, #tpu.memory_space<vmem>>, vector<16xf32>,
      %add3A_527 = arith.constant 8 : i32
      %add3A_528 = arith.addi %add3A_468, %add3A_527 : i32
      %lt3A_529 = arith.constant 128 : i32
      %lt3A_530 = arith.cmpi slt, %add3A_528, %lt3A_529 : i32
      %convert_element_type3A_531 = arith.extui %lt3A_530 : i1 to i32
      %cond3A_532 = arith.constant 0 : i32
      %cond3A_533 = arith.cmpi ne, %convert_element_type3A_531, %cond3A_532 : i32
      scf.if %cond3A_533 {
        %dma_start3A_601 = arith.constant 0 : i32
        %dma_start3A_602 = tpu.memref_slice %arg5[%add3A_528, %dma_start3A_601] : memref<128x50xi32, #tpu.memory_space<vmem>> -> memref<1x50xi32, #tpu.memory_space<vmem>>
        %dma_start3A_603 = tpu.memref_squeeze %dma_start3A_602 : memref<1x50xi32, #tpu.memory_space<vmem>> -> memref<50xi32, #tpu.memory_space<vmem>>
        %dma_start3A_604 = arith.constant 0 : i32
        %dma_start3A_605 = arith.constant 0 : i32
        %dma_start3A_606 = tpu.memref_slice %arg3[%dma_start3A_604, %dma_start3A_605] : memref<100000x64xf32, #tpu.memory_space<hbm>> -> memref<100000x64xf32, #tpu.memory_space<hbm>>
        tpu.enqueue_indirect_dma source(%dma_start3A_606 : memref<100000x64xf32, #tpu.memory_space<hbm>>) target(%arg12 : memref<50x64xf32, #tpu.memory_space<vmem>>) offsets(%dma_start3A_603 : memref<50xi32, #tpu.memory_space<vmem>>) semaphore(%arg21 : memref<!tpu.dma_semaphore, #tpu.memory_space<semaphore_mem>>)
      } else {
      }
      %add3A_534 = arith.constant 7 : i32
      %add3A_535 = arith.addi %add3A_70, %add3A_534 : i32
      %dma_wait3A_536 = arith.constant 0 : i32
      %dma_wait3A_537 = tpu.memref_slice %arg5[%add3A_535, %dma_wait3A_536] : memref<128x50xi32, #tpu.memory_space<vmem>> -> memref<1x50xi32, #tpu.memory_space<vmem>>
      %dma_wait3A_538 = tpu.memref_squeeze %dma_wait3A_537 : memref<1x50xi32, #tpu.memory_space<vmem>> -> memref<50xi32, #tpu.memory_space<vmem>>
      %dma_wait3A_539 = arith.constant 0 : i32
      %dma_wait3A_540 = arith.constant 0 : i32
      %dma_wait3A_541 = tpu.memref_slice %arg3[%dma_wait3A_539, %dma_wait3A_540] : memref<100000x64xf32, #tpu.memory_space<hbm>> -> memref<100000x64xf32, #tpu.memory_space<hbm>>
      tpu.wait_indirect_dma semaphore(%arg22 : memref<!tpu.dma_semaphore, #tpu.memory_space<semaphore_mem>>) src(%dma_wait3A_541 : memref<100000x64xf32, #tpu.memory_space<hbm>>) dst(%arg13 : memref<50x64xf32, #tpu.memory_space<vmem>>)
      %broadcast_in_dim3A_542 = arith.constant 0.000000e+00 : f32
      %broadcast_in_dim3A_543 = vector.broadcast %broadcast_in_dim3A_542 : f32 to vector<16xf32>
      %broadcast_in_dim3A_544 = arith.constant 0.000000e+00 : f32
      %broadcast_in_dim3A_545 = vector.broadcast %broadcast_in_dim3A_544 : f32 to vector<16xf32>
      %broadcast_in_dim3A_546 = arith.constant 0.000000e+00 : f32
      %broadcast_in_dim3A_547 = vector.broadcast %broadcast_in_dim3A_546 : f32 to vector<16xf32>
      %broadcast_in_dim3A_548 = arith.constant 0.000000e+00 : f32
      %broadcast_in_dim3A_549 = vector.broadcast %broadcast_in_dim3A_548 : f32 to vector<16xf32>
      %scan3A_550 = arith.constant 0 : i32
      %scan3A_551 = arith.constant 50 : i32
      %scan3A_552 = arith.addi %scan3A_550, %scan3A_551 : i32
      %scan3A_553 = arith.constant 10 : i32
      %scan3A_554:4 = scf.for %scan3A_601 = %scan3A_550 to %scan3A_552 step %scan3A_553 iter_args(%scan3A_602 = %broadcast_in_dim3A_543, %scan3A_603 = %broadcast_in_dim3A_545, %scan3A_604 = %broadcast_in_dim3A_547, %scan3A_605 = %broadcast_in_dim3A_549) -> (vector<16xf32>, vector<16xf32>, vector<16xf32>, vector<16xf32>)  : i32 {
        %get3A = arith.constant 0 : i32
        %get3A_606 = tpu.memref_slice %arg13[%scan3A_601, %get3A] : memref<50x64xf32, #tpu.memory_space<vmem>> -> memref<1x64xf32, #tpu.memory_space<vmem>>
        %get3A_607 = tpu.memref_squeeze %get3A_606 : memref<1x64xf32, #tpu.memory_space<vmem>> -> memref<64xf32, #tpu.memory_space<vmem>>
        %get3A_608 = arith.constant 0 : index
        %get3A_609 = tpu.vector_load %get3A_607[%get3A_608] {strides = array<i32>} : memref<64xf32, #tpu.memory_space<vmem>>, vector<16xf32>,
        %get3A_610 = vector.shape_cast %get3A_609 : vector<16xf32> to vector<16xf32>
        %add3A_611 = arith.addf %scan3A_602, %get3A_610 : vector<16xf32>
        %get3A_612 = arith.constant 0 : i32
        %get3A_613 = tpu.memref_slice %arg13[%scan3A_601, %get3A_612] : memref<50x64xf32, #tpu.memory_space<vmem>> -> memref<1x64xf32, #tpu.memory_space<vmem>>
        %get3A_614 = tpu.memref_squeeze %get3A_613 : memref<1x64xf32, #tpu.memory_space<vmem>> -> memref<64xf32, #tpu.memory_space<vmem>>
        %get3A_615 = arith.constant 16 : index
        %get3A_616 = tpu.vector_load %get3A_614[%get3A_615] {strides = array<i32>} : memref<64xf32, #tpu.memory_space<vmem>>, vector<16xf32>,
        %get3A_617 = vector.shape_cast %get3A_616 : vector<16xf32> to vector<16xf32>
        %add3A_618 = arith.addf %scan3A_603, %get3A_617 : vector<16xf32>
        %get3A_619 = arith.constant 0 : i32
        %get3A_620 = tpu.memref_slice %arg13[%scan3A_601, %get3A_619] : memref<50x64xf32, #tpu.memory_space<vmem>> -> memref<1x64xf32, #tpu.memory_space<vmem>>
        %get3A_621 = tpu.memref_squeeze %get3A_620 : memref<1x64xf32, #tpu.memory_space<vmem>> -> memref<64xf32, #tpu.memory_space<vmem>>
        %get3A_622 = arith.constant 32 : index
        %get3A_623 = tpu.vector_load %get3A_621[%get3A_622] {strides = array<i32>} : memref<64xf32, #tpu.memory_space<vmem>>, vector<16xf32>,
        %get3A_624 = vector.shape_cast %get3A_623 : vector<16xf32> to vector<16xf32>
        %add3A_625 = arith.addf %scan3A_604, %get3A_624 : vector<16xf32>
        %get3A_626 = arith.constant 0 : i32
        %get3A_627 = tpu.memref_slice %arg13[%scan3A_601, %get3A_626] : memref<50x64xf32, #tpu.memory_space<vmem>> -> memref<1x64xf32, #tpu.memory_space<vmem>>
        %get3A_628 = tpu.memref_squeeze %get3A_627 : memref<1x64xf32, #tpu.memory_space<vmem>> -> memref<64xf32, #tpu.memory_space<vmem>>
        %get3A_629 = arith.constant 48 : index
        %get3A_630 = tpu.vector_load %get3A_628[%get3A_629] {strides = array<i32>} : memref<64xf32, #tpu.memory_space<vmem>>, vector<16xf32>,
        %get3A_631 = vector.shape_cast %get3A_630 : vector<16xf32> to vector<16xf32>
        %add3A_632 = arith.addf %scan3A_605, %get3A_631 : vector<16xf32>
        %scan3A_633 = arith.constant 1 : i32
        %scan3A_634 = arith.addi %scan3A_601, %scan3A_633 : i32
        %get3A_635 = arith.constant 0 : i32
        %get3A_636 = tpu.memref_slice %arg13[%scan3A_634, %get3A_635] : memref<50x64xf32, #tpu.memory_space<vmem>> -> memref<1x64xf32, #tpu.memory_space<vmem>>
        %get3A_637 = tpu.memref_squeeze %get3A_636 : memref<1x64xf32, #tpu.memory_space<vmem>> -> memref<64xf32, #tpu.memory_space<vmem>>
        %get3A_638 = arith.constant 0 : index
        %get3A_639 = tpu.vector_load %get3A_637[%get3A_638] {strides = array<i32>} : memref<64xf32, #tpu.memory_space<vmem>>, vector<16xf32>,
        %get3A_640 = vector.shape_cast %get3A_639 : vector<16xf32> to vector<16xf32>
        %add3A_641 = arith.addf %add3A_611, %get3A_640 : vector<16xf32>
        %get3A_642 = arith.constant 0 : i32
        %get3A_643 = tpu.memref_slice %arg13[%scan3A_634, %get3A_642] : memref<50x64xf32, #tpu.memory_space<vmem>> -> memref<1x64xf32, #tpu.memory_space<vmem>>
        %get3A_644 = tpu.memref_squeeze %get3A_643 : memref<1x64xf32, #tpu.memory_space<vmem>> -> memref<64xf32, #tpu.memory_space<vmem>>
        %get3A_645 = arith.constant 16 : index
        %get3A_646 = tpu.vector_load %get3A_644[%get3A_645] {strides = array<i32>} : memref<64xf32, #tpu.memory_space<vmem>>, vector<16xf32>,
        %get3A_647 = vector.shape_cast %get3A_646 : vector<16xf32> to vector<16xf32>
        %add3A_648 = arith.addf %add3A_618, %get3A_647 : vector<16xf32>
        %get3A_649 = arith.constant 0 : i32
        %get3A_650 = tpu.memref_slice %arg13[%scan3A_634, %get3A_649] : memref<50x64xf32, #tpu.memory_space<vmem>> -> memref<1x64xf32, #tpu.memory_space<vmem>>
        %get3A_651 = tpu.memref_squeeze %get3A_650 : memref<1x64xf32, #tpu.memory_space<vmem>> -> memref<64xf32, #tpu.memory_space<vmem>>
        %get3A_652 = arith.constant 32 : index
        %get3A_653 = tpu.vector_load %get3A_651[%get3A_652] {strides = array<i32>} : memref<64xf32, #tpu.memory_space<vmem>>, vector<16xf32>,
        %get3A_654 = vector.shape_cast %get3A_653 : vector<16xf32> to vector<16xf32>
        %add3A_655 = arith.addf %add3A_625, %get3A_654 : vector<16xf32>
        %get3A_656 = arith.constant 0 : i32
        %get3A_657 = tpu.memref_slice %arg13[%scan3A_634, %get3A_656] : memref<50x64xf32, #tpu.memory_space<vmem>> -> memref<1x64xf32, #tpu.memory_space<vmem>>
        %get3A_658 = tpu.memref_squeeze %get3A_657 : memref<1x64xf32, #tpu.memory_space<vmem>> -> memref<64xf32, #tpu.memory_space<vmem>>
        %get3A_659 = arith.constant 48 : index
        %get3A_660 = tpu.vector_load %get3A_658[%get3A_659] {strides = array<i32>} : memref<64xf32, #tpu.memory_space<vmem>>, vector<16xf32>,
        %get3A_661 = vector.shape_cast %get3A_660 : vector<16xf32> to vector<16xf32>
        %add3A_662 = arith.addf %add3A_632, %get3A_661 : vector<16xf32>
        %scan3A_663 = arith.constant 2 : i32
        %scan3A_664 = arith.addi %scan3A_601, %scan3A_663 : i32
        %get3A_665 = arith.constant 0 : i32
        %get3A_666 = tpu.memref_slice %arg13[%scan3A_664, %get3A_665] : memref<50x64xf32, #tpu.memory_space<vmem>> -> memref<1x64xf32, #tpu.memory_space<vmem>>
        %get3A_667 = tpu.memref_squeeze %get3A_666 : memref<1x64xf32, #tpu.memory_space<vmem>> -> memref<64xf32, #tpu.memory_space<vmem>>
        %get3A_668 = arith.constant 0 : index
        %get3A_669 = tpu.vector_load %get3A_667[%get3A_668] {strides = array<i32>} : memref<64xf32, #tpu.memory_space<vmem>>, vector<16xf32>,
        %get3A_670 = vector.shape_cast %get3A_669 : vector<16xf32> to vector<16xf32>
        %add3A_671 = arith.addf %add3A_641, %get3A_670 : vector<16xf32>
        %get3A_672 = arith.constant 0 : i32
        %get3A_673 = tpu.memref_slice %arg13[%scan3A_664, %get3A_672] : memref<50x64xf32, #tpu.memory_space<vmem>> -> memref<1x64xf32, #tpu.memory_space<vmem>>
        %get3A_674 = tpu.memref_squeeze %get3A_673 : memref<1x64xf32, #tpu.memory_space<vmem>> -> memref<64xf32, #tpu.memory_space<vmem>>
        %get3A_675 = arith.constant 16 : index
        %get3A_676 = tpu.vector_load %get3A_674[%get3A_675] {strides = array<i32>} : memref<64xf32, #tpu.memory_space<vmem>>, vector<16xf32>,
        %get3A_677 = vector.shape_cast %get3A_676 : vector<16xf32> to vector<16xf32>
        %add3A_678 = arith.addf %add3A_648, %get3A_677 : vector<16xf32>
        %get3A_679 = arith.constant 0 : i32
        %get3A_680 = tpu.memref_slice %arg13[%scan3A_664, %get3A_679] : memref<50x64xf32, #tpu.memory_space<vmem>> -> memref<1x64xf32, #tpu.memory_space<vmem>>
        %get3A_681 = tpu.memref_squeeze %get3A_680 : memref<1x64xf32, #tpu.memory_space<vmem>> -> memref<64xf32, #tpu.memory_space<vmem>>
        %get3A_682 = arith.constant 32 : index
        %get3A_683 = tpu.vector_load %get3A_681[%get3A_682] {strides = array<i32>} : memref<64xf32, #tpu.memory_space<vmem>>, vector<16xf32>,
        %get3A_684 = vector.shape_cast %get3A_683 : vector<16xf32> to vector<16xf32>
        %add3A_685 = arith.addf %add3A_655, %get3A_684 : vector<16xf32>
        %get3A_686 = arith.constant 0 : i32
        %get3A_687 = tpu.memref_slice %arg13[%scan3A_664, %get3A_686] : memref<50x64xf32, #tpu.memory_space<vmem>> -> memref<1x64xf32, #tpu.memory_space<vmem>>
        %get3A_688 = tpu.memref_squeeze %get3A_687 : memref<1x64xf32, #tpu.memory_space<vmem>> -> memref<64xf32, #tpu.memory_space<vmem>>
        %get3A_689 = arith.constant 48 : index
        %get3A_690 = tpu.vector_load %get3A_688[%get3A_689] {strides = array<i32>} : memref<64xf32, #tpu.memory_space<vmem>>, vector<16xf32>,
        %get3A_691 = vector.shape_cast %get3A_690 : vector<16xf32> to vector<16xf32>
        %add3A_692 = arith.addf %add3A_662, %get3A_691 : vector<16xf32>
        %scan3A_693 = arith.constant 3 : i32
        %scan3A_694 = arith.addi %scan3A_601, %scan3A_693 : i32
        %get3A_695 = arith.constant 0 : i32
        %get3A_696 = tpu.memref_slice %arg13[%scan3A_694, %get3A_695] : memref<50x64xf32, #tpu.memory_space<vmem>> -> memref<1x64xf32, #tpu.memory_space<vmem>>
        %get3A_697 = tpu.memref_squeeze %get3A_696 : memref<1x64xf32, #tpu.memory_space<vmem>> -> memref<64xf32, #tpu.memory_space<vmem>>
        %get3A_698 = arith.constant 0 : index
        %get3A_699 = tpu.vector_load %get3A_697[%get3A_698] {strides = array<i32>} : memref<64xf32, #tpu.memory_space<vmem>>, vector<16xf32>,
        %get3A_700 = vector.shape_cast %get3A_699 : vector<16xf32> to vector<16xf32>
        %add3A_701 = arith.addf %add3A_671, %get3A_700 : vector<16xf32>
        %get3A_702 = arith.constant 0 : i32
        %get3A_703 = tpu.memref_slice %arg13[%scan3A_694, %get3A_702] : memref<50x64xf32, #tpu.memory_space<vmem>> -> memref<1x64xf32, #tpu.memory_space<vmem>>
        %get3A_704 = tpu.memref_squeeze %get3A_703 : memref<1x64xf32, #tpu.memory_space<vmem>> -> memref<64xf32, #tpu.memory_space<vmem>>
        %get3A_705 = arith.constant 16 : index
        %get3A_706 = tpu.vector_load %get3A_704[%get3A_705] {strides = array<i32>} : memref<64xf32, #tpu.memory_space<vmem>>, vector<16xf32>,
        %get3A_707 = vector.shape_cast %get3A_706 : vector<16xf32> to vector<16xf32>
        %add3A_708 = arith.addf %add3A_678, %get3A_707 : vector<16xf32>
        %get3A_709 = arith.constant 0 : i32
        %get3A_710 = tpu.memref_slice %arg13[%scan3A_694, %get3A_709] : memref<50x64xf32, #tpu.memory_space<vmem>> -> memref<1x64xf32, #tpu.memory_space<vmem>>
        %get3A_711 = tpu.memref_squeeze %get3A_710 : memref<1x64xf32, #tpu.memory_space<vmem>> -> memref<64xf32, #tpu.memory_space<vmem>>
        %get3A_712 = arith.constant 32 : index
        %get3A_713 = tpu.vector_load %get3A_711[%get3A_712] {strides = array<i32>} : memref<64xf32, #tpu.memory_space<vmem>>, vector<16xf32>,
        %get3A_714 = vector.shape_cast %get3A_713 : vector<16xf32> to vector<16xf32>
        %add3A_715 = arith.addf %add3A_685, %get3A_714 : vector<16xf32>
        %get3A_716 = arith.constant 0 : i32
        %get3A_717 = tpu.memref_slice %arg13[%scan3A_694, %get3A_716] : memref<50x64xf32, #tpu.memory_space<vmem>> -> memref<1x64xf32, #tpu.memory_space<vmem>>
        %get3A_718 = tpu.memref_squeeze %get3A_717 : memref<1x64xf32, #tpu.memory_space<vmem>> -> memref<64xf32, #tpu.memory_space<vmem>>
        %get3A_719 = arith.constant 48 : index
        %get3A_720 = tpu.vector_load %get3A_718[%get3A_719] {strides = array<i32>} : memref<64xf32, #tpu.memory_space<vmem>>, vector<16xf32>,
        %get3A_721 = vector.shape_cast %get3A_720 : vector<16xf32> to vector<16xf32>
        %add3A_722 = arith.addf %add3A_692, %get3A_721 : vector<16xf32>
        %scan3A_723 = arith.constant 4 : i32
        %scan3A_724 = arith.addi %scan3A_601, %scan3A_723 : i32
        %get3A_725 = arith.constant 0 : i32
        %get3A_726 = tpu.memref_slice %arg13[%scan3A_724, %get3A_725] : memref<50x64xf32, #tpu.memory_space<vmem>> -> memref<1x64xf32, #tpu.memory_space<vmem>>
        %get3A_727 = tpu.memref_squeeze %get3A_726 : memref<1x64xf32, #tpu.memory_space<vmem>> -> memref<64xf32, #tpu.memory_space<vmem>>
        %get3A_728 = arith.constant 0 : index
        %get3A_729 = tpu.vector_load %get3A_727[%get3A_728] {strides = array<i32>} : memref<64xf32, #tpu.memory_space<vmem>>, vector<16xf32>,
        %get3A_730 = vector.shape_cast %get3A_729 : vector<16xf32> to vector<16xf32>
        %add3A_731 = arith.addf %add3A_701, %get3A_730 : vector<16xf32>
        %get3A_732 = arith.constant 0 : i32
        %get3A_733 = tpu.memref_slice %arg13[%scan3A_724, %get3A_732] : memref<50x64xf32, #tpu.memory_space<vmem>> -> memref<1x64xf32, #tpu.memory_space<vmem>>
        %get3A_734 = tpu.memref_squeeze %get3A_733 : memref<1x64xf32, #tpu.memory_space<vmem>> -> memref<64xf32, #tpu.memory_space<vmem>>
        %get3A_735 = arith.constant 16 : index
        %get3A_736 = tpu.vector_load %get3A_734[%get3A_735] {strides = array<i32>} : memref<64xf32, #tpu.memory_space<vmem>>, vector<16xf32>,
        %get3A_737 = vector.shape_cast %get3A_736 : vector<16xf32> to vector<16xf32>
        %add3A_738 = arith.addf %add3A_708, %get3A_737 : vector<16xf32>
        %get3A_739 = arith.constant 0 : i32
        %get3A_740 = tpu.memref_slice %arg13[%scan3A_724, %get3A_739] : memref<50x64xf32, #tpu.memory_space<vmem>> -> memref<1x64xf32, #tpu.memory_space<vmem>>
        %get3A_741 = tpu.memref_squeeze %get3A_740 : memref<1x64xf32, #tpu.memory_space<vmem>> -> memref<64xf32, #tpu.memory_space<vmem>>
        %get3A_742 = arith.constant 32 : index
        %get3A_743 = tpu.vector_load %get3A_741[%get3A_742] {strides = array<i32>} : memref<64xf32, #tpu.memory_space<vmem>>, vector<16xf32>,
        %get3A_744 = vector.shape_cast %get3A_743 : vector<16xf32> to vector<16xf32>
        %add3A_745 = arith.addf %add3A_715, %get3A_744 : vector<16xf32>
        %get3A_746 = arith.constant 0 : i32
        %get3A_747 = tpu.memref_slice %arg13[%scan3A_724, %get3A_746] : memref<50x64xf32, #tpu.memory_space<vmem>> -> memref<1x64xf32, #tpu.memory_space<vmem>>
        %get3A_748 = tpu.memref_squeeze %get3A_747 : memref<1x64xf32, #tpu.memory_space<vmem>> -> memref<64xf32, #tpu.memory_space<vmem>>
        %get3A_749 = arith.constant 48 : index
        %get3A_750 = tpu.vector_load %get3A_748[%get3A_749] {strides = array<i32>} : memref<64xf32, #tpu.memory_space<vmem>>, vector<16xf32>,
        %get3A_751 = vector.shape_cast %get3A_750 : vector<16xf32> to vector<16xf32>
        %add3A_752 = arith.addf %add3A_722, %get3A_751 : vector<16xf32>
        %scan3A_753 = arith.constant 5 : i32
        %scan3A_754 = arith.addi %scan3A_601, %scan3A_753 : i32
        %get3A_755 = arith.constant 0 : i32
        %get3A_756 = tpu.memref_slice %arg13[%scan3A_754, %get3A_755] : memref<50x64xf32, #tpu.memory_space<vmem>> -> memref<1x64xf32, #tpu.memory_space<vmem>>
        %get3A_757 = tpu.memref_squeeze %get3A_756 : memref<1x64xf32, #tpu.memory_space<vmem>> -> memref<64xf32, #tpu.memory_space<vmem>>
        %get3A_758 = arith.constant 0 : index
        %get3A_759 = tpu.vector_load %get3A_757[%get3A_758] {strides = array<i32>} : memref<64xf32, #tpu.memory_space<vmem>>, vector<16xf32>,
        %get3A_760 = vector.shape_cast %get3A_759 : vector<16xf32> to vector<16xf32>
        %add3A_761 = arith.addf %add3A_731, %get3A_760 : vector<16xf32>
        %get3A_762 = arith.constant 0 : i32
        %get3A_763 = tpu.memref_slice %arg13[%scan3A_754, %get3A_762] : memref<50x64xf32, #tpu.memory_space<vmem>> -> memref<1x64xf32, #tpu.memory_space<vmem>>
        %get3A_764 = tpu.memref_squeeze %get3A_763 : memref<1x64xf32, #tpu.memory_space<vmem>> -> memref<64xf32, #tpu.memory_space<vmem>>
        %get3A_765 = arith.constant 16 : index
        %get3A_766 = tpu.vector_load %get3A_764[%get3A_765] {strides = array<i32>} : memref<64xf32, #tpu.memory_space<vmem>>, vector<16xf32>,
        %get3A_767 = vector.shape_cast %get3A_766 : vector<16xf32> to vector<16xf32>
        %add3A_768 = arith.addf %add3A_738, %get3A_767 : vector<16xf32>
        %get3A_769 = arith.constant 0 : i32
        %get3A_770 = tpu.memref_slice %arg13[%scan3A_754, %get3A_769] : memref<50x64xf32, #tpu.memory_space<vmem>> -> memref<1x64xf32, #tpu.memory_space<vmem>>
        %get3A_771 = tpu.memref_squeeze %get3A_770 : memref<1x64xf32, #tpu.memory_space<vmem>> -> memref<64xf32, #tpu.memory_space<vmem>>
        %get3A_772 = arith.constant 32 : index
        %get3A_773 = tpu.vector_load %get3A_771[%get3A_772] {strides = array<i32>} : memref<64xf32, #tpu.memory_space<vmem>>, vector<16xf32>,
        %get3A_774 = vector.shape_cast %get3A_773 : vector<16xf32> to vector<16xf32>
        %add3A_775 = arith.addf %add3A_745, %get3A_774 : vector<16xf32>
        %get3A_776 = arith.constant 0 : i32
        %get3A_777 = tpu.memref_slice %arg13[%scan3A_754, %get3A_776] : memref<50x64xf32, #tpu.memory_space<vmem>> -> memref<1x64xf32, #tpu.memory_space<vmem>>
        %get3A_778 = tpu.memref_squeeze %get3A_777 : memref<1x64xf32, #tpu.memory_space<vmem>> -> memref<64xf32, #tpu.memory_space<vmem>>
        %get3A_779 = arith.constant 48 : index
        %get3A_780 = tpu.vector_load %get3A_778[%get3A_779] {strides = array<i32>} : memref<64xf32, #tpu.memory_space<vmem>>, vector<16xf32>,
        %get3A_781 = vector.shape_cast %get3A_780 : vector<16xf32> to vector<16xf32>
        %add3A_782 = arith.addf %add3A_752, %get3A_781 : vector<16xf32>
        %scan3A_783 = arith.constant 6 : i32
        %scan3A_784 = arith.addi %scan3A_601, %scan3A_783 : i32
        %get3A_785 = arith.constant 0 : i32
        %get3A_786 = tpu.memref_slice %arg13[%scan3A_784, %get3A_785] : memref<50x64xf32, #tpu.memory_space<vmem>> -> memref<1x64xf32, #tpu.memory_space<vmem>>
        %get3A_787 = tpu.memref_squeeze %get3A_786 : memref<1x64xf32, #tpu.memory_space<vmem>> -> memref<64xf32, #tpu.memory_space<vmem>>
        %get3A_788 = arith.constant 0 : index
        %get3A_789 = tpu.vector_load %get3A_787[%get3A_788] {strides = array<i32>} : memref<64xf32, #tpu.memory_space<vmem>>, vector<16xf32>,
        %get3A_790 = vector.shape_cast %get3A_789 : vector<16xf32> to vector<16xf32>
        %add3A_791 = arith.addf %add3A_761, %get3A_790 : vector<16xf32>
        %get3A_792 = arith.constant 0 : i32
        %get3A_793 = tpu.memref_slice %arg13[%scan3A_784, %get3A_792] : memref<50x64xf32, #tpu.memory_space<vmem>> -> memref<1x64xf32, #tpu.memory_space<vmem>>
        %get3A_794 = tpu.memref_squeeze %get3A_793 : memref<1x64xf32, #tpu.memory_space<vmem>> -> memref<64xf32, #tpu.memory_space<vmem>>
        %get3A_795 = arith.constant 16 : index
        %get3A_796 = tpu.vector_load %get3A_794[%get3A_795] {strides = array<i32>} : memref<64xf32, #tpu.memory_space<vmem>>, vector<16xf32>,
        %get3A_797 = vector.shape_cast %get3A_796 : vector<16xf32> to vector<16xf32>
        %add3A_798 = arith.addf %add3A_768, %get3A_797 : vector<16xf32>
        %get3A_799 = arith.constant 0 : i32
        %get3A_800 = tpu.memref_slice %arg13[%scan3A_784, %get3A_799] : memref<50x64xf32, #tpu.memory_space<vmem>> -> memref<1x64xf32, #tpu.memory_space<vmem>>
        %get3A_801 = tpu.memref_squeeze %get3A_800 : memref<1x64xf32, #tpu.memory_space<vmem>> -> memref<64xf32, #tpu.memory_space<vmem>>
        %get3A_802 = arith.constant 32 : index
        %get3A_803 = tpu.vector_load %get3A_801[%get3A_802] {strides = array<i32>} : memref<64xf32, #tpu.memory_space<vmem>>, vector<16xf32>,
        %get3A_804 = vector.shape_cast %get3A_803 : vector<16xf32> to vector<16xf32>
        %add3A_805 = arith.addf %add3A_775, %get3A_804 : vector<16xf32>
        %get3A_806 = arith.constant 0 : i32
        %get3A_807 = tpu.memref_slice %arg13[%scan3A_784, %get3A_806] : memref<50x64xf32, #tpu.memory_space<vmem>> -> memref<1x64xf32, #tpu.memory_space<vmem>>
        %get3A_808 = tpu.memref_squeeze %get3A_807 : memref<1x64xf32, #tpu.memory_space<vmem>> -> memref<64xf32, #tpu.memory_space<vmem>>
        %get3A_809 = arith.constant 48 : index
        %get3A_810 = tpu.vector_load %get3A_808[%get3A_809] {strides = array<i32>} : memref<64xf32, #tpu.memory_space<vmem>>, vector<16xf32>,
        %get3A_811 = vector.shape_cast %get3A_810 : vector<16xf32> to vector<16xf32>
        %add3A_812 = arith.addf %add3A_782, %get3A_811 : vector<16xf32>
        %scan3A_813 = arith.constant 7 : i32
        %scan3A_814 = arith.addi %scan3A_601, %scan3A_813 : i32
        %get3A_815 = arith.constant 0 : i32
        %get3A_816 = tpu.memref_slice %arg13[%scan3A_814, %get3A_815] : memref<50x64xf32, #tpu.memory_space<vmem>> -> memref<1x64xf32, #tpu.memory_space<vmem>>
        %get3A_817 = tpu.memref_squeeze %get3A_816 : memref<1x64xf32, #tpu.memory_space<vmem>> -> memref<64xf32, #tpu.memory_space<vmem>>
        %get3A_818 = arith.constant 0 : index
        %get3A_819 = tpu.vector_load %get3A_817[%get3A_818] {strides = array<i32>} : memref<64xf32, #tpu.memory_space<vmem>>, vector<16xf32>,
        %get3A_820 = vector.shape_cast %get3A_819 : vector<16xf32> to vector<16xf32>
        %add3A_821 = arith.addf %add3A_791, %get3A_820 : vector<16xf32>
        %get3A_822 = arith.constant 0 : i32
        %get3A_823 = tpu.memref_slice %arg13[%scan3A_814, %get3A_822] : memref<50x64xf32, #tpu.memory_space<vmem>> -> memref<1x64xf32, #tpu.memory_space<vmem>>
        %get3A_824 = tpu.memref_squeeze %get3A_823 : memref<1x64xf32, #tpu.memory_space<vmem>> -> memref<64xf32, #tpu.memory_space<vmem>>
        %get3A_825 = arith.constant 16 : index
        %get3A_826 = tpu.vector_load %get3A_824[%get3A_825] {strides = array<i32>} : memref<64xf32, #tpu.memory_space<vmem>>, vector<16xf32>,
        %get3A_827 = vector.shape_cast %get3A_826 : vector<16xf32> to vector<16xf32>
        %add3A_828 = arith.addf %add3A_798, %get3A_827 : vector<16xf32>
        %get3A_829 = arith.constant 0 : i32
        %get3A_830 = tpu.memref_slice %arg13[%scan3A_814, %get3A_829] : memref<50x64xf32, #tpu.memory_space<vmem>> -> memref<1x64xf32, #tpu.memory_space<vmem>>
        %get3A_831 = tpu.memref_squeeze %get3A_830 : memref<1x64xf32, #tpu.memory_space<vmem>> -> memref<64xf32, #tpu.memory_space<vmem>>
        %get3A_832 = arith.constant 32 : index
        %get3A_833 = tpu.vector_load %get3A_831[%get3A_832] {strides = array<i32>} : memref<64xf32, #tpu.memory_space<vmem>>, vector<16xf32>,
        %get3A_834 = vector.shape_cast %get3A_833 : vector<16xf32> to vector<16xf32>
        %add3A_835 = arith.addf %add3A_805, %get3A_834 : vector<16xf32>
        %get3A_836 = arith.constant 0 : i32
        %get3A_837 = tpu.memref_slice %arg13[%scan3A_814, %get3A_836] : memref<50x64xf32, #tpu.memory_space<vmem>> -> memref<1x64xf32, #tpu.memory_space<vmem>>
        %get3A_838 = tpu.memref_squeeze %get3A_837 : memref<1x64xf32, #tpu.memory_space<vmem>> -> memref<64xf32, #tpu.memory_space<vmem>>
        %get3A_839 = arith.constant 48 : index
        %get3A_840 = tpu.vector_load %get3A_838[%get3A_839] {strides = array<i32>} : memref<64xf32, #tpu.memory_space<vmem>>, vector<16xf32>,
        %get3A_841 = vector.shape_cast %get3A_840 : vector<16xf32> to vector<16xf32>
        %add3A_842 = arith.addf %add3A_812, %get3A_841 : vector<16xf32>
        %scan3A_843 = arith.constant 8 : i32
        %scan3A_844 = arith.addi %scan3A_601, %scan3A_843 : i32
        %get3A_845 = arith.constant 0 : i32
        %get3A_846 = tpu.memref_slice %arg13[%scan3A_844, %get3A_845] : memref<50x64xf32, #tpu.memory_space<vmem>> -> memref<1x64xf32, #tpu.memory_space<vmem>>
        %get3A_847 = tpu.memref_squeeze %get3A_846 : memref<1x64xf32, #tpu.memory_space<vmem>> -> memref<64xf32, #tpu.memory_space<vmem>>
        %get3A_848 = arith.constant 0 : index
        %get3A_849 = tpu.vector_load %get3A_847[%get3A_848] {strides = array<i32>} : memref<64xf32, #tpu.memory_space<vmem>>, vector<16xf32>,
        %get3A_850 = vector.shape_cast %get3A_849 : vector<16xf32> to vector<16xf32>
        %add3A_851 = arith.addf %add3A_821, %get3A_850 : vector<16xf32>
        %get3A_852 = arith.constant 0 : i32
        %get3A_853 = tpu.memref_slice %arg13[%scan3A_844, %get3A_852] : memref<50x64xf32, #tpu.memory_space<vmem>> -> memref<1x64xf32, #tpu.memory_space<vmem>>
        %get3A_854 = tpu.memref_squeeze %get3A_853 : memref<1x64xf32, #tpu.memory_space<vmem>> -> memref<64xf32, #tpu.memory_space<vmem>>
        %get3A_855 = arith.constant 16 : index
        %get3A_856 = tpu.vector_load %get3A_854[%get3A_855] {strides = array<i32>} : memref<64xf32, #tpu.memory_space<vmem>>, vector<16xf32>,
        %get3A_857 = vector.shape_cast %get3A_856 : vector<16xf32> to vector<16xf32>
        %add3A_858 = arith.addf %add3A_828, %get3A_857 : vector<16xf32>
        %get3A_859 = arith.constant 0 : i32
        %get3A_860 = tpu.memref_slice %arg13[%scan3A_844, %get3A_859] : memref<50x64xf32, #tpu.memory_space<vmem>> -> memref<1x64xf32, #tpu.memory_space<vmem>>
        %get3A_861 = tpu.memref_squeeze %get3A_860 : memref<1x64xf32, #tpu.memory_space<vmem>> -> memref<64xf32, #tpu.memory_space<vmem>>
        %get3A_862 = arith.constant 32 : index
        %get3A_863 = tpu.vector_load %get3A_861[%get3A_862] {strides = array<i32>} : memref<64xf32, #tpu.memory_space<vmem>>, vector<16xf32>,
        %get3A_864 = vector.shape_cast %get3A_863 : vector<16xf32> to vector<16xf32>
        %add3A_865 = arith.addf %add3A_835, %get3A_864 : vector<16xf32>
        %get3A_866 = arith.constant 0 : i32
        %get3A_867 = tpu.memref_slice %arg13[%scan3A_844, %get3A_866] : memref<50x64xf32, #tpu.memory_space<vmem>> -> memref<1x64xf32, #tpu.memory_space<vmem>>
        %get3A_868 = tpu.memref_squeeze %get3A_867 : memref<1x64xf32, #tpu.memory_space<vmem>> -> memref<64xf32, #tpu.memory_space<vmem>>
        %get3A_869 = arith.constant 48 : index
        %get3A_870 = tpu.vector_load %get3A_868[%get3A_869] {strides = array<i32>} : memref<64xf32, #tpu.memory_space<vmem>>, vector<16xf32>,
        %get3A_871 = vector.shape_cast %get3A_870 : vector<16xf32> to vector<16xf32>
        %add3A_872 = arith.addf %add3A_842, %get3A_871 : vector<16xf32>
        %scan3A_873 = arith.constant 9 : i32
        %scan3A_874 = arith.addi %scan3A_601, %scan3A_873 : i32
        %get3A_875 = arith.constant 0 : i32
        %get3A_876 = tpu.memref_slice %arg13[%scan3A_874, %get3A_875] : memref<50x64xf32, #tpu.memory_space<vmem>> -> memref<1x64xf32, #tpu.memory_space<vmem>>
        %get3A_877 = tpu.memref_squeeze %get3A_876 : memref<1x64xf32, #tpu.memory_space<vmem>> -> memref<64xf32, #tpu.memory_space<vmem>>
        %get3A_878 = arith.constant 0 : index
        %get3A_879 = tpu.vector_load %get3A_877[%get3A_878] {strides = array<i32>} : memref<64xf32, #tpu.memory_space<vmem>>, vector<16xf32>,
        %get3A_880 = vector.shape_cast %get3A_879 : vector<16xf32> to vector<16xf32>
        %add3A_881 = arith.addf %add3A_851, %get3A_880 : vector<16xf32>
        %get3A_882 = arith.constant 0 : i32
        %get3A_883 = tpu.memref_slice %arg13[%scan3A_874, %get3A_882] : memref<50x64xf32, #tpu.memory_space<vmem>> -> memref<1x64xf32, #tpu.memory_space<vmem>>
        %get3A_884 = tpu.memref_squeeze %get3A_883 : memref<1x64xf32, #tpu.memory_space<vmem>> -> memref<64xf32, #tpu.memory_space<vmem>>
        %get3A_885 = arith.constant 16 : index
        %get3A_886 = tpu.vector_load %get3A_884[%get3A_885] {strides = array<i32>} : memref<64xf32, #tpu.memory_space<vmem>>, vector<16xf32>,
        %get3A_887 = vector.shape_cast %get3A_886 : vector<16xf32> to vector<16xf32>
        %add3A_888 = arith.addf %add3A_858, %get3A_887 : vector<16xf32>
        %get3A_889 = arith.constant 0 : i32
        %get3A_890 = tpu.memref_slice %arg13[%scan3A_874, %get3A_889] : memref<50x64xf32, #tpu.memory_space<vmem>> -> memref<1x64xf32, #tpu.memory_space<vmem>>
        %get3A_891 = tpu.memref_squeeze %get3A_890 : memref<1x64xf32, #tpu.memory_space<vmem>> -> memref<64xf32, #tpu.memory_space<vmem>>
        %get3A_892 = arith.constant 32 : index
        %get3A_893 = tpu.vector_load %get3A_891[%get3A_892] {strides = array<i32>} : memref<64xf32, #tpu.memory_space<vmem>>, vector<16xf32>,
        %get3A_894 = vector.shape_cast %get3A_893 : vector<16xf32> to vector<16xf32>
        %add3A_895 = arith.addf %add3A_865, %get3A_894 : vector<16xf32>
        %get3A_896 = arith.constant 0 : i32
        %get3A_897 = tpu.memref_slice %arg13[%scan3A_874, %get3A_896] : memref<50x64xf32, #tpu.memory_space<vmem>> -> memref<1x64xf32, #tpu.memory_space<vmem>>
        %get3A_898 = tpu.memref_squeeze %get3A_897 : memref<1x64xf32, #tpu.memory_space<vmem>> -> memref<64xf32, #tpu.memory_space<vmem>>
        %get3A_899 = arith.constant 48 : index
        %get3A_900 = tpu.vector_load %get3A_898[%get3A_899] {strides = array<i32>} : memref<64xf32, #tpu.memory_space<vmem>>, vector<16xf32>,
        %get3A_901 = vector.shape_cast %get3A_900 : vector<16xf32> to vector<16xf32>
        %add3A_902 = arith.addf %add3A_872, %get3A_901 : vector<16xf32>
        scf.yield %add3A_881, %add3A_888, %add3A_895, %add3A_902 : vector<16xf32>, vector<16xf32>, vector<16xf32>, vector<16xf32>
      }
      %scan3A_555 = arith.constant 50 : i32
      %mul3A_556 = arith.constant 64 : i32
      %mul3A_557 = arith.muli %add3A_535, %mul3A_556 : i32
      %mul3A_558 = arith.constant 2.000000e-02 : f32
      %mul3A_559 = vector.broadcast %mul3A_558 : f32 to vector<16xf32>
      %mul3A_560 = arith.mulf %scan3A_554#0, %mul3A_559 : vector<16xf32>
      %add3A_561 = arith.constant 0 : i32
      %add3A_562 = arith.addi %mul3A_557, %add3A_561 : i32
      %swap3A_563 = arith.index_cast %add3A_562 : i32 to index
      %swap3A_564 = tpu.vector_load %arg14[%swap3A_563] {strides = array<i32>} : memref<8192xf32, #tpu.memory_space<vmem>>, vector<16xf32>,
      %swap3A_565 = vector.shape_cast %swap3A_564 : vector<16xf32> to vector<16xf32>
      %swap3A_566 = vector.shape_cast %mul3A_560 : vector<16xf32> to vector<16xf32>
      tpu.vector_store %arg14[%swap3A_563], %swap3A_566 {strides = array<i32>} : memref<8192xf32, #tpu.memory_space<vmem>>, vector<16xf32>,
      %mul3A_567 = arith.constant 2.000000e-02 : f32
      %mul3A_568 = vector.broadcast %mul3A_567 : f32 to vector<16xf32>
      %mul3A_569 = arith.mulf %scan3A_554#1, %mul3A_568 : vector<16xf32>
      %add3A_570 = arith.constant 16 : i32
      %add3A_571 = arith.addi %mul3A_557, %add3A_570 : i32
      %swap3A_572 = arith.index_cast %add3A_571 : i32 to index
      %swap3A_573 = tpu.vector_load %arg14[%swap3A_572] {strides = array<i32>} : memref<8192xf32, #tpu.memory_space<vmem>>, vector<16xf32>,
      %swap3A_574 = vector.shape_cast %swap3A_573 : vector<16xf32> to vector<16xf32>
      %swap3A_575 = vector.shape_cast %mul3A_569 : vector<16xf32> to vector<16xf32>
      tpu.vector_store %arg14[%swap3A_572], %swap3A_575 {strides = array<i32>} : memref<8192xf32, #tpu.memory_space<vmem>>, vector<16xf32>,
      %mul3A_576 = arith.constant 2.000000e-02 : f32
      %mul3A_577 = vector.broadcast %mul3A_576 : f32 to vector<16xf32>
      %mul3A_578 = arith.mulf %scan3A_554#2, %mul3A_577 : vector<16xf32>
      %add3A_579 = arith.constant 32 : i32
      %add3A_580 = arith.addi %mul3A_557, %add3A_579 : i32
      %swap3A_581 = arith.index_cast %add3A_580 : i32 to index
      %swap3A_582 = tpu.vector_load %arg14[%swap3A_581] {strides = array<i32>} : memref<8192xf32, #tpu.memory_space<vmem>>, vector<16xf32>,
      %swap3A_583 = vector.shape_cast %swap3A_582 : vector<16xf32> to vector<16xf32>
      %swap3A_584 = vector.shape_cast %mul3A_578 : vector<16xf32> to vector<16xf32>
      tpu.vector_store %arg14[%swap3A_581], %swap3A_584 {strides = array<i32>} : memref<8192xf32, #tpu.memory_space<vmem>>, vector<16xf32>,
      %mul3A_585 = arith.constant 2.000000e-02 : f32
      %mul3A_586 = vector.broadcast %mul3A_585 : f32 to vector<16xf32>
      %mul3A_587 = arith.mulf %scan3A_554#3, %mul3A_586 : vector<16xf32>
      %add3A_588 = arith.constant 48 : i32
      %add3A_589 = arith.addi %mul3A_557, %add3A_588 : i32
      %swap3A_590 = arith.index_cast %add3A_589 : i32 to index
      %swap3A_591 = tpu.vector_load %arg14[%swap3A_590] {strides = array<i32>} : memref<8192xf32, #tpu.memory_space<vmem>>, vector<16xf32>,
      %swap3A_592 = vector.shape_cast %swap3A_591 : vector<16xf32> to vector<16xf32>
      %swap3A_593 = vector.shape_cast %mul3A_587 : vector<16xf32> to vector<16xf32>
      tpu.vector_store %arg14[%swap3A_590], %swap3A_593 {strides = array<i32>} : memref<8192xf32, #tpu.memory_space<vmem>>, vector<16xf32>,
      %add3A_594 = arith.constant 8 : i32
      %add3A_595 = arith.addi %add3A_535, %add3A_594 : i32
      %lt3A_596 = arith.constant 128 : i32
      %lt3A_597 = arith.cmpi slt, %add3A_595, %lt3A_596 : i32
      %convert_element_type3A_598 = arith.extui %lt3A_597 : i1 to i32
      %cond3A_599 = arith.constant 0 : i32
      %cond3A_600 = arith.cmpi ne, %convert_element_type3A_598, %cond3A_599 : i32
      scf.if %cond3A_600 {
        %dma_start3A_601 = arith.constant 0 : i32
        %dma_start3A_602 = tpu.memref_slice %arg5[%add3A_595, %dma_start3A_601] : memref<128x50xi32, #tpu.memory_space<vmem>> -> memref<1x50xi32, #tpu.memory_space<vmem>>
        %dma_start3A_603 = tpu.memref_squeeze %dma_start3A_602 : memref<1x50xi32, #tpu.memory_space<vmem>> -> memref<50xi32, #tpu.memory_space<vmem>>
        %dma_start3A_604 = arith.constant 0 : i32
        %dma_start3A_605 = arith.constant 0 : i32
        %dma_start3A_606 = tpu.memref_slice %arg3[%dma_start3A_604, %dma_start3A_605] : memref<100000x64xf32, #tpu.memory_space<hbm>> -> memref<100000x64xf32, #tpu.memory_space<hbm>>
        tpu.enqueue_indirect_dma source(%dma_start3A_606 : memref<100000x64xf32, #tpu.memory_space<hbm>>) target(%arg13 : memref<50x64xf32, #tpu.memory_space<vmem>>) offsets(%dma_start3A_603 : memref<50xi32, #tpu.memory_space<vmem>>) semaphore(%arg22 : memref<!tpu.dma_semaphore, #tpu.memory_space<semaphore_mem>>)
      } else {
      }
    }
    %scan3A_61 = arith.constant 16 : i32
    %mul3A_62 = arith.constant 128 : i32
    %mul3A_63 = arith.muli %add3A, %mul3A_62 : i32
    %mul3A_64 = arith.constant 64 : i32
    %mul3A_65 = arith.muli %mul3A_63, %mul3A_64 : i32
    "tpu.region"() ({
      %run_scoped3A = tpu.sem_alloc : memref<!tpu.dma_semaphore, #tpu.memory_space<semaphore_mem>>
      %dma_start3A_66 = tpu.memref_slice %arg4[%mul3A_65] : memref<262144xf32, #tpu.memory_space<hbm>> -> memref<8192xf32, #tpu.memory_space<hbm>>
      %dma_start3A_67 = tpu.memref_slice %arg4[%mul3A_65] : memref<262144xf32, #tpu.memory_space<hbm>> -> memref<8192xf32, #tpu.memory_space<hbm>>
      tpu.enqueue_dma source(%arg14 : memref<8192xf32, #tpu.memory_space<vmem>>) target(%dma_start3A_67 : memref<8192xf32, #tpu.memory_space<hbm>>) target_semaphore(%run_scoped3A : memref<!tpu.dma_semaphore, #tpu.memory_space<semaphore_mem>>)
      %dma_wait3A = tpu.memref_slice %arg4[%mul3A_65] : memref<262144xf32, #tpu.memory_space<hbm>> -> memref<8192xf32, #tpu.memory_space<hbm>>
      %dma_wait3A_68 = tpu.memref_slice %arg4[%mul3A_65] : memref<262144xf32, #tpu.memory_space<hbm>> -> memref<8192xf32, #tpu.memory_space<hbm>>
      tpu.wait_dma2 semaphore(%run_scoped3A : memref<!tpu.dma_semaphore, #tpu.memory_space<semaphore_mem>>) src(%arg14 : memref<8192xf32, #tpu.memory_space<vmem>>) dst(%dma_wait3A_68 : memref<8192xf32, #tpu.memory_space<hbm>>)
      tpu.yield
    }) : () -> ()
    return
  }
}

</mosaic_0001>

<sc_bundles>
// kernel: kernel.3.cloned.1.call-start
scs
__scs_entry_jumppad:
0x0: {  	(pc) =	sbr.rel $0x88, $3  }
0x1: {  	(tag) =	ssettag $0x0;
	lr =	simm.s32 $0x1  }
0x2: {  	[smem:$0x3F9F] =	sst lr;
	_ =	strace $0xD0000000  }
0x3: {  	_ = 	snop  }
0x4: {  	_ = 	snop  }
0x5: {  	_ = 	snop  }
0x6: {  	_ = 	snop  }
0x7: {  	_ = 	snop  }
__scs_overlays_trampoline_lowered:
0x8: {  	[smem:$0x3FAE] =	sst s0  }
0x9: {  	[smem:$0x3FAF] =	sst s1  }
0xa: {  	[smem:$0x3FB0] =	sst s2  }
0xb: {  	[smem:$0x3FB1] =	sst s3  }
0xc: {  	[smem:$0x3FB2] =	sst s4  }
0xd: {  	[smem:$0x3FB3] =	sst s5  }
0xe: {  	[smem:$0x3FB4] =	sst s6  }
0xf: {  	[smem:$0x3FB5] =	sst s7  }
0x10: {  	[smem:$0x3FB6] =	sst s8  }
0x11: {  	[smem:$0x3FB7] =	sst s9;
	s0 =	simm.s32 @!p0 $0x0  }
0x12: {  	s1 =	sld [smem:$0x3F9D];
	s0 =	simm.s32 @p0 $0x1  }
0x13: {  	[smem:$0x3FB8] =	sst s0;
	s0 =	simm.s32 @!p1 $0x0  }
0x14: {  	s2 =	sld [smem:$0x3F9C];
	s0 =	simm.s32 @p1 $0x1  }
0x15: {  	[smem:$0x3FB9] =	sst s0;
	s0 =	simm.s32 @!p2 $0x0  }
0x16: {  	s3 =	sld [smem:$0x3FDB];
	s0 =	simm.s32 @p2 $0x1  }
0x17: {  	s4 =	simm.s32 $0x1BF5;
	[smem:$0x3FBB] =	sst s0  }
0x18: {  	s0 =	sld [smem:$0x3F9E];
	_ =	swait.ge [sflag:s4], $0x0  }
0x19: {  	s7 =	sld [smem:$0x3F9F]  }
0x1a: {  	s8 =	sadd.s32 $0xFFFFE003, lr  }
0x1b: {  	s9 =	sadd.s32 $0xFFFFFEF7, lr;
	s5 =	simm.s32 $0xFFFFFFFF;
	p2 =	slt.u32 s8, $0xFFFFF086  }
0x1c: {  	p1 =	slt.u32 s9, $0xF7A;
	s5 =	simm.s32 @!p2 $0x0  }
0x1d: {  	s5 =	simm.s32 @p1 $0x1;
	p0 =	seq.s32 s7, s2  }
0x1e: {  	s7 =	smul.u32 @!p0 $0xF7A, s2;
	p2 =	seq.s32 @!p0 s5, $0x0  }
0x1f: {  	s9 =	smul.u32 $0xF7A, s1;
	s8 =	simm.s32 @!p0 $0x1BF5;
	p2 =	por !p2, p0  }
0x20: {  	[sflag:s8] =	ssyncset.s32 @!p0 $0xFFFFF086;
	s6 =	sadd.s32 @!p0 s3, s7;
	s7 =	simm.s32 @!p0 $0x108  }
0x21: {  	s3 =	sadd.s32 s3, s9;
	s6 =	sadd.s32 @!p0 $0x88, s6;
	s7 =	simm.s32 @p2 $0x1082  }
0x22: {  	[simem:s7], [sflag:s8] =	dma.local @!p0 [hbm:s6], $0xF7A  }
0x23: {  	s9 =	sor.u32 $0xD0000000, s2;
	s6 =	simm.s32 $0x108;
	_ =	swait.ge @!p0 [sflag:s8], $0x0  }
0x24: {  	s3 =	sadd.s32 $0x88, s3;
	s6 =	simm.s32 @!p1 $0x1082;
	[sflag:s4] =	ssyncset.s32 $0xFFFFF086  }
0x25: {  	[simem:s6], [sflag:s4] =	dma.local [hbm:s3], $0xF7A  }
0x26: {  	[smem:$0x3F9F] =	sst s1;
	(tag) =	ssettag s2;
	_ =	strace s9  }
0x27: {  	s1 =	sld [smem:$0x3FAF]  }
0x28: {  	s2 =	sld [smem:$0x3FB0]  }
0x29: {  	s4 =	sld [smem:$0x3FB2]  }
0x2a: {  	p0 =	seq.s32 s5, $0x0;
	s5 =	sld [smem:$0x3FB3]  }
0x2b: {  	s6 =	sld [smem:$0x3FB4]  }
0x2c: {  	s7 =	sld [smem:$0x3FB5]  }
0x2d: {  	s3 =	simm.s32 $0x108;
	s8 =	sld [smem:$0x3FB6]  }
0x2e: {  	s3 =	simm.s32 @!p0 $0x1082;
	s9 =	sld [smem:$0x3FB7]  }
0x2f: {  	lr =	sadd.s32 s0, s3;
	s0 =	sld [smem:$0x3FAE]  }
0x30: {  	s3 =	sld [smem:$0x3FB1]  }
0x31: {  	[smem:$0x3FBA] =	sst s10  }
0x32: {  	s10 =	sld [smem:$0x3FB8];
	_ =	sdelay $0x3  }
0x33: {  	p0 =	seq.s32 s10, $0x1;
	s10 =	sld [smem:$0x3FBA];
	_ =	sdelay $0x3  }
0x34: {  	[smem:$0x3FBA] =	sst s10  }
0x35: {  	s10 =	sld [smem:$0x3FB9];
	_ =	sdelay $0x3  }
0x36: {  	p1 =	seq.s32 s10, $0x1;
	s10 =	sld [smem:$0x3FBA];
	_ =	sdelay $0x3  }
0x37: {  	[smem:$0x3FBA] =	sst s10  }
0x38: {  	s10 =	sld [smem:$0x3FBB]  }
0x39: {  	_ = 	snop;
	(pc) =	sbr.ind lr, $3  }
0x3a: {  	_ = 	snop  }
0x3b: {  	_ = 	snop  }
0x3c: {  	p2 =	seq.s32 s10, $0x1;
	s10 =	sld [smem:$0x3FBA]  }
0x3d: {  	_ =	shalt  }
0x3e: {  	_ =	shalt  }
0x3f: {  	_ =	shalt  }
0x40: {  	_ =	shalt  }
0x41: {  	_ =	shalt  }
0x42: {  	_ =	shalt  }
0x43: {  	_ =	shalt  }
0x44: {  	_ =	shalt  }
0x45: {  	_ =	shalt  }
0x46: {  	_ =	shalt  }
0x47: {  	_ =	shalt  }
0x48: {  	_ =	shalt  }
0x49: {  	_ =	shalt  }
0x4a: {  	_ =	shalt  }
0x4b: {  	_ =	shalt  }
0x4c: {  	_ =	shalt  }
0x4d: {  	_ =	shalt  }
0x4e: {  	_ =	shalt  }
0x4f: {  	_ =	shalt  }
0x50: {  	_ =	shalt  }
0x51: {  	_ =	shalt  }
0x52: {  	_ =	shalt  }
0x53: {  	_ =	shalt  }
0x54: {  	_ =	shalt  }
0x55: {  	_ =	shalt  }
0x56: {  	_ =	shalt  }
0x57: {  	_ =	shalt  }
0x58: {  	_ =	shalt  }
0x59: {  	_ =	shalt  }
0x5a: {  	_ =	shalt  }
0x5b: {  	_ =	shalt  }
0x5c: {  	_ =	shalt  }
0x5d: {  	_ =	shalt  }
0x5e: {  	_ =	shalt  }
0x5f: {  	_ =	shalt  }
0x60: {  	_ =	shalt  }
0x61: {  	_ =	shalt  }
0x62: {  	_ =	shalt  }
0x63: {  	_ =	shalt  }
0x64: {  	_ =	shalt  }
0x65: {  	_ =	shalt  }
0x66: {  	_ =	shalt  }
0x67: {  	_ =	shalt  }
0x68: {  	_ =	shalt  }
0x69: {  	_ =	shalt  }
0x6a: {  	_ =	shalt  }
0x6b: {  	_ =	shalt  }
0x6c: {  	_ =	shalt  }
0x6d: {  	_ =	shalt  }
0x6e: {  	_ =	shalt  }
0x6f: {  	_ =	shalt  }
0x70: {  	_ =	shalt  }
0x71: {  	_ =	shalt  }
0x72: {  	_ =	shalt  }
0x73: {  	_ =	shalt  }
0x74: {  	_ =	shalt  }
0x75: {  	_ =	shalt  }
0x76: {  	_ =	shalt  }
0x77: {  	_ =	shalt  }
0x78: {  	_ =	shalt  }
0x79: {  	_ =	shalt  }
0x7a: {  	_ =	shalt  }
0x7b: {  	_ =	shalt  }
0x7c: {  	_ =	shalt  }
0x7d: {  	_ =	shalt  }
0x7e: {  	_ =	shalt  }
0x7f: {  	_ =	shalt  }
0x80: {  	_ =	shalt  }
0x81: {  	_ =	shalt  }
0x82: {  	_ =	shalt  }
0x83: {  	_ =	shalt  }
0x84: {  	_ =	shalt  }
0x85: {  	_ =	shalt  }
0x86: {  	_ =	shalt  }
0x87: {  	_ =	shalt  }
.Lfunc_end0:
.L_simem_size_0:
called_computation_lowered:
.L_overlay_start_0:
0x88: {  	s2 =	sld [smem:$0x3FD9]  }
0x89: {  	s3 =	sld [smem:$0x3FFE];
	_ =	sdelay $0x1  }
0x8a: {  	s1 =	srdreg.scid  }
0x8b: {  	s0 =	sand.u32 $0x1, s1  }
0x8c: {  	s17 =	sshll.u32 s0, $0xA;
	s2 =	sadd.s32 s3, s2  }
0x8d: {  	s2 =	sadd.s32 s2, s17  }
0x8e: {  	[smem:$0x3FC6] =	sst s2  }
0x8f: {  	_ = 	snop  }
0x90: {  	s2 =	sld [smem:$0x3FD0];
	(tm) =	ssettm $0x1  }
0x91: {  	s18 =	sld [smem:$0x3FFB];
	_ =	sdelay $0x3  }
0x92: {  	_ =	strace s18  }
0x93: {  	s3 =	sld [smem:$0x3FFC];
	_ =	sdelay $0x3  }
0x94: {  	_ =	strace s3  }
0x95: {  	s3 =	sld [smem:$0x3FFD];
	_ =	sdelay $0x3  }
0x96: {  	_ =	strace s3  }
0x97: {  	_ =	strace $0x8FFFFFFF  }
0x98: {  	s19 =	sld [smem:$0x3FDB];
	_ =	sdelay $0x1  }
0x99: {  	s4 =	simm.s32 $_scs_section_size  }
0x9a: {  	s5 =	simm.s32 $_size__tile_overlayer_lowered;
	s6 =	simm.s32 $_tile_overlayer_lowered  }
0x9b: {  	s22 =	simm.s32 $0x1BFF;
	s21 =	sshll.u32 s6, $0x1;
	s3 =	sadd.s32 s4, s19  }
0x9c: {  	s7 =	simm.s32 $0x0;
	s20 =	sshll.u32 s5, $0x1;
	s5 =	sadd.s32 s21, s3  }
0x9d: {  	[timem:s7], [sflag:s22] =	dma.local [hbm:s5], s20  }
0x9e: {  	_ =	swait.ge [sflag:s22], s20  }
0x9f: {  	s4 =	ssub.s32 $0x0, s20;
	[sflag:s22] =	ssyncset.done $0x0  }
0xa0: {  	[sflag:s22] =	ssyncadd.s32 s4;
	_ =	sdelay $0x1  }
0xa1: {  	s23 =	simm.s32 $0x1B8B  }
0xa2: {  	_ =	swait.ge [sflag:s23], $0x1  }
0xa3: {  	[sflag:s23] =	ssyncset.done $0x0  }
0xa4: {  	s25 =	simm.s32 $0x1B8E;
	s24 =	sld [smem:$0x3FFE];
	[sflag:s23] =	ssyncadd.s32 $0xFFFFFFFF  }
0xa5: {  	s26 =	simm.s32 $execute0_lowered;
	[smem:$0x3FD2] =	sst s25  }
0xa6: {  	s5 =	sshll.u32 s26, $0x1;
	_ =	strace $0x80000046;
	[dreg:$0x1] =	wrdreg $0xFFFFFFFF  }
0xa7: {  	s28 =	simm.s32 $_size_execute0_lowered;
	s3 =	sadd.s32 s3, s5;
	[dreg:$0x0] =	wrdreg $0x0  }
0xa8: {  	s5 =	sshll.u32 s28, $0x1;
	[dreg:$0x2] =	wrdreg s3  }
0xa9: {  	[dreg:$0x3] =	wrdreg s5  }
0xaa: {  	[dreg:$0x4] =	wrdreg $0xC0  }
0xab: {  	_ =	task [dreg:s7], $0x5FFFF  }
0xac: {  	[dreg:$0x1] =	wrdreg $0xFFFFFFFF  }
0xad: {  	[dreg:$0x0] =	wrdreg $0x60  }
0xae: {  	[dreg:$0x2] =	wrdreg s24  }
0xaf: {  	[dreg:$0x3] =	wrdreg s2  }
0xb0: {  	[dreg:$0x4] =	wrdreg $0x9  }
0xb1: {  	_ =	task.clear_ibuf [dreg:s7], $0x5FFFF;
	_ =	strace $0x90000046  }
0xb2: {  	s29 =	simm.s32 $0x9;
	_ =	strace $0x80000048  }
0xb3: {  	_ =	swait.ge [sflag:s29], $0x1  }
0xb4: {  	[sflag:s29] =	ssyncadd.s32 $0xFFFFFFFF  }
0xb5: {  	_ =	strace $0x90000048  }
0xb6: {  	_ =	sfence  }
0xb7: {  	s30 =	sld [smem:$0x0];
	_ =	sdelay $0x2  }
0xb8: {  	s31 =	sshll.u32 s1, $0xD;
	s1 =	sshrl.u32 s1, $0x2  }
0xb9: {  	s3 =	sand.u32 $0x4000, s31;
	s1 =	sadd.s32 s1, s30  }
0xba: {  	s0 =	sor.u32 s3, s0;
	s1 =	sshll.u32 s1, $0x11  }
0xbb: {  	s0 =	sor.u32 s1, s0  }
0xbc: {  	s0 =	sadd.s32 $0x8F2B, s0  }
0xbd: {  	[sflag:s0] =	ssyncadd.remote.s32 $0x1  }
0xbe: {  	_ =	sfence.sel $0xFFFF  }
0xbf: {  	[dreg:$0x0] =	wrdreg $0xFFFFFFFF;
	(pc) =	sbr.abs _section_cstart, $3  }
0xc0: {  	[dreg:$0x1] =	wrdreg $0xFFFFFFFF  }
0xc1: {  	_ =	task.clear_ibuf [dreg:s7], $0x2FFFF;
	_ =	strace $0x9FFFFFFF  }
0xc2: {  	(tm) =	ssettm $0x7FFFFFFF  }
0xc3: {  	_ =	shalt  }
tec
execute0_lowered:
.L_overlay_start_1:
0x0: {  	(tag) =	ssettag $0x1  }
0x1: {  	s0 =	srdreg.scid;
	s1 =	rddreg [dreg:$0x0]  }
0x2: {  	s2 =	stileid.u32;
	s5 =	rddreg [dreg:$0x1];
	s8 =	simm.s32 $0x32  }
0x3: {  	s16 =	simm.s32 $0xE0;
	s17 =	simm.s32 $0x4E00;
	s18 =	simm.s32 $0x118  }
0x4: {  	s19 =	simm.s32 $0x5A80;
	s20 =	simm.s32 $0x150;
	s21 =	simm.s32 $0x6700  }
0x5: {  	s22 =	simm.s32 $0x188;
	s23 =	simm.s32 $0x7380;
	s24 =	simm.s32 $0x1  }
0x6: {  	s25 =	simm.s32 $0x2;
	s28 =	simm.s32 $0x4;
	s29 =	simm.s32 $0x5  }
0x7: {  	s30 =	simm.s32 $0x6;
	s0 =	sand.u32 $0x1, s0;
	s2 =	sshll.u32 s2, $0x1  }
0x8: {  	s31 =	simm.s32 $0x7;
	s9 =	simm.s32 $0x0;
	s4 =	sor.u32 s0, s2  }
0x9: {  	s2 =	simm.s32 $0x0;
	s0 =	ssub.s32 $0x2, s0;
	s3 =	smul.u32 $0x380, s4  }
.Ltmp0:
0xa: {  	[smem:$0x7FF] =	sst s2;
	s7 =	sshrl.u32 s0, $0x1;
	(pc) =	sbr.rel .LBB2_1-.Ltmp0, $4  }
0xb: {  	s26 =	sshll.u32 s4, $0xA;
	_ =	strace $0x80000047;
	s0 =	ssub.s32 s0, s7  }
0xc: {  	s5 =	sadd.s32 s5, s26;
	s7 =	simm.s32 $0x9;
	s26 =	simm.s32 $0x3  }
0xd: {  	s6 =	sadd.s32 s3, s1;
	s3 =	sadd.s32 $0x187000, s1;
	s1 =	simm.s32 $0x8  }
0xe: {  	s4 =	sadd.s32 $0x600, s6;
	s6 =	smax.u32 s0, $0x1;
	s0 =	simm.s32 $0x8000  }
.LBB2_20:
0xf: {  	s9 =	sadd.s32 $0x1, s9  }
0x10: {  	p0 =	sne.s32 s9, s6  }
.Ltmp1:
0x11: {  	_ = 	snop;
	(pc) =	sbr.rel @!p0 .LBB2_21-.Ltmp1, $4  }
0x12: {  	[hbm4b:s5+s2] =	stream.linear.scatter [tilespmem:s0], [sflag:$0x9], $0x2000, $0x38;
	[tilespmem:$0xA000] =	vst v63  }
0x13: {  	_ =	swait.ge [sflag:s7], $0x2000  }
0x14: {  	[sflag:s7] =	ssyncset.done $0x0  }
0x15: {  	[sflag:s7] =	ssyncadd.s32 $0xFFFFE000  }
.LBB2_1:
0x16: {  	[tilespmem:s2], [sflag:$0x9] =	stream.linear.gather [hbm4b:s4+s2], $0x1C00, $0x38;
	[tilespmem:$0xA000] =	vst v63  }
0x17: {  	_ =	swait.ge [sflag:s7], $0x1C00  }
0x18: {  	[sflag:s7] =	ssyncset.done $0x0  }
0x19: {  	s10 =	simm.s32 $0x1C00;
	[sflag:s7] =	ssyncadd.s32 $0xFFFFE400  }
0x1a: {  	[tilespmem:s10], [sflag:$0x1] =	stream.indirect.gather [hbm4b:s3+s8], $0x40, s2, s8, $0xb8;
	[tilespmem:$0xA000] =	vst v63  }
0x1b: {  	s15 =	simm.s32 $0x38;
	s11 =	simm.s32 $0x2880  }
0x1c: {  	[tilespmem:s11], [sflag:$0x2] =	stream.indirect.gather [hbm4b:s3+s8], $0x40, s15, s8, $0xb8;
	[tilespmem:$0xA000] =	vst v63  }
0x1d: {  	s12 =	simm.s32 $0x70;
	s13 =	simm.s32 $0x3500  }
0x1e: {  	[tilespmem:s13], [sflag:$0x3] =	stream.indirect.gather [hbm4b:s3+s8], $0x40, s12, s8, $0xb8;
	[tilespmem:$0xA000] =	vst v63  }
0x1f: {  	s14 =	simm.s32 $0xA8;
	s15 =	simm.s32 $0x4180  }
0x20: {  	[tilespmem:s15], [sflag:$0x4] =	stream.indirect.gather [hbm4b:s3+s8], $0x40, s14, s8, $0xb8;
	[tilespmem:$0xA000] =	vst v63  }
0x21: {  	_ = 	snop  }
0x22: {  	[tilespmem:s17], [sflag:$0x5] =	stream.indirect.gather [hbm4b:s3+s8], $0x40, s16, s8, $0xb8;
	[tilespmem:$0xA000] =	vst v63  }
0x23: {  	_ = 	snop  }
0x24: {  	[tilespmem:s19], [sflag:$0x6] =	stream.indirect.gather [hbm4b:s3+s8], $0x40, s18, s8, $0xb8;
	[tilespmem:$0xA000] =	vst v63  }
0x25: {  	_ = 	snop  }
0x26: {  	[tilespmem:s21], [sflag:$0x7] =	stream.indirect.gather [hbm4b:s3+s8], $0x40, s20, s8, $0xb8;
	[tilespmem:$0xA000] =	vst v63  }
0x27: {  	s10 =	simm.s32 $0x0  }
0x28: {  	[tilespmem:s23], [sflag:$0x8] =	stream.indirect.gather [hbm4b:s3+s8], $0x40, s22, s8, $0xb8;
	[tilespmem:$0xA000] =	vst v63  }
.LBB2_2:
0x29: {  	_ =	swait.ge [sflag:s24], $0xC80  }
0x2a: {  	[sflag:s24] =	ssyncset.done $0x0  }
0x2b: {  	s12 =	simm.s32 $0x1D40;
	[sflag:s24] =	ssyncadd.s32 $0xFFFFF380  }
0x2c: {  	v0 =	vld [tilespmem:s12+$0x100]  }
0x2d: {  	v1 =	vld [tilespmem:s12+$0x110]  }
0x2e: {  	v2 =	vld [tilespmem:s12+$0xC0]  }
0x2f: {  	v3 =	vld [tilespmem:s12+$0xD0]  }
0x30: {  	v9 =	vld [tilespmem:s12+$0x80]  }
0x31: {  	v12 =	vld [tilespmem:s12+$0x90]  }
0x32: {  	v7 =	vld [tilespmem:s12+$0x40]  }
0x33: {  	v8 =	vld [tilespmem:s12+$0x50]  }
0x34: {  	v5 =	vld [tilespmem:s12+$0x0]  }
0x35: {  	v6 =	vld [tilespmem:s12+$0x10]  }
0x36: {  	v4 =	vld [tilespmem:s12+$0xFFFFFFC0]  }
0x37: {  	v10 =	vld [tilespmem:s12+$0xFFFFFFD0]  }
0x38: {  	v11 =	vld [tilespmem:s12+$0xFFFFFF80]  }
0x39: {  	v13 =	vld [tilespmem:s12+$0xFFFFFF90]  }
0x3a: {  	v14 =	vld [tilespmem:s12+$0xFFFFFF40]  }
0x3b: {  	v15 =	vld [tilespmem:s12+$0xFFFFFF50]  }
0x3c: {  	v16 =	vld [tilespmem:s12+$0xFFFFFF00]  }
0x3d: {  	v17 =	vld [tilespmem:s12+$0xFFFFFF10]  }
0x3e: {  	v18 =	vld [tilespmem:s12+$0xFFFFFEC0]  }
0x3f: {  	v19 =	vld [tilespmem:s12+$0xFFFFFED0]  }
0x40: {  	v20 =	vld [tilespmem:s12+$0xFFFFFEE0]  }
0x41: {  	v21 =	vld [tilespmem:s12+$0xFFFFFEF0]  }
0x42: {  	v22 =	vld [tilespmem:s12+$0xFFFFFF20]  }
0x43: {  	v23 =	vld [tilespmem:s12+$0xFFFFFF30]  }
0x44: {  	v24 =	vimm.f32 $0.0e+00;
	v25 =	vld [tilespmem:s12+$0xFFFFFF60]  }
0x45: {  	v26 =	vld [tilespmem:s12+$0xFFFFFF70];
	v18 =	vadd.f32 v18, v24;
	v19 =	vadd.f32 v19, v24  }
0x46: {  	v51 =	vld [tilespmem:s12+$0xFFFFFFA0];
	v20 =	vadd.f32 v20, v24;
	v21 =	vadd.f32 v21, v24  }
0x47: {  	v52 =	vld [tilespmem:s12+$0xFFFFFFB0];
	v16 =	vadd.f32 v16, v18;
	v17 =	vadd.f32 v17, v19  }
0x48: {  	v55 =	vld [tilespmem:s12+$0xFFFFFFE0];
	v53 =	vadd.f32 v22, v20;
	v54 =	vadd.f32 v23, v21  }
0x49: {  	v56 =	vld [tilespmem:s12+$0xFFFFFFF0];
	v14 =	vadd.f32 v14, v16;
	v15 =	vadd.f32 v15, v17  }
0x4a: {  	v59 =	vld [tilespmem:s12+$0x20];
	v57 =	vadd.f32 v25, v53;
	v58 =	vadd.f32 v26, v54  }
0x4b: {  	v11 =	vadd.f32 v11, v14;
	v13 =	vadd.f32 v13, v15;
	v14 =	vld [tilespmem:s12+$0x30]  }
0x4c: {  	v61 =	vld [tilespmem:s12+$0x60];
	v15 =	vadd.f32 v51, v57;
	v60 =	vadd.f32 v52, v58  }
0x4d: {  	v11 =	vadd.f32 v4, v11;
	v10 =	vadd.f32 v10, v13;
	v13 =	vld [tilespmem:s12+$0x70]  }
0x4e: {  	v15 =	vadd.f32 v55, v15;
	v16 =	vadd.f32 v56, v60;
	v4 =	vld [tilespmem:s12+$0xA0]  }
0x4f: {  	v11 =	vadd.f32 v5, v11;
	v10 =	vadd.f32 v6, v10;
	v6 =	vld [tilespmem:s12+$0xB0]  }
0x50: {  	v15 =	vadd.f32 v59, v15;
	v5 =	vld [tilespmem:s12+$0xE0];
	v14 =	vadd.f32 v14, v16  }
0x51: {  	v62 =	vadd.f32 v7, v11;
	v63 =	vadd.f32 v8, v10;
	v8 =	vld [tilespmem:s12+$0xF0]  }
0x52: {  	v11 =	vadd.f32 v61, v15;
	v7 =	vld [tilespmem:s12+$0x120];
	v10 =	vadd.f32 v13, v14  }
0x53: {  	s11 =	simm.s32 $0x0;
	v13 =	vadd.f32 v9, v62;
	v12 =	vadd.f32 v12, v63;
	v9 =	vld [tilespmem:s12+$0x130];
	s12 =	simm.s32 $0x1FC0  }
.LBB2_3:
0x54: {  	v14 =	vld [tilespmem:s12+$0x100];
	v4 =	vadd.f32 v4, v11;
	v6 =	vadd.f32 v6, v10  }
0x55: {  	v10 =	vld [tilespmem:s12+$0x110];
	v11 =	vadd.f32 v2, v13;
	v12 =	vadd.f32 v3, v12  }
0x56: {  	v2 =	vld [tilespmem:s12+$0xC0];
	v4 =	vadd.f32 v5, v4;
	v5 =	vadd.f32 v8, v6  }
0x57: {  	v3 =	vld [tilespmem:s12+$0xD0];
	v6 =	vadd.f32 v0, v11;
	v8 =	vadd.f32 v1, v12  }
0x58: {  	v12 =	vld [tilespmem:s12+$0x80];
	v4 =	vadd.f32 v7, v4;
	v5 =	vadd.f32 v9, v5  }
0x59: {  	v9 =	vld [tilespmem:s12+$0x90];
	v0 =	vmov v14  }
0x5a: {  	v7 =	vld [tilespmem:s12+$0x40];
	v1 =	vmov v10  }
0x5b: {  	v10 =	vld [tilespmem:s12+$0x50]  }
0x5c: {  	v11 =	vld [tilespmem:s12+$0x0]  }
0x5d: {  	v13 =	vld [tilespmem:s12+$0x10]  }
0x5e: {  	v14 =	vld [tilespmem:s12+$0xFFFFFFC0]  }
0x5f: {  	v15 =	vld [tilespmem:s12+$0xFFFFFFD0]  }
0x60: {  	v16 =	vld [tilespmem:s12+$0xFFFFFF80]  }
0x61: {  	v17 =	vld [tilespmem:s12+$0xFFFFFF90]  }
0x62: {  	v18 =	vld [tilespmem:s12+$0xFFFFFF40]  }
0x63: {  	v19 =	vld [tilespmem:s12+$0xFFFFFF50]  }
0x64: {  	v20 =	vld [tilespmem:s12+$0xFFFFFF00]  }
0x65: {  	v21 =	vld [tilespmem:s12+$0xFFFFFF10]  }
0x66: {  	v22 =	vld [tilespmem:s12+$0xFFFFFEC0]  }
0x67: {  	v23 =	vld [tilespmem:s12+$0xFFFFFED0]  }
0x68: {  	v24 =	vld [tilespmem:s12+$0xFFFFFEE0]  }
0x69: {  	s11 =	sadd.s32 $0xA, s11;
	v25 =	vld [tilespmem:s12+$0xFFFFFEF0]  }
0x6a: {  	p0 =	slt.u32 s11, $0x28;
	v26 =	vld [tilespmem:s12+$0xFFFFFF20]  }
0x6b: {  	v27 =	vld [tilespmem:s12+$0xFFFFFF30]  }
0x6c: {  	v28 =	vld [tilespmem:s12+$0xFFFFFF60]  }
0x6d: {  	v6 =	vadd.f32 v22, v6;
	v8 =	vadd.f32 v23, v8;
	v22 =	vld [tilespmem:s12+$0xFFFFFF70]  }
0x6e: {  	v4 =	vadd.f32 v24, v4;
	v5 =	vadd.f32 v25, v5;
	v23 =	vld [tilespmem:s12+$0xFFFFFFA0]  }
0x6f: {  	v6 =	vadd.f32 v20, v6;
	v8 =	vadd.f32 v21, v8;
	v20 =	vld [tilespmem:s12+$0xFFFFFFB0]  }
0x70: {  	v4 =	vadd.f32 v26, v4;
	v5 =	vadd.f32 v27, v5;
	v21 =	vld [tilespmem:s12+$0xFFFFFFE0]  }
0x71: {  	v6 =	vadd.f32 v18, v6;
	v8 =	vadd.f32 v19, v8;
	v18 =	vld [tilespmem:s12+$0xFFFFFFF0]  }
0x72: {  	v4 =	vadd.f32 v28, v4;
	v5 =	vadd.f32 v22, v5;
	v19 =	vld [tilespmem:s12+$0x20]  }
0x73: {  	v6 =	vadd.f32 v16, v6;
	v8 =	vadd.f32 v17, v8;
	v16 =	vld [tilespmem:s12+$0x30]  }
0x74: {  	v4 =	vadd.f32 v23, v4;
	v5 =	vadd.f32 v20, v5;
	v17 =	vld [tilespmem:s12+$0x60]  }
0x75: {  	v6 =	vadd.f32 v14, v6;
	v8 =	vadd.f32 v15, v8;
	v14 =	vld [tilespmem:s12+$0x70]  }
0x76: {  	v15 =	vadd.f32 v21, v4;
	v5 =	vadd.f32 v18, v5;
	v4 =	vld [tilespmem:s12+$0xA0]  }
.Ltmp2:
0x77: {  	v11 =	vadd.f32 v11, v6;
	v8 =	vadd.f32 v13, v8;
	v6 =	vld [tilespmem:s12+$0xB0];
	(pc) =	sbr.rel @p0 .LBB2_3-.Ltmp2, $4  }
0x78: {  	v13 =	vadd.f32 v19, v15;
	v15 =	vadd.f32 v16, v5;
	v5 =	vld [tilespmem:s12+$0xE0]  }
0x79: {  	v16 =	vadd.f32 v7, v11;
	v18 =	vadd.f32 v10, v8;
	v8 =	vld [tilespmem:s12+$0xF0]  }
0x7a: {  	v11 =	vadd.f32 v17, v13;
	v10 =	vadd.f32 v14, v15;
	v7 =	vld [tilespmem:s12+$0x120]  }
0x7b: {  	v13 =	vadd.f32 v12, v16;
	v12 =	vadd.f32 v9, v18;
	v9 =	vld [tilespmem:s12+$0x130];
	s12 =	sadd.s32 $0x280, s12  }
0x7c: {  	_ = 	snop  }
0x7d: {  	v4 =	vadd.f32 v4, v11;
	v2 =	vadd.f32 v2, v13  }
0x7e: {  	v6 =	vadd.f32 v6, v10;
	v3 =	vadd.f32 v3, v12  }
0x7f: {  	v4 =	vadd.f32 v5, v4;
	v0 =	vadd.f32 v0, v2  }
0x80: {  	v2 =	vadd.f32 v8, v6;
	v1 =	vadd.f32 v1, v3  }
0x81: {  	s11 =	sshll.u32 s10, $0x9;
	v3 =	vadd.f32 v7, v4;
	v0 =	vmul.f32 $1.999999960e-02, v0  }
0x82: {  	p0 =	seq.s32 s10, $0xF;
	s11 =	sand.u32 $0x3FFFFE00, s11;
	v2 =	vadd.f32 v9, v2;
	v1 =	vmul.f32 $1.999999960e-02, v1  }
0x83: {  	s12 =	smul.u32 @!p0 $0x700, s10;
	[tilespmem:s11+$0x8000] =	vst v0;
	v0 =	vmul.f32 $1.999999960e-02, v3  }
0x84: {  	[tilespmem:s11+$0x8010] =	vst v1;
	v1 =	vmul.f32 $1.999999960e-02, v2  }
0x85: {  	s12 =	sshra.s32 @!p0 s12, $0x2;
	[tilespmem:s11+$0x8020] =	vst v0  }
0x86: {  	s14 =	simm.s32 @!p0 $0x32;
	s15 =	simm.s32 @!p0 $0x1C00;
	s13 =	sadd.s32 @!p0 $0x1C0, s12;
	[tilespmem:s11+$0x8030] =	vst v1  }
0x87: {  	[tilespmem:s15], [sflag:$0x1] =	stream.indirect.gather @!p0 [hbm4b:s3+s14], $0x40, s13, s14, $0xb8;
	[tilespmem:$0xA000] =	vst v63  }
0x88: {  	_ =	swait.ge [sflag:s25], $0xC80  }
0x89: {  	[sflag:s25] =	ssyncset.done $0x0  }
0x8a: {  	s15 =	simm.s32 $0x29C0;
	[sflag:s25] =	ssyncadd.s32 $0xFFFFF380  }
0x8b: {  	v0 =	vld [tilespmem:s15+$0x100]  }
0x8c: {  	v1 =	vld [tilespmem:s15+$0x110]  }
0x8d: {  	v2 =	vld [tilespmem:s15+$0xC0]  }
0x8e: {  	v3 =	vld [tilespmem:s15+$0xD0]  }
0x8f: {  	v9 =	vld [tilespmem:s15+$0x80]  }
0x90: {  	v12 =	vld [tilespmem:s15+$0x90]  }
0x91: {  	v7 =	vld [tilespmem:s15+$0x40]  }
0x92: {  	v8 =	vld [tilespmem:s15+$0x50]  }
0x93: {  	v5 =	vld [tilespmem:s15+$0x0]  }
0x94: {  	v6 =	vld [tilespmem:s15+$0x10]  }
0x95: {  	v4 =	vld [tilespmem:s15+$0xFFFFFFC0]  }
0x96: {  	v10 =	vld [tilespmem:s15+$0xFFFFFFD0]  }
0x97: {  	v11 =	vld [tilespmem:s15+$0xFFFFFF80]  }
0x98: {  	v13 =	vld [tilespmem:s15+$0xFFFFFF90]  }
0x99: {  	v14 =	vld [tilespmem:s15+$0xFFFFFF40]  }
0x9a: {  	v15 =	vld [tilespmem:s15+$0xFFFFFF50]  }
0x9b: {  	v16 =	vld [tilespmem:s15+$0xFFFFFF00]  }
0x9c: {  	v17 =	vld [tilespmem:s15+$0xFFFFFF10]  }
0x9d: {  	v18 =	vld [tilespmem:s15+$0xFFFFFEC0]  }
0x9e: {  	v19 =	vld [tilespmem:s15+$0xFFFFFED0]  }
0x9f: {  	v20 =	vld [tilespmem:s15+$0xFFFFFEE0]  }
0xa0: {  	v21 =	vld [tilespmem:s15+$0xFFFFFEF0]  }
0xa1: {  	v22 =	vld [tilespmem:s15+$0xFFFFFF20]  }
0xa2: {  	v23 =	vld [tilespmem:s15+$0xFFFFFF30]  }
0xa3: {  	v24 =	vimm.f32 $0.0e+00;
	v25 =	vld [tilespmem:s15+$0xFFFFFF60]  }
0xa4: {  	v26 =	vld [tilespmem:s15+$0xFFFFFF70];
	v18 =	vadd.f32 v18, v24;
	v19 =	vadd.f32 v19, v24  }
0xa5: {  	v51 =	vld [tilespmem:s15+$0xFFFFFFA0];
	v20 =	vadd.f32 v20, v24;
	v21 =	vadd.f32 v21, v24  }
0xa6: {  	v52 =	vld [tilespmem:s15+$0xFFFFFFB0];
	v16 =	vadd.f32 v16, v18;
	v17 =	vadd.f32 v17, v19  }
0xa7: {  	v55 =	vld [tilespmem:s15+$0xFFFFFFE0];
	v53 =	vadd.f32 v22, v20;
	v54 =	vadd.f32 v23, v21  }
0xa8: {  	v56 =	vld [tilespmem:s15+$0xFFFFFFF0];
	v14 =	vadd.f32 v14, v16;
	v15 =	vadd.f32 v15, v17  }
0xa9: {  	v59 =	vld [tilespmem:s15+$0x20];
	v57 =	vadd.f32 v25, v53;
	v58 =	vadd.f32 v26, v54  }
0xaa: {  	v11 =	vadd.f32 v11, v14;
	v13 =	vadd.f32 v13, v15;
	v14 =	vld [tilespmem:s15+$0x30]  }
0xab: {  	v61 =	vld [tilespmem:s15+$0x60];
	v15 =	vadd.f32 v51, v57;
	v60 =	vadd.f32 v52, v58  }
0xac: {  	v11 =	vadd.f32 v4, v11;
	v10 =	vadd.f32 v10, v13;
	v13 =	vld [tilespmem:s15+$0x70]  }
0xad: {  	v15 =	vadd.f32 v55, v15;
	v16 =	vadd.f32 v56, v60;
	v4 =	vld [tilespmem:s15+$0xA0]  }
0xae: {  	v11 =	vadd.f32 v5, v11;
	v10 =	vadd.f32 v6, v10;
	v6 =	vld [tilespmem:s15+$0xB0]  }
0xaf: {  	v15 =	vadd.f32 v59, v15;
	v5 =	vld [tilespmem:s15+$0xE0];
	v14 =	vadd.f32 v14, v16  }
0xb0: {  	v62 =	vadd.f32 v7, v11;
	v63 =	vadd.f32 v8, v10;
	v8 =	vld [tilespmem:s15+$0xF0]  }
0xb1: {  	v11 =	vadd.f32 v61, v15;
	v7 =	vld [tilespmem:s15+$0x120];
	v10 =	vadd.f32 v13, v14  }
0xb2: {  	s13 =	simm.s32 $0x0;
	s14 =	simm.s32 $0x2C40;
	v13 =	vadd.f32 v9, v62;
	v12 =	vadd.f32 v12, v63;
	v9 =	vld [tilespmem:s15+$0x130]  }
.LBB2_5:
0xb3: {  	v14 =	vld [tilespmem:s14+$0x100];
	v4 =	vadd.f32 v4, v11;
	v6 =	vadd.f32 v6, v10  }
0xb4: {  	v10 =	vld [tilespmem:s14+$0x110];
	v11 =	vadd.f32 v2, v13;
	v12 =	vadd.f32 v3, v12  }
0xb5: {  	v2 =	vld [tilespmem:s14+$0xC0];
	v4 =	vadd.f32 v5, v4;
	v5 =	vadd.f32 v8, v6  }
0xb6: {  	v3 =	vld [tilespmem:s14+$0xD0];
	v6 =	vadd.f32 v0, v11;
	v8 =	vadd.f32 v1, v12  }
0xb7: {  	v12 =	vld [tilespmem:s14+$0x80];
	v4 =	vadd.f32 v7, v4;
	v5 =	vadd.f32 v9, v5  }
0xb8: {  	v9 =	vld [tilespmem:s14+$0x90];
	v0 =	vmov v14  }
0xb9: {  	v7 =	vld [tilespmem:s14+$0x40];
	v1 =	vmov v10  }
0xba: {  	v10 =	vld [tilespmem:s14+$0x50]  }
0xbb: {  	v11 =	vld [tilespmem:s14+$0x0]  }
0xbc: {  	v13 =	vld [tilespmem:s14+$0x10]  }
0xbd: {  	v14 =	vld [tilespmem:s14+$0xFFFFFFC0]  }
0xbe: {  	v15 =	vld [tilespmem:s14+$0xFFFFFFD0]  }
0xbf: {  	v16 =	vld [tilespmem:s14+$0xFFFFFF80]  }
0xc0: {  	v17 =	vld [tilespmem:s14+$0xFFFFFF90]  }
0xc1: {  	v18 =	vld [tilespmem:s14+$0xFFFFFF40]  }
0xc2: {  	v19 =	vld [tilespmem:s14+$0xFFFFFF50]  }
0xc3: {  	v20 =	vld [tilespmem:s14+$0xFFFFFF00]  }
0xc4: {  	v21 =	vld [tilespmem:s14+$0xFFFFFF10]  }
0xc5: {  	v22 =	vld [tilespmem:s14+$0xFFFFFEC0]  }
0xc6: {  	v23 =	vld [tilespmem:s14+$0xFFFFFED0]  }
0xc7: {  	v24 =	vld [tilespmem:s14+$0xFFFFFEE0]  }
0xc8: {  	s13 =	sadd.s32 $0xA, s13;
	v25 =	vld [tilespmem:s14+$0xFFFFFEF0]  }
0xc9: {  	p1 =	slt.u32 s13, $0x28;
	v26 =	vld [tilespmem:s14+$0xFFFFFF20]  }
0xca: {  	v27 =	vld [tilespmem:s14+$0xFFFFFF30]  }
0xcb: {  	v28 =	vld [tilespmem:s14+$0xFFFFFF60]  }
0xcc: {  	v6 =	vadd.f32 v22, v6;
	v8 =	vadd.f32 v23, v8;
	v22 =	vld [tilespmem:s14+$0xFFFFFF70]  }
0xcd: {  	v4 =	vadd.f32 v24, v4;
	v5 =	vadd.f32 v25, v5;
	v23 =	vld [tilespmem:s14+$0xFFFFFFA0]  }
0xce: {  	v6 =	vadd.f32 v20, v6;
	v8 =	vadd.f32 v21, v8;
	v20 =	vld [tilespmem:s14+$0xFFFFFFB0]  }
0xcf: {  	v4 =	vadd.f32 v26, v4;
	v5 =	vadd.f32 v27, v5;
	v21 =	vld [tilespmem:s14+$0xFFFFFFE0]  }
0xd0: {  	v6 =	vadd.f32 v18, v6;
	v8 =	vadd.f32 v19, v8;
	v18 =	vld [tilespmem:s14+$0xFFFFFFF0]  }
0xd1: {  	v4 =	vadd.f32 v28, v4;
	v5 =	vadd.f32 v22, v5;
	v19 =	vld [tilespmem:s14+$0x20]  }
0xd2: {  	v6 =	vadd.f32 v16, v6;
	v8 =	vadd.f32 v17, v8;
	v16 =	vld [tilespmem:s14+$0x30]  }
0xd3: {  	v4 =	vadd.f32 v23, v4;
	v5 =	vadd.f32 v20, v5;
	v17 =	vld [tilespmem:s14+$0x60]  }
0xd4: {  	v6 =	vadd.f32 v14, v6;
	v8 =	vadd.f32 v15, v8;
	v14 =	vld [tilespmem:s14+$0x70]  }
0xd5: {  	v15 =	vadd.f32 v21, v4;
	v5 =	vadd.f32 v18, v5;
	v4 =	vld [tilespmem:s14+$0xA0]  }
.Ltmp3:
0xd6: {  	v11 =	vadd.f32 v11, v6;
	v8 =	vadd.f32 v13, v8;
	v6 =	vld [tilespmem:s14+$0xB0];
	(pc) =	sbr.rel @p1 .LBB2_5-.Ltmp3, $4  }
0xd7: {  	v13 =	vadd.f32 v19, v15;
	v15 =	vadd.f32 v16, v5;
	v5 =	vld [tilespmem:s14+$0xE0]  }
0xd8: {  	v16 =	vadd.f32 v7, v11;
	v18 =	vadd.f32 v10, v8;
	v8 =	vld [tilespmem:s14+$0xF0]  }
0xd9: {  	v11 =	vadd.f32 v17, v13;
	v10 =	vadd.f32 v14, v15;
	v7 =	vld [tilespmem:s14+$0x120]  }
0xda: {  	v13 =	vadd.f32 v12, v16;
	v12 =	vadd.f32 v9, v18;
	v9 =	vld [tilespmem:s14+$0x130];
	s14 =	sadd.s32 $0x280, s14  }
0xdb: {  	_ = 	snop  }
0xdc: {  	v4 =	vadd.f32 v4, v11;
	v2 =	vadd.f32 v2, v13  }
0xdd: {  	v6 =	vadd.f32 v6, v10;
	v3 =	vadd.f32 v3, v12  }
0xde: {  	v4 =	vadd.f32 v5, v4;
	v0 =	vadd.f32 v0, v2  }
0xdf: {  	v2 =	vadd.f32 v8, v6;
	v1 =	vadd.f32 v1, v3  }
0xe0: {  	v3 =	vadd.f32 v7, v4;
	v0 =	vmul.f32 $1.999999960e-02, v0  }
0xe1: {  	v2 =	vadd.f32 v9, v2;
	v1 =	vmul.f32 $1.999999960e-02, v1  }
0xe2: {  	[tilespmem:s11+$0x8040] =	vst v0;
	v0 =	vmul.f32 $1.999999960e-02, v3  }
0xe3: {  	[tilespmem:s11+$0x8050] =	vst v1;
	v1 =	vmul.f32 $1.999999960e-02, v2  }
0xe4: {  	[tilespmem:s11+$0x8060] =	vst v0  }
0xe5: {  	s13 =	sadd.s32 @!p0 $0x1F8, s12;
	s14 =	simm.s32 @!p0 $0x32;
	s15 =	simm.s32 @!p0 $0x2880;
	[tilespmem:s11+$0x8070] =	vst v1  }
0xe6: {  	[tilespmem:s15], [sflag:$0x2] =	stream.indirect.gather @!p0 [hbm4b:s3+s14], $0x40, s13, s14, $0xb8;
	[tilespmem:$0xA000] =	vst v63  }
0xe7: {  	_ =	swait.ge [sflag:s26], $0xC80  }
0xe8: {  	[sflag:s26] =	ssyncset.done $0x0  }
0xe9: {  	s15 =	simm.s32 $0x3640;
	[sflag:s26] =	ssyncadd.s32 $0xFFFFF380  }
0xea: {  	v0 =	vld [tilespmem:s15+$0x100]  }
0xeb: {  	v1 =	vld [tilespmem:s15+$0x110]  }
0xec: {  	v2 =	vld [tilespmem:s15+$0xC0]  }
0xed: {  	v3 =	vld [tilespmem:s15+$0xD0]  }
0xee: {  	v9 =	vld [tilespmem:s15+$0x80]  }
0xef: {  	v12 =	vld [tilespmem:s15+$0x90]  }
0xf0: {  	v7 =	vld [tilespmem:s15+$0x40]  }
0xf1: {  	v8 =	vld [tilespmem:s15+$0x50]  }
0xf2: {  	v5 =	vld [tilespmem:s15+$0x0]  }
0xf3: {  	v6 =	vld [tilespmem:s15+$0x10]  }
0xf4: {  	v4 =	vld [tilespmem:s15+$0xFFFFFFC0]  }
0xf5: {  	v10 =	vld [tilespmem:s15+$0xFFFFFFD0]  }
0xf6: {  	v11 =	vld [tilespmem:s15+$0xFFFFFF80]  }
0xf7: {  	v13 =	vld [tilespmem:s15+$0xFFFFFF90]  }
0xf8: {  	v14 =	vld [tilespmem:s15+$0xFFFFFF40]  }
0xf9: {  	v15 =	vld [tilespmem:s15+$0xFFFFFF50]  }
0xfa: {  	v16 =	vld [tilespmem:s15+$0xFFFFFF00]  }
0xfb: {  	v17 =	vld [tilespmem:s15+$0xFFFFFF10]  }
0xfc: {  	v18 =	vld [tilespmem:s15+$0xFFFFFEC0]  }
0xfd: {  	v19 =	vld [tilespmem:s15+$0xFFFFFED0]  }
0xfe: {  	v20 =	vld [tilespmem:s15+$0xFFFFFEE0]  }
0xff: {  	v21 =	vld [tilespmem:s15+$0xFFFFFEF0]  }
0x100: {  	v22 =	vld [tilespmem:s15+$0xFFFFFF20]  }
0x101: {  	v23 =	vld [tilespmem:s15+$0xFFFFFF30]  }
0x102: {  	v24 =	vimm.f32 $0.0e+00;
	v25 =	vld [tilespmem:s15+$0xFFFFFF60]  }
0x103: {  	v26 =	vld [tilespmem:s15+$0xFFFFFF70];
	v18 =	vadd.f32 v18, v24;
	v19 =	vadd.f32 v19, v24  }
0x104: {  	v51 =	vld [tilespmem:s15+$0xFFFFFFA0];
	v20 =	vadd.f32 v20, v24;
	v21 =	vadd.f32 v21, v24  }
0x105: {  	v52 =	vld [tilespmem:s15+$0xFFFFFFB0];
	v16 =	vadd.f32 v16, v18;
	v17 =	vadd.f32 v17, v19  }
0x106: {  	v55 =	vld [tilespmem:s15+$0xFFFFFFE0];
	v53 =	vadd.f32 v22, v20;
	v54 =	vadd.f32 v23, v21  }
0x107: {  	v56 =	vld [tilespmem:s15+$0xFFFFFFF0];
	v14 =	vadd.f32 v14, v16;
	v15 =	vadd.f32 v15, v17  }
0x108: {  	v59 =	vld [tilespmem:s15+$0x20];
	v57 =	vadd.f32 v25, v53;
	v58 =	vadd.f32 v26, v54  }
0x109: {  	v11 =	vadd.f32 v11, v14;
	v13 =	vadd.f32 v13, v15;
	v14 =	vld [tilespmem:s15+$0x30]  }
0x10a: {  	v61 =	vld [tilespmem:s15+$0x60];
	v15 =	vadd.f32 v51, v57;
	v60 =	vadd.f32 v52, v58  }
0x10b: {  	v11 =	vadd.f32 v4, v11;
	v10 =	vadd.f32 v10, v13;
	v13 =	vld [tilespmem:s15+$0x70]  }
0x10c: {  	v15 =	vadd.f32 v55, v15;
	v16 =	vadd.f32 v56, v60;
	v4 =	vld [tilespmem:s15+$0xA0]  }
0x10d: {  	v11 =	vadd.f32 v5, v11;
	v10 =	vadd.f32 v6, v10;
	v6 =	vld [tilespmem:s15+$0xB0]  }
0x10e: {  	v15 =	vadd.f32 v59, v15;
	v5 =	vld [tilespmem:s15+$0xE0];
	v14 =	vadd.f32 v14, v16  }
0x10f: {  	v62 =	vadd.f32 v7, v11;
	v63 =	vadd.f32 v8, v10;
	v8 =	vld [tilespmem:s15+$0xF0]  }
0x110: {  	v11 =	vadd.f32 v61, v15;
	v7 =	vld [tilespmem:s15+$0x120];
	v10 =	vadd.f32 v13, v14  }
0x111: {  	s13 =	simm.s32 $0x0;
	s14 =	simm.s32 $0x38C0;
	v13 =	vadd.f32 v9, v62;
	v12 =	vadd.f32 v12, v63;
	v9 =	vld [tilespmem:s15+$0x130]  }
.LBB2_7:
0x112: {  	v14 =	vld [tilespmem:s14+$0x100];
	v4 =	vadd.f32 v4, v11;
	v6 =	vadd.f32 v6, v10  }
0x113: {  	v10 =	vld [tilespmem:s14+$0x110];
	v11 =	vadd.f32 v2, v13;
	v12 =	vadd.f32 v3, v12  }
0x114: {  	v2 =	vld [tilespmem:s14+$0xC0];
	v4 =	vadd.f32 v5, v4;
	v5 =	vadd.f32 v8, v6  }
0x115: {  	v3 =	vld [tilespmem:s14+$0xD0];
	v6 =	vadd.f32 v0, v11;
	v8 =	vadd.f32 v1, v12  }
0x116: {  	v12 =	vld [tilespmem:s14+$0x80];
	v4 =	vadd.f32 v7, v4;
	v5 =	vadd.f32 v9, v5  }
0x117: {  	v9 =	vld [tilespmem:s14+$0x90];
	v0 =	vmov v14  }
0x118: {  	v7 =	vld [tilespmem:s14+$0x40];
	v1 =	vmov v10  }
0x119: {  	v10 =	vld [tilespmem:s14+$0x50]  }
0x11a: {  	v11 =	vld [tilespmem:s14+$0x0]  }
0x11b: {  	v13 =	vld [tilespmem:s14+$0x10]  }
0x11c: {  	v14 =	vld [tilespmem:s14+$0xFFFFFFC0]  }
0x11d: {  	v15 =	vld [tilespmem:s14+$0xFFFFFFD0]  }
0x11e: {  	v16 =	vld [tilespmem:s14+$0xFFFFFF80]  }
0x11f: {  	v17 =	vld [tilespmem:s14+$0xFFFFFF90]  }
0x120: {  	v18 =	vld [tilespmem:s14+$0xFFFFFF40]  }
0x121: {  	v19 =	vld [tilespmem:s14+$0xFFFFFF50]  }
0x122: {  	v20 =	vld [tilespmem:s14+$0xFFFFFF00]  }
0x123: {  	v21 =	vld [tilespmem:s14+$0xFFFFFF10]  }
0x124: {  	v22 =	vld [tilespmem:s14+$0xFFFFFEC0]  }
0x125: {  	v23 =	vld [tilespmem:s14+$0xFFFFFED0]  }
0x126: {  	v24 =	vld [tilespmem:s14+$0xFFFFFEE0]  }
0x127: {  	s13 =	sadd.s32 $0xA, s13;
	v25 =	vld [tilespmem:s14+$0xFFFFFEF0]  }
0x128: {  	p1 =	slt.u32 s13, $0x28;
	v26 =	vld [tilespmem:s14+$0xFFFFFF20]  }
0x129: {  	v27 =	vld [tilespmem:s14+$0xFFFFFF30]  }
0x12a: {  	v28 =	vld [tilespmem:s14+$0xFFFFFF60]  }
0x12b: {  	v6 =	vadd.f32 v22, v6;
	v8 =	vadd.f32 v23, v8;
	v22 =	vld [tilespmem:s14+$0xFFFFFF70]  }
0x12c: {  	v4 =	vadd.f32 v24, v4;
	v5 =	vadd.f32 v25, v5;
	v23 =	vld [tilespmem:s14+$0xFFFFFFA0]  }
0x12d: {  	v6 =	vadd.f32 v20, v6;
	v8 =	vadd.f32 v21, v8;
	v20 =	vld [tilespmem:s14+$0xFFFFFFB0]  }
0x12e: {  	v4 =	vadd.f32 v26, v4;
	v5 =	vadd.f32 v27, v5;
	v21 =	vld [tilespmem:s14+$0xFFFFFFE0]  }
0x12f: {  	v6 =	vadd.f32 v18, v6;
	v8 =	vadd.f32 v19, v8;
	v18 =	vld [tilespmem:s14+$0xFFFFFFF0]  }
0x130: {  	v4 =	vadd.f32 v28, v4;
	v5 =	vadd.f32 v22, v5;
	v19 =	vld [tilespmem:s14+$0x20]  }
0x131: {  	v6 =	vadd.f32 v16, v6;
	v8 =	vadd.f32 v17, v8;
	v16 =	vld [tilespmem:s14+$0x30]  }
0x132: {  	v4 =	vadd.f32 v23, v4;
	v5 =	vadd.f32 v20, v5;
	v17 =	vld [tilespmem:s14+$0x60]  }
0x133: {  	v6 =	vadd.f32 v14, v6;
	v8 =	vadd.f32 v15, v8;
	v14 =	vld [tilespmem:s14+$0x70]  }
0x134: {  	v15 =	vadd.f32 v21, v4;
	v5 =	vadd.f32 v18, v5;
	v4 =	vld [tilespmem:s14+$0xA0]  }
.Ltmp4:
0x135: {  	v11 =	vadd.f32 v11, v6;
	v8 =	vadd.f32 v13, v8;
	v6 =	vld [tilespmem:s14+$0xB0];
	(pc) =	sbr.rel @p1 .LBB2_7-.Ltmp4, $4  }
0x136: {  	v13 =	vadd.f32 v19, v15;
	v15 =	vadd.f32 v16, v5;
	v5 =	vld [tilespmem:s14+$0xE0]  }
0x137: {  	v16 =	vadd.f32 v7, v11;
	v18 =	vadd.f32 v10, v8;
	v8 =	vld [tilespmem:s14+$0xF0]  }
0x138: {  	v11 =	vadd.f32 v17, v13;
	v10 =	vadd.f32 v14, v15;
	v7 =	vld [tilespmem:s14+$0x120]  }
0x139: {  	v13 =	vadd.f32 v12, v16;
	v12 =	vadd.f32 v9, v18;
	v9 =	vld [tilespmem:s14+$0x130];
	s14 =	sadd.s32 $0x280, s14  }
0x13a: {  	_ = 	snop  }
0x13b: {  	v4 =	vadd.f32 v4, v11;
	v2 =	vadd.f32 v2, v13  }
0x13c: {  	v6 =	vadd.f32 v6, v10;
	v3 =	vadd.f32 v3, v12  }
0x13d: {  	v4 =	vadd.f32 v5, v4;
	v0 =	vadd.f32 v0, v2  }
0x13e: {  	v2 =	vadd.f32 v8, v6;
	v1 =	vadd.f32 v1, v3  }
0x13f: {  	v3 =	vadd.f32 v7, v4;
	v0 =	vmul.f32 $1.999999960e-02, v0  }
0x140: {  	v2 =	vadd.f32 v9, v2;
	v1 =	vmul.f32 $1.999999960e-02, v1  }
0x141: {  	[tilespmem:s11+$0x8080] =	vst v0;
	v0 =	vmul.f32 $1.999999960e-02, v3  }
0x142: {  	[tilespmem:s11+$0x8090] =	vst v1;
	v1 =	vmul.f32 $1.999999960e-02, v2  }
0x143: {  	[tilespmem:s11+$0x80A0] =	vst v0  }
0x144: {  	s13 =	sadd.s32 @!p0 $0x230, s12;
	s14 =	simm.s32 @!p0 $0x32;
	s15 =	simm.s32 @!p0 $0x3500;
	[tilespmem:s11+$0x80B0] =	vst v1  }
0x145: {  	[tilespmem:s15], [sflag:$0x3] =	stream.indirect.gather @!p0 [hbm4b:s3+s14], $0x40, s13, s14, $0xb8;
	[tilespmem:$0xA000] =	vst v63  }
0x146: {  	_ =	swait.ge [sflag:s28], $0xC80  }
0x147: {  	[sflag:s28] =	ssyncset.done $0x0  }
0x148: {  	s15 =	simm.s32 $0x42C0;
	[sflag:s28] =	ssyncadd.s32 $0xFFFFF380  }
0x149: {  	v0 =	vld [tilespmem:s15+$0x100]  }
0x14a: {  	v1 =	vld [tilespmem:s15+$0x110]  }
0x14b: {  	v2 =	vld [tilespmem:s15+$0xC0]  }
0x14c: {  	v3 =	vld [tilespmem:s15+$0xD0]  }
0x14d: {  	v9 =	vld [tilespmem:s15+$0x80]  }
0x14e: {  	v12 =	vld [tilespmem:s15+$0x90]  }
0x14f: {  	v7 =	vld [tilespmem:s15+$0x40]  }
0x150: {  	v8 =	vld [tilespmem:s15+$0x50]  }
0x151: {  	v5 =	vld [tilespmem:s15+$0x0]  }
0x152: {  	v6 =	vld [tilespmem:s15+$0x10]  }
0x153: {  	v4 =	vld [tilespmem:s15+$0xFFFFFFC0]  }
0x154: {  	v10 =	vld [tilespmem:s15+$0xFFFFFFD0]  }
0x155: {  	v11 =	vld [tilespmem:s15+$0xFFFFFF80]  }
0x156: {  	v13 =	vld [tilespmem:s15+$0xFFFFFF90]  }
0x157: {  	v14 =	vld [tilespmem:s15+$0xFFFFFF40]  }
0x158: {  	v15 =	vld [tilespmem:s15+$0xFFFFFF50]  }
0x159: {  	v16 =	vld [tilespmem:s15+$0xFFFFFF00]  }
0x15a: {  	v17 =	vld [tilespmem:s15+$0xFFFFFF10]  }
0x15b: {  	v18 =	vld [tilespmem:s15+$0xFFFFFEC0]  }
0x15c: {  	v19 =	vld [tilespmem:s15+$0xFFFFFED0]  }
0x15d: {  	v20 =	vld [tilespmem:s15+$0xFFFFFEE0]  }
0x15e: {  	v21 =	vld [tilespmem:s15+$0xFFFFFEF0]  }
0x15f: {  	v22 =	vld [tilespmem:s15+$0xFFFFFF20]  }
0x160: {  	v23 =	vld [tilespmem:s15+$0xFFFFFF30]  }
0x161: {  	v24 =	vimm.f32 $0.0e+00;
	v25 =	vld [tilespmem:s15+$0xFFFFFF60]  }
0x162: {  	v26 =	vld [tilespmem:s15+$0xFFFFFF70];
	v18 =	vadd.f32 v18, v24;
	v19 =	vadd.f32 v19, v24  }
0x163: {  	v51 =	vld [tilespmem:s15+$0xFFFFFFA0];
	v20 =	vadd.f32 v20, v24;
	v21 =	vadd.f32 v21, v24  }
0x164: {  	v52 =	vld [tilespmem:s15+$0xFFFFFFB0];
	v16 =	vadd.f32 v16, v18;
	v17 =	vadd.f32 v17, v19  }
0x165: {  	v55 =	vld [tilespmem:s15+$0xFFFFFFE0];
	v53 =	vadd.f32 v22, v20;
	v54 =	vadd.f32 v23, v21  }
0x166: {  	v56 =	vld [tilespmem:s15+$0xFFFFFFF0];
	v14 =	vadd.f32 v14, v16;
	v15 =	vadd.f32 v15, v17  }
0x167: {  	v59 =	vld [tilespmem:s15+$0x20];
	v57 =	vadd.f32 v25, v53;
	v58 =	vadd.f32 v26, v54  }
0x168: {  	v11 =	vadd.f32 v11, v14;
	v13 =	vadd.f32 v13, v15;
	v14 =	vld [tilespmem:s15+$0x30]  }
0x169: {  	v61 =	vld [tilespmem:s15+$0x60];
	v15 =	vadd.f32 v51, v57;
	v60 =	vadd.f32 v52, v58  }
0x16a: {  	v11 =	vadd.f32 v4, v11;
	v10 =	vadd.f32 v10, v13;
	v13 =	vld [tilespmem:s15+$0x70]  }
0x16b: {  	v15 =	vadd.f32 v55, v15;
	v16 =	vadd.f32 v56, v60;
	v4 =	vld [tilespmem:s15+$0xA0]  }
0x16c: {  	v11 =	vadd.f32 v5, v11;
	v10 =	vadd.f32 v6, v10;
	v6 =	vld [tilespmem:s15+$0xB0]  }
0x16d: {  	v15 =	vadd.f32 v59, v15;
	v5 =	vld [tilespmem:s15+$0xE0];
	v14 =	vadd.f32 v14, v16  }
0x16e: {  	v62 =	vadd.f32 v7, v11;
	v63 =	vadd.f32 v8, v10;
	v8 =	vld [tilespmem:s15+$0xF0]  }
0x16f: {  	v11 =	vadd.f32 v61, v15;
	v7 =	vld [tilespmem:s15+$0x120];
	v10 =	vadd.f32 v13, v14  }
0x170: {  	s13 =	simm.s32 $0x0;
	s14 =	simm.s32 $0x4540;
	v13 =	vadd.f32 v9, v62;
	v12 =	vadd.f32 v12, v63;
	v9 =	vld [tilespmem:s15+$0x130]  }
.LBB2_9:
0x171: {  	v14 =	vld [tilespmem:s14+$0x100];
	v4 =	vadd.f32 v4, v11;
	v6 =	vadd.f32 v6, v10  }
0x172: {  	v10 =	vld [tilespmem:s14+$0x110];
	v11 =	vadd.f32 v2, v13;
	v12 =	vadd.f32 v3, v12  }
0x173: {  	v2 =	vld [tilespmem:s14+$0xC0];
	v4 =	vadd.f32 v5, v4;
	v5 =	vadd.f32 v8, v6  }
0x174: {  	v3 =	vld [tilespmem:s14+$0xD0];
	v6 =	vadd.f32 v0, v11;
	v8 =	vadd.f32 v1, v12  }
0x175: {  	v12 =	vld [tilespmem:s14+$0x80];
	v4 =	vadd.f32 v7, v4;
	v5 =	vadd.f32 v9, v5  }
0x176: {  	v9 =	vld [tilespmem:s14+$0x90];
	v0 =	vmov v14  }
0x177: {  	v7 =	vld [tilespmem:s14+$0x40];
	v1 =	vmov v10  }
0x178: {  	v10 =	vld [tilespmem:s14+$0x50]  }
0x179: {  	v11 =	vld [tilespmem:s14+$0x0]  }
0x17a: {  	v13 =	vld [tilespmem:s14+$0x10]  }
0x17b: {  	v14 =	vld [tilespmem:s14+$0xFFFFFFC0]  }
0x17c: {  	v15 =	vld [tilespmem:s14+$0xFFFFFFD0]  }
0x17d: {  	v16 =	vld [tilespmem:s14+$0xFFFFFF80]  }
0x17e: {  	v17 =	vld [tilespmem:s14+$0xFFFFFF90]  }
0x17f: {  	v18 =	vld [tilespmem:s14+$0xFFFFFF40]  }
0x180: {  	v19 =	vld [tilespmem:s14+$0xFFFFFF50]  }
0x181: {  	v20 =	vld [tilespmem:s14+$0xFFFFFF00]  }
0x182: {  	v21 =	vld [tilespmem:s14+$0xFFFFFF10]  }
0x183: {  	v22 =	vld [tilespmem:s14+$0xFFFFFEC0]  }
0x184: {  	v23 =	vld [tilespmem:s14+$0xFFFFFED0]  }
0x185: {  	v24 =	vld [tilespmem:s14+$0xFFFFFEE0]  }
0x186: {  	s13 =	sadd.s32 $0xA, s13;
	v25 =	vld [tilespmem:s14+$0xFFFFFEF0]  }
0x187: {  	p1 =	slt.u32 s13, $0x28;
	v26 =	vld [tilespmem:s14+$0xFFFFFF20]  }
0x188: {  	v27 =	vld [tilespmem:s14+$0xFFFFFF30]  }
0x189: {  	v28 =	vld [tilespmem:s14+$0xFFFFFF60]  }
0x18a: {  	v6 =	vadd.f32 v22, v6;
	v8 =	vadd.f32 v23, v8;
	v22 =	vld [tilespmem:s14+$0xFFFFFF70]  }
0x18b: {  	v4 =	vadd.f32 v24, v4;
	v5 =	vadd.f32 v25, v5;
	v23 =	vld [tilespmem:s14+$0xFFFFFFA0]  }
0x18c: {  	v6 =	vadd.f32 v20, v6;
	v8 =	vadd.f32 v21, v8;
	v20 =	vld [tilespmem:s14+$0xFFFFFFB0]  }
0x18d: {  	v4 =	vadd.f32 v26, v4;
	v5 =	vadd.f32 v27, v5;
	v21 =	vld [tilespmem:s14+$0xFFFFFFE0]  }
0x18e: {  	v6 =	vadd.f32 v18, v6;
	v8 =	vadd.f32 v19, v8;
	v18 =	vld [tilespmem:s14+$0xFFFFFFF0]  }
0x18f: {  	v4 =	vadd.f32 v28, v4;
	v5 =	vadd.f32 v22, v5;
	v19 =	vld [tilespmem:s14+$0x20]  }
0x190: {  	v6 =	vadd.f32 v16, v6;
	v8 =	vadd.f32 v17, v8;
	v16 =	vld [tilespmem:s14+$0x30]  }
0x191: {  	v4 =	vadd.f32 v23, v4;
	v5 =	vadd.f32 v20, v5;
	v17 =	vld [tilespmem:s14+$0x60]  }
0x192: {  	v6 =	vadd.f32 v14, v6;
	v8 =	vadd.f32 v15, v8;
	v14 =	vld [tilespmem:s14+$0x70]  }
0x193: {  	v15 =	vadd.f32 v21, v4;
	v5 =	vadd.f32 v18, v5;
	v4 =	vld [tilespmem:s14+$0xA0]  }
.Ltmp5:
0x194: {  	v11 =	vadd.f32 v11, v6;
	v8 =	vadd.f32 v13, v8;
	v6 =	vld [tilespmem:s14+$0xB0];
	(pc) =	sbr.rel @p1 .LBB2_9-.Ltmp5, $4  }
0x195: {  	v13 =	vadd.f32 v19, v15;
	v15 =	vadd.f32 v16, v5;
	v5 =	vld [tilespmem:s14+$0xE0]  }
0x196: {  	v16 =	vadd.f32 v7, v11;
	v18 =	vadd.f32 v10, v8;
	v8 =	vld [tilespmem:s14+$0xF0]  }
0x197: {  	v11 =	vadd.f32 v17, v13;
	v10 =	vadd.f32 v14, v15;
	v7 =	vld [tilespmem:s14+$0x120]  }
0x198: {  	v13 =	vadd.f32 v12, v16;
	v12 =	vadd.f32 v9, v18;
	v9 =	vld [tilespmem:s14+$0x130];
	s14 =	sadd.s32 $0x280, s14  }
0x199: {  	_ = 	snop  }
0x19a: {  	v4 =	vadd.f32 v4, v11;
	v2 =	vadd.f32 v2, v13  }
0x19b: {  	v6 =	vadd.f32 v6, v10;
	v3 =	vadd.f32 v3, v12  }
0x19c: {  	v4 =	vadd.f32 v5, v4;
	v0 =	vadd.f32 v0, v2  }
0x19d: {  	v2 =	vadd.f32 v8, v6;
	v1 =	vadd.f32 v1, v3  }
0x19e: {  	v3 =	vadd.f32 v7, v4;
	v0 =	vmul.f32 $1.999999960e-02, v0  }
0x19f: {  	v2 =	vadd.f32 v9, v2;
	v1 =	vmul.f32 $1.999999960e-02, v1  }
0x1a0: {  	[tilespmem:s11+$0x80C0] =	vst v0;
	v0 =	vmul.f32 $1.999999960e-02, v3  }
0x1a1: {  	[tilespmem:s11+$0x80D0] =	vst v1;
	v1 =	vmul.f32 $1.999999960e-02, v2  }
0x1a2: {  	[tilespmem:s11+$0x80E0] =	vst v0  }
0x1a3: {  	s13 =	sadd.s32 @!p0 $0x268, s12;
	s14 =	simm.s32 @!p0 $0x32;
	s15 =	simm.s32 @!p0 $0x4180;
	[tilespmem:s11+$0x80F0] =	vst v1  }
0x1a4: {  	[tilespmem:s15], [sflag:$0x4] =	stream.indirect.gather @!p0 [hbm4b:s3+s14], $0x40, s13, s14, $0xb8;
	[tilespmem:$0xA000] =	vst v63  }
0x1a5: {  	_ =	swait.ge [sflag:s29], $0xC80  }
0x1a6: {  	[sflag:s29] =	ssyncset.done $0x0  }
0x1a7: {  	s15 =	simm.s32 $0x4F40;
	[sflag:s29] =	ssyncadd.s32 $0xFFFFF380  }
0x1a8: {  	v0 =	vld [tilespmem:s15+$0x100]  }
0x1a9: {  	v1 =	vld [tilespmem:s15+$0x110]  }
0x1aa: {  	v2 =	vld [tilespmem:s15+$0xC0]  }
0x1ab: {  	v3 =	vld [tilespmem:s15+$0xD0]  }
0x1ac: {  	v9 =	vld [tilespmem:s15+$0x80]  }
0x1ad: {  	v12 =	vld [tilespmem:s15+$0x90]  }
0x1ae: {  	v7 =	vld [tilespmem:s15+$0x40]  }
0x1af: {  	v8 =	vld [tilespmem:s15+$0x50]  }
0x1b0: {  	v5 =	vld [tilespmem:s15+$0x0]  }
0x1b1: {  	v6 =	vld [tilespmem:s15+$0x10]  }
0x1b2: {  	v4 =	vld [tilespmem:s15+$0xFFFFFFC0]  }
0x1b3: {  	v10 =	vld [tilespmem:s15+$0xFFFFFFD0]  }
0x1b4: {  	v11 =	vld [tilespmem:s15+$0xFFFFFF80]  }
0x1b5: {  	v13 =	vld [tilespmem:s15+$0xFFFFFF90]  }
0x1b6: {  	v14 =	vld [tilespmem:s15+$0xFFFFFF40]  }
0x1b7: {  	v15 =	vld [tilespmem:s15+$0xFFFFFF50]  }
0x1b8: {  	v16 =	vld [tilespmem:s15+$0xFFFFFF00]  }
0x1b9: {  	v17 =	vld [tilespmem:s15+$0xFFFFFF10]  }
0x1ba: {  	v18 =	vld [tilespmem:s15+$0xFFFFFEC0]  }
0x1bb: {  	v19 =	vld [tilespmem:s15+$0xFFFFFED0]  }
0x1bc: {  	v20 =	vld [tilespmem:s15+$0xFFFFFEE0]  }
0x1bd: {  	v21 =	vld [tilespmem:s15+$0xFFFFFEF0]  }
0x1be: {  	v22 =	vld [tilespmem:s15+$0xFFFFFF20]  }
0x1bf: {  	v23 =	vld [tilespmem:s15+$0xFFFFFF30]  }
0x1c0: {  	v24 =	vimm.f32 $0.0e+00;
	v25 =	vld [tilespmem:s15+$0xFFFFFF60]  }
0x1c1: {  	v26 =	vld [tilespmem:s15+$0xFFFFFF70];
	v18 =	vadd.f32 v18, v24;
	v19 =	vadd.f32 v19, v24  }
0x1c2: {  	v51 =	vld [tilespmem:s15+$0xFFFFFFA0];
	v20 =	vadd.f32 v20, v24;
	v21 =	vadd.f32 v21, v24  }
0x1c3: {  	v52 =	vld [tilespmem:s15+$0xFFFFFFB0];
	v16 =	vadd.f32 v16, v18;
	v17 =	vadd.f32 v17, v19  }
0x1c4: {  	v55 =	vld [tilespmem:s15+$0xFFFFFFE0];
	v53 =	vadd.f32 v22, v20;
	v54 =	vadd.f32 v23, v21  }
0x1c5: {  	v56 =	vld [tilespmem:s15+$0xFFFFFFF0];
	v14 =	vadd.f32 v14, v16;
	v15 =	vadd.f32 v15, v17  }
0x1c6: {  	v59 =	vld [tilespmem:s15+$0x20];
	v57 =	vadd.f32 v25, v53;
	v58 =	vadd.f32 v26, v54  }
0x1c7: {  	v11 =	vadd.f32 v11, v14;
	v13 =	vadd.f32 v13, v15;
	v14 =	vld [tilespmem:s15+$0x30]  }
0x1c8: {  	v61 =	vld [tilespmem:s15+$0x60];
	v15 =	vadd.f32 v51, v57;
	v60 =	vadd.f32 v52, v58  }
0x1c9: {  	v11 =	vadd.f32 v4, v11;
	v10 =	vadd.f32 v10, v13;
	v13 =	vld [tilespmem:s15+$0x70]  }
0x1ca: {  	v15 =	vadd.f32 v55, v15;
	v16 =	vadd.f32 v56, v60;
	v4 =	vld [tilespmem:s15+$0xA0]  }
0x1cb: {  	v11 =	vadd.f32 v5, v11;
	v10 =	vadd.f32 v6, v10;
	v6 =	vld [tilespmem:s15+$0xB0]  }
0x1cc: {  	v15 =	vadd.f32 v59, v15;
	v5 =	vld [tilespmem:s15+$0xE0];
	v14 =	vadd.f32 v14, v16  }
0x1cd: {  	v62 =	vadd.f32 v7, v11;
	v63 =	vadd.f32 v8, v10;
	v8 =	vld [tilespmem:s15+$0xF0]  }
0x1ce: {  	v11 =	vadd.f32 v61, v15;
	v7 =	vld [tilespmem:s15+$0x120];
	v10 =	vadd.f32 v13, v14  }
0x1cf: {  	s13 =	simm.s32 $0x0;
	s14 =	simm.s32 $0x51C0;
	v13 =	vadd.f32 v9, v62;
	v12 =	vadd.f32 v12, v63;
	v9 =	vld [tilespmem:s15+$0x130]  }
.LBB2_11:
0x1d0: {  	v14 =	vld [tilespmem:s14+$0x100];
	v4 =	vadd.f32 v4, v11;
	v6 =	vadd.f32 v6, v10  }
0x1d1: {  	v10 =	vld [tilespmem:s14+$0x110];
	v11 =	vadd.f32 v2, v13;
	v12 =	vadd.f32 v3, v12  }
0x1d2: {  	v2 =	vld [tilespmem:s14+$0xC0];
	v4 =	vadd.f32 v5, v4;
	v5 =	vadd.f32 v8, v6  }
0x1d3: {  	v3 =	vld [tilespmem:s14+$0xD0];
	v6 =	vadd.f32 v0, v11;
	v8 =	vadd.f32 v1, v12  }
0x1d4: {  	v12 =	vld [tilespmem:s14+$0x80];
	v4 =	vadd.f32 v7, v4;
	v5 =	vadd.f32 v9, v5  }
0x1d5: {  	v9 =	vld [tilespmem:s14+$0x90];
	v0 =	vmov v14  }
0x1d6: {  	v7 =	vld [tilespmem:s14+$0x40];
	v1 =	vmov v10  }
0x1d7: {  	v10 =	vld [tilespmem:s14+$0x50]  }
0x1d8: {  	v11 =	vld [tilespmem:s14+$0x0]  }
0x1d9: {  	v13 =	vld [tilespmem:s14+$0x10]  }
0x1da: {  	v14 =	vld [tilespmem:s14+$0xFFFFFFC0]  }
0x1db: {  	v15 =	vld [tilespmem:s14+$0xFFFFFFD0]  }
0x1dc: {  	v16 =	vld [tilespmem:s14+$0xFFFFFF80]  }
0x1dd: {  	v17 =	vld [tilespmem:s14+$0xFFFFFF90]  }
0x1de: {  	v18 =	vld [tilespmem:s14+$0xFFFFFF40]  }
0x1df: {  	v19 =	vld [tilespmem:s14+$0xFFFFFF50]  }
0x1e0: {  	v20 =	vld [tilespmem:s14+$0xFFFFFF00]  }
0x1e1: {  	v21 =	vld [tilespmem:s14+$0xFFFFFF10]  }
0x1e2: {  	v22 =	vld [tilespmem:s14+$0xFFFFFEC0]  }
0x1e3: {  	v23 =	vld [tilespmem:s14+$0xFFFFFED0]  }
0x1e4: {  	v24 =	vld [tilespmem:s14+$0xFFFFFEE0]  }
0x1e5: {  	s13 =	sadd.s32 $0xA, s13;
	v25 =	vld [tilespmem:s14+$0xFFFFFEF0]  }
0x1e6: {  	p1 =	slt.u32 s13, $0x28;
	v26 =	vld [tilespmem:s14+$0xFFFFFF20]  }
0x1e7: {  	v27 =	vld [tilespmem:s14+$0xFFFFFF30]  }
0x1e8: {  	v28 =	vld [tilespmem:s14+$0xFFFFFF60]  }
0x1e9: {  	v6 =	vadd.f32 v22, v6;
	v8 =	vadd.f32 v23, v8;
	v22 =	vld [tilespmem:s14+$0xFFFFFF70]  }
0x1ea: {  	v4 =	vadd.f32 v24, v4;
	v5 =	vadd.f32 v25, v5;
	v23 =	vld [tilespmem:s14+$0xFFFFFFA0]  }
0x1eb: {  	v6 =	vadd.f32 v20, v6;
	v8 =	vadd.f32 v21, v8;
	v20 =	vld [tilespmem:s14+$0xFFFFFFB0]  }
0x1ec: {  	v4 =	vadd.f32 v26, v4;
	v5 =	vadd.f32 v27, v5;
	v21 =	vld [tilespmem:s14+$0xFFFFFFE0]  }
0x1ed: {  	v6 =	vadd.f32 v18, v6;
	v8 =	vadd.f32 v19, v8;
	v18 =	vld [tilespmem:s14+$0xFFFFFFF0]  }
0x1ee: {  	v4 =	vadd.f32 v28, v4;
	v5 =	vadd.f32 v22, v5;
	v19 =	vld [tilespmem:s14+$0x20]  }
0x1ef: {  	v6 =	vadd.f32 v16, v6;
	v8 =	vadd.f32 v17, v8;
	v16 =	vld [tilespmem:s14+$0x30]  }
0x1f0: {  	v4 =	vadd.f32 v23, v4;
	v5 =	vadd.f32 v20, v5;
	v17 =	vld [tilespmem:s14+$0x60]  }
0x1f1: {  	v6 =	vadd.f32 v14, v6;
	v8 =	vadd.f32 v15, v8;
	v14 =	vld [tilespmem:s14+$0x70]  }
0x1f2: {  	v15 =	vadd.f32 v21, v4;
	v5 =	vadd.f32 v18, v5;
	v4 =	vld [tilespmem:s14+$0xA0]  }
.Ltmp6:
0x1f3: {  	v11 =	vadd.f32 v11, v6;
	v8 =	vadd.f32 v13, v8;
	v6 =	vld [tilespmem:s14+$0xB0];
	(pc) =	sbr.rel @p1 .LBB2_11-.Ltmp6, $4  }
0x1f4: {  	v13 =	vadd.f32 v19, v15;
	v15 =	vadd.f32 v16, v5;
	v5 =	vld [tilespmem:s14+$0xE0]  }
0x1f5: {  	v16 =	vadd.f32 v7, v11;
	v18 =	vadd.f32 v10, v8;
	v8 =	vld [tilespmem:s14+$0xF0]  }
0x1f6: {  	v11 =	vadd.f32 v17, v13;
	v10 =	vadd.f32 v14, v15;
	v7 =	vld [tilespmem:s14+$0x120]  }
0x1f7: {  	v13 =	vadd.f32 v12, v16;
	v12 =	vadd.f32 v9, v18;
	v9 =	vld [tilespmem:s14+$0x130];
	s14 =	sadd.s32 $0x280, s14  }
0x1f8: {  	_ = 	snop  }
0x1f9: {  	v4 =	vadd.f32 v4, v11;
	v2 =	vadd.f32 v2, v13  }
0x1fa: {  	v6 =	vadd.f32 v6, v10;
	v3 =	vadd.f32 v3, v12  }
0x1fb: {  	v4 =	vadd.f32 v5, v4;
	v0 =	vadd.f32 v0, v2  }
0x1fc: {  	v2 =	vadd.f32 v8, v6;
	v1 =	vadd.f32 v1, v3  }
0x1fd: {  	v3 =	vadd.f32 v7, v4;
	v0 =	vmul.f32 $1.999999960e-02, v0  }
0x1fe: {  	v2 =	vadd.f32 v9, v2;
	v1 =	vmul.f32 $1.999999960e-02, v1  }
0x1ff: {  	[tilespmem:s11+$0x8100] =	vst v0;
	v0 =	vmul.f32 $1.999999960e-02, v3  }
0x200: {  	[tilespmem:s11+$0x8110] =	vst v1;
	v1 =	vmul.f32 $1.999999960e-02, v2  }
0x201: {  	[tilespmem:s11+$0x8120] =	vst v0  }
0x202: {  	s13 =	sadd.s32 @!p0 $0x2A0, s12;
	s14 =	simm.s32 @!p0 $0x32;
	s15 =	simm.s32 @!p0 $0x4E00;
	[tilespmem:s11+$0x8130] =	vst v1  }
0x203: {  	[tilespmem:s15], [sflag:$0x5] =	stream.indirect.gather @!p0 [hbm4b:s3+s14], $0x40, s13, s14, $0xb8;
	[tilespmem:$0xA000] =	vst v63  }
0x204: {  	_ =	swait.ge [sflag:s30], $0xC80  }
0x205: {  	[sflag:s30] =	ssyncset.done $0x0  }
0x206: {  	s15 =	simm.s32 $0x5BC0;
	[sflag:s30] =	ssyncadd.s32 $0xFFFFF380  }
0x207: {  	v0 =	vld [tilespmem:s15+$0x100]  }
0x208: {  	v1 =	vld [tilespmem:s15+$0x110]  }
0x209: {  	v2 =	vld [tilespmem:s15+$0xC0]  }
0x20a: {  	v3 =	vld [tilespmem:s15+$0xD0]  }
0x20b: {  	v9 =	vld [tilespmem:s15+$0x80]  }
0x20c: {  	v12 =	vld [tilespmem:s15+$0x90]  }
0x20d: {  	v7 =	vld [tilespmem:s15+$0x40]  }
0x20e: {  	v8 =	vld [tilespmem:s15+$0x50]  }
0x20f: {  	v5 =	vld [tilespmem:s15+$0x0]  }
0x210: {  	v6 =	vld [tilespmem:s15+$0x10]  }
0x211: {  	v4 =	vld [tilespmem:s15+$0xFFFFFFC0]  }
0x212: {  	v10 =	vld [tilespmem:s15+$0xFFFFFFD0]  }
0x213: {  	v11 =	vld [tilespmem:s15+$0xFFFFFF80]  }
0x214: {  	v13 =	vld [tilespmem:s15+$0xFFFFFF90]  }
0x215: {  	v14 =	vld [tilespmem:s15+$0xFFFFFF40]  }
0x216: {  	v15 =	vld [tilespmem:s15+$0xFFFFFF50]  }
0x217: {  	v16 =	vld [tilespmem:s15+$0xFFFFFF00]  }
0x218: {  	v17 =	vld [tilespmem:s15+$0xFFFFFF10]  }
0x219: {  	v18 =	vld [tilespmem:s15+$0xFFFFFEC0]  }
0x21a: {  	v19 =	vld [tilespmem:s15+$0xFFFFFED0]  }
0x21b: {  	v20 =	vld [tilespmem:s15+$0xFFFFFEE0]  }
0x21c: {  	v21 =	vld [tilespmem:s15+$0xFFFFFEF0]  }
0x21d: {  	v22 =	vld [tilespmem:s15+$0xFFFFFF20]  }
0x21e: {  	v23 =	vld [tilespmem:s15+$0xFFFFFF30]  }
0x21f: {  	v24 =	vimm.f32 $0.0e+00;
	v25 =	vld [tilespmem:s15+$0xFFFFFF60]  }
0x220: {  	v26 =	vld [tilespmem:s15+$0xFFFFFF70];
	v18 =	vadd.f32 v18, v24;
	v19 =	vadd.f32 v19, v24  }
0x221: {  	v51 =	vld [tilespmem:s15+$0xFFFFFFA0];
	v20 =	vadd.f32 v20, v24;
	v21 =	vadd.f32 v21, v24  }
0x222: {  	v52 =	vld [tilespmem:s15+$0xFFFFFFB0];
	v16 =	vadd.f32 v16, v18;
	v17 =	vadd.f32 v17, v19  }
0x223: {  	v55 =	vld [tilespmem:s15+$0xFFFFFFE0];
	v53 =	vadd.f32 v22, v20;
	v54 =	vadd.f32 v23, v21  }
0x224: {  	v56 =	vld [tilespmem:s15+$0xFFFFFFF0];
	v14 =	vadd.f32 v14, v16;
	v15 =	vadd.f32 v15, v17  }
0x225: {  	v59 =	vld [tilespmem:s15+$0x20];
	v57 =	vadd.f32 v25, v53;
	v58 =	vadd.f32 v26, v54  }
0x226: {  	v11 =	vadd.f32 v11, v14;
	v13 =	vadd.f32 v13, v15;
	v14 =	vld [tilespmem:s15+$0x30]  }
0x227: {  	v61 =	vld [tilespmem:s15+$0x60];
	v15 =	vadd.f32 v51, v57;
	v60 =	vadd.f32 v52, v58  }
0x228: {  	v11 =	vadd.f32 v4, v11;
	v10 =	vadd.f32 v10, v13;
	v13 =	vld [tilespmem:s15+$0x70]  }
0x229: {  	v15 =	vadd.f32 v55, v15;
	v16 =	vadd.f32 v56, v60;
	v4 =	vld [tilespmem:s15+$0xA0]  }
0x22a: {  	v11 =	vadd.f32 v5, v11;
	v10 =	vadd.f32 v6, v10;
	v6 =	vld [tilespmem:s15+$0xB0]  }
0x22b: {  	v15 =	vadd.f32 v59, v15;
	v5 =	vld [tilespmem:s15+$0xE0];
	v14 =	vadd.f32 v14, v16  }
0x22c: {  	v62 =	vadd.f32 v7, v11;
	v63 =	vadd.f32 v8, v10;
	v8 =	vld [tilespmem:s15+$0xF0]  }
0x22d: {  	v11 =	vadd.f32 v61, v15;
	v7 =	vld [tilespmem:s15+$0x120];
	v10 =	vadd.f32 v13, v14  }
0x22e: {  	s13 =	simm.s32 $0x0;
	s14 =	simm.s32 $0x5E40;
	v13 =	vadd.f32 v9, v62;
	v12 =	vadd.f32 v12, v63;
	v9 =	vld [tilespmem:s15+$0x130]  }
.LBB2_13:
0x22f: {  	v14 =	vld [tilespmem:s14+$0x100];
	v4 =	vadd.f32 v4, v11;
	v6 =	vadd.f32 v6, v10  }
0x230: {  	v10 =	vld [tilespmem:s14+$0x110];
	v11 =	vadd.f32 v2, v13;
	v12 =	vadd.f32 v3, v12  }
0x231: {  	v2 =	vld [tilespmem:s14+$0xC0];
	v4 =	vadd.f32 v5, v4;
	v5 =	vadd.f32 v8, v6  }
0x232: {  	v3 =	vld [tilespmem:s14+$0xD0];
	v6 =	vadd.f32 v0, v11;
	v8 =	vadd.f32 v1, v12  }
0x233: {  	v12 =	vld [tilespmem:s14+$0x80];
	v4 =	vadd.f32 v7, v4;
	v5 =	vadd.f32 v9, v5  }
0x234: {  	v9 =	vld [tilespmem:s14+$0x90];
	v0 =	vmov v14  }
0x235: {  	v7 =	vld [tilespmem:s14+$0x40];
	v1 =	vmov v10  }
0x236: {  	v10 =	vld [tilespmem:s14+$0x50]  }
0x237: {  	v11 =	vld [tilespmem:s14+$0x0]  }
0x238: {  	v13 =	vld [tilespmem:s14+$0x10]  }
0x239: {  	v14 =	vld [tilespmem:s14+$0xFFFFFFC0]  }
0x23a: {  	v15 =	vld [tilespmem:s14+$0xFFFFFFD0]  }
0x23b: {  	v16 =	vld [tilespmem:s14+$0xFFFFFF80]  }
0x23c: {  	v17 =	vld [tilespmem:s14+$0xFFFFFF90]  }
0x23d: {  	v18 =	vld [tilespmem:s14+$0xFFFFFF40]  }
0x23e: {  	v19 =	vld [tilespmem:s14+$0xFFFFFF50]  }
0x23f: {  	v20 =	vld [tilespmem:s14+$0xFFFFFF00]  }
0x240: {  	v21 =	vld [tilespmem:s14+$0xFFFFFF10]  }
0x241: {  	v22 =	vld [tilespmem:s14+$0xFFFFFEC0]  }
0x242: {  	v23 =	vld [tilespmem:s14+$0xFFFFFED0]  }
0x243: {  	v24 =	vld [tilespmem:s14+$0xFFFFFEE0]  }
0x244: {  	s13 =	sadd.s32 $0xA, s13;
	v25 =	vld [tilespmem:s14+$0xFFFFFEF0]  }
0x245: {  	p1 =	slt.u32 s13, $0x28;
	v26 =	vld [tilespmem:s14+$0xFFFFFF20]  }
0x246: {  	v27 =	vld [tilespmem:s14+$0xFFFFFF30]  }
0x247: {  	v28 =	vld [tilespmem:s14+$0xFFFFFF60]  }
0x248: {  	v6 =	vadd.f32 v22, v6;
	v8 =	vadd.f32 v23, v8;
	v22 =	vld [tilespmem:s14+$0xFFFFFF70]  }
0x249: {  	v4 =	vadd.f32 v24, v4;
	v5 =	vadd.f32 v25, v5;
	v23 =	vld [tilespmem:s14+$0xFFFFFFA0]  }
0x24a: {  	v6 =	vadd.f32 v20, v6;
	v8 =	vadd.f32 v21, v8;
	v20 =	vld [tilespmem:s14+$0xFFFFFFB0]  }
0x24b: {  	v4 =	vadd.f32 v26, v4;
	v5 =	vadd.f32 v27, v5;
	v21 =	vld [tilespmem:s14+$0xFFFFFFE0]  }
0x24c: {  	v6 =	vadd.f32 v18, v6;
	v8 =	vadd.f32 v19, v8;
	v18 =	vld [tilespmem:s14+$0xFFFFFFF0]  }
0x24d: {  	v4 =	vadd.f32 v28, v4;
	v5 =	vadd.f32 v22, v5;
	v19 =	vld [tilespmem:s14+$0x20]  }
0x24e: {  	v6 =	vadd.f32 v16, v6;
	v8 =	vadd.f32 v17, v8;
	v16 =	vld [tilespmem:s14+$0x30]  }
0x24f: {  	v4 =	vadd.f32 v23, v4;
	v5 =	vadd.f32 v20, v5;
	v17 =	vld [tilespmem:s14+$0x60]  }
0x250: {  	v6 =	vadd.f32 v14, v6;
	v8 =	vadd.f32 v15, v8;
	v14 =	vld [tilespmem:s14+$0x70]  }
0x251: {  	v15 =	vadd.f32 v21, v4;
	v5 =	vadd.f32 v18, v5;
	v4 =	vld [tilespmem:s14+$0xA0]  }
.Ltmp7:
0x252: {  	v11 =	vadd.f32 v11, v6;
	v8 =	vadd.f32 v13, v8;
	v6 =	vld [tilespmem:s14+$0xB0];
	(pc) =	sbr.rel @p1 .LBB2_13-.Ltmp7, $4  }
0x253: {  	v13 =	vadd.f32 v19, v15;
	v15 =	vadd.f32 v16, v5;
	v5 =	vld [tilespmem:s14+$0xE0]  }
0x254: {  	v16 =	vadd.f32 v7, v11;
	v18 =	vadd.f32 v10, v8;
	v8 =	vld [tilespmem:s14+$0xF0]  }
0x255: {  	v11 =	vadd.f32 v17, v13;
	v10 =	vadd.f32 v14, v15;
	v7 =	vld [tilespmem:s14+$0x120]  }
0x256: {  	v13 =	vadd.f32 v12, v16;
	v12 =	vadd.f32 v9, v18;
	v9 =	vld [tilespmem:s14+$0x130];
	s14 =	sadd.s32 $0x280, s14  }
0x257: {  	_ = 	snop  }
0x258: {  	v4 =	vadd.f32 v4, v11;
	v2 =	vadd.f32 v2, v13  }
0x259: {  	v6 =	vadd.f32 v6, v10;
	v3 =	vadd.f32 v3, v12  }
0x25a: {  	v4 =	vadd.f32 v5, v4;
	v0 =	vadd.f32 v0, v2  }
0x25b: {  	v2 =	vadd.f32 v8, v6;
	v1 =	vadd.f32 v1, v3  }
0x25c: {  	v3 =	vadd.f32 v7, v4;
	v0 =	vmul.f32 $1.999999960e-02, v0  }
0x25d: {  	v2 =	vadd.f32 v9, v2;
	v1 =	vmul.f32 $1.999999960e-02, v1  }
0x25e: {  	[tilespmem:s11+$0x8140] =	vst v0;
	v0 =	vmul.f32 $1.999999960e-02, v3  }
0x25f: {  	[tilespmem:s11+$0x8150] =	vst v1;
	v1 =	vmul.f32 $1.999999960e-02, v2  }
0x260: {  	[tilespmem:s11+$0x8160] =	vst v0  }
0x261: {  	s13 =	sadd.s32 @!p0 $0x2D8, s12;
	s14 =	simm.s32 @!p0 $0x32;
	s15 =	simm.s32 @!p0 $0x5A80;
	[tilespmem:s11+$0x8170] =	vst v1  }
0x262: {  	[tilespmem:s15], [sflag:$0x6] =	stream.indirect.gather @!p0 [hbm4b:s3+s14], $0x40, s13, s14, $0xb8;
	[tilespmem:$0xA000] =	vst v63  }
0x263: {  	_ =	swait.ge [sflag:s31], $0xC80  }
0x264: {  	[sflag:s31] =	ssyncset.done $0x0  }
0x265: {  	s15 =	simm.s32 $0x6840;
	[sflag:s31] =	ssyncadd.s32 $0xFFFFF380  }
0x266: {  	v0 =	vld [tilespmem:s15+$0x100]  }
0x267: {  	v1 =	vld [tilespmem:s15+$0x110]  }
0x268: {  	v2 =	vld [tilespmem:s15+$0xC0]  }
0x269: {  	v3 =	vld [tilespmem:s15+$0xD0]  }
0x26a: {  	v9 =	vld [tilespmem:s15+$0x80]  }
0x26b: {  	v12 =	vld [tilespmem:s15+$0x90]  }
0x26c: {  	v7 =	vld [tilespmem:s15+$0x40]  }
0x26d: {  	v8 =	vld [tilespmem:s15+$0x50]  }
0x26e: {  	v5 =	vld [tilespmem:s15+$0x0]  }
0x26f: {  	v6 =	vld [tilespmem:s15+$0x10]  }
0x270: {  	v4 =	vld [tilespmem:s15+$0xFFFFFFC0]  }
0x271: {  	v10 =	vld [tilespmem:s15+$0xFFFFFFD0]  }
0x272: {  	v11 =	vld [tilespmem:s15+$0xFFFFFF80]  }
0x273: {  	v13 =	vld [tilespmem:s15+$0xFFFFFF90]  }
0x274: {  	v14 =	vld [tilespmem:s15+$0xFFFFFF40]  }
0x275: {  	v15 =	vld [tilespmem:s15+$0xFFFFFF50]  }
0x276: {  	v16 =	vld [tilespmem:s15+$0xFFFFFF00]  }
0x277: {  	v17 =	vld [tilespmem:s15+$0xFFFFFF10]  }
0x278: {  	v18 =	vld [tilespmem:s15+$0xFFFFFEC0]  }
0x279: {  	v19 =	vld [tilespmem:s15+$0xFFFFFED0]  }
0x27a: {  	v20 =	vld [tilespmem:s15+$0xFFFFFEE0]  }
0x27b: {  	v21 =	vld [tilespmem:s15+$0xFFFFFEF0]  }
0x27c: {  	v22 =	vld [tilespmem:s15+$0xFFFFFF20]  }
0x27d: {  	v23 =	vld [tilespmem:s15+$0xFFFFFF30]  }
0x27e: {  	v24 =	vimm.f32 $0.0e+00;
	v25 =	vld [tilespmem:s15+$0xFFFFFF60]  }
0x27f: {  	v26 =	vld [tilespmem:s15+$0xFFFFFF70];
	v18 =	vadd.f32 v18, v24;
	v19 =	vadd.f32 v19, v24  }
0x280: {  	v51 =	vld [tilespmem:s15+$0xFFFFFFA0];
	v20 =	vadd.f32 v20, v24;
	v21 =	vadd.f32 v21, v24  }
0x281: {  	v52 =	vld [tilespmem:s15+$0xFFFFFFB0];
	v16 =	vadd.f32 v16, v18;
	v17 =	vadd.f32 v17, v19  }
0x282: {  	v55 =	vld [tilespmem:s15+$0xFFFFFFE0];
	v53 =	vadd.f32 v22, v20;
	v54 =	vadd.f32 v23, v21  }
0x283: {  	v56 =	vld [tilespmem:s15+$0xFFFFFFF0];
	v14 =	vadd.f32 v14, v16;
	v15 =	vadd.f32 v15, v17  }
0x284: {  	v59 =	vld [tilespmem:s15+$0x20];
	v57 =	vadd.f32 v25, v53;
	v58 =	vadd.f32 v26, v54  }
0x285: {  	v11 =	vadd.f32 v11, v14;
	v13 =	vadd.f32 v13, v15;
	v14 =	vld [tilespmem:s15+$0x30]  }
0x286: {  	v61 =	vld [tilespmem:s15+$0x60];
	v15 =	vadd.f32 v51, v57;
	v60 =	vadd.f32 v52, v58  }
0x287: {  	v11 =	vadd.f32 v4, v11;
	v10 =	vadd.f32 v10, v13;
	v13 =	vld [tilespmem:s15+$0x70]  }
0x288: {  	v15 =	vadd.f32 v55, v15;
	v16 =	vadd.f32 v56, v60;
	v4 =	vld [tilespmem:s15+$0xA0]  }
0x289: {  	v11 =	vadd.f32 v5, v11;
	v10 =	vadd.f32 v6, v10;
	v6 =	vld [tilespmem:s15+$0xB0]  }
0x28a: {  	v15 =	vadd.f32 v59, v15;
	v5 =	vld [tilespmem:s15+$0xE0];
	v14 =	vadd.f32 v14, v16  }
0x28b: {  	v62 =	vadd.f32 v7, v11;
	v63 =	vadd.f32 v8, v10;
	v8 =	vld [tilespmem:s15+$0xF0]  }
0x28c: {  	v11 =	vadd.f32 v61, v15;
	v7 =	vld [tilespmem:s15+$0x120];
	v10 =	vadd.f32 v13, v14  }
0x28d: {  	s13 =	simm.s32 $0x0;
	s14 =	simm.s32 $0x6AC0;
	v13 =	vadd.f32 v9, v62;
	v12 =	vadd.f32 v12, v63;
	v9 =	vld [tilespmem:s15+$0x130]  }
.LBB2_15:
0x28e: {  	v14 =	vld [tilespmem:s14+$0x100];
	v4 =	vadd.f32 v4, v11;
	v6 =	vadd.f32 v6, v10  }
0x28f: {  	v10 =	vld [tilespmem:s14+$0x110];
	v11 =	vadd.f32 v2, v13;
	v12 =	vadd.f32 v3, v12  }
0x290: {  	v2 =	vld [tilespmem:s14+$0xC0];
	v4 =	vadd.f32 v5, v4;
	v5 =	vadd.f32 v8, v6  }
0x291: {  	v3 =	vld [tilespmem:s14+$0xD0];
	v6 =	vadd.f32 v0, v11;
	v8 =	vadd.f32 v1, v12  }
0x292: {  	v12 =	vld [tilespmem:s14+$0x80];
	v4 =	vadd.f32 v7, v4;
	v5 =	vadd.f32 v9, v5  }
0x293: {  	v9 =	vld [tilespmem:s14+$0x90];
	v0 =	vmov v14  }
0x294: {  	v7 =	vld [tilespmem:s14+$0x40];
	v1 =	vmov v10  }
0x295: {  	v10 =	vld [tilespmem:s14+$0x50]  }
0x296: {  	v11 =	vld [tilespmem:s14+$0x0]  }
0x297: {  	v13 =	vld [tilespmem:s14+$0x10]  }
0x298: {  	v14 =	vld [tilespmem:s14+$0xFFFFFFC0]  }
0x299: {  	v15 =	vld [tilespmem:s14+$0xFFFFFFD0]  }
0x29a: {  	v16 =	vld [tilespmem:s14+$0xFFFFFF80]  }
0x29b: {  	v17 =	vld [tilespmem:s14+$0xFFFFFF90]  }
0x29c: {  	v18 =	vld [tilespmem:s14+$0xFFFFFF40]  }
0x29d: {  	v19 =	vld [tilespmem:s14+$0xFFFFFF50]  }
0x29e: {  	v20 =	vld [tilespmem:s14+$0xFFFFFF00]  }
0x29f: {  	v21 =	vld [tilespmem:s14+$0xFFFFFF10]  }
0x2a0: {  	v22 =	vld [tilespmem:s14+$0xFFFFFEC0]  }
0x2a1: {  	v23 =	vld [tilespmem:s14+$0xFFFFFED0]  }
0x2a2: {  	v24 =	vld [tilespmem:s14+$0xFFFFFEE0]  }
0x2a3: {  	s13 =	sadd.s32 $0xA, s13;
	v25 =	vld [tilespmem:s14+$0xFFFFFEF0]  }
0x2a4: {  	p1 =	slt.u32 s13, $0x28;
	v26 =	vld [tilespmem:s14+$0xFFFFFF20]  }
0x2a5: {  	v27 =	vld [tilespmem:s14+$0xFFFFFF30]  }
0x2a6: {  	v28 =	vld [tilespmem:s14+$0xFFFFFF60]  }
0x2a7: {  	v6 =	vadd.f32 v22, v6;
	v8 =	vadd.f32 v23, v8;
	v22 =	vld [tilespmem:s14+$0xFFFFFF70]  }
0x2a8: {  	v4 =	vadd.f32 v24, v4;
	v5 =	vadd.f32 v25, v5;
	v23 =	vld [tilespmem:s14+$0xFFFFFFA0]  }
0x2a9: {  	v6 =	vadd.f32 v20, v6;
	v8 =	vadd.f32 v21, v8;
	v20 =	vld [tilespmem:s14+$0xFFFFFFB0]  }
0x2aa: {  	v4 =	vadd.f32 v26, v4;
	v5 =	vadd.f32 v27, v5;
	v21 =	vld [tilespmem:s14+$0xFFFFFFE0]  }
0x2ab: {  	v6 =	vadd.f32 v18, v6;
	v8 =	vadd.f32 v19, v8;
	v18 =	vld [tilespmem:s14+$0xFFFFFFF0]  }
0x2ac: {  	v4 =	vadd.f32 v28, v4;
	v5 =	vadd.f32 v22, v5;
	v19 =	vld [tilespmem:s14+$0x20]  }
0x2ad: {  	v6 =	vadd.f32 v16, v6;
	v8 =	vadd.f32 v17, v8;
	v16 =	vld [tilespmem:s14+$0x30]  }
0x2ae: {  	v4 =	vadd.f32 v23, v4;
	v5 =	vadd.f32 v20, v5;
	v17 =	vld [tilespmem:s14+$0x60]  }
0x2af: {  	v6 =	vadd.f32 v14, v6;
	v8 =	vadd.f32 v15, v8;
	v14 =	vld [tilespmem:s14+$0x70]  }
0x2b0: {  	v15 =	vadd.f32 v21, v4;
	v5 =	vadd.f32 v18, v5;
	v4 =	vld [tilespmem:s14+$0xA0]  }
.Ltmp8:
0x2b1: {  	v11 =	vadd.f32 v11, v6;
	v8 =	vadd.f32 v13, v8;
	v6 =	vld [tilespmem:s14+$0xB0];
	(pc) =	sbr.rel @p1 .LBB2_15-.Ltmp8, $4  }
0x2b2: {  	v13 =	vadd.f32 v19, v15;
	v15 =	vadd.f32 v16, v5;
	v5 =	vld [tilespmem:s14+$0xE0]  }
0x2b3: {  	v16 =	vadd.f32 v7, v11;
	v18 =	vadd.f32 v10, v8;
	v8 =	vld [tilespmem:s14+$0xF0]  }
0x2b4: {  	v11 =	vadd.f32 v17, v13;
	v10 =	vadd.f32 v14, v15;
	v7 =	vld [tilespmem:s14+$0x120]  }
0x2b5: {  	v13 =	vadd.f32 v12, v16;
	v12 =	vadd.f32 v9, v18;
	v9 =	vld [tilespmem:s14+$0x130];
	s14 =	sadd.s32 $0x280, s14  }
0x2b6: {  	_ = 	snop  }
0x2b7: {  	v4 =	vadd.f32 v4, v11;
	v2 =	vadd.f32 v2, v13  }
0x2b8: {  	v6 =	vadd.f32 v6, v10;
	v3 =	vadd.f32 v3, v12  }
0x2b9: {  	v4 =	vadd.f32 v5, v4;
	v0 =	vadd.f32 v0, v2  }
0x2ba: {  	v2 =	vadd.f32 v8, v6;
	v1 =	vadd.f32 v1, v3  }
0x2bb: {  	v3 =	vadd.f32 v7, v4;
	v0 =	vmul.f32 $1.999999960e-02, v0  }
0x2bc: {  	v2 =	vadd.f32 v9, v2;
	v1 =	vmul.f32 $1.999999960e-02, v1  }
0x2bd: {  	[tilespmem:s11+$0x8180] =	vst v0;
	v0 =	vmul.f32 $1.999999960e-02, v3  }
0x2be: {  	[tilespmem:s11+$0x8190] =	vst v1;
	v1 =	vmul.f32 $1.999999960e-02, v2  }
0x2bf: {  	[tilespmem:s11+$0x81A0] =	vst v0  }
0x2c0: {  	s12 =	sadd.s32 @!p0 $0x310, s12;
	s13 =	simm.s32 @!p0 $0x32;
	s14 =	simm.s32 @!p0 $0x6700;
	[tilespmem:s11+$0x81B0] =	vst v1  }
0x2c1: {  	[tilespmem:s14], [sflag:$0x7] =	stream.indirect.gather @!p0 [hbm4b:s3+s13], $0x40, s12, s13, $0xb8;
	[tilespmem:$0xA000] =	vst v63  }
0x2c2: {  	_ =	swait.ge [sflag:s1], $0xC80  }
0x2c3: {  	[sflag:s1] =	ssyncset.done $0x0  }
0x2c4: {  	s15 =	simm.s32 $0x74C0;
	[sflag:s1] =	ssyncadd.s32 $0xFFFFF380  }
0x2c5: {  	v0 =	vld [tilespmem:s15+$0x100]  }
0x2c6: {  	v1 =	vld [tilespmem:s15+$0x110]  }
0x2c7: {  	v2 =	vld [tilespmem:s15+$0xC0]  }
0x2c8: {  	v3 =	vld [tilespmem:s15+$0xD0]  }
0x2c9: {  	v9 =	vld [tilespmem:s15+$0x80]  }
0x2ca: {  	v12 =	vld [tilespmem:s15+$0x90]  }
0x2cb: {  	v7 =	vld [tilespmem:s15+$0x40]  }
0x2cc: {  	v8 =	vld [tilespmem:s15+$0x50]  }
0x2cd: {  	v5 =	vld [tilespmem:s15+$0x0]  }
0x2ce: {  	v6 =	vld [tilespmem:s15+$0x10]  }
0x2cf: {  	v4 =	vld [tilespmem:s15+$0xFFFFFFC0]  }
0x2d0: {  	v10 =	vld [tilespmem:s15+$0xFFFFFFD0]  }
0x2d1: {  	v11 =	vld [tilespmem:s15+$0xFFFFFF80]  }
0x2d2: {  	v13 =	vld [tilespmem:s15+$0xFFFFFF90]  }
0x2d3: {  	v14 =	vld [tilespmem:s15+$0xFFFFFF40]  }
0x2d4: {  	v15 =	vld [tilespmem:s15+$0xFFFFFF50]  }
0x2d5: {  	v16 =	vld [tilespmem:s15+$0xFFFFFF00]  }
0x2d6: {  	v17 =	vld [tilespmem:s15+$0xFFFFFF10]  }
0x2d7: {  	v18 =	vld [tilespmem:s15+$0xFFFFFEC0]  }
0x2d8: {  	v19 =	vld [tilespmem:s15+$0xFFFFFED0]  }
0x2d9: {  	v20 =	vld [tilespmem:s15+$0xFFFFFEE0]  }
0x2da: {  	v21 =	vld [tilespmem:s15+$0xFFFFFEF0]  }
0x2db: {  	v22 =	vld [tilespmem:s15+$0xFFFFFF20]  }
0x2dc: {  	v23 =	vld [tilespmem:s15+$0xFFFFFF30]  }
0x2dd: {  	v24 =	vimm.f32 $0.0e+00;
	v25 =	vld [tilespmem:s15+$0xFFFFFF60]  }
0x2de: {  	v26 =	vld [tilespmem:s15+$0xFFFFFF70];
	v18 =	vadd.f32 v18, v24;
	v19 =	vadd.f32 v19, v24  }
0x2df: {  	v51 =	vld [tilespmem:s15+$0xFFFFFFA0];
	v20 =	vadd.f32 v20, v24;
	v21 =	vadd.f32 v21, v24  }
0x2e0: {  	v52 =	vld [tilespmem:s15+$0xFFFFFFB0];
	v16 =	vadd.f32 v16, v18;
	v17 =	vadd.f32 v17, v19  }
0x2e1: {  	v55 =	vld [tilespmem:s15+$0xFFFFFFE0];
	v53 =	vadd.f32 v22, v20;
	v54 =	vadd.f32 v23, v21  }
0x2e2: {  	v56 =	vld [tilespmem:s15+$0xFFFFFFF0];
	v14 =	vadd.f32 v14, v16;
	v15 =	vadd.f32 v15, v17  }
0x2e3: {  	v59 =	vld [tilespmem:s15+$0x20];
	v57 =	vadd.f32 v25, v53;
	v58 =	vadd.f32 v26, v54  }
0x2e4: {  	v11 =	vadd.f32 v11, v14;
	v13 =	vadd.f32 v13, v15;
	v14 =	vld [tilespmem:s15+$0x30]  }
0x2e5: {  	v61 =	vld [tilespmem:s15+$0x60];
	v15 =	vadd.f32 v51, v57;
	v60 =	vadd.f32 v52, v58  }
0x2e6: {  	v11 =	vadd.f32 v4, v11;
	v10 =	vadd.f32 v10, v13;
	v13 =	vld [tilespmem:s15+$0x70]  }
0x2e7: {  	v15 =	vadd.f32 v55, v15;
	v16 =	vadd.f32 v56, v60;
	v4 =	vld [tilespmem:s15+$0xA0]  }
0x2e8: {  	v11 =	vadd.f32 v5, v11;
	v10 =	vadd.f32 v6, v10;
	v6 =	vld [tilespmem:s15+$0xB0]  }
0x2e9: {  	v15 =	vadd.f32 v59, v15;
	v5 =	vld [tilespmem:s15+$0xE0];
	v14 =	vadd.f32 v14, v16  }
0x2ea: {  	v62 =	vadd.f32 v7, v11;
	v63 =	vadd.f32 v8, v10;
	v8 =	vld [tilespmem:s15+$0xF0]  }
0x2eb: {  	v11 =	vadd.f32 v61, v15;
	v7 =	vld [tilespmem:s15+$0x120];
	v10 =	vadd.f32 v13, v14  }
0x2ec: {  	s12 =	simm.s32 $0x0;
	s13 =	simm.s32 $0x7740;
	v13 =	vadd.f32 v9, v62;
	v12 =	vadd.f32 v12, v63;
	v9 =	vld [tilespmem:s15+$0x130]  }
.LBB2_17:
0x2ed: {  	v14 =	vld [tilespmem:s13+$0x100];
	v4 =	vadd.f32 v4, v11;
	v6 =	vadd.f32 v6, v10  }
0x2ee: {  	v10 =	vld [tilespmem:s13+$0x110];
	v11 =	vadd.f32 v2, v13;
	v12 =	vadd.f32 v3, v12  }
0x2ef: {  	v2 =	vld [tilespmem:s13+$0xC0];
	v4 =	vadd.f32 v5, v4;
	v5 =	vadd.f32 v8, v6  }
0x2f0: {  	v3 =	vld [tilespmem:s13+$0xD0];
	v6 =	vadd.f32 v0, v11;
	v8 =	vadd.f32 v1, v12  }
0x2f1: {  	v12 =	vld [tilespmem:s13+$0x80];
	v4 =	vadd.f32 v7, v4;
	v5 =	vadd.f32 v9, v5  }
0x2f2: {  	v9 =	vld [tilespmem:s13+$0x90];
	v0 =	vmov v14  }
0x2f3: {  	v7 =	vld [tilespmem:s13+$0x40];
	v1 =	vmov v10  }
0x2f4: {  	v10 =	vld [tilespmem:s13+$0x50]  }
0x2f5: {  	v11 =	vld [tilespmem:s13+$0x0]  }
0x2f6: {  	v13 =	vld [tilespmem:s13+$0x10]  }
0x2f7: {  	v14 =	vld [tilespmem:s13+$0xFFFFFFC0]  }
0x2f8: {  	v15 =	vld [tilespmem:s13+$0xFFFFFFD0]  }
0x2f9: {  	v16 =	vld [tilespmem:s13+$0xFFFFFF80]  }
0x2fa: {  	v17 =	vld [tilespmem:s13+$0xFFFFFF90]  }
0x2fb: {  	v18 =	vld [tilespmem:s13+$0xFFFFFF40]  }
0x2fc: {  	v19 =	vld [tilespmem:s13+$0xFFFFFF50]  }
0x2fd: {  	v20 =	vld [tilespmem:s13+$0xFFFFFF00]  }
0x2fe: {  	v21 =	vld [tilespmem:s13+$0xFFFFFF10]  }
0x2ff: {  	v22 =	vld [tilespmem:s13+$0xFFFFFEC0]  }
0x300: {  	v23 =	vld [tilespmem:s13+$0xFFFFFED0]  }
0x301: {  	v24 =	vld [tilespmem:s13+$0xFFFFFEE0]  }
0x302: {  	s12 =	sadd.s32 $0xA, s12;
	v25 =	vld [tilespmem:s13+$0xFFFFFEF0]  }
0x303: {  	p1 =	slt.u32 s12, $0x28;
	v26 =	vld [tilespmem:s13+$0xFFFFFF20]  }
0x304: {  	v27 =	vld [tilespmem:s13+$0xFFFFFF30]  }
0x305: {  	v28 =	vld [tilespmem:s13+$0xFFFFFF60]  }
0x306: {  	v6 =	vadd.f32 v22, v6;
	v8 =	vadd.f32 v23, v8;
	v22 =	vld [tilespmem:s13+$0xFFFFFF70]  }
0x307: {  	v4 =	vadd.f32 v24, v4;
	v5 =	vadd.f32 v25, v5;
	v23 =	vld [tilespmem:s13+$0xFFFFFFA0]  }
0x308: {  	v6 =	vadd.f32 v20, v6;
	v8 =	vadd.f32 v21, v8;
	v20 =	vld [tilespmem:s13+$0xFFFFFFB0]  }
0x309: {  	v4 =	vadd.f32 v26, v4;
	v5 =	vadd.f32 v27, v5;
	v21 =	vld [tilespmem:s13+$0xFFFFFFE0]  }
0x30a: {  	v6 =	vadd.f32 v18, v6;
	v8 =	vadd.f32 v19, v8;
	v18 =	vld [tilespmem:s13+$0xFFFFFFF0]  }
0x30b: {  	v4 =	vadd.f32 v28, v4;
	v5 =	vadd.f32 v22, v5;
	v19 =	vld [tilespmem:s13+$0x20]  }
0x30c: {  	v6 =	vadd.f32 v16, v6;
	v8 =	vadd.f32 v17, v8;
	v16 =	vld [tilespmem:s13+$0x30]  }
0x30d: {  	v4 =	vadd.f32 v23, v4;
	v5 =	vadd.f32 v20, v5;
	v17 =	vld [tilespmem:s13+$0x60]  }
0x30e: {  	v6 =	vadd.f32 v14, v6;
	v8 =	vadd.f32 v15, v8;
	v14 =	vld [tilespmem:s13+$0x70]  }
0x30f: {  	v15 =	vadd.f32 v21, v4;
	v5 =	vadd.f32 v18, v5;
	v4 =	vld [tilespmem:s13+$0xA0]  }
.Ltmp9:
0x310: {  	v11 =	vadd.f32 v11, v6;
	v8 =	vadd.f32 v13, v8;
	v6 =	vld [tilespmem:s13+$0xB0];
	(pc) =	sbr.rel @p1 .LBB2_17-.Ltmp9, $4  }
0x311: {  	v13 =	vadd.f32 v19, v15;
	v15 =	vadd.f32 v16, v5;
	v5 =	vld [tilespmem:s13+$0xE0]  }
0x312: {  	v16 =	vadd.f32 v7, v11;
	v18 =	vadd.f32 v10, v8;
	v8 =	vld [tilespmem:s13+$0xF0]  }
0x313: {  	v11 =	vadd.f32 v17, v13;
	v10 =	vadd.f32 v14, v15;
	v7 =	vld [tilespmem:s13+$0x120]  }
0x314: {  	v13 =	vadd.f32 v12, v16;
	v12 =	vadd.f32 v9, v18;
	v9 =	vld [tilespmem:s13+$0x130];
	s13 =	sadd.s32 $0x280, s13  }
0x315: {  	_ = 	snop  }
0x316: {  	v4 =	vadd.f32 v4, v11;
	v2 =	vadd.f32 v2, v13  }
0x317: {  	v6 =	vadd.f32 v6, v10;
	v3 =	vadd.f32 v3, v12  }
0x318: {  	v4 =	vadd.f32 v5, v4;
	v0 =	vadd.f32 v0, v2  }
0x319: {  	v60 =	vadd.f32 v8, v6;
	v1 =	vadd.f32 v1, v3  }
0x31a: {  	v61 =	vadd.f32 v7, v4;
	v0 =	vmul.f32 $1.999999960e-02, v0  }
.Ltmp10:
0x31b: {  	v2 =	vadd.f32 v9, v60;
	v1 =	vmul.f32 $1.999999960e-02, v1;
	(pc) =	sbr.rel @p0 .LBB2_20-.Ltmp10, $4  }
0x31c: {  	v62 =	vmul.f32 $1.999999960e-02, v61;
	[tilespmem:s11+$0x81C0] =	vst v0  }
0x31d: {  	v63 =	vmul.f32 $1.999999960e-02, v2;
	[tilespmem:s11+$0x81D0] =	vst v1  }
0x31e: {  	[tilespmem:s11+$0x81E0] =	vst v62  }
0x31f: {  	[tilespmem:s11+$0x81F0] =	vst v63  }
0x320: {  	s11 =	smul.u32 $0x700, s10  }
.Ltmp11:
0x321: {  	_ = 	snop;
	(pc) =	sbr.rel .LBB2_2-.Ltmp11, $4  }
0x322: {  	_ = 	snop  }
0x323: {  	s11 =	sshra.s32 s11, $0x2  }
0x324: {  	s10 =	sadd.s32 $0x1, s10;
	s11 =	sadd.s32 $0x348, s11  }
0x325: {  	[tilespmem:s23], [sflag:$0x8] =	stream.indirect.gather [hbm4b:s3+s8], $0x40, s11, s8, $0xb8;
	[tilespmem:$0xA000] =	vst v63  }
.LBB2_21:
0x326: {  	_ =	sfence.sel $0x180000  }
0x327: {  	[bflag:$0x0] =	sbarrier.arrive $0xFFFF  }
0x328: {  	_ =	strace $0x90000047  }
0x329: {  	s0 =	stileid.u32;
	[bflag:$0x2] =	sbarrier.arrive $0xFFFF  }
0x32a: {  	p0 =	sne.s32 s0, $0x0;
	s0 =	rddreg [dreg:$0x2]  }
0x32b: {  	s0 =	sadd.s32 @!p0 $0x100000, s0  }
0x32c: {  	[sflag:s0] =	ssyncadd.tile.s32 @!p0 $0x1;
	_ =	shalt  }
.Lfunc_end2:
_tile_overlayer_lowered:
.L_overlay_start_2:
0x32d: {  	(tag) =	ssettag $0x2  }
0x32e: {  	s0 =	rddreg [dreg:$0x0];
	s2 =	stileid.u32  }
0x32f: {  	s1 =	rddreg [dreg:$0x1];
	p0 =	sne.s32 s2, $0x0  }
0x330: {  	s3 =	rddreg [dreg:$0x2];
	[bflag:$0x3] =	sbarrier.arrive $0xFFFF;
	s2 =	simm.s32 @!p0 $0x1C09  }
0x331: {  	[timem:s3], [sflag:s2] =	dma.local @!p0 [hbm:s0], s1  }
0x332: {  	s0 =	simm.s32 @!p0 $0x9  }
0x333: {  	_ =	swait.ge @!p0 [sflag:s0], s1  }
0x334: {  	s1 =	ssub.s32 @!p0 $0x0, s1;
	[sflag:s0] =	ssyncset.done @!p0 $0x0  }
0x335: {  	[sflag:s0] =	ssyncadd.s32 @!p0 s1  }
0x336: {  	[bflag:$0x3] =	sbarrier.arrive $0xFFFF  }
0x337: {  	_ =	shalt  }

</sc_bundles>
